<compile_context>
chip_gen: v7x
topology: tpu7x:2x2x1
jax: 0.10.2.dev20260603
libtpu: 0.0.44.dev20260713+nightly
codegen_flags: <defaults>
</compile_context>

<pallas_src>
import functools

import jax
import jax.numpy as jnp
from jax import lax
from jax.experimental import pallas as pl
from jax.experimental.pallas import tpu as pltpu
from jax.experimental.pallas import tpu_sc as plsc

N = 10000
E = 160000
D = 256
DE = 16
H = 4
F = 64
K = 3
NEG = 0.2

NPAD = 10240
CHUNK = 128
NCHUNKS = E // CHUNK
NSUB = 16
ROWS_PER_SUB = NPAD // NSUB


def _proj_body(x_ref, w_ref, o_ref):
    o_ref[...] = jnp.dot(x_ref[...], w_ref[...],
                         preferred_element_type=jnp.float32)


def _dense_proj(x, w_cat, block_rows):
    R, Dk = x.shape
    C = w_cat.shape[1]
    grid = (R // block_rows,)
    return pl.pallas_call(
        _proj_body,
        grid=grid,
        in_specs=[
            pl.BlockSpec((block_rows, Dk), lambda i: (i, 0)),
            pl.BlockSpec((Dk, C), lambda i: (0, 0)),
        ],
        out_specs=pl.BlockSpec((block_rows, C), lambda i: (i, 0)),
        out_shape=jax.ShapeDtypeStruct((R, C), jnp.float32),
    )(x, w_cat)


def _combine_body(proj_ref, b_ref, h1l, h1h, h2l, h2h, h3l, h3h,
                  scl_ref, off_ref, pos_ref, al_ref, ar_ref, out_ref):
    f32 = jnp.float32
    hp = jax.lax.Precision.HIGHEST
    rows = lax.broadcasted_iota(jnp.int32, (256, 4), 0) // 64
    cols = lax.broadcasted_iota(jnp.int32, (256, 4), 1)
    m4 = jnp.where(rows == cols, 1.0, 0.0).astype(f32)
    m4avg = m4 * (1.0 / 64.0)
    e4 = m4.T

    def ft(h, k):
        mean4 = jnp.dot(h, m4avg, precision=hp, preferred_element_type=f32)
        ctr = h - jnp.dot(mean4, e4, precision=hp, preferred_element_type=f32)
        var4 = jnp.dot(ctr * ctr, m4avg, precision=hp, preferred_element_type=f32) + 1e-9
        rsE = jnp.dot(lax.rsqrt(var4), e4, precision=hp, preferred_element_type=f32)
        return ctr * rsE * scl_ref[k][None, :] + off_ref[k][None, :] + pos_ref[k][None, :]

    h0 = ft(proj_ref[:, 0:256], 0)
    lrow = al_ref[0][None, :]
    rrow = ar_ref[0][None, :]
    al4 = jnp.dot(h0 * lrow, m4, precision=hp, preferred_element_type=f32)
    fts = []
    w4s = []
    for k, (lo, hi) in enumerate(((h1l, h1h), (h2l, h2h), (h3l, h3h))):
        h = jnp.concatenate([lo[...], hi[...]], axis=1)
        f = ft(h, k + 1)
        fts.append(f)
        s = jnp.dot(f * rrow, m4, precision=hp, preferred_element_type=f32) + al4
        s = jnp.where(s >= 0, s, NEG * s)
        w4s.append(jnp.exp(s))
    den = w4s[0] + w4s[1] + w4s[2]
    acc = proj_ref[:, 256:512] + b_ref[...]
    for k in range(3):
        wE = jnp.dot(w4s[k] / den, e4, precision=hp, preferred_element_type=f32)
        acc = acc + fts[k] * wE
    out_ref[...] = acc


def _combine_tc(proj, b_dst, h2s, scl, off, pos, alf, arf):
    B = 1024
    grid = (NPAD // B,)
    hspec_lo = pl.BlockSpec((B, 128), lambda i: (i, 0))
    hspec_hi = pl.BlockSpec((B, 128), lambda i: (i + NPAD // B, 0))
    full = lambda shape: pl.BlockSpec(shape, lambda i: tuple(0 for _ in shape))
    return pl.pallas_call(
        _combine_body,
        grid=grid,
        in_specs=[
            pl.BlockSpec((B, 640), lambda i: (i, 0)),
            full((1, 256)),
            hspec_lo, hspec_hi, hspec_lo, hspec_hi, hspec_lo, hspec_hi,
            full((4, 256)), full((4, 256)), full((4, 256)),
            full((1, 256)), full((1, 256)),
        ],
        out_specs=pl.BlockSpec((B, 256), lambda i: (i, 0)),
        out_shape=jax.ShapeDtypeStruct((NPAD, 256), jnp.float32),
    )(proj, b_dst, h2s[0], h2s[0], h2s[1], h2s[1], h2s[2], h2s[2],
      scl, off, pos, alf, arf)


def _edge_body(asrc_t, adst_t, ae_t, src_g, dst_g, ex_o,
               sidx_v, didx_v, as_v, ad_v, ae_v, ex16_v, sem):
    c = lax.axis_index("c")
    s = lax.axis_index("s")
    w = c * NSUB + s
    nchunks = (NCHUNKS - w + 31) // 32

    def _chunk(i, _):
        g = w + i * 32
        base = g * CHUNK
        pltpu.sync_copy(src_g.at[pl.ds(base, CHUNK)], sidx_v)
        pltpu.sync_copy(dst_g.at[pl.ds(base, CHUNK)], didx_v)
        pltpu.sync_copy(ae_t.at[pl.ds(base, CHUNK)], ae_v)
        cp1 = pltpu.async_copy(asrc_t.at[sidx_v], as_v, sem)
        cp2 = pltpu.async_copy(adst_t.at[didx_v], ad_v, sem)
        cp1.wait()
        cp2.wait()

        def _row(r, _):
            x = as_v[r, pl.ds(0, 16)] + ad_v[r, pl.ds(0, 16)] + ae_v[r, pl.ds(0, 16)]
            x = jnp.where(x >= 0, x, NEG * x)
            ex16_v[r, pl.ds(0, 16)] = jnp.exp(x)
            return _
        lax.fori_loop(0, CHUNK, _row, None)
        pltpu.sync_copy(ex16_v, ex_o.at[pl.ds(base, CHUNK)])
        return _

    lax.fori_loop(0, nchunks, _chunk, None)


@functools.cache
def _edge_sc_kernel():
    return functools.partial(
        pl.kernel,
        mesh=plsc.VectorSubcoreMesh(core_axis_name="c", subcore_axis_name="s"),
        out_type=jax.ShapeDtypeStruct((E, 16), jnp.float32),
        scratch_types=[
            pltpu.VMEM((CHUNK,), jnp.int32),
            pltpu.VMEM((CHUNK,), jnp.int32),
            pltpu.VMEM((CHUNK, 128), jnp.float32),
            pltpu.VMEM((CHUNK, 128), jnp.float32),
            pltpu.VMEM((CHUNK, 16), jnp.float32),
            pltpu.VMEM((CHUNK, 16), jnp.float32),
            pltpu.SemaphoreType.DMA,
        ],
    )(_edge_body)


def _acoef_body(ex_t, sd_t, ss_t, src_g, dst_g, a_o,
                sidx_v, didx_v, ex_v, sd_v, ss_v, a_v, sem):
    c = lax.axis_index("c")
    s = lax.axis_index("s")
    w = c * NSUB + s
    nchunks = (NCHUNKS - w + 31) // 32

    def _chunk(i, _):
        g = w + i * 32
        base = g * CHUNK
        pltpu.sync_copy(src_g.at[pl.ds(base, CHUNK)], sidx_v)
        pltpu.sync_copy(dst_g.at[pl.ds(base, CHUNK)], didx_v)
        pltpu.sync_copy(ex_t.at[pl.ds(base, CHUNK)], ex_v)
        cp1 = pltpu.async_copy(sd_t.at[didx_v], sd_v, sem)
        cp2 = pltpu.async_copy(ss_t.at[sidx_v], ss_v, sem)
        cp1.wait()
        cp2.wait()

        def _row(r, _):
            exv = ex_v[r, pl.ds(0, 16)]
            ad = jnp.maximum(exv / (sd_v[r, pl.ds(0, 16)] + 1e-16), 1e-9)
            asv = jnp.maximum(exv / (ss_v[r, pl.ds(0, 16)] + 1e-16), 1e-9)
            p = ad * asv
            iv = lax.bitcast_convert_type(p, jnp.int32)
            y = lax.bitcast_convert_type(
                jnp.full((16,), 0x5F3759DF, jnp.int32) - (iv >> 1), jnp.float32)
            for _i in range(3):
                y = y * (1.5 - 0.5 * p * y * y)
            a_v[r, pl.ds(0, 16)] = p * y
            return _
        lax.fori_loop(0, CHUNK, _row, None)
        pltpu.sync_copy(a_v, a_o.at[pl.ds(base, CHUNK)])
        return _

    lax.fori_loop(0, nchunks, _chunk, None)


@functools.cache
def _acoef_sc_kernel():
    return functools.partial(
        pl.kernel,
        mesh=plsc.VectorSubcoreMesh(core_axis_name="c", subcore_axis_name="s"),
        out_type=jax.ShapeDtypeStruct((E, 16), jnp.float32),
        scratch_types=[
            pltpu.VMEM((CHUNK,), jnp.int32),
            pltpu.VMEM((CHUNK,), jnp.int32),
            pltpu.VMEM((CHUNK, 16), jnp.float32),
            pltpu.VMEM((CHUNK, 128), jnp.float32),
            pltpu.VMEM((CHUNK, 128), jnp.float32),
            pltpu.VMEM((CHUNK, 16), jnp.float32),
            pltpu.SemaphoreType.DMA,
        ],
    )(_acoef_body)


def _segsum_body(ex_t, idx2_g, out2, idx_v, ex_v, zbuf, acc, sem):
    c = lax.axis_index("c")
    s = lax.axis_index("s")

    def _zrow(i, _):
        zbuf[i, pl.ds(0, 16)] = jnp.zeros((16,), jnp.float32)
        return _
    lax.fori_loop(0, 80, _zrow, None)
    for r in range(ROWS_PER_SUB // 80):
        pltpu.sync_copy(zbuf, acc.at[pl.ds(s * ROWS_PER_SUB + r * 80, 80)])
    plsc.subcore_barrier()

    nchunks = (NCHUNKS - s + NSUB - 1) // NSUB

    def _chunk(i, _):
        g = s + i * NSUB
        base = g * CHUNK
        pltpu.sync_copy(idx2_g.at[pl.ds(c * E + base, CHUNK)], idx_v)
        pltpu.sync_copy(ex_t.at[pl.ds(base, CHUNK)], ex_v)
        pltpu.sync_copy(ex_v, acc.at[idx_v], add=True)
        return _

    lax.fori_loop(0, nchunks, _chunk, None)
    plsc.subcore_barrier()
    pltpu.sync_copy(acc.at[pl.ds(s * ROWS_PER_SUB, ROWS_PER_SUB)],
                    out2.at[pl.ds(c * NPAD + s * ROWS_PER_SUB, ROWS_PER_SUB)])


@functools.cache
def _segsum_sc_kernel():
    return functools.partial(
        pl.kernel,
        mesh=plsc.VectorSubcoreMesh(core_axis_name="c", subcore_axis_name="s"),
        out_type=jax.ShapeDtypeStruct((2 * NPAD, 16), jnp.float32),
        scratch_types=[
            pltpu.VMEM((CHUNK,), jnp.int32),
            pltpu.VMEM((CHUNK, 16), jnp.float32),
            pltpu.VMEM((80, 16), jnp.float32),
            pltpu.VMEM_SHARED((NPAD, 16), jnp.float32),
            pltpu.SemaphoreType.DMA,
        ],
    )(_segsum_body)


def _hop_body(h2, a_t, src_g, dst_g, out2, sidx_v, didx_v, a_v, rows_v, zbuf,
              acc, sem):
    c = lax.axis_index("c")
    s = lax.axis_index("s")

    def _zrow(i, _):
        for j in range(8):
            zbuf[i, pl.ds(j * 16, 16)] = jnp.zeros((16,), jnp.float32)
        return _
    lax.fori_loop(0, 80, _zrow, None)
    for r in range(ROWS_PER_SUB // 80):
        pltpu.sync_copy(zbuf, acc.at[pl.ds(s * ROWS_PER_SUB + r * 80, 80)])
    plsc.subcore_barrier()

    nchunks = (NCHUNKS - s + NSUB - 1) // NSUB

    def _chunk(i, _):
        g = s + i * NSUB
        base = g * CHUNK
        pltpu.sync_copy(src_g.at[pl.ds(base, CHUNK)], sidx_v)
        pltpu.sync_copy(dst_g.at[pl.ds(base, CHUNK)], didx_v)
        pltpu.sync_copy(a_t.at[pl.ds(base, CHUNK)], a_v)
        for j in range(CHUNK // 16):
            sidx_v[pl.ds(j * 16, 16)] = sidx_v[pl.ds(j * 16, 16)] + c * NPAD
        pltpu.async_copy(h2.at[sidx_v], rows_v, sem).wait()

        def _scale(e, _):
            blk = a_v[e, pl.ds(0, 16)]
            s0 = blk.at[jnp.full((16,), 2 * c, jnp.int32)].get(
                mode="promise_in_bounds")
            s1 = blk.at[jnp.full((16,), 2 * c + 1, jnp.int32)].get(
                mode="promise_in_bounds")
            for j in range(4):
                rows_v[e, pl.ds(j * 16, 16)] = rows_v[e, pl.ds(j * 16, 16)] * s0
            for j in range(4, 8):
                rows_v[e, pl.ds(j * 16, 16)] = rows_v[e, pl.ds(j * 16, 16)] * s1
            return _
        lax.fori_loop(0, CHUNK, _scale, None)
        pltpu.sync_copy(rows_v, acc.at[didx_v], add=True)
        return _

    lax.fori_loop(0, nchunks, _chunk, None)
    plsc.subcore_barrier()
    pltpu.sync_copy(acc.at[pl.ds(s * ROWS_PER_SUB, ROWS_PER_SUB)],
                    out2.at[pl.ds(c * NPAD + s * ROWS_PER_SUB, ROWS_PER_SUB)])


@functools.cache
def _hop_sc_kernel():
    return functools.partial(
        pl.kernel,
        mesh=plsc.VectorSubcoreMesh(core_axis_name="c", subcore_axis_name="s"),
        out_type=jax.ShapeDtypeStruct((2 * NPAD, 128), jnp.float32),
        scratch_types=[
            pltpu.VMEM((CHUNK,), jnp.int32),
            pltpu.VMEM((CHUNK,), jnp.int32),
            pltpu.VMEM((CHUNK, 16), jnp.float32),
            pltpu.VMEM((CHUNK, 128), jnp.float32),
            pltpu.VMEM((80, 128), jnp.float32),
            pltpu.VMEM_SHARED((NPAD, 128), jnp.float32),
            pltpu.SemaphoreType.DMA,
        ],
    )(_hop_body)


def leaky_relu(x):
    return jnp.where(x >= 0, x, NEG * x)


def kernel(feat_src, edge_index, feat_edge, W_src, W_dst, b_dst, W_attn_src,
           W_attn_dst, W_attn_edge, scale, offset, position_emb, hop_attn_l,
           hop_attn_r):
    src = edge_index[0]
    dst = edge_index[1]

    w_cat = jnp.concatenate([W_src, W_dst, W_attn_src, W_attn_dst], axis=1)
    w_cat = jnp.pad(w_cat, ((0, 0), (0, 640 - w_cat.shape[1])))
    feat_pad = jnp.pad(feat_src, ((0, NPAD - N), (0, 0)))
    proj = _dense_proj(feat_pad, w_cat, block_rows=1024)

    w_e = jnp.pad(W_attn_edge, ((0, 0), (0, 16 - H)))
    ae16 = _dense_proj(feat_edge, w_e, block_rows=8000)

    asrc128 = jnp.pad(proj[:, 512:512 + H], ((0, NPAD - N), (0, 124)))
    adst128 = jnp.pad(proj[:, 512 + H:512 + 2 * H], ((0, NPAD - N), (0, 124)))
    ex16 = _edge_sc_kernel()(asrc128, adst128, ae16, src, dst)
    idx2 = jnp.concatenate([dst, src])
    s216 = _segsum_sc_kernel()(ex16, idx2)
    sd128 = jnp.pad(s216[:NPAD], ((0, 0), (0, 112)))
    ss128 = jnp.pad(s216[NPAD:], ((0, 0), (0, 112)))
    a16 = _acoef_sc_kernel()(ex16, sd128, ss128, src, dst)

    fc_pad = proj[:, :256]
    h2 = jnp.concatenate([fc_pad[:, :128], fc_pad[:, 128:]], axis=0)
    h2s = []
    for k in range(K):
        h2 = _hop_sc_kernel()(h2, a16, src, dst)
        h2s.append(h2)

    rst_pad = _combine_tc(
        proj, b_dst.reshape(1, 256), h2s,
        scale.reshape(K + 1, H * F), offset.reshape(K + 1, H * F),
        position_emb.reshape(K + 1, H * F),
        hop_attn_l.reshape(1, H * F), hop_attn_r.reshape(1, H * F))
    return rst_pad[:N].reshape(N, H, F)

# --- scband reference (transcript-rebuilt; emitter-appended) ---
"""Pipeline reference for scband-agdnconv-14173392077052 (READ-ONLY COPY).

The authoritative reference and input builder live on the scoring server;
editing this copy changes nothing except your own understanding.
"""

import jax, jax.numpy as jnp
import numpy as np

N = 10000
E = 160000
D = 256
DE = 16
H = 4
F = 64
K = 3
NEG = 0.2

def leaky_relu(x):
    return jnp.where(x >= 0, x, NEG * x)

def edge_softmax(e, idx, n):
    m = jax.ops.segment_max(e, idx, num_segments=n)
    m = jnp.where(jnp.isfinite(m), m, 0.0)
    ex = jnp.exp(e - m[idx])
    s = jax.ops.segment_sum(ex, idx, num_segments=n)
    return ex / (s[idx] + 1e-16)

def setup_inputs(seed: int = 0):
    key = jax.random.key(seed)
    ks = jax.random.split(key, 14)
    g = 1.414
    inp = {}
    inp["feat_src"] = jax.random.normal(ks[0], (N, D), jnp.float32)
    inp["edge_index"] = jax.random.randint(ks[1], (2, E), 0, N, dtype=jnp.int32)
    inp["feat_edge"] = jax.random.normal(ks[2], (E, DE), jnp.float32)
    inp["W_src"] = jax.random.normal(ks[3], (D, H * F), jnp.float32) * (g / np.sqrt(D + H * F))
    inp["W_dst"] = jax.random.normal(ks[4], (D, H * F), jnp.float32) * (g / np.sqrt(D + H * F))
    inp["b_dst"] = jnp.zeros((H * F,), jnp.float32)
    inp["W_attn_src"] = jax.random.normal(ks[5], (D, H), jnp.float32) * (g / np.sqrt(D + H))
    inp["W_attn_dst"] = jax.random.normal(ks[6], (D, H), jnp.float32) * (g / np.sqrt(D + H))
    inp["W_attn_edge"] = jax.random.normal(ks[7], (DE, H), jnp.float32) * (g / np.sqrt(DE + H))
    inp["scale"] = jnp.ones((K + 1, H, F), jnp.float32)
    inp["offset"] = jnp.zeros((K + 1, H, F), jnp.float32)
    inp["position_emb"] = jax.random.normal(ks[8], (K + 1, H, F), jnp.float32) * 0.1
    inp["hop_attn_l"] = jax.random.normal(ks[9], (H, F), jnp.float32) * 0.1
    inp["hop_attn_r"] = jax.random.normal(ks[10], (H, F), jnp.float32) * 0.1
    return inp

def agdn_forward(feat_src, feat_edge, W_src, W_dst, b_dst, W_attn_src, W_attn_dst, W_attn_edge, scale, offset, position_emb, hop_attn_l, hop_attn_r, edge_index):
    src = edge_index[0]
    dst = edge_index[1]
    feat_src_fc = (feat_src @ W_src).reshape(N, H, F)
    feat_dst_fc = (feat_src @ W_dst + b_dst).reshape(N, H, F)
    attn_src = (feat_src @ W_attn_src).reshape(N, H, 1)
    attn_dst = (feat_src @ W_attn_dst).reshape(N, H, 1)
    attn_edge = (feat_edge @ W_attn_edge).reshape(E, H, 1)
    e = leaky_relu(attn_src[src] + attn_dst[dst] + attn_edge)
    a_dst = edge_softmax(e, dst, N)
    a_src = edge_softmax(e, src, N)
    a = jnp.sqrt(jnp.clip(a_dst, 1e-9, None) * jnp.clip(a_src, 1e-9, None))

    def feat_trans(h, idx):
        mean = jnp.mean(h, axis=-1, keepdims=True)
        var = jnp.var(h, axis=-1, keepdims=True) + 1e-9
        h = (h - mean) * scale[idx][None, :, :] * jax.lax.rsqrt(var) + offset[idx][None, :, :]
        return h + position_emb[idx][None, :, :]

    h0 = feat_trans(feat_src_fc, 0)
    h = feat_src_fc
    hs = []
    for k in range(K):
        h = jax.ops.segment_sum(h[src] * a, dst, num_segments=N)
        hs.append(h)
    hstack = jnp.stack([feat_trans(hh, k + 1) for k, hh in enumerate(hs)], axis=2)
    a_l = jnp.sum(h0[:, :, None, :] * hop_attn_l[None, :, None, :], axis=-1, keepdims=True)
    aa = jnp.sum(hstack * hop_attn_r[None, :, None, :], axis=-1, keepdims=True) + a_l
    aa = jax.nn.softmax(leaky_relu(aa), axis=-2)
    aa = jnp.swapaxes(aa, -2, -1)
    rst = jnp.squeeze(jnp.matmul(aa, hstack), axis=-2)
    rst = rst + feat_dst_fc
    return rst

def reference(feat_src, edge_index, feat_edge, W_src, W_dst, b_dst, W_attn_src, W_attn_dst, W_attn_edge, scale, offset, position_emb, hop_attn_l, hop_attn_r):
    return agdn_forward(feat_src, feat_edge, W_src, W_dst, b_dst, W_attn_src, W_attn_dst, W_attn_edge, scale, offset, position_emb, hop_attn_l, hop_attn_r, edge_index)

if __name__ == "__main__":
    import jax
    _d = setup_inputs()
    print(jax.jit(kernel)(*tuple(_d.values())))

</pallas_src>

<mosaic_0001>
#map = affine_map<(d0, d1) -> (0, 0)>
#map1 = affine_map<(d0, d1) -> (0)>
module attributes {stable_mosaic.version = 14 : i64} {
  func.func @_edge_body(%arg0: i32, %arg1: i32, %arg2: memref<10480x128xf32, #tpu.memory_space<hbm>>, %arg3: memref<10480x128xf32, #tpu.memory_space<hbm>>, %arg4: memref<160000x16xf32, #tpu.memory_space<hbm>>, %arg5: memref<160000xi32, #tpu.memory_space<hbm>>, %arg6: memref<160000xi32, #tpu.memory_space<hbm>>, %arg7: memref<160000x16xf32, #tpu.memory_space<hbm>>, %arg8: memref<128xi32, #tpu.memory_space<vmem>>, %arg9: memref<128xi32, #tpu.memory_space<vmem>>, %arg10: memref<128x128xf32, #tpu.memory_space<vmem>>, %arg11: memref<128x128xf32, #tpu.memory_space<vmem>>, %arg12: memref<128x16xf32, #tpu.memory_space<vmem>>, %arg13: memref<128x16xf32, #tpu.memory_space<vmem>>, %arg14: memref<!tpu.dma_semaphore, #tpu.memory_space<semaphore_mem>>) attributes {dimension_semantics = [#tpu.dimension_semantics<core_parallel>, #tpu.dimension_semantics<subcore_parallel>], iteration_bounds = array<i64: 2, 16>, scalar_prefetch = 0 : i64, scratch_operands = 7 : i64, tpu.core_type = #tpu.core_type<sc_vector_subcore>, window_params = [{transform_indices = #map}, {transform_indices = #map}, {transform_indices = #map}, {transform_indices = #map1}, {transform_indices = #map1}, {transform_indices = #map}]} {
    %mul3A = arith.constant 16 : i32
    %mul3A_0 = arith.muli %arg0, %mul3A : i32
    %add3A = arith.addi %mul3A_0, %arg1 : i32
    %sub3A = arith.constant 1250 : i32
    %sub3A_1 = arith.subi %sub3A, %add3A : i32
    %add3A_2 = arith.constant 31 : i32
    %add3A_3 = arith.addi %sub3A_1, %add3A_2 : i32
    %jit3A = arith.constant 32 : i32
    %div3A = arith.divsi %add3A_3, %jit3A : i32
    %sign3A = arith.constant 0 : i32
    %sign3A_4 = arith.cmpi sgt, %add3A_3, %sign3A : i32
    %sign3A_5 = arith.extui %sign3A_4 : i1 to i32
    %sign3A_6 = arith.constant 0 : i32
    %sign3A_7 = arith.cmpi slt, %add3A_3, %sign3A_6 : i32
    %sign3A_8 = arith.extui %sign3A_7 : i1 to i32
    %sign3A_9 = arith.subi %sign3A_5, %sign3A_8 : i32
    %sign3A_10 = arith.constant 0 : i32
    %sign3A_11 = arith.cmpi sgt, %jit3A, %sign3A_10 : i32
    %sign3A_12 = arith.extui %sign3A_11 : i1 to i32
    %sign3A_13 = arith.constant 0 : i32
    %sign3A_14 = arith.cmpi slt, %jit3A, %sign3A_13 : i32
    %sign3A_15 = arith.extui %sign3A_14 : i1 to i32
    %sign3A_16 = arith.subi %sign3A_12, %sign3A_15 : i32
    %ne3A = arith.cmpi ne, %sign3A_9, %sign3A_16 : i32
    %rem3A = arith.remsi %add3A_3, %jit3A : i32
    %ne3A_17 = arith.constant 0 : i32
    %ne3A_18 = arith.cmpi ne, %rem3A, %ne3A_17 : i32
    %and3A = arith.andi %ne3A, %ne3A_18 : i1
    %sub3A_19 = arith.constant 1 : i32
    %sub3A_20 = arith.subi %div3A, %sub3A_19 : i32
    %select_n3A = arith.select %and3A, %sub3A_20, %div3A : i32
    %while3A = arith.constant 0 : i32
    %while3A_21 = arith.subi %select_n3A, %while3A : i32
    %while3A_22 = arith.addi %while3A, %while3A_21 : i32
    %while3A_23 = arith.constant 1 : i32
    %while3A_24 = arith.divsi %while3A_21, %while3A_23 : i32
    %while3A_25 = arith.muli %while3A_24, %while3A_23 : i32
    %while3A_26 = arith.addi %while3A, %while3A_25 : i32
    %while3A_27 = arith.constant 1 : i32
    scf.for %while3A_29 = %while3A to %while3A_26 step %while3A_27  : i32 {
      %mul3A_30 = arith.constant 32 : i32
      %mul3A_31 = arith.muli %while3A_29, %mul3A_30 : i32
      %add3A_32 = arith.addi %add3A, %mul3A_31 : i32
      %mul3A_33 = arith.constant 128 : i32
      %mul3A_34 = arith.muli %add3A_32, %mul3A_33 : i32
      "tpu.region"() ({
        %run_scoped3A = tpu.sem_alloc : memref<!tpu.dma_semaphore, #tpu.memory_space<semaphore_mem>>
        %dma_start3A_49 = tpu.memref_slice %arg5[%mul3A_34] : memref<160000xi32, #tpu.memory_space<hbm>> -> memref<128xi32, #tpu.memory_space<hbm>>
        %dma_start3A_50 = tpu.memref_slice %arg5[%mul3A_34] : memref<160000xi32, #tpu.memory_space<hbm>> -> memref<128xi32, #tpu.memory_space<hbm>>
        tpu.enqueue_dma source(%dma_start3A_50 : memref<128xi32, #tpu.memory_space<hbm>>) target(%arg8 : memref<128xi32, #tpu.memory_space<vmem>>) target_semaphore(%run_scoped3A : memref<!tpu.dma_semaphore, #tpu.memory_space<semaphore_mem>>)
        %dma_wait3A_51 = tpu.memref_slice %arg5[%mul3A_34] : memref<160000xi32, #tpu.memory_space<hbm>> -> memref<128xi32, #tpu.memory_space<hbm>>
        %dma_wait3A_52 = tpu.memref_slice %arg5[%mul3A_34] : memref<160000xi32, #tpu.memory_space<hbm>> -> memref<128xi32, #tpu.memory_space<hbm>>
        tpu.wait_dma2 semaphore(%run_scoped3A : memref<!tpu.dma_semaphore, #tpu.memory_space<semaphore_mem>>) src(%dma_wait3A_52 : memref<128xi32, #tpu.memory_space<hbm>>) dst(%arg8 : memref<128xi32, #tpu.memory_space<vmem>>)
        tpu.yield
      }) : () -> ()
      "tpu.region"() ({
        %run_scoped3A = tpu.sem_alloc : memref<!tpu.dma_semaphore, #tpu.memory_space<semaphore_mem>>
        %dma_start3A_49 = tpu.memref_slice %arg6[%mul3A_34] : memref<160000xi32, #tpu.memory_space<hbm>> -> memref<128xi32, #tpu.memory_space<hbm>>
        %dma_start3A_50 = tpu.memref_slice %arg6[%mul3A_34] : memref<160000xi32, #tpu.memory_space<hbm>> -> memref<128xi32, #tpu.memory_space<hbm>>
        tpu.enqueue_dma source(%dma_start3A_50 : memref<128xi32, #tpu.memory_space<hbm>>) target(%arg9 : memref<128xi32, #tpu.memory_space<vmem>>) target_semaphore(%run_scoped3A : memref<!tpu.dma_semaphore, #tpu.memory_space<semaphore_mem>>)
        %dma_wait3A_51 = tpu.memref_slice %arg6[%mul3A_34] : memref<160000xi32, #tpu.memory_space<hbm>> -> memref<128xi32, #tpu.memory_space<hbm>>
        %dma_wait3A_52 = tpu.memref_slice %arg6[%mul3A_34] : memref<160000xi32, #tpu.memory_space<hbm>> -> memref<128xi32, #tpu.memory_space<hbm>>
        tpu.wait_dma2 semaphore(%run_scoped3A : memref<!tpu.dma_semaphore, #tpu.memory_space<semaphore_mem>>) src(%dma_wait3A_52 : memref<128xi32, #tpu.memory_space<hbm>>) dst(%arg9 : memref<128xi32, #tpu.memory_space<vmem>>)
        tpu.yield
      }) : () -> ()
      "tpu.region"() ({
        %run_scoped3A = tpu.sem_alloc : memref<!tpu.dma_semaphore, #tpu.memory_space<semaphore_mem>>
        %dma_start3A_49 = arith.constant 0 : i32
        %dma_start3A_50 = tpu.memref_slice %arg4[%mul3A_34, %dma_start3A_49] : memref<160000x16xf32, #tpu.memory_space<hbm>> -> memref<128x16xf32, #tpu.memory_space<hbm>>
        %dma_start3A_51 = arith.constant 0 : i32
        %dma_start3A_52 = tpu.memref_slice %arg4[%mul3A_34, %dma_start3A_51] : memref<160000x16xf32, #tpu.memory_space<hbm>> -> memref<128x16xf32, #tpu.memory_space<hbm>>
        tpu.enqueue_dma source(%dma_start3A_52 : memref<128x16xf32, #tpu.memory_space<hbm>>) target(%arg12 : memref<128x16xf32, #tpu.memory_space<vmem>>) target_semaphore(%run_scoped3A : memref<!tpu.dma_semaphore, #tpu.memory_space<semaphore_mem>>)
        %dma_wait3A_53 = arith.constant 0 : i32
        %dma_wait3A_54 = tpu.memref_slice %arg4[%mul3A_34, %dma_wait3A_53] : memref<160000x16xf32, #tpu.memory_space<hbm>> -> memref<128x16xf32, #tpu.memory_space<hbm>>
        %dma_wait3A_55 = arith.constant 0 : i32
        %dma_wait3A_56 = tpu.memref_slice %arg4[%mul3A_34, %dma_wait3A_55] : memref<160000x16xf32, #tpu.memory_space<hbm>> -> memref<128x16xf32, #tpu.memory_space<hbm>>
        tpu.wait_dma2 semaphore(%run_scoped3A : memref<!tpu.dma_semaphore, #tpu.memory_space<semaphore_mem>>) src(%dma_wait3A_56 : memref<128x16xf32, #tpu.memory_space<hbm>>) dst(%arg12 : memref<128x16xf32, #tpu.memory_space<vmem>>)
        tpu.yield
      }) : () -> ()
      %dma_start3A = arith.constant 0 : i32
      %dma_start3A_35 = arith.constant 0 : i32
      %dma_start3A_36 = tpu.memref_slice %arg2[%dma_start3A, %dma_start3A_35] : memref<10480x128xf32, #tpu.memory_space<hbm>> -> memref<10480x128xf32, #tpu.memory_space<hbm>>
      tpu.enqueue_indirect_dma source(%dma_start3A_36 : memref<10480x128xf32, #tpu.memory_space<hbm>>) target(%arg10 : memref<128x128xf32, #tpu.memory_space<vmem>>) offsets(%arg8 : memref<128xi32, #tpu.memory_space<vmem>>) semaphore(%arg14 : memref<!tpu.dma_semaphore, #tpu.memory_space<semaphore_mem>>)
      %dma_start3A_37 = arith.constant 0 : i32
      %dma_start3A_38 = arith.constant 0 : i32
      %dma_start3A_39 = tpu.memref_slice %arg3[%dma_start3A_37, %dma_start3A_38] : memref<10480x128xf32, #tpu.memory_space<hbm>> -> memref<10480x128xf32, #tpu.memory_space<hbm>>
      tpu.enqueue_indirect_dma source(%dma_start3A_39 : memref<10480x128xf32, #tpu.memory_space<hbm>>) target(%arg11 : memref<128x128xf32, #tpu.memory_space<vmem>>) offsets(%arg9 : memref<128xi32, #tpu.memory_space<vmem>>) semaphore(%arg14 : memref<!tpu.dma_semaphore, #tpu.memory_space<semaphore_mem>>)
      %dma_wait3A = arith.constant 0 : i32
      %dma_wait3A_40 = arith.constant 0 : i32
      %dma_wait3A_41 = tpu.memref_slice %arg2[%dma_wait3A, %dma_wait3A_40] : memref<10480x128xf32, #tpu.memory_space<hbm>> -> memref<10480x128xf32, #tpu.memory_space<hbm>>
      tpu.wait_indirect_dma semaphore(%arg14 : memref<!tpu.dma_semaphore, #tpu.memory_space<semaphore_mem>>) src(%dma_wait3A_41 : memref<10480x128xf32, #tpu.memory_space<hbm>>) dst(%arg10 : memref<128x128xf32, #tpu.memory_space<vmem>>)
      %dma_wait3A_42 = arith.constant 0 : i32
      %dma_wait3A_43 = arith.constant 0 : i32
      %dma_wait3A_44 = tpu.memref_slice %arg3[%dma_wait3A_42, %dma_wait3A_43] : memref<10480x128xf32, #tpu.memory_space<hbm>> -> memref<10480x128xf32, #tpu.memory_space<hbm>>
      tpu.wait_indirect_dma semaphore(%arg14 : memref<!tpu.dma_semaphore, #tpu.memory_space<semaphore_mem>>) src(%dma_wait3A_44 : memref<10480x128xf32, #tpu.memory_space<hbm>>) dst(%arg11 : memref<128x128xf32, #tpu.memory_space<vmem>>)
      %scan3A = arith.constant 0 : i32
      %scan3A_45 = arith.constant 128 : i32
      %scan3A_46 = arith.addi %scan3A, %scan3A_45 : i32
      %scan3A_47 = arith.constant 1 : i32
      scf.for %scan3A_49 = %scan3A to %scan3A_46 step %scan3A_47  : i32 {
        %get3A = arith.index_cast %scan3A_49 : i32 to index
        %get3A_50 = arith.constant 0 : index
        %get3A_51 = tpu.vector_load %arg10[%get3A, %get3A_50] {strides = array<i32>} : memref<128x128xf32, #tpu.memory_space<vmem>>, vector<1x16xf32>,
        %get3A_52 = vector.shape_cast %get3A_51 : vector<1x16xf32> to vector<16xf32>
        %get3A_53 = arith.index_cast %scan3A_49 : i32 to index
        %get3A_54 = arith.constant 0 : index
        %get3A_55 = tpu.vector_load %arg11[%get3A_53, %get3A_54] {strides = array<i32>} : memref<128x128xf32, #tpu.memory_space<vmem>>, vector<1x16xf32>,
        %get3A_56 = vector.shape_cast %get3A_55 : vector<1x16xf32> to vector<16xf32>
        %add3A_57 = arith.addf %get3A_52, %get3A_56 : vector<16xf32>
        %get3A_58 = arith.index_cast %scan3A_49 : i32 to index
        %get3A_59 = arith.constant 0 : index
        %get3A_60 = tpu.vector_load %arg12[%get3A_58, %get3A_59] {strides = array<i32>} : memref<128x16xf32, #tpu.memory_space<vmem>>, vector<1x16xf32>,
        %get3A_61 = vector.shape_cast %get3A_60 : vector<1x16xf32> to vector<16xf32>
        %add3A_62 = arith.addf %add3A_57, %get3A_61 : vector<16xf32>
        %ge3A = arith.constant 0.000000e+00 : f32
        %ge3A_63 = vector.broadcast %ge3A : f32 to vector<16xf32>
        %ge3A_64 = arith.cmpf oge, %add3A_62, %ge3A_63 : vector<16xf32>
        %mul3A_65 = arith.constant 2.000000e-01 : f32
        %mul3A_66 = vector.broadcast %mul3A_65 : f32 to vector<16xf32>
        %mul3A_67 = arith.mulf %mul3A_66, %add3A_62 : vector<16xf32>
        %select_n3A_68 = arith.select %ge3A_64, %add3A_62, %mul3A_67 : vector<16xi1>, vector<16xf32>
        %exp3A = math.exp %select_n3A_68 : vector<16xf32>
        %swap3A = arith.index_cast %scan3A_49 : i32 to index
        %swap3A_69 = arith.constant 0 : index
        %swap3A_70 = tpu.vector_load %arg13[%swap3A, %swap3A_69] {strides = array<i32>} : memref<128x16xf32, #tpu.memory_space<vmem>>, vector<1x16xf32>,
        %swap3A_71 = vector.shape_cast %swap3A_70 : vector<1x16xf32> to vector<16xf32>
        %swap3A_72 = vector.shape_cast %exp3A : vector<16xf32> to vector<1x16xf32>
        tpu.vector_store %arg13[%swap3A, %swap3A_69], %swap3A_72 {strides = array<i32>} : memref<128x16xf32, #tpu.memory_space<vmem>>, vector<1x16xf32>,
      }
      %scan3A_48 = arith.constant 128 : i32
      "tpu.region"() ({
        %run_scoped3A = tpu.sem_alloc : memref<!tpu.dma_semaphore, #tpu.memory_space<semaphore_mem>>
        %dma_start3A_49 = arith.constant 0 : i32
        %dma_start3A_50 = tpu.memref_slice %arg7[%mul3A_34, %dma_start3A_49] : memref<160000x16xf32, #tpu.memory_space<hbm>> -> memref<128x16xf32, #tpu.memory_space<hbm>>
        %dma_start3A_51 = arith.constant 0 : i32
        %dma_start3A_52 = tpu.memref_slice %arg7[%mul3A_34, %dma_start3A_51] : memref<160000x16xf32, #tpu.memory_space<hbm>> -> memref<128x16xf32, #tpu.memory_space<hbm>>
        tpu.enqueue_dma source(%arg13 : memref<128x16xf32, #tpu.memory_space<vmem>>) target(%dma_start3A_52 : memref<128x16xf32, #tpu.memory_space<hbm>>) target_semaphore(%run_scoped3A : memref<!tpu.dma_semaphore, #tpu.memory_space<semaphore_mem>>)
        %dma_wait3A_53 = arith.constant 0 : i32
        %dma_wait3A_54 = tpu.memref_slice %arg7[%mul3A_34, %dma_wait3A_53] : memref<160000x16xf32, #tpu.memory_space<hbm>> -> memref<128x16xf32, #tpu.memory_space<hbm>>
        %dma_wait3A_55 = arith.constant 0 : i32
        %dma_wait3A_56 = tpu.memref_slice %arg7[%mul3A_34, %dma_wait3A_55] : memref<160000x16xf32, #tpu.memory_space<hbm>> -> memref<128x16xf32, #tpu.memory_space<hbm>>
        tpu.wait_dma2 semaphore(%run_scoped3A : memref<!tpu.dma_semaphore, #tpu.memory_space<semaphore_mem>>) src(%arg13 : memref<128x16xf32, #tpu.memory_space<vmem>>) dst(%dma_wait3A_56 : memref<128x16xf32, #tpu.memory_space<hbm>>)
        tpu.yield
      }) : () -> ()
    }
    %while3A_28 = arith.constant 1 : i32
    scf.for %while3A_29 = %while3A_26 to %while3A_22 step %while3A_28  : i32 {
      %mul3A_30 = arith.constant 32 : i32
      %mul3A_31 = arith.muli %while3A_29, %mul3A_30 : i32
      %add3A_32 = arith.addi %add3A, %mul3A_31 : i32
      %mul3A_33 = arith.constant 128 : i32
      %mul3A_34 = arith.muli %add3A_32, %mul3A_33 : i32
      "tpu.region"() ({
        %run_scoped3A = tpu.sem_alloc : memref<!tpu.dma_semaphore, #tpu.memory_space<semaphore_mem>>
        %dma_start3A_49 = tpu.memref_slice %arg5[%mul3A_34] : memref<160000xi32, #tpu.memory_space<hbm>> -> memref<128xi32, #tpu.memory_space<hbm>>
        %dma_start3A_50 = tpu.memref_slice %arg5[%mul3A_34] : memref<160000xi32, #tpu.memory_space<hbm>> -> memref<128xi32, #tpu.memory_space<hbm>>
        tpu.enqueue_dma source(%dma_start3A_50 : memref<128xi32, #tpu.memory_space<hbm>>) target(%arg8 : memref<128xi32, #tpu.memory_space<vmem>>) target_semaphore(%run_scoped3A : memref<!tpu.dma_semaphore, #tpu.memory_space<semaphore_mem>>)
        %dma_wait3A_51 = tpu.memref_slice %arg5[%mul3A_34] : memref<160000xi32, #tpu.memory_space<hbm>> -> memref<128xi32, #tpu.memory_space<hbm>>
        %dma_wait3A_52 = tpu.memref_slice %arg5[%mul3A_34] : memref<160000xi32, #tpu.memory_space<hbm>> -> memref<128xi32, #tpu.memory_space<hbm>>
        tpu.wait_dma2 semaphore(%run_scoped3A : memref<!tpu.dma_semaphore, #tpu.memory_space<semaphore_mem>>) src(%dma_wait3A_52 : memref<128xi32, #tpu.memory_space<hbm>>) dst(%arg8 : memref<128xi32, #tpu.memory_space<vmem>>)
        tpu.yield
      }) : () -> ()
      "tpu.region"() ({
        %run_scoped3A = tpu.sem_alloc : memref<!tpu.dma_semaphore, #tpu.memory_space<semaphore_mem>>
        %dma_start3A_49 = tpu.memref_slice %arg6[%mul3A_34] : memref<160000xi32, #tpu.memory_space<hbm>> -> memref<128xi32, #tpu.memory_space<hbm>>
        %dma_start3A_50 = tpu.memref_slice %arg6[%mul3A_34] : memref<160000xi32, #tpu.memory_space<hbm>> -> memref<128xi32, #tpu.memory_space<hbm>>
        tpu.enqueue_dma source(%dma_start3A_50 : memref<128xi32, #tpu.memory_space<hbm>>) target(%arg9 : memref<128xi32, #tpu.memory_space<vmem>>) target_semaphore(%run_scoped3A : memref<!tpu.dma_semaphore, #tpu.memory_space<semaphore_mem>>)
        %dma_wait3A_51 = tpu.memref_slice %arg6[%mul3A_34] : memref<160000xi32, #tpu.memory_space<hbm>> -> memref<128xi32, #tpu.memory_space<hbm>>
        %dma_wait3A_52 = tpu.memref_slice %arg6[%mul3A_34] : memref<160000xi32, #tpu.memory_space<hbm>> -> memref<128xi32, #tpu.memory_space<hbm>>
        tpu.wait_dma2 semaphore(%run_scoped3A : memref<!tpu.dma_semaphore, #tpu.memory_space<semaphore_mem>>) src(%dma_wait3A_52 : memref<128xi32, #tpu.memory_space<hbm>>) dst(%arg9 : memref<128xi32, #tpu.memory_space<vmem>>)
        tpu.yield
      }) : () -> ()
      "tpu.region"() ({
        %run_scoped3A = tpu.sem_alloc : memref<!tpu.dma_semaphore, #tpu.memory_space<semaphore_mem>>
        %dma_start3A_49 = arith.constant 0 : i32
        %dma_start3A_50 = tpu.memref_slice %arg4[%mul3A_34, %dma_start3A_49] : memref<160000x16xf32, #tpu.memory_space<hbm>> -> memref<128x16xf32, #tpu.memory_space<hbm>>
        %dma_start3A_51 = arith.constant 0 : i32
        %dma_start3A_52 = tpu.memref_slice %arg4[%mul3A_34, %dma_start3A_51] : memref<160000x16xf32, #tpu.memory_space<hbm>> -> memref<128x16xf32, #tpu.memory_space<hbm>>
        tpu.enqueue_dma source(%dma_start3A_52 : memref<128x16xf32, #tpu.memory_space<hbm>>) target(%arg12 : memref<128x16xf32, #tpu.memory_space<vmem>>) target_semaphore(%run_scoped3A : memref<!tpu.dma_semaphore, #tpu.memory_space<semaphore_mem>>)
        %dma_wait3A_53 = arith.constant 0 : i32
        %dma_wait3A_54 = tpu.memref_slice %arg4[%mul3A_34, %dma_wait3A_53] : memref<160000x16xf32, #tpu.memory_space<hbm>> -> memref<128x16xf32, #tpu.memory_space<hbm>>
        %dma_wait3A_55 = arith.constant 0 : i32
        %dma_wait3A_56 = tpu.memref_slice %arg4[%mul3A_34, %dma_wait3A_55] : memref<160000x16xf32, #tpu.memory_space<hbm>> -> memref<128x16xf32, #tpu.memory_space<hbm>>
        tpu.wait_dma2 semaphore(%run_scoped3A : memref<!tpu.dma_semaphore, #tpu.memory_space<semaphore_mem>>) src(%dma_wait3A_56 : memref<128x16xf32, #tpu.memory_space<hbm>>) dst(%arg12 : memref<128x16xf32, #tpu.memory_space<vmem>>)
        tpu.yield
      }) : () -> ()
      %dma_start3A = arith.constant 0 : i32
      %dma_start3A_35 = arith.constant 0 : i32
      %dma_start3A_36 = tpu.memref_slice %arg2[%dma_start3A, %dma_start3A_35] : memref<10480x128xf32, #tpu.memory_space<hbm>> -> memref<10480x128xf32, #tpu.memory_space<hbm>>
      tpu.enqueue_indirect_dma source(%dma_start3A_36 : memref<10480x128xf32, #tpu.memory_space<hbm>>) target(%arg10 : memref<128x128xf32, #tpu.memory_space<vmem>>) offsets(%arg8 : memref<128xi32, #tpu.memory_space<vmem>>) semaphore(%arg14 : memref<!tpu.dma_semaphore, #tpu.memory_space<semaphore_mem>>)
      %dma_start3A_37 = arith.constant 0 : i32
      %dma_start3A_38 = arith.constant 0 : i32
      %dma_start3A_39 = tpu.memref_slice %arg3[%dma_start3A_37, %dma_start3A_38] : memref<10480x128xf32, #tpu.memory_space<hbm>> -> memref<10480x128xf32, #tpu.memory_space<hbm>>
      tpu.enqueue_indirect_dma source(%dma_start3A_39 : memref<10480x128xf32, #tpu.memory_space<hbm>>) target(%arg11 : memref<128x128xf32, #tpu.memory_space<vmem>>) offsets(%arg9 : memref<128xi32, #tpu.memory_space<vmem>>) semaphore(%arg14 : memref<!tpu.dma_semaphore, #tpu.memory_space<semaphore_mem>>)
      %dma_wait3A = arith.constant 0 : i32
      %dma_wait3A_40 = arith.constant 0 : i32
      %dma_wait3A_41 = tpu.memref_slice %arg2[%dma_wait3A, %dma_wait3A_40] : memref<10480x128xf32, #tpu.memory_space<hbm>> -> memref<10480x128xf32, #tpu.memory_space<hbm>>
      tpu.wait_indirect_dma semaphore(%arg14 : memref<!tpu.dma_semaphore, #tpu.memory_space<semaphore_mem>>) src(%dma_wait3A_41 : memref<10480x128xf32, #tpu.memory_space<hbm>>) dst(%arg10 : memref<128x128xf32, #tpu.memory_space<vmem>>)
      %dma_wait3A_42 = arith.constant 0 : i32
      %dma_wait3A_43 = arith.constant 0 : i32
      %dma_wait3A_44 = tpu.memref_slice %arg3[%dma_wait3A_42, %dma_wait3A_43] : memref<10480x128xf32, #tpu.memory_space<hbm>> -> memref<10480x128xf32, #tpu.memory_space<hbm>>
      tpu.wait_indirect_dma semaphore(%arg14 : memref<!tpu.dma_semaphore, #tpu.memory_space<semaphore_mem>>) src(%dma_wait3A_44 : memref<10480x128xf32, #tpu.memory_space<hbm>>) dst(%arg11 : memref<128x128xf32, #tpu.memory_space<vmem>>)
      %scan3A = arith.constant 0 : i32
      %scan3A_45 = arith.constant 128 : i32
      %scan3A_46 = arith.addi %scan3A, %scan3A_45 : i32
      %scan3A_47 = arith.constant 1 : i32
      scf.for %scan3A_49 = %scan3A to %scan3A_46 step %scan3A_47  : i32 {
        %get3A = arith.index_cast %scan3A_49 : i32 to index
        %get3A_50 = arith.constant 0 : index
        %get3A_51 = tpu.vector_load %arg10[%get3A, %get3A_50] {strides = array<i32>} : memref<128x128xf32, #tpu.memory_space<vmem>>, vector<1x16xf32>,
        %get3A_52 = vector.shape_cast %get3A_51 : vector<1x16xf32> to vector<16xf32>
        %get3A_53 = arith.index_cast %scan3A_49 : i32 to index
        %get3A_54 = arith.constant 0 : index
        %get3A_55 = tpu.vector_load %arg11[%get3A_53, %get3A_54] {strides = array<i32>} : memref<128x128xf32, #tpu.memory_space<vmem>>, vector<1x16xf32>,
        %get3A_56 = vector.shape_cast %get3A_55 : vector<1x16xf32> to vector<16xf32>
        %add3A_57 = arith.addf %get3A_52, %get3A_56 : vector<16xf32>
        %get3A_58 = arith.index_cast %scan3A_49 : i32 to index
        %get3A_59 = arith.constant 0 : index
        %get3A_60 = tpu.vector_load %arg12[%get3A_58, %get3A_59] {strides = array<i32>} : memref<128x16xf32, #tpu.memory_space<vmem>>, vector<1x16xf32>,
        %get3A_61 = vector.shape_cast %get3A_60 : vector<1x16xf32> to vector<16xf32>
        %add3A_62 = arith.addf %add3A_57, %get3A_61 : vector<16xf32>
        %ge3A = arith.constant 0.000000e+00 : f32
        %ge3A_63 = vector.broadcast %ge3A : f32 to vector<16xf32>
        %ge3A_64 = arith.cmpf oge, %add3A_62, %ge3A_63 : vector<16xf32>
        %mul3A_65 = arith.constant 2.000000e-01 : f32
        %mul3A_66 = vector.broadcast %mul3A_65 : f32 to vector<16xf32>
        %mul3A_67 = arith.mulf %mul3A_66, %add3A_62 : vector<16xf32>
        %select_n3A_68 = arith.select %ge3A_64, %add3A_62, %mul3A_67 : vector<16xi1>, vector<16xf32>
        %exp3A = math.exp %select_n3A_68 : vector<16xf32>
        %swap3A = arith.index_cast %scan3A_49 : i32 to index
        %swap3A_69 = arith.constant 0 : index
        %swap3A_70 = tpu.vector_load %arg13[%swap3A, %swap3A_69] {strides = array<i32>} : memref<128x16xf32, #tpu.memory_space<vmem>>, vector<1x16xf32>,
        %swap3A_71 = vector.shape_cast %swap3A_70 : vector<1x16xf32> to vector<16xf32>
        %swap3A_72 = vector.shape_cast %exp3A : vector<16xf32> to vector<1x16xf32>
        tpu.vector_store %arg13[%swap3A, %swap3A_69], %swap3A_72 {strides = array<i32>} : memref<128x16xf32, #tpu.memory_space<vmem>>, vector<1x16xf32>,
      }
      %scan3A_48 = arith.constant 128 : i32
      "tpu.region"() ({
        %run_scoped3A = tpu.sem_alloc : memref<!tpu.dma_semaphore, #tpu.memory_space<semaphore_mem>>
        %dma_start3A_49 = arith.constant 0 : i32
        %dma_start3A_50 = tpu.memref_slice %arg7[%mul3A_34, %dma_start3A_49] : memref<160000x16xf32, #tpu.memory_space<hbm>> -> memref<128x16xf32, #tpu.memory_space<hbm>>
        %dma_start3A_51 = arith.constant 0 : i32
        %dma_start3A_52 = tpu.memref_slice %arg7[%mul3A_34, %dma_start3A_51] : memref<160000x16xf32, #tpu.memory_space<hbm>> -> memref<128x16xf32, #tpu.memory_space<hbm>>
        tpu.enqueue_dma source(%arg13 : memref<128x16xf32, #tpu.memory_space<vmem>>) target(%dma_start3A_52 : memref<128x16xf32, #tpu.memory_space<hbm>>) target_semaphore(%run_scoped3A : memref<!tpu.dma_semaphore, #tpu.memory_space<semaphore_mem>>)
        %dma_wait3A_53 = arith.constant 0 : i32
        %dma_wait3A_54 = tpu.memref_slice %arg7[%mul3A_34, %dma_wait3A_53] : memref<160000x16xf32, #tpu.memory_space<hbm>> -> memref<128x16xf32, #tpu.memory_space<hbm>>
        %dma_wait3A_55 = arith.constant 0 : i32
        %dma_wait3A_56 = tpu.memref_slice %arg7[%mul3A_34, %dma_wait3A_55] : memref<160000x16xf32, #tpu.memory_space<hbm>> -> memref<128x16xf32, #tpu.memory_space<hbm>>
        tpu.wait_dma2 semaphore(%run_scoped3A : memref<!tpu.dma_semaphore, #tpu.memory_space<semaphore_mem>>) src(%arg13 : memref<128x16xf32, #tpu.memory_space<vmem>>) dst(%dma_wait3A_56 : memref<128x16xf32, #tpu.memory_space<hbm>>)
        tpu.yield
      }) : () -> ()
    }
    return
  }
}

#map = affine_map<(d0, d1) -> (0, 0)>
#map1 = affine_map<(d0, d1) -> (0)>
module attributes {stable_mosaic.version = 14 : i64} {
  func.func @_hop_body(%arg0: i32, %arg1: i32, %arg2: memref<20480x128xf32, #tpu.memory_space<hbm>>, %arg3: memref<160000x16xf32, #tpu.memory_space<hbm>>, %arg4: memref<160000xi32, #tpu.memory_space<hbm>>, %arg5: memref<160000xi32, #tpu.memory_space<hbm>>, %arg6: memref<20480x128xf32, #tpu.memory_space<hbm>>, %arg7: memref<128xi32, #tpu.memory_space<vmem>>, %arg8: memref<128xi32, #tpu.memory_space<vmem>>, %arg9: memref<128x16xf32, #tpu.memory_space<vmem>>, %arg10: memref<128x128xf32, #tpu.memory_space<vmem>>, %arg11: memref<80x128xf32, #tpu.memory_space<vmem>>, %arg12: memref<10240x128xf32, #tpu.memory_space<vmem_shared>>, %arg13: memref<!tpu.dma_semaphore, #tpu.memory_space<semaphore_mem>>) attributes {dimension_semantics = [#tpu.dimension_semantics<core_parallel>, #tpu.dimension_semantics<subcore_parallel>], iteration_bounds = array<i64: 2, 16>, scalar_prefetch = 0 : i64, scratch_operands = 7 : i64, tpu.core_type = #tpu.core_type<sc_vector_subcore>, window_params = [{transform_indices = #map}, {transform_indices = #map}, {transform_indices = #map1}, {transform_indices = #map1}, {transform_indices = #map}]} {
    %scan3A = arith.constant 0 : i32
    %scan3A_0 = arith.constant 80 : i32
    %scan3A_1 = arith.addi %scan3A, %scan3A_0 : i32
    %scan3A_2 = arith.constant 1 : i32
    scf.for %scan3A_72 = %scan3A to %scan3A_1 step %scan3A_2  : i32 {
      %broadcast_in_dim3A = arith.constant 0.000000e+00 : f32
      %broadcast_in_dim3A_73 = vector.broadcast %broadcast_in_dim3A : f32 to vector<16xf32>
      %swap3A = arith.index_cast %scan3A_72 : i32 to index
      %swap3A_74 = arith.constant 0 : index
      %swap3A_75 = tpu.vector_load %arg11[%swap3A, %swap3A_74] {strides = array<i32>} : memref<80x128xf32, #tpu.memory_space<vmem>>, vector<1x16xf32>,
      %swap3A_76 = vector.shape_cast %swap3A_75 : vector<1x16xf32> to vector<16xf32>
      %swap3A_77 = vector.shape_cast %broadcast_in_dim3A_73 : vector<16xf32> to vector<1x16xf32>
      tpu.vector_store %arg11[%swap3A, %swap3A_74], %swap3A_77 {strides = array<i32>} : memref<80x128xf32, #tpu.memory_space<vmem>>, vector<1x16xf32>,
      %broadcast_in_dim3A_78 = arith.constant 0.000000e+00 : f32
      %broadcast_in_dim3A_79 = vector.broadcast %broadcast_in_dim3A_78 : f32 to vector<16xf32>
      %swap3A_80 = arith.index_cast %scan3A_72 : i32 to index
      %swap3A_81 = arith.constant 16 : index
      %swap3A_82 = tpu.vector_load %arg11[%swap3A_80, %swap3A_81] {strides = array<i32>} : memref<80x128xf32, #tpu.memory_space<vmem>>, vector<1x16xf32>,
      %swap3A_83 = vector.shape_cast %swap3A_82 : vector<1x16xf32> to vector<16xf32>
      %swap3A_84 = vector.shape_cast %broadcast_in_dim3A_79 : vector<16xf32> to vector<1x16xf32>
      tpu.vector_store %arg11[%swap3A_80, %swap3A_81], %swap3A_84 {strides = array<i32>} : memref<80x128xf32, #tpu.memory_space<vmem>>, vector<1x16xf32>,
      %broadcast_in_dim3A_85 = arith.constant 0.000000e+00 : f32
      %broadcast_in_dim3A_86 = vector.broadcast %broadcast_in_dim3A_85 : f32 to vector<16xf32>
      %swap3A_87 = arith.index_cast %scan3A_72 : i32 to index
      %swap3A_88 = arith.constant 32 : index
      %swap3A_89 = tpu.vector_load %arg11[%swap3A_87, %swap3A_88] {strides = array<i32>} : memref<80x128xf32, #tpu.memory_space<vmem>>, vector<1x16xf32>,
      %swap3A_90 = vector.shape_cast %swap3A_89 : vector<1x16xf32> to vector<16xf32>
      %swap3A_91 = vector.shape_cast %broadcast_in_dim3A_86 : vector<16xf32> to vector<1x16xf32>
      tpu.vector_store %arg11[%swap3A_87, %swap3A_88], %swap3A_91 {strides = array<i32>} : memref<80x128xf32, #tpu.memory_space<vmem>>, vector<1x16xf32>,
      %broadcast_in_dim3A_92 = arith.constant 0.000000e+00 : f32
      %broadcast_in_dim3A_93 = vector.broadcast %broadcast_in_dim3A_92 : f32 to vector<16xf32>
      %swap3A_94 = arith.index_cast %scan3A_72 : i32 to index
      %swap3A_95 = arith.constant 48 : index
      %swap3A_96 = tpu.vector_load %arg11[%swap3A_94, %swap3A_95] {strides = array<i32>} : memref<80x128xf32, #tpu.memory_space<vmem>>, vector<1x16xf32>,
      %swap3A_97 = vector.shape_cast %swap3A_96 : vector<1x16xf32> to vector<16xf32>
      %swap3A_98 = vector.shape_cast %broadcast_in_dim3A_93 : vector<16xf32> to vector<1x16xf32>
      tpu.vector_store %arg11[%swap3A_94, %swap3A_95], %swap3A_98 {strides = array<i32>} : memref<80x128xf32, #tpu.memory_space<vmem>>, vector<1x16xf32>,
      %broadcast_in_dim3A_99 = arith.constant 0.000000e+00 : f32
      %broadcast_in_dim3A_100 = vector.broadcast %broadcast_in_dim3A_99 : f32 to vector<16xf32>
      %swap3A_101 = arith.index_cast %scan3A_72 : i32 to index
      %swap3A_102 = arith.constant 64 : index
      %swap3A_103 = tpu.vector_load %arg11[%swap3A_101, %swap3A_102] {strides = array<i32>} : memref<80x128xf32, #tpu.memory_space<vmem>>, vector<1x16xf32>,
      %swap3A_104 = vector.shape_cast %swap3A_103 : vector<1x16xf32> to vector<16xf32>
      %swap3A_105 = vector.shape_cast %broadcast_in_dim3A_100 : vector<16xf32> to vector<1x16xf32>
      tpu.vector_store %arg11[%swap3A_101, %swap3A_102], %swap3A_105 {strides = array<i32>} : memref<80x128xf32, #tpu.memory_space<vmem>>, vector<1x16xf32>,
      %broadcast_in_dim3A_106 = arith.constant 0.000000e+00 : f32
      %broadcast_in_dim3A_107 = vector.broadcast %broadcast_in_dim3A_106 : f32 to vector<16xf32>
      %swap3A_108 = arith.index_cast %scan3A_72 : i32 to index
      %swap3A_109 = arith.constant 80 : index
      %swap3A_110 = tpu.vector_load %arg11[%swap3A_108, %swap3A_109] {strides = array<i32>} : memref<80x128xf32, #tpu.memory_space<vmem>>, vector<1x16xf32>,
      %swap3A_111 = vector.shape_cast %swap3A_110 : vector<1x16xf32> to vector<16xf32>
      %swap3A_112 = vector.shape_cast %broadcast_in_dim3A_107 : vector<16xf32> to vector<1x16xf32>
      tpu.vector_store %arg11[%swap3A_108, %swap3A_109], %swap3A_112 {strides = array<i32>} : memref<80x128xf32, #tpu.memory_space<vmem>>, vector<1x16xf32>,
      %broadcast_in_dim3A_113 = arith.constant 0.000000e+00 : f32
      %broadcast_in_dim3A_114 = vector.broadcast %broadcast_in_dim3A_113 : f32 to vector<16xf32>
      %swap3A_115 = arith.index_cast %scan3A_72 : i32 to index
      %swap3A_116 = arith.constant 96 : index
      %swap3A_117 = tpu.vector_load %arg11[%swap3A_115, %swap3A_116] {strides = array<i32>} : memref<80x128xf32, #tpu.memory_space<vmem>>, vector<1x16xf32>,
      %swap3A_118 = vector.shape_cast %swap3A_117 : vector<1x16xf32> to vector<16xf32>
      %swap3A_119 = vector.shape_cast %broadcast_in_dim3A_114 : vector<16xf32> to vector<1x16xf32>
      tpu.vector_store %arg11[%swap3A_115, %swap3A_116], %swap3A_119 {strides = array<i32>} : memref<80x128xf32, #tpu.memory_space<vmem>>, vector<1x16xf32>,
      %broadcast_in_dim3A_120 = arith.constant 0.000000e+00 : f32
      %broadcast_in_dim3A_121 = vector.broadcast %broadcast_in_dim3A_120 : f32 to vector<16xf32>
      %swap3A_122 = arith.index_cast %scan3A_72 : i32 to index
      %swap3A_123 = arith.constant 112 : index
      %swap3A_124 = tpu.vector_load %arg11[%swap3A_122, %swap3A_123] {strides = array<i32>} : memref<80x128xf32, #tpu.memory_space<vmem>>, vector<1x16xf32>,
      %swap3A_125 = vector.shape_cast %swap3A_124 : vector<1x16xf32> to vector<16xf32>
      %swap3A_126 = vector.shape_cast %broadcast_in_dim3A_121 : vector<16xf32> to vector<1x16xf32>
      tpu.vector_store %arg11[%swap3A_122, %swap3A_123], %swap3A_126 {strides = array<i32>} : memref<80x128xf32, #tpu.memory_space<vmem>>, vector<1x16xf32>,
    }
    %scan3A_3 = arith.constant 80 : i32
    %mul3A = arith.constant 640 : i32
    %mul3A_4 = arith.muli %arg1, %mul3A : i32
    %add3A = arith.constant 0 : i32
    %add3A_5 = arith.addi %mul3A_4, %add3A : i32
    "tpu.region"() ({
      %run_scoped3A = tpu.sem_alloc : memref<!tpu.dma_semaphore, #tpu.memory_space<semaphore_mem>>
      %dma_start3A = arith.constant 0 : i32
      %dma_start3A_72 = tpu.memref_slice %arg12[%add3A_5, %dma_start3A] : memref<10240x128xf32, #tpu.memory_space<vmem_shared>> -> memref<80x128xf32, #tpu.memory_space<vmem_shared>>
      %dma_start3A_73 = arith.constant 0 : i32
      %dma_start3A_74 = tpu.memref_slice %arg12[%add3A_5, %dma_start3A_73] : memref<10240x128xf32, #tpu.memory_space<vmem_shared>> -> memref<80x128xf32, #tpu.memory_space<vmem_shared>>
      tpu.enqueue_dma source(%arg11 : memref<80x128xf32, #tpu.memory_space<vmem>>) target(%dma_start3A_74 : memref<80x128xf32, #tpu.memory_space<vmem_shared>>) target_semaphore(%run_scoped3A : memref<!tpu.dma_semaphore, #tpu.memory_space<semaphore_mem>>)
      %dma_wait3A = arith.constant 0 : i32
      %dma_wait3A_75 = tpu.memref_slice %arg12[%add3A_5, %dma_wait3A] : memref<10240x128xf32, #tpu.memory_space<vmem_shared>> -> memref<80x128xf32, #tpu.memory_space<vmem_shared>>
      %dma_wait3A_76 = arith.constant 0 : i32
      %dma_wait3A_77 = tpu.memref_slice %arg12[%add3A_5, %dma_wait3A_76] : memref<10240x128xf32, #tpu.memory_space<vmem_shared>> -> memref<80x128xf32, #tpu.memory_space<vmem_shared>>
      tpu.wait_dma2 semaphore(%run_scoped3A : memref<!tpu.dma_semaphore, #tpu.memory_space<semaphore_mem>>) src(%arg11 : memref<80x128xf32, #tpu.memory_space<vmem>>) dst(%dma_wait3A_77 : memref<80x128xf32, #tpu.memory_space<vmem_shared>>)
      tpu.yield
    }) : () -> ()
    %mul3A_6 = arith.constant 640 : i32
    %mul3A_7 = arith.muli %arg1, %mul3A_6 : i32
    %add3A_8 = arith.constant 80 : i32
    %add3A_9 = arith.addi %mul3A_7, %add3A_8 : i32
    "tpu.region"() ({
      %run_scoped3A = tpu.sem_alloc : memref<!tpu.dma_semaphore, #tpu.memory_space<semaphore_mem>>
      %dma_start3A = arith.constant 0 : i32
      %dma_start3A_72 = tpu.memref_slice %arg12[%add3A_9, %dma_start3A] : memref<10240x128xf32, #tpu.memory_space<vmem_shared>> -> memref<80x128xf32, #tpu.memory_space<vmem_shared>>
      %dma_start3A_73 = arith.constant 0 : i32
      %dma_start3A_74 = tpu.memref_slice %arg12[%add3A_9, %dma_start3A_73] : memref<10240x128xf32, #tpu.memory_space<vmem_shared>> -> memref<80x128xf32, #tpu.memory_space<vmem_shared>>
      tpu.enqueue_dma source(%arg11 : memref<80x128xf32, #tpu.memory_space<vmem>>) target(%dma_start3A_74 : memref<80x128xf32, #tpu.memory_space<vmem_shared>>) target_semaphore(%run_scoped3A : memref<!tpu.dma_semaphore, #tpu.memory_space<semaphore_mem>>)
      %dma_wait3A = arith.constant 0 : i32
      %dma_wait3A_75 = tpu.memref_slice %arg12[%add3A_9, %dma_wait3A] : memref<10240x128xf32, #tpu.memory_space<vmem_shared>> -> memref<80x128xf32, #tpu.memory_space<vmem_shared>>
      %dma_wait3A_76 = arith.constant 0 : i32
      %dma_wait3A_77 = tpu.memref_slice %arg12[%add3A_9, %dma_wait3A_76] : memref<10240x128xf32, #tpu.memory_space<vmem_shared>> -> memref<80x128xf32, #tpu.memory_space<vmem_shared>>
      tpu.wait_dma2 semaphore(%run_scoped3A : memref<!tpu.dma_semaphore, #tpu.memory_space<semaphore_mem>>) src(%arg11 : memref<80x128xf32, #tpu.memory_space<vmem>>) dst(%dma_wait3A_77 : memref<80x128xf32, #tpu.memory_space<vmem_shared>>)
      tpu.yield
    }) : () -> ()
    %mul3A_10 = arith.constant 640 : i32
    %mul3A_11 = arith.muli %arg1, %mul3A_10 : i32
    %add3A_12 = arith.constant 160 : i32
    %add3A_13 = arith.addi %mul3A_11, %add3A_12 : i32
    "tpu.region"() ({
      %run_scoped3A = tpu.sem_alloc : memref<!tpu.dma_semaphore, #tpu.memory_space<semaphore_mem>>
      %dma_start3A = arith.constant 0 : i32
      %dma_start3A_72 = tpu.memref_slice %arg12[%add3A_13, %dma_start3A] : memref<10240x128xf32, #tpu.memory_space<vmem_shared>> -> memref<80x128xf32, #tpu.memory_space<vmem_shared>>
      %dma_start3A_73 = arith.constant 0 : i32
      %dma_start3A_74 = tpu.memref_slice %arg12[%add3A_13, %dma_start3A_73] : memref<10240x128xf32, #tpu.memory_space<vmem_shared>> -> memref<80x128xf32, #tpu.memory_space<vmem_shared>>
      tpu.enqueue_dma source(%arg11 : memref<80x128xf32, #tpu.memory_space<vmem>>) target(%dma_start3A_74 : memref<80x128xf32, #tpu.memory_space<vmem_shared>>) target_semaphore(%run_scoped3A : memref<!tpu.dma_semaphore, #tpu.memory_space<semaphore_mem>>)
      %dma_wait3A = arith.constant 0 : i32
      %dma_wait3A_75 = tpu.memref_slice %arg12[%add3A_13, %dma_wait3A] : memref<10240x128xf32, #tpu.memory_space<vmem_shared>> -> memref<80x128xf32, #tpu.memory_space<vmem_shared>>
      %dma_wait3A_76 = arith.constant 0 : i32
      %dma_wait3A_77 = tpu.memref_slice %arg12[%add3A_13, %dma_wait3A_76] : memref<10240x128xf32, #tpu.memory_space<vmem_shared>> -> memref<80x128xf32, #tpu.memory_space<vmem_shared>>
      tpu.wait_dma2 semaphore(%run_scoped3A : memref<!tpu.dma_semaphore, #tpu.memory_space<semaphore_mem>>) src(%arg11 : memref<80x128xf32, #tpu.memory_space<vmem>>) dst(%dma_wait3A_77 : memref<80x128xf32, #tpu.memory_space<vmem_shared>>)
      tpu.yield
    }) : () -> ()
    %mul3A_14 = arith.constant 640 : i32
    %mul3A_15 = arith.muli %arg1, %mul3A_14 : i32
    %add3A_16 = arith.constant 240 : i32
    %add3A_17 = arith.addi %mul3A_15, %add3A_16 : i32
    "tpu.region"() ({
      %run_scoped3A = tpu.sem_alloc : memref<!tpu.dma_semaphore, #tpu.memory_space<semaphore_mem>>
      %dma_start3A = arith.constant 0 : i32
      %dma_start3A_72 = tpu.memref_slice %arg12[%add3A_17, %dma_start3A] : memref<10240x128xf32, #tpu.memory_space<vmem_shared>> -> memref<80x128xf32, #tpu.memory_space<vmem_shared>>
      %dma_start3A_73 = arith.constant 0 : i32
      %dma_start3A_74 = tpu.memref_slice %arg12[%add3A_17, %dma_start3A_73] : memref<10240x128xf32, #tpu.memory_space<vmem_shared>> -> memref<80x128xf32, #tpu.memory_space<vmem_shared>>
      tpu.enqueue_dma source(%arg11 : memref<80x128xf32, #tpu.memory_space<vmem>>) target(%dma_start3A_74 : memref<80x128xf32, #tpu.memory_space<vmem_shared>>) target_semaphore(%run_scoped3A : memref<!tpu.dma_semaphore, #tpu.memory_space<semaphore_mem>>)
      %dma_wait3A = arith.constant 0 : i32
      %dma_wait3A_75 = tpu.memref_slice %arg12[%add3A_17, %dma_wait3A] : memref<10240x128xf32, #tpu.memory_space<vmem_shared>> -> memref<80x128xf32, #tpu.memory_space<vmem_shared>>
      %dma_wait3A_76 = arith.constant 0 : i32
      %dma_wait3A_77 = tpu.memref_slice %arg12[%add3A_17, %dma_wait3A_76] : memref<10240x128xf32, #tpu.memory_space<vmem_shared>> -> memref<80x128xf32, #tpu.memory_space<vmem_shared>>
      tpu.wait_dma2 semaphore(%run_scoped3A : memref<!tpu.dma_semaphore, #tpu.memory_space<semaphore_mem>>) src(%arg11 : memref<80x128xf32, #tpu.memory_space<vmem>>) dst(%dma_wait3A_77 : memref<80x128xf32, #tpu.memory_space<vmem_shared>>)
      tpu.yield
    }) : () -> ()
    %mul3A_18 = arith.constant 640 : i32
    %mul3A_19 = arith.muli %arg1, %mul3A_18 : i32
    %add3A_20 = arith.constant 320 : i32
    %add3A_21 = arith.addi %mul3A_19, %add3A_20 : i32
    "tpu.region"() ({
      %run_scoped3A = tpu.sem_alloc : memref<!tpu.dma_semaphore, #tpu.memory_space<semaphore_mem>>
      %dma_start3A = arith.constant 0 : i32
      %dma_start3A_72 = tpu.memref_slice %arg12[%add3A_21, %dma_start3A] : memref<10240x128xf32, #tpu.memory_space<vmem_shared>> -> memref<80x128xf32, #tpu.memory_space<vmem_shared>>
      %dma_start3A_73 = arith.constant 0 : i32
      %dma_start3A_74 = tpu.memref_slice %arg12[%add3A_21, %dma_start3A_73] : memref<10240x128xf32, #tpu.memory_space<vmem_shared>> -> memref<80x128xf32, #tpu.memory_space<vmem_shared>>
      tpu.enqueue_dma source(%arg11 : memref<80x128xf32, #tpu.memory_space<vmem>>) target(%dma_start3A_74 : memref<80x128xf32, #tpu.memory_space<vmem_shared>>) target_semaphore(%run_scoped3A : memref<!tpu.dma_semaphore, #tpu.memory_space<semaphore_mem>>)
      %dma_wait3A = arith.constant 0 : i32
      %dma_wait3A_75 = tpu.memref_slice %arg12[%add3A_21, %dma_wait3A] : memref<10240x128xf32, #tpu.memory_space<vmem_shared>> -> memref<80x128xf32, #tpu.memory_space<vmem_shared>>
      %dma_wait3A_76 = arith.constant 0 : i32
      %dma_wait3A_77 = tpu.memref_slice %arg12[%add3A_21, %dma_wait3A_76] : memref<10240x128xf32, #tpu.memory_space<vmem_shared>> -> memref<80x128xf32, #tpu.memory_space<vmem_shared>>
      tpu.wait_dma2 semaphore(%run_scoped3A : memref<!tpu.dma_semaphore, #tpu.memory_space<semaphore_mem>>) src(%arg11 : memref<80x128xf32, #tpu.memory_space<vmem>>) dst(%dma_wait3A_77 : memref<80x128xf32, #tpu.memory_space<vmem_shared>>)
      tpu.yield
    }) : () -> ()
    %mul3A_22 = arith.constant 640 : i32
    %mul3A_23 = arith.muli %arg1, %mul3A_22 : i32
    %add3A_24 = arith.constant 400 : i32
    %add3A_25 = arith.addi %mul3A_23, %add3A_24 : i32
    "tpu.region"() ({
      %run_scoped3A = tpu.sem_alloc : memref<!tpu.dma_semaphore, #tpu.memory_space<semaphore_mem>>
      %dma_start3A = arith.constant 0 : i32
      %dma_start3A_72 = tpu.memref_slice %arg12[%add3A_25, %dma_start3A] : memref<10240x128xf32, #tpu.memory_space<vmem_shared>> -> memref<80x128xf32, #tpu.memory_space<vmem_shared>>
      %dma_start3A_73 = arith.constant 0 : i32
      %dma_start3A_74 = tpu.memref_slice %arg12[%add3A_25, %dma_start3A_73] : memref<10240x128xf32, #tpu.memory_space<vmem_shared>> -> memref<80x128xf32, #tpu.memory_space<vmem_shared>>
      tpu.enqueue_dma source(%arg11 : memref<80x128xf32, #tpu.memory_space<vmem>>) target(%dma_start3A_74 : memref<80x128xf32, #tpu.memory_space<vmem_shared>>) target_semaphore(%run_scoped3A : memref<!tpu.dma_semaphore, #tpu.memory_space<semaphore_mem>>)
      %dma_wait3A = arith.constant 0 : i32
      %dma_wait3A_75 = tpu.memref_slice %arg12[%add3A_25, %dma_wait3A] : memref<10240x128xf32, #tpu.memory_space<vmem_shared>> -> memref<80x128xf32, #tpu.memory_space<vmem_shared>>
      %dma_wait3A_76 = arith.constant 0 : i32
      %dma_wait3A_77 = tpu.memref_slice %arg12[%add3A_25, %dma_wait3A_76] : memref<10240x128xf32, #tpu.memory_space<vmem_shared>> -> memref<80x128xf32, #tpu.memory_space<vmem_shared>>
      tpu.wait_dma2 semaphore(%run_scoped3A : memref<!tpu.dma_semaphore, #tpu.memory_space<semaphore_mem>>) src(%arg11 : memref<80x128xf32, #tpu.memory_space<vmem>>) dst(%dma_wait3A_77 : memref<80x128xf32, #tpu.memory_space<vmem_shared>>)
      tpu.yield
    }) : () -> ()
    %mul3A_26 = arith.constant 640 : i32
    %mul3A_27 = arith.muli %arg1, %mul3A_26 : i32
    %add3A_28 = arith.constant 480 : i32
    %add3A_29 = arith.addi %mul3A_27, %add3A_28 : i32
    "tpu.region"() ({
      %run_scoped3A = tpu.sem_alloc : memref<!tpu.dma_semaphore, #tpu.memory_space<semaphore_mem>>
      %dma_start3A = arith.constant 0 : i32
      %dma_start3A_72 = tpu.memref_slice %arg12[%add3A_29, %dma_start3A] : memref<10240x128xf32, #tpu.memory_space<vmem_shared>> -> memref<80x128xf32, #tpu.memory_space<vmem_shared>>
      %dma_start3A_73 = arith.constant 0 : i32
      %dma_start3A_74 = tpu.memref_slice %arg12[%add3A_29, %dma_start3A_73] : memref<10240x128xf32, #tpu.memory_space<vmem_shared>> -> memref<80x128xf32, #tpu.memory_space<vmem_shared>>
      tpu.enqueue_dma source(%arg11 : memref<80x128xf32, #tpu.memory_space<vmem>>) target(%dma_start3A_74 : memref<80x128xf32, #tpu.memory_space<vmem_shared>>) target_semaphore(%run_scoped3A : memref<!tpu.dma_semaphore, #tpu.memory_space<semaphore_mem>>)
      %dma_wait3A = arith.constant 0 : i32
      %dma_wait3A_75 = tpu.memref_slice %arg12[%add3A_29, %dma_wait3A] : memref<10240x128xf32, #tpu.memory_space<vmem_shared>> -> memref<80x128xf32, #tpu.memory_space<vmem_shared>>
      %dma_wait3A_76 = arith.constant 0 : i32
      %dma_wait3A_77 = tpu.memref_slice %arg12[%add3A_29, %dma_wait3A_76] : memref<10240x128xf32, #tpu.memory_space<vmem_shared>> -> memref<80x128xf32, #tpu.memory_space<vmem_shared>>
      tpu.wait_dma2 semaphore(%run_scoped3A : memref<!tpu.dma_semaphore, #tpu.memory_space<semaphore_mem>>) src(%arg11 : memref<80x128xf32, #tpu.memory_space<vmem>>) dst(%dma_wait3A_77 : memref<80x128xf32, #tpu.memory_space<vmem_shared>>)
      tpu.yield
    }) : () -> ()
    %mul3A_30 = arith.constant 640 : i32
    %mul3A_31 = arith.muli %arg1, %mul3A_30 : i32
    %add3A_32 = arith.constant 560 : i32
    %add3A_33 = arith.addi %mul3A_31, %add3A_32 : i32
    "tpu.region"() ({
      %run_scoped3A = tpu.sem_alloc : memref<!tpu.dma_semaphore, #tpu.memory_space<semaphore_mem>>
      %dma_start3A = arith.constant 0 : i32
      %dma_start3A_72 = tpu.memref_slice %arg12[%add3A_33, %dma_start3A] : memref<10240x128xf32, #tpu.memory_space<vmem_shared>> -> memref<80x128xf32, #tpu.memory_space<vmem_shared>>
      %dma_start3A_73 = arith.constant 0 : i32
      %dma_start3A_74 = tpu.memref_slice %arg12[%add3A_33, %dma_start3A_73] : memref<10240x128xf32, #tpu.memory_space<vmem_shared>> -> memref<80x128xf32, #tpu.memory_space<vmem_shared>>
      tpu.enqueue_dma source(%arg11 : memref<80x128xf32, #tpu.memory_space<vmem>>) target(%dma_start3A_74 : memref<80x128xf32, #tpu.memory_space<vmem_shared>>) target_semaphore(%run_scoped3A : memref<!tpu.dma_semaphore, #tpu.memory_space<semaphore_mem>>)
      %dma_wait3A = arith.constant 0 : i32
      %dma_wait3A_75 = tpu.memref_slice %arg12[%add3A_33, %dma_wait3A] : memref<10240x128xf32, #tpu.memory_space<vmem_shared>> -> memref<80x128xf32, #tpu.memory_space<vmem_shared>>
      %dma_wait3A_76 = arith.constant 0 : i32
      %dma_wait3A_77 = tpu.memref_slice %arg12[%add3A_33, %dma_wait3A_76] : memref<10240x128xf32, #tpu.memory_space<vmem_shared>> -> memref<80x128xf32, #tpu.memory_space<vmem_shared>>
      tpu.wait_dma2 semaphore(%run_scoped3A : memref<!tpu.dma_semaphore, #tpu.memory_space<semaphore_mem>>) src(%arg11 : memref<80x128xf32, #tpu.memory_space<vmem>>) dst(%dma_wait3A_77 : memref<80x128xf32, #tpu.memory_space<vmem_shared>>)
      tpu.yield
    }) : () -> ()
    %barrier3A = arith.constant 0 : index
    tpu.barrier barrier_id(%barrier3A)
    %sub3A = arith.constant 1250 : i32
    %sub3A_34 = arith.subi %sub3A, %arg1 : i32
    %add3A_35 = arith.constant 16 : i32
    %add3A_36 = arith.addi %sub3A_34, %add3A_35 : i32
    %sub3A_37 = arith.constant 1 : i32
    %sub3A_38 = arith.subi %add3A_36, %sub3A_37 : i32
    %jit3A = arith.constant 16 : i32
    %div3A = arith.divsi %sub3A_38, %jit3A : i32
    %sign3A = arith.constant 0 : i32
    %sign3A_39 = arith.cmpi sgt, %sub3A_38, %sign3A : i32
    %sign3A_40 = arith.extui %sign3A_39 : i1 to i32
    %sign3A_41 = arith.constant 0 : i32
    %sign3A_42 = arith.cmpi slt, %sub3A_38, %sign3A_41 : i32
    %sign3A_43 = arith.extui %sign3A_42 : i1 to i32
    %sign3A_44 = arith.subi %sign3A_40, %sign3A_43 : i32
    %sign3A_45 = arith.constant 0 : i32
    %sign3A_46 = arith.cmpi sgt, %jit3A, %sign3A_45 : i32
    %sign3A_47 = arith.extui %sign3A_46 : i1 to i32
    %sign3A_48 = arith.constant 0 : i32
    %sign3A_49 = arith.cmpi slt, %jit3A, %sign3A_48 : i32
    %sign3A_50 = arith.extui %sign3A_49 : i1 to i32
    %sign3A_51 = arith.subi %sign3A_47, %sign3A_50 : i32
    %ne3A = arith.cmpi ne, %sign3A_44, %sign3A_51 : i32
    %rem3A = arith.remsi %sub3A_38, %jit3A : i32
    %ne3A_52 = arith.constant 0 : i32
    %ne3A_53 = arith.cmpi ne, %rem3A, %ne3A_52 : i32
    %and3A = arith.andi %ne3A, %ne3A_53 : i1
    %sub3A_54 = arith.constant 1 : i32
    %sub3A_55 = arith.subi %div3A, %sub3A_54 : i32
    %select_n3A = arith.select %and3A, %sub3A_55, %div3A : i32
    %while3A = arith.constant 0 : i32
    %while3A_56 = arith.subi %select_n3A, %while3A : i32
    %while3A_57 = arith.addi %while3A, %while3A_56 : i32
    %while3A_58 = arith.constant 1 : i32
    %while3A_59 = arith.divsi %while3A_56, %while3A_58 : i32
    %while3A_60 = arith.muli %while3A_59, %while3A_58 : i32
    %while3A_61 = arith.addi %while3A, %while3A_60 : i32
    %while3A_62 = arith.constant 1 : i32
    scf.for %while3A_72 = %while3A to %while3A_61 step %while3A_62  : i32 {
      %mul3A_73 = arith.constant 16 : i32
      %mul3A_74 = arith.muli %while3A_72, %mul3A_73 : i32
      %add3A_75 = arith.addi %arg1, %mul3A_74 : i32
      %mul3A_76 = arith.constant 128 : i32
      %mul3A_77 = arith.muli %add3A_75, %mul3A_76 : i32
      "tpu.region"() ({
        %run_scoped3A = tpu.sem_alloc : memref<!tpu.dma_semaphore, #tpu.memory_space<semaphore_mem>>
        %dma_start3A_173 = tpu.memref_slice %arg4[%mul3A_77] : memref<160000xi32, #tpu.memory_space<hbm>> -> memref<128xi32, #tpu.memory_space<hbm>>
        %dma_start3A_174 = tpu.memref_slice %arg4[%mul3A_77] : memref<160000xi32, #tpu.memory_space<hbm>> -> memref<128xi32, #tpu.memory_space<hbm>>
        tpu.enqueue_dma source(%dma_start3A_174 : memref<128xi32, #tpu.memory_space<hbm>>) target(%arg7 : memref<128xi32, #tpu.memory_space<vmem>>) target_semaphore(%run_scoped3A : memref<!tpu.dma_semaphore, #tpu.memory_space<semaphore_mem>>)
        %dma_wait3A_175 = tpu.memref_slice %arg4[%mul3A_77] : memref<160000xi32, #tpu.memory_space<hbm>> -> memref<128xi32, #tpu.memory_space<hbm>>
        %dma_wait3A_176 = tpu.memref_slice %arg4[%mul3A_77] : memref<160000xi32, #tpu.memory_space<hbm>> -> memref<128xi32, #tpu.memory_space<hbm>>
        tpu.wait_dma2 semaphore(%run_scoped3A : memref<!tpu.dma_semaphore, #tpu.memory_space<semaphore_mem>>) src(%dma_wait3A_176 : memref<128xi32, #tpu.memory_space<hbm>>) dst(%arg7 : memref<128xi32, #tpu.memory_space<vmem>>)
        tpu.yield
      }) : () -> ()
      "tpu.region"() ({
        %run_scoped3A = tpu.sem_alloc : memref<!tpu.dma_semaphore, #tpu.memory_space<semaphore_mem>>
        %dma_start3A_173 = tpu.memref_slice %arg5[%mul3A_77] : memref<160000xi32, #tpu.memory_space<hbm>> -> memref<128xi32, #tpu.memory_space<hbm>>
        %dma_start3A_174 = tpu.memref_slice %arg5[%mul3A_77] : memref<160000xi32, #tpu.memory_space<hbm>> -> memref<128xi32, #tpu.memory_space<hbm>>
        tpu.enqueue_dma source(%dma_start3A_174 : memref<128xi32, #tpu.memory_space<hbm>>) target(%arg8 : memref<128xi32, #tpu.memory_space<vmem>>) target_semaphore(%run_scoped3A : memref<!tpu.dma_semaphore, #tpu.memory_space<semaphore_mem>>)
        %dma_wait3A_175 = tpu.memref_slice %arg5[%mul3A_77] : memref<160000xi32, #tpu.memory_space<hbm>> -> memref<128xi32, #tpu.memory_space<hbm>>
        %dma_wait3A_176 = tpu.memref_slice %arg5[%mul3A_77] : memref<160000xi32, #tpu.memory_space<hbm>> -> memref<128xi32, #tpu.memory_space<hbm>>
        tpu.wait_dma2 semaphore(%run_scoped3A : memref<!tpu.dma_semaphore, #tpu.memory_space<semaphore_mem>>) src(%dma_wait3A_176 : memref<128xi32, #tpu.memory_space<hbm>>) dst(%arg8 : memref<128xi32, #tpu.memory_space<vmem>>)
        tpu.yield
      }) : () -> ()
      "tpu.region"() ({
        %run_scoped3A = tpu.sem_alloc : memref<!tpu.dma_semaphore, #tpu.memory_space<semaphore_mem>>
        %dma_start3A_173 = arith.constant 0 : i32
        %dma_start3A_174 = tpu.memref_slice %arg3[%mul3A_77, %dma_start3A_173] : memref<160000x16xf32, #tpu.memory_space<hbm>> -> memref<128x16xf32, #tpu.memory_space<hbm>>
        %dma_start3A_175 = arith.constant 0 : i32
        %dma_start3A_176 = tpu.memref_slice %arg3[%mul3A_77, %dma_start3A_175] : memref<160000x16xf32, #tpu.memory_space<hbm>> -> memref<128x16xf32, #tpu.memory_space<hbm>>
        tpu.enqueue_dma source(%dma_start3A_176 : memref<128x16xf32, #tpu.memory_space<hbm>>) target(%arg9 : memref<128x16xf32, #tpu.memory_space<vmem>>) target_semaphore(%run_scoped3A : memref<!tpu.dma_semaphore, #tpu.memory_space<semaphore_mem>>)
        %dma_wait3A_177 = arith.constant 0 : i32
        %dma_wait3A_178 = tpu.memref_slice %arg3[%mul3A_77, %dma_wait3A_177] : memref<160000x16xf32, #tpu.memory_space<hbm>> -> memref<128x16xf32, #tpu.memory_space<hbm>>
        %dma_wait3A_179 = arith.constant 0 : i32
        %dma_wait3A_180 = tpu.memref_slice %arg3[%mul3A_77, %dma_wait3A_179] : memref<160000x16xf32, #tpu.memory_space<hbm>> -> memref<128x16xf32, #tpu.memory_space<hbm>>
        tpu.wait_dma2 semaphore(%run_scoped3A : memref<!tpu.dma_semaphore, #tpu.memory_space<semaphore_mem>>) src(%dma_wait3A_180 : memref<128x16xf32, #tpu.memory_space<hbm>>) dst(%arg9 : memref<128x16xf32, #tpu.memory_space<vmem>>)
        tpu.yield
      }) : () -> ()
      %get3A = arith.constant 0 : index
      %get3A_78 = tpu.vector_load %arg7[%get3A] {strides = array<i32>} : memref<128xi32, #tpu.memory_space<vmem>>, vector<16xi32>,
      %get3A_79 = vector.shape_cast %get3A_78 : vector<16xi32> to vector<16xi32>
      %mul3A_80 = arith.constant 10240 : i32
      %mul3A_81 = arith.muli %arg0, %mul3A_80 : i32
      %add3A_82 = vector.broadcast %mul3A_81 : i32 to vector<16xi32>
      %add3A_83 = arith.addi %get3A_79, %add3A_82 : vector<16xi32>
      %swap3A = arith.constant 0 : index
      %swap3A_84 = tpu.vector_load %arg7[%swap3A] {strides = array<i32>} : memref<128xi32, #tpu.memory_space<vmem>>, vector<16xi32>,
      %swap3A_85 = vector.shape_cast %swap3A_84 : vector<16xi32> to vector<16xi32>
      %swap3A_86 = vector.shape_cast %add3A_83 : vector<16xi32> to vector<16xi32>
      tpu.vector_store %arg7[%swap3A], %swap3A_86 {strides = array<i32>} : memref<128xi32, #tpu.memory_space<vmem>>, vector<16xi32>,
      %get3A_87 = arith.constant 16 : index
      %get3A_88 = tpu.vector_load %arg7[%get3A_87] {strides = array<i32>} : memref<128xi32, #tpu.memory_space<vmem>>, vector<16xi32>,
      %get3A_89 = vector.shape_cast %get3A_88 : vector<16xi32> to vector<16xi32>
      %mul3A_90 = arith.constant 10240 : i32
      %mul3A_91 = arith.muli %arg0, %mul3A_90 : i32
      %add3A_92 = vector.broadcast %mul3A_91 : i32 to vector<16xi32>
      %add3A_93 = arith.addi %get3A_89, %add3A_92 : vector<16xi32>
      %swap3A_94 = arith.constant 16 : index
      %swap3A_95 = tpu.vector_load %arg7[%swap3A_94] {strides = array<i32>} : memref<128xi32, #tpu.memory_space<vmem>>, vector<16xi32>,
      %swap3A_96 = vector.shape_cast %swap3A_95 : vector<16xi32> to vector<16xi32>
      %swap3A_97 = vector.shape_cast %add3A_93 : vector<16xi32> to vector<16xi32>
      tpu.vector_store %arg7[%swap3A_94], %swap3A_97 {strides = array<i32>} : memref<128xi32, #tpu.memory_space<vmem>>, vector<16xi32>,
      %get3A_98 = arith.constant 32 : index
      %get3A_99 = tpu.vector_load %arg7[%get3A_98] {strides = array<i32>} : memref<128xi32, #tpu.memory_space<vmem>>, vector<16xi32>,
      %get3A_100 = vector.shape_cast %get3A_99 : vector<16xi32> to vector<16xi32>
      %mul3A_101 = arith.constant 10240 : i32
      %mul3A_102 = arith.muli %arg0, %mul3A_101 : i32
      %add3A_103 = vector.broadcast %mul3A_102 : i32 to vector<16xi32>
      %add3A_104 = arith.addi %get3A_100, %add3A_103 : vector<16xi32>
      %swap3A_105 = arith.constant 32 : index
      %swap3A_106 = tpu.vector_load %arg7[%swap3A_105] {strides = array<i32>} : memref<128xi32, #tpu.memory_space<vmem>>, vector<16xi32>,
      %swap3A_107 = vector.shape_cast %swap3A_106 : vector<16xi32> to vector<16xi32>
      %swap3A_108 = vector.shape_cast %add3A_104 : vector<16xi32> to vector<16xi32>
      tpu.vector_store %arg7[%swap3A_105], %swap3A_108 {strides = array<i32>} : memref<128xi32, #tpu.memory_space<vmem>>, vector<16xi32>,
      %get3A_109 = arith.constant 48 : index
      %get3A_110 = tpu.vector_load %arg7[%get3A_109] {strides = array<i32>} : memref<128xi32, #tpu.memory_space<vmem>>, vector<16xi32>,
      %get3A_111 = vector.shape_cast %get3A_110 : vector<16xi32> to vector<16xi32>
      %mul3A_112 = arith.constant 10240 : i32
      %mul3A_113 = arith.muli %arg0, %mul3A_112 : i32
      %add3A_114 = vector.broadcast %mul3A_113 : i32 to vector<16xi32>
      %add3A_115 = arith.addi %get3A_111, %add3A_114 : vector<16xi32>
      %swap3A_116 = arith.constant 48 : index
      %swap3A_117 = tpu.vector_load %arg7[%swap3A_116] {strides = array<i32>} : memref<128xi32, #tpu.memory_space<vmem>>, vector<16xi32>,
      %swap3A_118 = vector.shape_cast %swap3A_117 : vector<16xi32> to vector<16xi32>
      %swap3A_119 = vector.shape_cast %add3A_115 : vector<16xi32> to vector<16xi32>
      tpu.vector_store %arg7[%swap3A_116], %swap3A_119 {strides = array<i32>} : memref<128xi32, #tpu.memory_space<vmem>>, vector<16xi32>,
      %get3A_120 = arith.constant 64 : index
      %get3A_121 = tpu.vector_load %arg7[%get3A_120] {strides = array<i32>} : memref<128xi32, #tpu.memory_space<vmem>>, vector<16xi32>,
      %get3A_122 = vector.shape_cast %get3A_121 : vector<16xi32> to vector<16xi32>
      %mul3A_123 = arith.constant 10240 : i32
      %mul3A_124 = arith.muli %arg0, %mul3A_123 : i32
      %add3A_125 = vector.broadcast %mul3A_124 : i32 to vector<16xi32>
      %add3A_126 = arith.addi %get3A_122, %add3A_125 : vector<16xi32>
      %swap3A_127 = arith.constant 64 : index
      %swap3A_128 = tpu.vector_load %arg7[%swap3A_127] {strides = array<i32>} : memref<128xi32, #tpu.memory_space<vmem>>, vector<16xi32>,
      %swap3A_129 = vector.shape_cast %swap3A_128 : vector<16xi32> to vector<16xi32>
      %swap3A_130 = vector.shape_cast %add3A_126 : vector<16xi32> to vector<16xi32>
      tpu.vector_store %arg7[%swap3A_127], %swap3A_130 {strides = array<i32>} : memref<128xi32, #tpu.memory_space<vmem>>, vector<16xi32>,
      %get3A_131 = arith.constant 80 : index
      %get3A_132 = tpu.vector_load %arg7[%get3A_131] {strides = array<i32>} : memref<128xi32, #tpu.memory_space<vmem>>, vector<16xi32>,
      %get3A_133 = vector.shape_cast %get3A_132 : vector<16xi32> to vector<16xi32>
      %mul3A_134 = arith.constant 10240 : i32
      %mul3A_135 = arith.muli %arg0, %mul3A_134 : i32
      %add3A_136 = vector.broadcast %mul3A_135 : i32 to vector<16xi32>
      %add3A_137 = arith.addi %get3A_133, %add3A_136 : vector<16xi32>
      %swap3A_138 = arith.constant 80 : index
      %swap3A_139 = tpu.vector_load %arg7[%swap3A_138] {strides = array<i32>} : memref<128xi32, #tpu.memory_space<vmem>>, vector<16xi32>,
      %swap3A_140 = vector.shape_cast %swap3A_139 : vector<16xi32> to vector<16xi32>
      %swap3A_141 = vector.shape_cast %add3A_137 : vector<16xi32> to vector<16xi32>
      tpu.vector_store %arg7[%swap3A_138], %swap3A_141 {strides = array<i32>} : memref<128xi32, #tpu.memory_space<vmem>>, vector<16xi32>,
      %get3A_142 = arith.constant 96 : index
      %get3A_143 = tpu.vector_load %arg7[%get3A_142] {strides = array<i32>} : memref<128xi32, #tpu.memory_space<vmem>>, vector<16xi32>,
      %get3A_144 = vector.shape_cast %get3A_143 : vector<16xi32> to vector<16xi32>
      %mul3A_145 = arith.constant 10240 : i32
      %mul3A_146 = arith.muli %arg0, %mul3A_145 : i32
      %add3A_147 = vector.broadcast %mul3A_146 : i32 to vector<16xi32>
      %add3A_148 = arith.addi %get3A_144, %add3A_147 : vector<16xi32>
      %swap3A_149 = arith.constant 96 : index
      %swap3A_150 = tpu.vector_load %arg7[%swap3A_149] {strides = array<i32>} : memref<128xi32, #tpu.memory_space<vmem>>, vector<16xi32>,
      %swap3A_151 = vector.shape_cast %swap3A_150 : vector<16xi32> to vector<16xi32>
      %swap3A_152 = vector.shape_cast %add3A_148 : vector<16xi32> to vector<16xi32>
      tpu.vector_store %arg7[%swap3A_149], %swap3A_152 {strides = array<i32>} : memref<128xi32, #tpu.memory_space<vmem>>, vector<16xi32>,
      %get3A_153 = arith.constant 112 : index
      %get3A_154 = tpu.vector_load %arg7[%get3A_153] {strides = array<i32>} : memref<128xi32, #tpu.memory_space<vmem>>, vector<16xi32>,
      %get3A_155 = vector.shape_cast %get3A_154 : vector<16xi32> to vector<16xi32>
      %mul3A_156 = arith.constant 10240 : i32
      %mul3A_157 = arith.muli %arg0, %mul3A_156 : i32
      %add3A_158 = vector.broadcast %mul3A_157 : i32 to vector<16xi32>
      %add3A_159 = arith.addi %get3A_155, %add3A_158 : vector<16xi32>
      %swap3A_160 = arith.constant 112 : index
      %swap3A_161 = tpu.vector_load %arg7[%swap3A_160] {strides = array<i32>} : memref<128xi32, #tpu.memory_space<vmem>>, vector<16xi32>,
      %swap3A_162 = vector.shape_cast %swap3A_161 : vector<16xi32> to vector<16xi32>
      %swap3A_163 = vector.shape_cast %add3A_159 : vector<16xi32> to vector<16xi32>
      tpu.vector_store %arg7[%swap3A_160], %swap3A_163 {strides = array<i32>} : memref<128xi32, #tpu.memory_space<vmem>>, vector<16xi32>,
      %dma_start3A = arith.constant 0 : i32
      %dma_start3A_164 = arith.constant 0 : i32
      %dma_start3A_165 = tpu.memref_slice %arg2[%dma_start3A, %dma_start3A_164] : memref<20480x128xf32, #tpu.memory_space<hbm>> -> memref<20480x128xf32, #tpu.memory_space<hbm>>
      tpu.enqueue_indirect_dma source(%dma_start3A_165 : memref<20480x128xf32, #tpu.memory_space<hbm>>) target(%arg10 : memref<128x128xf32, #tpu.memory_space<vmem>>) offsets(%arg7 : memref<128xi32, #tpu.memory_space<vmem>>) semaphore(%arg13 : memref<!tpu.dma_semaphore, #tpu.memory_space<semaphore_mem>>)
      %dma_wait3A = arith.constant 0 : i32
      %dma_wait3A_166 = arith.constant 0 : i32
      %dma_wait3A_167 = tpu.memref_slice %arg2[%dma_wait3A, %dma_wait3A_166] : memref<20480x128xf32, #tpu.memory_space<hbm>> -> memref<20480x128xf32, #tpu.memory_space<hbm>>
      tpu.wait_indirect_dma semaphore(%arg13 : memref<!tpu.dma_semaphore, #tpu.memory_space<semaphore_mem>>) src(%dma_wait3A_167 : memref<20480x128xf32, #tpu.memory_space<hbm>>) dst(%arg10 : memref<128x128xf32, #tpu.memory_space<vmem>>)
      %scan3A_168 = arith.constant 0 : i32
      %scan3A_169 = arith.constant 128 : i32
      %scan3A_170 = arith.addi %scan3A_168, %scan3A_169 : i32
      %scan3A_171 = arith.constant 1 : i32
      scf.for %scan3A_173 = %scan3A_168 to %scan3A_170 step %scan3A_171  : i32 {
        %get3A_174 = arith.index_cast %scan3A_173 : i32 to index
        %get3A_175 = arith.constant 0 : index
        %get3A_176 = tpu.vector_load %arg9[%get3A_174, %get3A_175] {strides = array<i32>} : memref<128x16xf32, #tpu.memory_space<vmem>>, vector<1x16xf32>,
        %get3A_177 = vector.shape_cast %get3A_176 : vector<1x16xf32> to vector<16xf32>
        %mul3A_178 = arith.constant 2 : i32
        %mul3A_179 = arith.muli %mul3A_178, %arg0 : i32
        %broadcast_in_dim3A = vector.broadcast %mul3A_179 : i32 to vector<16xi32>
        %lt3A = arith.constant 0 : i32
        %lt3A_180 = vector.broadcast %lt3A : i32 to vector<16xi32>
        %lt3A_181 = arith.cmpi slt, %broadcast_in_dim3A, %lt3A_180 : vector<16xi32>
        %add3A_182 = arith.constant 16 : i32
        %add3A_183 = vector.broadcast %add3A_182 : i32 to vector<16xi32>
        %add3A_184 = arith.addi %broadcast_in_dim3A, %add3A_183 : vector<16xi32>
        %select_n3A_185 = arith.select %lt3A_181, %add3A_184, %broadcast_in_dim3A : vector<16xi1>, vector<16xi32>
        %broadcast_in_dim3A_186 = vector.shape_cast %select_n3A_185 : vector<16xi32> to vector<16x1xi32>
        %gather3A = vector.shape_cast %broadcast_in_dim3A_186 : vector<16x1xi32> to vector<16xi32>
        %gather3A_187 = tpu.dynamic_gather %get3A_177[%gather3A] in [0] : vector<16xf32>, vector<16xi32> -> vector<16xf32>
        %mul3A_188 = arith.constant 2 : i32
        %mul3A_189 = arith.muli %mul3A_188, %arg0 : i32
        %add3A_190 = arith.constant 1 : i32
        %add3A_191 = arith.addi %mul3A_189, %add3A_190 : i32
        %broadcast_in_dim3A_192 = vector.broadcast %add3A_191 : i32 to vector<16xi32>
        %lt3A_193 = arith.constant 0 : i32
        %lt3A_194 = vector.broadcast %lt3A_193 : i32 to vector<16xi32>
        %lt3A_195 = arith.cmpi slt, %broadcast_in_dim3A_192, %lt3A_194 : vector<16xi32>
        %add3A_196 = arith.constant 16 : i32
        %add3A_197 = vector.broadcast %add3A_196 : i32 to vector<16xi32>
        %add3A_198 = arith.addi %broadcast_in_dim3A_192, %add3A_197 : vector<16xi32>
        %select_n3A_199 = arith.select %lt3A_195, %add3A_198, %broadcast_in_dim3A_192 : vector<16xi1>, vector<16xi32>
        %broadcast_in_dim3A_200 = vector.shape_cast %select_n3A_199 : vector<16xi32> to vector<16x1xi32>
        %gather3A_201 = vector.shape_cast %broadcast_in_dim3A_200 : vector<16x1xi32> to vector<16xi32>
        %gather3A_202 = tpu.dynamic_gather %get3A_177[%gather3A_201] in [0] : vector<16xf32>, vector<16xi32> -> vector<16xf32>
        %get3A_203 = arith.index_cast %scan3A_173 : i32 to index
        %get3A_204 = arith.constant 0 : index
        %get3A_205 = tpu.vector_load %arg10[%get3A_203, %get3A_204] {strides = array<i32>} : memref<128x128xf32, #tpu.memory_space<vmem>>, vector<1x16xf32>,
        %get3A_206 = vector.shape_cast %get3A_205 : vector<1x16xf32> to vector<16xf32>
        %mul3A_207 = arith.mulf %get3A_206, %gather3A_187 : vector<16xf32>
        %swap3A_208 = arith.index_cast %scan3A_173 : i32 to index
        %swap3A_209 = arith.constant 0 : index
        %swap3A_210 = tpu.vector_load %arg10[%swap3A_208, %swap3A_209] {strides = array<i32>} : memref<128x128xf32, #tpu.memory_space<vmem>>, vector<1x16xf32>,
        %swap3A_211 = vector.shape_cast %swap3A_210 : vector<1x16xf32> to vector<16xf32>
        %swap3A_212 = vector.shape_cast %mul3A_207 : vector<16xf32> to vector<1x16xf32>
        tpu.vector_store %arg10[%swap3A_208, %swap3A_209], %swap3A_212 {strides = array<i32>} : memref<128x128xf32, #tpu.memory_space<vmem>>, vector<1x16xf32>,
        %get3A_213 = arith.index_cast %scan3A_173 : i32 to index
        %get3A_214 = arith.constant 16 : index
        %get3A_215 = tpu.vector_load %arg10[%get3A_213, %get3A_214] {strides = array<i32>} : memref<128x128xf32, #tpu.memory_space<vmem>>, vector<1x16xf32>,
        %get3A_216 = vector.shape_cast %get3A_215 : vector<1x16xf32> to vector<16xf32>
        %mul3A_217 = arith.mulf %get3A_216, %gather3A_187 : vector<16xf32>
        %swap3A_218 = arith.index_cast %scan3A_173 : i32 to index
        %swap3A_219 = arith.constant 16 : index
        %swap3A_220 = tpu.vector_load %arg10[%swap3A_218, %swap3A_219] {strides = array<i32>} : memref<128x128xf32, #tpu.memory_space<vmem>>, vector<1x16xf32>,
        %swap3A_221 = vector.shape_cast %swap3A_220 : vector<1x16xf32> to vector<16xf32>
        %swap3A_222 = vector.shape_cast %mul3A_217 : vector<16xf32> to vector<1x16xf32>
        tpu.vector_store %arg10[%swap3A_218, %swap3A_219], %swap3A_222 {strides = array<i32>} : memref<128x128xf32, #tpu.memory_space<vmem>>, vector<1x16xf32>,
        %get3A_223 = arith.index_cast %scan3A_173 : i32 to index
        %get3A_224 = arith.constant 32 : index
        %get3A_225 = tpu.vector_load %arg10[%get3A_223, %get3A_224] {strides = array<i32>} : memref<128x128xf32, #tpu.memory_space<vmem>>, vector<1x16xf32>,
        %get3A_226 = vector.shape_cast %get3A_225 : vector<1x16xf32> to vector<16xf32>
        %mul3A_227 = arith.mulf %get3A_226, %gather3A_187 : vector<16xf32>
        %swap3A_228 = arith.index_cast %scan3A_173 : i32 to index
        %swap3A_229 = arith.constant 32 : index
        %swap3A_230 = tpu.vector_load %arg10[%swap3A_228, %swap3A_229] {strides = array<i32>} : memref<128x128xf32, #tpu.memory_space<vmem>>, vector<1x16xf32>,
        %swap3A_231 = vector.shape_cast %swap3A_230 : vector<1x16xf32> to vector<16xf32>
        %swap3A_232 = vector.shape_cast %mul3A_227 : vector<16xf32> to vector<1x16xf32>
        tpu.vector_store %arg10[%swap3A_228, %swap3A_229], %swap3A_232 {strides = array<i32>} : memref<128x128xf32, #tpu.memory_space<vmem>>, vector<1x16xf32>,
        %get3A_233 = arith.index_cast %scan3A_173 : i32 to index
        %get3A_234 = arith.constant 48 : index
        %get3A_235 = tpu.vector_load %arg10[%get3A_233, %get3A_234] {strides = array<i32>} : memref<128x128xf32, #tpu.memory_space<vmem>>, vector<1x16xf32>,
        %get3A_236 = vector.shape_cast %get3A_235 : vector<1x16xf32> to vector<16xf32>
        %mul3A_237 = arith.mulf %get3A_236, %gather3A_187 : vector<16xf32>
        %swap3A_238 = arith.index_cast %scan3A_173 : i32 to index
        %swap3A_239 = arith.constant 48 : index
        %swap3A_240 = tpu.vector_load %arg10[%swap3A_238, %swap3A_239] {strides = array<i32>} : memref<128x128xf32, #tpu.memory_space<vmem>>, vector<1x16xf32>,
        %swap3A_241 = vector.shape_cast %swap3A_240 : vector<1x16xf32> to vector<16xf32>
        %swap3A_242 = vector.shape_cast %mul3A_237 : vector<16xf32> to vector<1x16xf32>
        tpu.vector_store %arg10[%swap3A_238, %swap3A_239], %swap3A_242 {strides = array<i32>} : memref<128x128xf32, #tpu.memory_space<vmem>>, vector<1x16xf32>,
        %get3A_243 = arith.index_cast %scan3A_173 : i32 to index
        %get3A_244 = arith.constant 64 : index
        %get3A_245 = tpu.vector_load %arg10[%get3A_243, %get3A_244] {strides = array<i32>} : memref<128x128xf32, #tpu.memory_space<vmem>>, vector<1x16xf32>,
        %get3A_246 = vector.shape_cast %get3A_245 : vector<1x16xf32> to vector<16xf32>
        %mul3A_247 = arith.mulf %get3A_246, %gather3A_202 : vector<16xf32>
        %swap3A_248 = arith.index_cast %scan3A_173 : i32 to index
        %swap3A_249 = arith.constant 64 : index
        %swap3A_250 = tpu.vector_load %arg10[%swap3A_248, %swap3A_249] {strides = array<i32>} : memref<128x128xf32, #tpu.memory_space<vmem>>, vector<1x16xf32>,
        %swap3A_251 = vector.shape_cast %swap3A_250 : vector<1x16xf32> to vector<16xf32>
        %swap3A_252 = vector.shape_cast %mul3A_247 : vector<16xf32> to vector<1x16xf32>
        tpu.vector_store %arg10[%swap3A_248, %swap3A_249], %swap3A_252 {strides = array<i32>} : memref<128x128xf32, #tpu.memory_space<vmem>>, vector<1x16xf32>,
        %get3A_253 = arith.index_cast %scan3A_173 : i32 to index
        %get3A_254 = arith.constant 80 : index
        %get3A_255 = tpu.vector_load %arg10[%get3A_253, %get3A_254] {strides = array<i32>} : memref<128x128xf32, #tpu.memory_space<vmem>>, vector<1x16xf32>,
        %get3A_256 = vector.shape_cast %get3A_255 : vector<1x16xf32> to vector<16xf32>
        %mul3A_257 = arith.mulf %get3A_256, %gather3A_202 : vector<16xf32>
        %swap3A_258 = arith.index_cast %scan3A_173 : i32 to index
        %swap3A_259 = arith.constant 80 : index
        %swap3A_260 = tpu.vector_load %arg10[%swap3A_258, %swap3A_259] {strides = array<i32>} : memref<128x128xf32, #tpu.memory_space<vmem>>, vector<1x16xf32>,
        %swap3A_261 = vector.shape_cast %swap3A_260 : vector<1x16xf32> to vector<16xf32>
        %swap3A_262 = vector.shape_cast %mul3A_257 : vector<16xf32> to vector<1x16xf32>
        tpu.vector_store %arg10[%swap3A_258, %swap3A_259], %swap3A_262 {strides = array<i32>} : memref<128x128xf32, #tpu.memory_space<vmem>>, vector<1x16xf32>,
        %get3A_263 = arith.index_cast %scan3A_173 : i32 to index
        %get3A_264 = arith.constant 96 : index
        %get3A_265 = tpu.vector_load %arg10[%get3A_263, %get3A_264] {strides = array<i32>} : memref<128x128xf32, #tpu.memory_space<vmem>>, vector<1x16xf32>,
        %get3A_266 = vector.shape_cast %get3A_265 : vector<1x16xf32> to vector<16xf32>
        %mul3A_267 = arith.mulf %get3A_266, %gather3A_202 : vector<16xf32>
        %swap3A_268 = arith.index_cast %scan3A_173 : i32 to index
        %swap3A_269 = arith.constant 96 : index
        %swap3A_270 = tpu.vector_load %arg10[%swap3A_268, %swap3A_269] {strides = array<i32>} : memref<128x128xf32, #tpu.memory_space<vmem>>, vector<1x16xf32>,
        %swap3A_271 = vector.shape_cast %swap3A_270 : vector<1x16xf32> to vector<16xf32>
        %swap3A_272 = vector.shape_cast %mul3A_267 : vector<16xf32> to vector<1x16xf32>
        tpu.vector_store %arg10[%swap3A_268, %swap3A_269], %swap3A_272 {strides = array<i32>} : memref<128x128xf32, #tpu.memory_space<vmem>>, vector<1x16xf32>,
        %get3A_273 = arith.index_cast %scan3A_173 : i32 to index
        %get3A_274 = arith.constant 112 : index
        %get3A_275 = tpu.vector_load %arg10[%get3A_273, %get3A_274] {strides = array<i32>} : memref<128x128xf32, #tpu.memory_space<vmem>>, vector<1x16xf32>,
        %get3A_276 = vector.shape_cast %get3A_275 : vector<1x16xf32> to vector<16xf32>
        %mul3A_277 = arith.mulf %get3A_276, %gather3A_202 : vector<16xf32>
        %swap3A_278 = arith.index_cast %scan3A_173 : i32 to index
        %swap3A_279 = arith.constant 112 : index
        %swap3A_280 = tpu.vector_load %arg10[%swap3A_278, %swap3A_279] {strides = array<i32>} : memref<128x128xf32, #tpu.memory_space<vmem>>, vector<1x16xf32>,
        %swap3A_281 = vector.shape_cast %swap3A_280 : vector<1x16xf32> to vector<16xf32>
        %swap3A_282 = vector.shape_cast %mul3A_277 : vector<16xf32> to vector<1x16xf32>
        tpu.vector_store %arg10[%swap3A_278, %swap3A_279], %swap3A_282 {strides = array<i32>} : memref<128x128xf32, #tpu.memory_space<vmem>>, vector<1x16xf32>,
      }
      %scan3A_172 = arith.constant 128 : i32
      "tpu.region"() ({
        %run_scoped3A = tpu.sem_alloc : memref<!tpu.dma_semaphore, #tpu.memory_space<semaphore_mem>>
        %dma_start3A_173 = arith.constant 0 : i32
        %dma_start3A_174 = arith.constant 0 : i32
        %dma_start3A_175 = tpu.memref_slice %arg12[%dma_start3A_173, %dma_start3A_174] : memref<10240x128xf32, #tpu.memory_space<vmem_shared>> -> memref<10240x128xf32, #tpu.memory_space<vmem_shared>>
        tpu.enqueue_indirect_dma source(%arg10 : memref<128x128xf32, #tpu.memory_space<vmem>>) target(%dma_start3A_175 : memref<10240x128xf32, #tpu.memory_space<vmem_shared>>) offsets(%arg8 : memref<128xi32, #tpu.memory_space<vmem>>) semaphore(%run_scoped3A : memref<!tpu.dma_semaphore, #tpu.memory_space<semaphore_mem>>) {add = true}
        %dma_wait3A_176 = arith.constant 0 : i32
        %dma_wait3A_177 = arith.constant 0 : i32
        %dma_wait3A_178 = tpu.memref_slice %arg12[%dma_wait3A_176, %dma_wait3A_177] : memref<10240x128xf32, #tpu.memory_space<vmem_shared>> -> memref<10240x128xf32, #tpu.memory_space<vmem_shared>>
        tpu.wait_indirect_dma semaphore(%run_scoped3A : memref<!tpu.dma_semaphore, #tpu.memory_space<semaphore_mem>>) src(%arg10 : memref<128x128xf32, #tpu.memory_space<vmem>>) dst(%dma_wait3A_178 : memref<10240x128xf32, #tpu.memory_space<vmem_shared>>)
        tpu.yield
      }) : () -> ()
    }
    %while3A_63 = arith.constant 1 : i32
    scf.for %while3A_72 = %while3A_61 to %while3A_57 step %while3A_63  : i32 {
      %mul3A_73 = arith.constant 16 : i32
      %mul3A_74 = arith.muli %while3A_72, %mul3A_73 : i32
      %add3A_75 = arith.addi %arg1, %mul3A_74 : i32
      %mul3A_76 = arith.constant 128 : i32
      %mul3A_77 = arith.muli %add3A_75, %mul3A_76 : i32
      "tpu.region"() ({
        %run_scoped3A = tpu.sem_alloc : memref<!tpu.dma_semaphore, #tpu.memory_space<semaphore_mem>>
        %dma_start3A_173 = tpu.memref_slice %arg4[%mul3A_77] : memref<160000xi32, #tpu.memory_space<hbm>> -> memref<128xi32, #tpu.memory_space<hbm>>
        %dma_start3A_174 = tpu.memref_slice %arg4[%mul3A_77] : memref<160000xi32, #tpu.memory_space<hbm>> -> memref<128xi32, #tpu.memory_space<hbm>>
        tpu.enqueue_dma source(%dma_start3A_174 : memref<128xi32, #tpu.memory_space<hbm>>) target(%arg7 : memref<128xi32, #tpu.memory_space<vmem>>) target_semaphore(%run_scoped3A : memref<!tpu.dma_semaphore, #tpu.memory_space<semaphore_mem>>)
        %dma_wait3A_175 = tpu.memref_slice %arg4[%mul3A_77] : memref<160000xi32, #tpu.memory_space<hbm>> -> memref<128xi32, #tpu.memory_space<hbm>>
        %dma_wait3A_176 = tpu.memref_slice %arg4[%mul3A_77] : memref<160000xi32, #tpu.memory_space<hbm>> -> memref<128xi32, #tpu.memory_space<hbm>>
        tpu.wait_dma2 semaphore(%run_scoped3A : memref<!tpu.dma_semaphore, #tpu.memory_space<semaphore_mem>>) src(%dma_wait3A_176 : memref<128xi32, #tpu.memory_space<hbm>>) dst(%arg7 : memref<128xi32, #tpu.memory_space<vmem>>)
        tpu.yield
      }) : () -> ()
      "tpu.region"() ({
        %run_scoped3A = tpu.sem_alloc : memref<!tpu.dma_semaphore, #tpu.memory_space<semaphore_mem>>
        %dma_start3A_173 = tpu.memref_slice %arg5[%mul3A_77] : memref<160000xi32, #tpu.memory_space<hbm>> -> memref<128xi32, #tpu.memory_space<hbm>>
        %dma_start3A_174 = tpu.memref_slice %arg5[%mul3A_77] : memref<160000xi32, #tpu.memory_space<hbm>> -> memref<128xi32, #tpu.memory_space<hbm>>
        tpu.enqueue_dma source(%dma_start3A_174 : memref<128xi32, #tpu.memory_space<hbm>>) target(%arg8 : memref<128xi32, #tpu.memory_space<vmem>>) target_semaphore(%run_scoped3A : memref<!tpu.dma_semaphore, #tpu.memory_space<semaphore_mem>>)
        %dma_wait3A_175 = tpu.memref_slice %arg5[%mul3A_77] : memref<160000xi32, #tpu.memory_space<hbm>> -> memref<128xi32, #tpu.memory_space<hbm>>
        %dma_wait3A_176 = tpu.memref_slice %arg5[%mul3A_77] : memref<160000xi32, #tpu.memory_space<hbm>> -> memref<128xi32, #tpu.memory_space<hbm>>
        tpu.wait_dma2 semaphore(%run_scoped3A : memref<!tpu.dma_semaphore, #tpu.memory_space<semaphore_mem>>) src(%dma_wait3A_176 : memref<128xi32, #tpu.memory_space<hbm>>) dst(%arg8 : memref<128xi32, #tpu.memory_space<vmem>>)
        tpu.yield
      }) : () -> ()
      "tpu.region"() ({
        %run_scoped3A = tpu.sem_alloc : memref<!tpu.dma_semaphore, #tpu.memory_space<semaphore_mem>>
        %dma_start3A_173 = arith.constant 0 : i32
        %dma_start3A_174 = tpu.memref_slice %arg3[%mul3A_77, %dma_start3A_173] : memref<160000x16xf32, #tpu.memory_space<hbm>> -> memref<128x16xf32, #tpu.memory_space<hbm>>
        %dma_start3A_175 = arith.constant 0 : i32
        %dma_start3A_176 = tpu.memref_slice %arg3[%mul3A_77, %dma_start3A_175] : memref<160000x16xf32, #tpu.memory_space<hbm>> -> memref<128x16xf32, #tpu.memory_space<hbm>>
        tpu.enqueue_dma source(%dma_start3A_176 : memref<128x16xf32, #tpu.memory_space<hbm>>) target(%arg9 : memref<128x16xf32, #tpu.memory_space<vmem>>) target_semaphore(%run_scoped3A : memref<!tpu.dma_semaphore, #tpu.memory_space<semaphore_mem>>)
        %dma_wait3A_177 = arith.constant 0 : i32
        %dma_wait3A_178 = tpu.memref_slice %arg3[%mul3A_77, %dma_wait3A_177] : memref<160000x16xf32, #tpu.memory_space<hbm>> -> memref<128x16xf32, #tpu.memory_space<hbm>>
        %dma_wait3A_179 = arith.constant 0 : i32
        %dma_wait3A_180 = tpu.memref_slice %arg3[%mul3A_77, %dma_wait3A_179] : memref<160000x16xf32, #tpu.memory_space<hbm>> -> memref<128x16xf32, #tpu.memory_space<hbm>>
        tpu.wait_dma2 semaphore(%run_scoped3A : memref<!tpu.dma_semaphore, #tpu.memory_space<semaphore_mem>>) src(%dma_wait3A_180 : memref<128x16xf32, #tpu.memory_space<hbm>>) dst(%arg9 : memref<128x16xf32, #tpu.memory_space<vmem>>)
        tpu.yield
      }) : () -> ()
      %get3A = arith.constant 0 : index
      %get3A_78 = tpu.vector_load %arg7[%get3A] {strides = array<i32>} : memref<128xi32, #tpu.memory_space<vmem>>, vector<16xi32>,
      %get3A_79 = vector.shape_cast %get3A_78 : vector<16xi32> to vector<16xi32>
      %mul3A_80 = arith.constant 10240 : i32
      %mul3A_81 = arith.muli %arg0, %mul3A_80 : i32
      %add3A_82 = vector.broadcast %mul3A_81 : i32 to vector<16xi32>
      %add3A_83 = arith.addi %get3A_79, %add3A_82 : vector<16xi32>
      %swap3A = arith.constant 0 : index
      %swap3A_84 = tpu.vector_load %arg7[%swap3A] {strides = array<i32>} : memref<128xi32, #tpu.memory_space<vmem>>, vector<16xi32>,
      %swap3A_85 = vector.shape_cast %swap3A_84 : vector<16xi32> to vector<16xi32>
      %swap3A_86 = vector.shape_cast %add3A_83 : vector<16xi32> to vector<16xi32>
      tpu.vector_store %arg7[%swap3A], %swap3A_86 {strides = array<i32>} : memref<128xi32, #tpu.memory_space<vmem>>, vector<16xi32>,
      %get3A_87 = arith.constant 16 : index
      %get3A_88 = tpu.vector_load %arg7[%get3A_87] {strides = array<i32>} : memref<128xi32, #tpu.memory_space<vmem>>, vector<16xi32>,
      %get3A_89 = vector.shape_cast %get3A_88 : vector<16xi32> to vector<16xi32>
      %mul3A_90 = arith.constant 10240 : i32
      %mul3A_91 = arith.muli %arg0, %mul3A_90 : i32
      %add3A_92 = vector.broadcast %mul3A_91 : i32 to vector<16xi32>
      %add3A_93 = arith.addi %get3A_89, %add3A_92 : vector<16xi32>
      %swap3A_94 = arith.constant 16 : index
      %swap3A_95 = tpu.vector_load %arg7[%swap3A_94] {strides = array<i32>} : memref<128xi32, #tpu.memory_space<vmem>>, vector<16xi32>,
      %swap3A_96 = vector.shape_cast %swap3A_95 : vector<16xi32> to vector<16xi32>
      %swap3A_97 = vector.shape_cast %add3A_93 : vector<16xi32> to vector<16xi32>
      tpu.vector_store %arg7[%swap3A_94], %swap3A_97 {strides = array<i32>} : memref<128xi32, #tpu.memory_space<vmem>>, vector<16xi32>,
      %get3A_98 = arith.constant 32 : index
      %get3A_99 = tpu.vector_load %arg7[%get3A_98] {strides = array<i32>} : memref<128xi32, #tpu.memory_space<vmem>>, vector<16xi32>,
      %get3A_100 = vector.shape_cast %get3A_99 : vector<16xi32> to vector<16xi32>
      %mul3A_101 = arith.constant 10240 : i32
      %mul3A_102 = arith.muli %arg0, %mul3A_101 : i32
      %add3A_103 = vector.broadcast %mul3A_102 : i32 to vector<16xi32>
      %add3A_104 = arith.addi %get3A_100, %add3A_103 : vector<16xi32>
      %swap3A_105 = arith.constant 32 : index
      %swap3A_106 = tpu.vector_load %arg7[%swap3A_105] {strides = array<i32>} : memref<128xi32, #tpu.memory_space<vmem>>, vector<16xi32>,
      %swap3A_107 = vector.shape_cast %swap3A_106 : vector<16xi32> to vector<16xi32>
      %swap3A_108 = vector.shape_cast %add3A_104 : vector<16xi32> to vector<16xi32>
      tpu.vector_store %arg7[%swap3A_105], %swap3A_108 {strides = array<i32>} : memref<128xi32, #tpu.memory_space<vmem>>, vector<16xi32>,
      %get3A_109 = arith.constant 48 : index
      %get3A_110 = tpu.vector_load %arg7[%get3A_109] {strides = array<i32>} : memref<128xi32, #tpu.memory_space<vmem>>, vector<16xi32>,
      %get3A_111 = vector.shape_cast %get3A_110 : vector<16xi32> to vector<16xi32>
      %mul3A_112 = arith.constant 10240 : i32
      %mul3A_113 = arith.muli %arg0, %mul3A_112 : i32
      %add3A_114 = vector.broadcast %mul3A_113 : i32 to vector<16xi32>
      %add3A_115 = arith.addi %get3A_111, %add3A_114 : vector<16xi32>
      %swap3A_116 = arith.constant 48 : index
      %swap3A_117 = tpu.vector_load %arg7[%swap3A_116] {strides = array<i32>} : memref<128xi32, #tpu.memory_space<vmem>>, vector<16xi32>,
      %swap3A_118 = vector.shape_cast %swap3A_117 : vector<16xi32> to vector<16xi32>
      %swap3A_119 = vector.shape_cast %add3A_115 : vector<16xi32> to vector<16xi32>
      tpu.vector_store %arg7[%swap3A_116], %swap3A_119 {strides = array<i32>} : memref<128xi32, #tpu.memory_space<vmem>>, vector<16xi32>,
      %get3A_120 = arith.constant 64 : index
      %get3A_121 = tpu.vector_load %arg7[%get3A_120] {strides = array<i32>} : memref<128xi32, #tpu.memory_space<vmem>>, vector<16xi32>,
      %get3A_122 = vector.shape_cast %get3A_121 : vector<16xi32> to vector<16xi32>
      %mul3A_123 = arith.constant 10240 : i32
      %mul3A_124 = arith.muli %arg0, %mul3A_123 : i32
      %add3A_125 = vector.broadcast %mul3A_124 : i32 to vector<16xi32>
      %add3A_126 = arith.addi %get3A_122, %add3A_125 : vector<16xi32>
      %swap3A_127 = arith.constant 64 : index
      %swap3A_128 = tpu.vector_load %arg7[%swap3A_127] {strides = array<i32>} : memref<128xi32, #tpu.memory_space<vmem>>, vector<16xi32>,
      %swap3A_129 = vector.shape_cast %swap3A_128 : vector<16xi32> to vector<16xi32>
      %swap3A_130 = vector.shape_cast %add3A_126 : vector<16xi32> to vector<16xi32>
      tpu.vector_store %arg7[%swap3A_127], %swap3A_130 {strides = array<i32>} : memref<128xi32, #tpu.memory_space<vmem>>, vector<16xi32>,
      %get3A_131 = arith.constant 80 : index
      %get3A_132 = tpu.vector_load %arg7[%get3A_131] {strides = array<i32>} : memref<128xi32, #tpu.memory_space<vmem>>, vector<16xi32>,
      %get3A_133 = vector.shape_cast %get3A_132 : vector<16xi32> to vector<16xi32>
      %mul3A_134 = arith.constant 10240 : i32
      %mul3A_135 = arith.muli %arg0, %mul3A_134 : i32
      %add3A_136 = vector.broadcast %mul3A_135 : i32 to vector<16xi32>
      %add3A_137 = arith.addi %get3A_133, %add3A_136 : vector<16xi32>
      %swap3A_138 = arith.constant 80 : index
      %swap3A_139 = tpu.vector_load %arg7[%swap3A_138] {strides = array<i32>} : memref<128xi32, #tpu.memory_space<vmem>>, vector<16xi32>,
      %swap3A_140 = vector.shape_cast %swap3A_139 : vector<16xi32> to vector<16xi32>
      %swap3A_141 = vector.shape_cast %add3A_137 : vector<16xi32> to vector<16xi32>
      tpu.vector_store %arg7[%swap3A_138], %swap3A_141 {strides = array<i32>} : memref<128xi32, #tpu.memory_space<vmem>>, vector<16xi32>,
      %get3A_142 = arith.constant 96 : index
      %get3A_143 = tpu.vector_load %arg7[%get3A_142] {strides = array<i32>} : memref<128xi32, #tpu.memory_space<vmem>>, vector<16xi32>,
      %get3A_144 = vector.shape_cast %get3A_143 : vector<16xi32> to vector<16xi32>
      %mul3A_145 = arith.constant 10240 : i32
      %mul3A_146 = arith.muli %arg0, %mul3A_145 : i32
      %add3A_147 = vector.broadcast %mul3A_146 : i32 to vector<16xi32>
      %add3A_148 = arith.addi %get3A_144, %add3A_147 : vector<16xi32>
      %swap3A_149 = arith.constant 96 : index
      %swap3A_150 = tpu.vector_load %arg7[%swap3A_149] {strides = array<i32>} : memref<128xi32, #tpu.memory_space<vmem>>, vector<16xi32>,
      %swap3A_151 = vector.shape_cast %swap3A_150 : vector<16xi32> to vector<16xi32>
      %swap3A_152 = vector.shape_cast %add3A_148 : vector<16xi32> to vector<16xi32>
      tpu.vector_store %arg7[%swap3A_149], %swap3A_152 {strides = array<i32>} : memref<128xi32, #tpu.memory_space<vmem>>, vector<16xi32>,
      %get3A_153 = arith.constant 112 : index
      %get3A_154 = tpu.vector_load %arg7[%get3A_153] {strides = array<i32>} : memref<128xi32, #tpu.memory_space<vmem>>, vector<16xi32>,
      %get3A_155 = vector.shape_cast %get3A_154 : vector<16xi32> to vector<16xi32>
      %mul3A_156 = arith.constant 10240 : i32
      %mul3A_157 = arith.muli %arg0, %mul3A_156 : i32
      %add3A_158 = vector.broadcast %mul3A_157 : i32 to vector<16xi32>
      %add3A_159 = arith.addi %get3A_155, %add3A_158 : vector<16xi32>
      %swap3A_160 = arith.constant 112 : index
      %swap3A_161 = tpu.vector_load %arg7[%swap3A_160] {strides = array<i32>} : memref<128xi32, #tpu.memory_space<vmem>>, vector<16xi32>,
      %swap3A_162 = vector.shape_cast %swap3A_161 : vector<16xi32> to vector<16xi32>
      %swap3A_163 = vector.shape_cast %add3A_159 : vector<16xi32> to vector<16xi32>
      tpu.vector_store %arg7[%swap3A_160], %swap3A_163 {strides = array<i32>} : memref<128xi32, #tpu.memory_space<vmem>>, vector<16xi32>,
      %dma_start3A = arith.constant 0 : i32
      %dma_start3A_164 = arith.constant 0 : i32
      %dma_start3A_165 = tpu.memref_slice %arg2[%dma_start3A, %dma_start3A_164] : memref<20480x128xf32, #tpu.memory_space<hbm>> -> memref<20480x128xf32, #tpu.memory_space<hbm>>
      tpu.enqueue_indirect_dma source(%dma_start3A_165 : memref<20480x128xf32, #tpu.memory_space<hbm>>) target(%arg10 : memref<128x128xf32, #tpu.memory_space<vmem>>) offsets(%arg7 : memref<128xi32, #tpu.memory_space<vmem>>) semaphore(%arg13 : memref<!tpu.dma_semaphore, #tpu.memory_space<semaphore_mem>>)
      %dma_wait3A = arith.constant 0 : i32
      %dma_wait3A_166 = arith.constant 0 : i32
      %dma_wait3A_167 = tpu.memref_slice %arg2[%dma_wait3A, %dma_wait3A_166] : memref<20480x128xf32, #tpu.memory_space<hbm>> -> memref<20480x128xf32, #tpu.memory_space<hbm>>
      tpu.wait_indirect_dma semaphore(%arg13 : memref<!tpu.dma_semaphore, #tpu.memory_space<semaphore_mem>>) src(%dma_wait3A_167 : memref<20480x128xf32, #tpu.memory_space<hbm>>) dst(%arg10 : memref<128x128xf32, #tpu.memory_space<vmem>>)
      %scan3A_168 = arith.constant 0 : i32
      %scan3A_169 = arith.constant 128 : i32
      %scan3A_170 = arith.addi %scan3A_168, %scan3A_169 : i32
      %scan3A_171 = arith.constant 1 : i32
      scf.for %scan3A_173 = %scan3A_168 to %scan3A_170 step %scan3A_171  : i32 {
        %get3A_174 = arith.index_cast %scan3A_173 : i32 to index
        %get3A_175 = arith.constant 0 : index
        %get3A_176 = tpu.vector_load %arg9[%get3A_174, %get3A_175] {strides = array<i32>} : memref<128x16xf32, #tpu.memory_space<vmem>>, vector<1x16xf32>,
        %get3A_177 = vector.shape_cast %get3A_176 : vector<1x16xf32> to vector<16xf32>
        %mul3A_178 = arith.constant 2 : i32
        %mul3A_179 = arith.muli %mul3A_178, %arg0 : i32
        %broadcast_in_dim3A = vector.broadcast %mul3A_179 : i32 to vector<16xi32>
        %lt3A = arith.constant 0 : i32
        %lt3A_180 = vector.broadcast %lt3A : i32 to vector<16xi32>
        %lt3A_181 = arith.cmpi slt, %broadcast_in_dim3A, %lt3A_180 : vector<16xi32>
        %add3A_182 = arith.constant 16 : i32
        %add3A_183 = vector.broadcast %add3A_182 : i32 to vector<16xi32>
        %add3A_184 = arith.addi %broadcast_in_dim3A, %add3A_183 : vector<16xi32>
        %select_n3A_185 = arith.select %lt3A_181, %add3A_184, %broadcast_in_dim3A : vector<16xi1>, vector<16xi32>
        %broadcast_in_dim3A_186 = vector.shape_cast %select_n3A_185 : vector<16xi32> to vector<16x1xi32>
        %gather3A = vector.shape_cast %broadcast_in_dim3A_186 : vector<16x1xi32> to vector<16xi32>
        %gather3A_187 = tpu.dynamic_gather %get3A_177[%gather3A] in [0] : vector<16xf32>, vector<16xi32> -> vector<16xf32>
        %mul3A_188 = arith.constant 2 : i32
        %mul3A_189 = arith.muli %mul3A_188, %arg0 : i32
        %add3A_190 = arith.constant 1 : i32
        %add3A_191 = arith.addi %mul3A_189, %add3A_190 : i32
        %broadcast_in_dim3A_192 = vector.broadcast %add3A_191 : i32 to vector<16xi32>
        %lt3A_193 = arith.constant 0 : i32
        %lt3A_194 = vector.broadcast %lt3A_193 : i32 to vector<16xi32>
        %lt3A_195 = arith.cmpi slt, %broadcast_in_dim3A_192, %lt3A_194 : vector<16xi32>
        %add3A_196 = arith.constant 16 : i32
        %add3A_197 = vector.broadcast %add3A_196 : i32 to vector<16xi32>
        %add3A_198 = arith.addi %broadcast_in_dim3A_192, %add3A_197 : vector<16xi32>
        %select_n3A_199 = arith.select %lt3A_195, %add3A_198, %broadcast_in_dim3A_192 : vector<16xi1>, vector<16xi32>
        %broadcast_in_dim3A_200 = vector.shape_cast %select_n3A_199 : vector<16xi32> to vector<16x1xi32>
        %gather3A_201 = vector.shape_cast %broadcast_in_dim3A_200 : vector<16x1xi32> to vector<16xi32>
        %gather3A_202 = tpu.dynamic_gather %get3A_177[%gather3A_201] in [0] : vector<16xf32>, vector<16xi32> -> vector<16xf32>
        %get3A_203 = arith.index_cast %scan3A_173 : i32 to index
        %get3A_204 = arith.constant 0 : index
        %get3A_205 = tpu.vector_load %arg10[%get3A_203, %get3A_204] {strides = array<i32>} : memref<128x128xf32, #tpu.memory_space<vmem>>, vector<1x16xf32>,
        %get3A_206 = vector.shape_cast %get3A_205 : vector<1x16xf32> to vector<16xf32>
        %mul3A_207 = arith.mulf %get3A_206, %gather3A_187 : vector<16xf32>
        %swap3A_208 = arith.index_cast %scan3A_173 : i32 to index
        %swap3A_209 = arith.constant 0 : index
        %swap3A_210 = tpu.vector_load %arg10[%swap3A_208, %swap3A_209] {strides = array<i32>} : memref<128x128xf32, #tpu.memory_space<vmem>>, vector<1x16xf32>,
        %swap3A_211 = vector.shape_cast %swap3A_210 : vector<1x16xf32> to vector<16xf32>
        %swap3A_212 = vector.shape_cast %mul3A_207 : vector<16xf32> to vector<1x16xf32>
        tpu.vector_store %arg10[%swap3A_208, %swap3A_209], %swap3A_212 {strides = array<i32>} : memref<128x128xf32, #tpu.memory_space<vmem>>, vector<1x16xf32>,
        %get3A_213 = arith.index_cast %scan3A_173 : i32 to index
        %get3A_214 = arith.constant 16 : index
        %get3A_215 = tpu.vector_load %arg10[%get3A_213, %get3A_214] {strides = array<i32>} : memref<128x128xf32, #tpu.memory_space<vmem>>, vector<1x16xf32>,
        %get3A_216 = vector.shape_cast %get3A_215 : vector<1x16xf32> to vector<16xf32>
        %mul3A_217 = arith.mulf %get3A_216, %gather3A_187 : vector<16xf32>
        %swap3A_218 = arith.index_cast %scan3A_173 : i32 to index
        %swap3A_219 = arith.constant 16 : index
        %swap3A_220 = tpu.vector_load %arg10[%swap3A_218, %swap3A_219] {strides = array<i32>} : memref<128x128xf32, #tpu.memory_space<vmem>>, vector<1x16xf32>,
        %swap3A_221 = vector.shape_cast %swap3A_220 : vector<1x16xf32> to vector<16xf32>
        %swap3A_222 = vector.shape_cast %mul3A_217 : vector<16xf32> to vector<1x16xf32>
        tpu.vector_store %arg10[%swap3A_218, %swap3A_219], %swap3A_222 {strides = array<i32>} : memref<128x128xf32, #tpu.memory_space<vmem>>, vector<1x16xf32>,
        %get3A_223 = arith.index_cast %scan3A_173 : i32 to index
        %get3A_224 = arith.constant 32 : index
        %get3A_225 = tpu.vector_load %arg10[%get3A_223, %get3A_224] {strides = array<i32>} : memref<128x128xf32, #tpu.memory_space<vmem>>, vector<1x16xf32>,
        %get3A_226 = vector.shape_cast %get3A_225 : vector<1x16xf32> to vector<16xf32>
        %mul3A_227 = arith.mulf %get3A_226, %gather3A_187 : vector<16xf32>
        %swap3A_228 = arith.index_cast %scan3A_173 : i32 to index
        %swap3A_229 = arith.constant 32 : index
        %swap3A_230 = tpu.vector_load %arg10[%swap3A_228, %swap3A_229] {strides = array<i32>} : memref<128x128xf32, #tpu.memory_space<vmem>>, vector<1x16xf32>,
        %swap3A_231 = vector.shape_cast %swap3A_230 : vector<1x16xf32> to vector<16xf32>
        %swap3A_232 = vector.shape_cast %mul3A_227 : vector<16xf32> to vector<1x16xf32>
        tpu.vector_store %arg10[%swap3A_228, %swap3A_229], %swap3A_232 {strides = array<i32>} : memref<128x128xf32, #tpu.memory_space<vmem>>, vector<1x16xf32>,
        %get3A_233 = arith.index_cast %scan3A_173 : i32 to index
        %get3A_234 = arith.constant 48 : index
        %get3A_235 = tpu.vector_load %arg10[%get3A_233, %get3A_234] {strides = array<i32>} : memref<128x128xf32, #tpu.memory_space<vmem>>, vector<1x16xf32>,
        %get3A_236 = vector.shape_cast %get3A_235 : vector<1x16xf32> to vector<16xf32>
        %mul3A_237 = arith.mulf %get3A_236, %gather3A_187 : vector<16xf32>
        %swap3A_238 = arith.index_cast %scan3A_173 : i32 to index
        %swap3A_239 = arith.constant 48 : index
        %swap3A_240 = tpu.vector_load %arg10[%swap3A_238, %swap3A_239] {strides = array<i32>} : memref<128x128xf32, #tpu.memory_space<vmem>>, vector<1x16xf32>,
        %swap3A_241 = vector.shape_cast %swap3A_240 : vector<1x16xf32> to vector<16xf32>
        %swap3A_242 = vector.shape_cast %mul3A_237 : vector<16xf32> to vector<1x16xf32>
        tpu.vector_store %arg10[%swap3A_238, %swap3A_239], %swap3A_242 {strides = array<i32>} : memref<128x128xf32, #tpu.memory_space<vmem>>, vector<1x16xf32>,
        %get3A_243 = arith.index_cast %scan3A_173 : i32 to index
        %get3A_244 = arith.constant 64 : index
        %get3A_245 = tpu.vector_load %arg10[%get3A_243, %get3A_244] {strides = array<i32>} : memref<128x128xf32, #tpu.memory_space<vmem>>, vector<1x16xf32>,
        %get3A_246 = vector.shape_cast %get3A_245 : vector<1x16xf32> to vector<16xf32>
        %mul3A_247 = arith.mulf %get3A_246, %gather3A_202 : vector<16xf32>
        %swap3A_248 = arith.index_cast %scan3A_173 : i32 to index
        %swap3A_249 = arith.constant 64 : index
        %swap3A_250 = tpu.vector_load %arg10[%swap3A_248, %swap3A_249] {strides = array<i32>} : memref<128x128xf32, #tpu.memory_space<vmem>>, vector<1x16xf32>,
        %swap3A_251 = vector.shape_cast %swap3A_250 : vector<1x16xf32> to vector<16xf32>
        %swap3A_252 = vector.shape_cast %mul3A_247 : vector<16xf32> to vector<1x16xf32>
        tpu.vector_store %arg10[%swap3A_248, %swap3A_249], %swap3A_252 {strides = array<i32>} : memref<128x128xf32, #tpu.memory_space<vmem>>, vector<1x16xf32>,
        %get3A_253 = arith.index_cast %scan3A_173 : i32 to index
        %get3A_254 = arith.constant 80 : index
        %get3A_255 = tpu.vector_load %arg10[%get3A_253, %get3A_254] {strides = array<i32>} : memref<128x128xf32, #tpu.memory_space<vmem>>, vector<1x16xf32>,
        %get3A_256 = vector.shape_cast %get3A_255 : vector<1x16xf32> to vector<16xf32>
        %mul3A_257 = arith.mulf %get3A_256, %gather3A_202 : vector<16xf32>
        %swap3A_258 = arith.index_cast %scan3A_173 : i32 to index
        %swap3A_259 = arith.constant 80 : index
        %swap3A_260 = tpu.vector_load %arg10[%swap3A_258, %swap3A_259] {strides = array<i32>} : memref<128x128xf32, #tpu.memory_space<vmem>>, vector<1x16xf32>,
        %swap3A_261 = vector.shape_cast %swap3A_260 : vector<1x16xf32> to vector<16xf32>
        %swap3A_262 = vector.shape_cast %mul3A_257 : vector<16xf32> to vector<1x16xf32>
        tpu.vector_store %arg10[%swap3A_258, %swap3A_259], %swap3A_262 {strides = array<i32>} : memref<128x128xf32, #tpu.memory_space<vmem>>, vector<1x16xf32>,
        %get3A_263 = arith.index_cast %scan3A_173 : i32 to index
        %get3A_264 = arith.constant 96 : index
        %get3A_265 = tpu.vector_load %arg10[%get3A_263, %get3A_264] {strides = array<i32>} : memref<128x128xf32, #tpu.memory_space<vmem>>, vector<1x16xf32>,
        %get3A_266 = vector.shape_cast %get3A_265 : vector<1x16xf32> to vector<16xf32>
        %mul3A_267 = arith.mulf %get3A_266, %gather3A_202 : vector<16xf32>
        %swap3A_268 = arith.index_cast %scan3A_173 : i32 to index
        %swap3A_269 = arith.constant 96 : index
        %swap3A_270 = tpu.vector_load %arg10[%swap3A_268, %swap3A_269] {strides = array<i32>} : memref<128x128xf32, #tpu.memory_space<vmem>>, vector<1x16xf32>,
        %swap3A_271 = vector.shape_cast %swap3A_270 : vector<1x16xf32> to vector<16xf32>
        %swap3A_272 = vector.shape_cast %mul3A_267 : vector<16xf32> to vector<1x16xf32>
        tpu.vector_store %arg10[%swap3A_268, %swap3A_269], %swap3A_272 {strides = array<i32>} : memref<128x128xf32, #tpu.memory_space<vmem>>, vector<1x16xf32>,
        %get3A_273 = arith.index_cast %scan3A_173 : i32 to index
        %get3A_274 = arith.constant 112 : index
        %get3A_275 = tpu.vector_load %arg10[%get3A_273, %get3A_274] {strides = array<i32>} : memref<128x128xf32, #tpu.memory_space<vmem>>, vector<1x16xf32>,
        %get3A_276 = vector.shape_cast %get3A_275 : vector<1x16xf32> to vector<16xf32>
        %mul3A_277 = arith.mulf %get3A_276, %gather3A_202 : vector<16xf32>
        %swap3A_278 = arith.index_cast %scan3A_173 : i32 to index
        %swap3A_279 = arith.constant 112 : index
        %swap3A_280 = tpu.vector_load %arg10[%swap3A_278, %swap3A_279] {strides = array<i32>} : memref<128x128xf32, #tpu.memory_space<vmem>>, vector<1x16xf32>,
        %swap3A_281 = vector.shape_cast %swap3A_280 : vector<1x16xf32> to vector<16xf32>
        %swap3A_282 = vector.shape_cast %mul3A_277 : vector<16xf32> to vector<1x16xf32>
        tpu.vector_store %arg10[%swap3A_278, %swap3A_279], %swap3A_282 {strides = array<i32>} : memref<128x128xf32, #tpu.memory_space<vmem>>, vector<1x16xf32>,
      }
      %scan3A_172 = arith.constant 128 : i32
      "tpu.region"() ({
        %run_scoped3A = tpu.sem_alloc : memref<!tpu.dma_semaphore, #tpu.memory_space<semaphore_mem>>
        %dma_start3A_173 = arith.constant 0 : i32
        %dma_start3A_174 = arith.constant 0 : i32
        %dma_start3A_175 = tpu.memref_slice %arg12[%dma_start3A_173, %dma_start3A_174] : memref<10240x128xf32, #tpu.memory_space<vmem_shared>> -> memref<10240x128xf32, #tpu.memory_space<vmem_shared>>
        tpu.enqueue_indirect_dma source(%arg10 : memref<128x128xf32, #tpu.memory_space<vmem>>) target(%dma_start3A_175 : memref<10240x128xf32, #tpu.memory_space<vmem_shared>>) offsets(%arg8 : memref<128xi32, #tpu.memory_space<vmem>>) semaphore(%run_scoped3A : memref<!tpu.dma_semaphore, #tpu.memory_space<semaphore_mem>>) {add = true}
        %dma_wait3A_176 = arith.constant 0 : i32
        %dma_wait3A_177 = arith.constant 0 : i32
        %dma_wait3A_178 = tpu.memref_slice %arg12[%dma_wait3A_176, %dma_wait3A_177] : memref<10240x128xf32, #tpu.memory_space<vmem_shared>> -> memref<10240x128xf32, #tpu.memory_space<vmem_shared>>
        tpu.wait_indirect_dma semaphore(%run_scoped3A : memref<!tpu.dma_semaphore, #tpu.memory_space<semaphore_mem>>) src(%arg10 : memref<128x128xf32, #tpu.memory_space<vmem>>) dst(%dma_wait3A_178 : memref<10240x128xf32, #tpu.memory_space<vmem_shared>>)
        tpu.yield
      }) : () -> ()
    }
    %barrier3A_64 = arith.constant 0 : index
    tpu.barrier barrier_id(%barrier3A_64)
    %mul3A_65 = arith.constant 640 : i32
    %mul3A_66 = arith.muli %arg1, %mul3A_65 : i32
    %mul3A_67 = arith.constant 10240 : i32
    %mul3A_68 = arith.muli %arg0, %mul3A_67 : i32
    %mul3A_69 = arith.constant 640 : i32
    %mul3A_70 = arith.muli %arg1, %mul3A_69 : i32
    %add3A_71 = arith.addi %mul3A_68, %mul3A_70 : i32
    "tpu.region"() ({
      %run_scoped3A = tpu.sem_alloc : memref<!tpu.dma_semaphore, #tpu.memory_space<semaphore_mem>>
      %dma_start3A = arith.constant 0 : i32
      %dma_start3A_72 = tpu.memref_slice %arg6[%add3A_71, %dma_start3A] : memref<20480x128xf32, #tpu.memory_space<hbm>> -> memref<640x128xf32, #tpu.memory_space<hbm>>
      %dma_start3A_73 = arith.constant 0 : i32
      %dma_start3A_74 = tpu.memref_slice %arg12[%mul3A_66, %dma_start3A_73] : memref<10240x128xf32, #tpu.memory_space<vmem_shared>> -> memref<640x128xf32, #tpu.memory_space<vmem_shared>>
      tpu.enqueue_dma source(%dma_start3A_74 : memref<640x128xf32, #tpu.memory_space<vmem_shared>>) target(%dma_start3A_72 : memref<640x128xf32, #tpu.memory_space<hbm>>) target_semaphore(%run_scoped3A : memref<!tpu.dma_semaphore, #tpu.memory_space<semaphore_mem>>)
      %dma_wait3A = arith.constant 0 : i32
      %dma_wait3A_75 = tpu.memref_slice %arg6[%add3A_71, %dma_wait3A] : memref<20480x128xf32, #tpu.memory_space<hbm>> -> memref<640x128xf32, #tpu.memory_space<hbm>>
      %dma_wait3A_76 = arith.constant 0 : i32
      %dma_wait3A_77 = tpu.memref_slice %arg12[%mul3A_66, %dma_wait3A_76] : memref<10240x128xf32, #tpu.memory_space<vmem_shared>> -> memref<640x128xf32, #tpu.memory_space<vmem_shared>>
      tpu.wait_dma2 semaphore(%run_scoped3A : memref<!tpu.dma_semaphore, #tpu.memory_space<semaphore_mem>>) src(%dma_wait3A_77 : memref<640x128xf32, #tpu.memory_space<vmem_shared>>) dst(%dma_wait3A_75 : memref<640x128xf32, #tpu.memory_space<hbm>>)
      tpu.yield
    }) : () -> ()
    return
  }
}

#map = affine_map<(d0, d1) -> (0, 0)>
#map1 = affine_map<(d0, d1) -> (0)>
module attributes {stable_mosaic.version = 14 : i64} {
  func.func @_segsum_body(%arg0: i32, %arg1: i32, %arg2: memref<160000x16xf32, #tpu.memory_space<hbm>>, %arg3: memref<320000xi32, #tpu.memory_space<hbm>>, %arg4: memref<20480x16xf32, #tpu.memory_space<hbm>>, %arg5: memref<128xi32, #tpu.memory_space<vmem>>, %arg6: memref<128x16xf32, #tpu.memory_space<vmem>>, %arg7: memref<80x16xf32, #tpu.memory_space<vmem>>, %arg8: memref<10240x16xf32, #tpu.memory_space<vmem_shared>>, %arg9: memref<!tpu.dma_semaphore, #tpu.memory_space<semaphore_mem>>) attributes {dimension_semantics = [#tpu.dimension_semantics<core_parallel>, #tpu.dimension_semantics<subcore_parallel>], iteration_bounds = array<i64: 2, 16>, scalar_prefetch = 0 : i64, scratch_operands = 5 : i64, tpu.core_type = #tpu.core_type<sc_vector_subcore>, window_params = [{transform_indices = #map}, {transform_indices = #map1}, {transform_indices = #map}]} {
    %scan3A = arith.constant 0 : i32
    %scan3A_0 = arith.constant 80 : i32
    %scan3A_1 = arith.addi %scan3A, %scan3A_0 : i32
    %scan3A_2 = arith.constant 1 : i32
    scf.for %scan3A_72 = %scan3A to %scan3A_1 step %scan3A_2  : i32 {
      %broadcast_in_dim3A = arith.constant 0.000000e+00 : f32
      %broadcast_in_dim3A_73 = vector.broadcast %broadcast_in_dim3A : f32 to vector<16xf32>
      %swap3A = arith.index_cast %scan3A_72 : i32 to index
      %swap3A_74 = arith.constant 0 : index
      %swap3A_75 = tpu.vector_load %arg7[%swap3A, %swap3A_74] {strides = array<i32>} : memref<80x16xf32, #tpu.memory_space<vmem>>, vector<1x16xf32>,
      %swap3A_76 = vector.shape_cast %swap3A_75 : vector<1x16xf32> to vector<16xf32>
      %swap3A_77 = vector.shape_cast %broadcast_in_dim3A_73 : vector<16xf32> to vector<1x16xf32>
      tpu.vector_store %arg7[%swap3A, %swap3A_74], %swap3A_77 {strides = array<i32>} : memref<80x16xf32, #tpu.memory_space<vmem>>, vector<1x16xf32>,
    }
    %scan3A_3 = arith.constant 80 : i32
    %mul3A = arith.constant 640 : i32
    %mul3A_4 = arith.muli %arg1, %mul3A : i32
    %add3A = arith.constant 0 : i32
    %add3A_5 = arith.addi %mul3A_4, %add3A : i32
    "tpu.region"() ({
      %run_scoped3A = tpu.sem_alloc : memref<!tpu.dma_semaphore, #tpu.memory_space<semaphore_mem>>
      %dma_start3A = arith.constant 0 : i32
      %dma_start3A_72 = tpu.memref_slice %arg8[%add3A_5, %dma_start3A] : memref<10240x16xf32, #tpu.memory_space<vmem_shared>> -> memref<80x16xf32, #tpu.memory_space<vmem_shared>>
      %dma_start3A_73 = arith.constant 0 : i32
      %dma_start3A_74 = tpu.memref_slice %arg8[%add3A_5, %dma_start3A_73] : memref<10240x16xf32, #tpu.memory_space<vmem_shared>> -> memref<80x16xf32, #tpu.memory_space<vmem_shared>>
      tpu.enqueue_dma source(%arg7 : memref<80x16xf32, #tpu.memory_space<vmem>>) target(%dma_start3A_74 : memref<80x16xf32, #tpu.memory_space<vmem_shared>>) target_semaphore(%run_scoped3A : memref<!tpu.dma_semaphore, #tpu.memory_space<semaphore_mem>>)
      %dma_wait3A = arith.constant 0 : i32
      %dma_wait3A_75 = tpu.memref_slice %arg8[%add3A_5, %dma_wait3A] : memref<10240x16xf32, #tpu.memory_space<vmem_shared>> -> memref<80x16xf32, #tpu.memory_space<vmem_shared>>
      %dma_wait3A_76 = arith.constant 0 : i32
      %dma_wait3A_77 = tpu.memref_slice %arg8[%add3A_5, %dma_wait3A_76] : memref<10240x16xf32, #tpu.memory_space<vmem_shared>> -> memref<80x16xf32, #tpu.memory_space<vmem_shared>>
      tpu.wait_dma2 semaphore(%run_scoped3A : memref<!tpu.dma_semaphore, #tpu.memory_space<semaphore_mem>>) src(%arg7 : memref<80x16xf32, #tpu.memory_space<vmem>>) dst(%dma_wait3A_77 : memref<80x16xf32, #tpu.memory_space<vmem_shared>>)
      tpu.yield
    }) : () -> ()
    %mul3A_6 = arith.constant 640 : i32
    %mul3A_7 = arith.muli %arg1, %mul3A_6 : i32
    %add3A_8 = arith.constant 80 : i32
    %add3A_9 = arith.addi %mul3A_7, %add3A_8 : i32
    "tpu.region"() ({
      %run_scoped3A = tpu.sem_alloc : memref<!tpu.dma_semaphore, #tpu.memory_space<semaphore_mem>>
      %dma_start3A = arith.constant 0 : i32
      %dma_start3A_72 = tpu.memref_slice %arg8[%add3A_9, %dma_start3A] : memref<10240x16xf32, #tpu.memory_space<vmem_shared>> -> memref<80x16xf32, #tpu.memory_space<vmem_shared>>
      %dma_start3A_73 = arith.constant 0 : i32
      %dma_start3A_74 = tpu.memref_slice %arg8[%add3A_9, %dma_start3A_73] : memref<10240x16xf32, #tpu.memory_space<vmem_shared>> -> memref<80x16xf32, #tpu.memory_space<vmem_shared>>
      tpu.enqueue_dma source(%arg7 : memref<80x16xf32, #tpu.memory_space<vmem>>) target(%dma_start3A_74 : memref<80x16xf32, #tpu.memory_space<vmem_shared>>) target_semaphore(%run_scoped3A : memref<!tpu.dma_semaphore, #tpu.memory_space<semaphore_mem>>)
      %dma_wait3A = arith.constant 0 : i32
      %dma_wait3A_75 = tpu.memref_slice %arg8[%add3A_9, %dma_wait3A] : memref<10240x16xf32, #tpu.memory_space<vmem_shared>> -> memref<80x16xf32, #tpu.memory_space<vmem_shared>>
      %dma_wait3A_76 = arith.constant 0 : i32
      %dma_wait3A_77 = tpu.memref_slice %arg8[%add3A_9, %dma_wait3A_76] : memref<10240x16xf32, #tpu.memory_space<vmem_shared>> -> memref<80x16xf32, #tpu.memory_space<vmem_shared>>
      tpu.wait_dma2 semaphore(%run_scoped3A : memref<!tpu.dma_semaphore, #tpu.memory_space<semaphore_mem>>) src(%arg7 : memref<80x16xf32, #tpu.memory_space<vmem>>) dst(%dma_wait3A_77 : memref<80x16xf32, #tpu.memory_space<vmem_shared>>)
      tpu.yield
    }) : () -> ()
    %mul3A_10 = arith.constant 640 : i32
    %mul3A_11 = arith.muli %arg1, %mul3A_10 : i32
    %add3A_12 = arith.constant 160 : i32
    %add3A_13 = arith.addi %mul3A_11, %add3A_12 : i32
    "tpu.region"() ({
      %run_scoped3A = tpu.sem_alloc : memref<!tpu.dma_semaphore, #tpu.memory_space<semaphore_mem>>
      %dma_start3A = arith.constant 0 : i32
      %dma_start3A_72 = tpu.memref_slice %arg8[%add3A_13, %dma_start3A] : memref<10240x16xf32, #tpu.memory_space<vmem_shared>> -> memref<80x16xf32, #tpu.memory_space<vmem_shared>>
      %dma_start3A_73 = arith.constant 0 : i32
      %dma_start3A_74 = tpu.memref_slice %arg8[%add3A_13, %dma_start3A_73] : memref<10240x16xf32, #tpu.memory_space<vmem_shared>> -> memref<80x16xf32, #tpu.memory_space<vmem_shared>>
      tpu.enqueue_dma source(%arg7 : memref<80x16xf32, #tpu.memory_space<vmem>>) target(%dma_start3A_74 : memref<80x16xf32, #tpu.memory_space<vmem_shared>>) target_semaphore(%run_scoped3A : memref<!tpu.dma_semaphore, #tpu.memory_space<semaphore_mem>>)
      %dma_wait3A = arith.constant 0 : i32
      %dma_wait3A_75 = tpu.memref_slice %arg8[%add3A_13, %dma_wait3A] : memref<10240x16xf32, #tpu.memory_space<vmem_shared>> -> memref<80x16xf32, #tpu.memory_space<vmem_shared>>
      %dma_wait3A_76 = arith.constant 0 : i32
      %dma_wait3A_77 = tpu.memref_slice %arg8[%add3A_13, %dma_wait3A_76] : memref<10240x16xf32, #tpu.memory_space<vmem_shared>> -> memref<80x16xf32, #tpu.memory_space<vmem_shared>>
      tpu.wait_dma2 semaphore(%run_scoped3A : memref<!tpu.dma_semaphore, #tpu.memory_space<semaphore_mem>>) src(%arg7 : memref<80x16xf32, #tpu.memory_space<vmem>>) dst(%dma_wait3A_77 : memref<80x16xf32, #tpu.memory_space<vmem_shared>>)
      tpu.yield
    }) : () -> ()
    %mul3A_14 = arith.constant 640 : i32
    %mul3A_15 = arith.muli %arg1, %mul3A_14 : i32
    %add3A_16 = arith.constant 240 : i32
    %add3A_17 = arith.addi %mul3A_15, %add3A_16 : i32
    "tpu.region"() ({
      %run_scoped3A = tpu.sem_alloc : memref<!tpu.dma_semaphore, #tpu.memory_space<semaphore_mem>>
      %dma_start3A = arith.constant 0 : i32
      %dma_start3A_72 = tpu.memref_slice %arg8[%add3A_17, %dma_start3A] : memref<10240x16xf32, #tpu.memory_space<vmem_shared>> -> memref<80x16xf32, #tpu.memory_space<vmem_shared>>
      %dma_start3A_73 = arith.constant 0 : i32
      %dma_start3A_74 = tpu.memref_slice %arg8[%add3A_17, %dma_start3A_73] : memref<10240x16xf32, #tpu.memory_space<vmem_shared>> -> memref<80x16xf32, #tpu.memory_space<vmem_shared>>
      tpu.enqueue_dma source(%arg7 : memref<80x16xf32, #tpu.memory_space<vmem>>) target(%dma_start3A_74 : memref<80x16xf32, #tpu.memory_space<vmem_shared>>) target_semaphore(%run_scoped3A : memref<!tpu.dma_semaphore, #tpu.memory_space<semaphore_mem>>)
      %dma_wait3A = arith.constant 0 : i32
      %dma_wait3A_75 = tpu.memref_slice %arg8[%add3A_17, %dma_wait3A] : memref<10240x16xf32, #tpu.memory_space<vmem_shared>> -> memref<80x16xf32, #tpu.memory_space<vmem_shared>>
      %dma_wait3A_76 = arith.constant 0 : i32
      %dma_wait3A_77 = tpu.memref_slice %arg8[%add3A_17, %dma_wait3A_76] : memref<10240x16xf32, #tpu.memory_space<vmem_shared>> -> memref<80x16xf32, #tpu.memory_space<vmem_shared>>
      tpu.wait_dma2 semaphore(%run_scoped3A : memref<!tpu.dma_semaphore, #tpu.memory_space<semaphore_mem>>) src(%arg7 : memref<80x16xf32, #tpu.memory_space<vmem>>) dst(%dma_wait3A_77 : memref<80x16xf32, #tpu.memory_space<vmem_shared>>)
      tpu.yield
    }) : () -> ()
    %mul3A_18 = arith.constant 640 : i32
    %mul3A_19 = arith.muli %arg1, %mul3A_18 : i32
    %add3A_20 = arith.constant 320 : i32
    %add3A_21 = arith.addi %mul3A_19, %add3A_20 : i32
    "tpu.region"() ({
      %run_scoped3A = tpu.sem_alloc : memref<!tpu.dma_semaphore, #tpu.memory_space<semaphore_mem>>
      %dma_start3A = arith.constant 0 : i32
      %dma_start3A_72 = tpu.memref_slice %arg8[%add3A_21, %dma_start3A] : memref<10240x16xf32, #tpu.memory_space<vmem_shared>> -> memref<80x16xf32, #tpu.memory_space<vmem_shared>>
      %dma_start3A_73 = arith.constant 0 : i32
      %dma_start3A_74 = tpu.memref_slice %arg8[%add3A_21, %dma_start3A_73] : memref<10240x16xf32, #tpu.memory_space<vmem_shared>> -> memref<80x16xf32, #tpu.memory_space<vmem_shared>>
      tpu.enqueue_dma source(%arg7 : memref<80x16xf32, #tpu.memory_space<vmem>>) target(%dma_start3A_74 : memref<80x16xf32, #tpu.memory_space<vmem_shared>>) target_semaphore(%run_scoped3A : memref<!tpu.dma_semaphore, #tpu.memory_space<semaphore_mem>>)
      %dma_wait3A = arith.constant 0 : i32
      %dma_wait3A_75 = tpu.memref_slice %arg8[%add3A_21, %dma_wait3A] : memref<10240x16xf32, #tpu.memory_space<vmem_shared>> -> memref<80x16xf32, #tpu.memory_space<vmem_shared>>
      %dma_wait3A_76 = arith.constant 0 : i32
      %dma_wait3A_77 = tpu.memref_slice %arg8[%add3A_21, %dma_wait3A_76] : memref<10240x16xf32, #tpu.memory_space<vmem_shared>> -> memref<80x16xf32, #tpu.memory_space<vmem_shared>>
      tpu.wait_dma2 semaphore(%run_scoped3A : memref<!tpu.dma_semaphore, #tpu.memory_space<semaphore_mem>>) src(%arg7 : memref<80x16xf32, #tpu.memory_space<vmem>>) dst(%dma_wait3A_77 : memref<80x16xf32, #tpu.memory_space<vmem_shared>>)
      tpu.yield
    }) : () -> ()
    %mul3A_22 = arith.constant 640 : i32
    %mul3A_23 = arith.muli %arg1, %mul3A_22 : i32
    %add3A_24 = arith.constant 400 : i32
    %add3A_25 = arith.addi %mul3A_23, %add3A_24 : i32
    "tpu.region"() ({
      %run_scoped3A = tpu.sem_alloc : memref<!tpu.dma_semaphore, #tpu.memory_space<semaphore_mem>>
      %dma_start3A = arith.constant 0 : i32
      %dma_start3A_72 = tpu.memref_slice %arg8[%add3A_25, %dma_start3A] : memref<10240x16xf32, #tpu.memory_space<vmem_shared>> -> memref<80x16xf32, #tpu.memory_space<vmem_shared>>
      %dma_start3A_73 = arith.constant 0 : i32
      %dma_start3A_74 = tpu.memref_slice %arg8[%add3A_25, %dma_start3A_73] : memref<10240x16xf32, #tpu.memory_space<vmem_shared>> -> memref<80x16xf32, #tpu.memory_space<vmem_shared>>
      tpu.enqueue_dma source(%arg7 : memref<80x16xf32, #tpu.memory_space<vmem>>) target(%dma_start3A_74 : memref<80x16xf32, #tpu.memory_space<vmem_shared>>) target_semaphore(%run_scoped3A : memref<!tpu.dma_semaphore, #tpu.memory_space<semaphore_mem>>)
      %dma_wait3A = arith.constant 0 : i32
      %dma_wait3A_75 = tpu.memref_slice %arg8[%add3A_25, %dma_wait3A] : memref<10240x16xf32, #tpu.memory_space<vmem_shared>> -> memref<80x16xf32, #tpu.memory_space<vmem_shared>>
      %dma_wait3A_76 = arith.constant 0 : i32
      %dma_wait3A_77 = tpu.memref_slice %arg8[%add3A_25, %dma_wait3A_76] : memref<10240x16xf32, #tpu.memory_space<vmem_shared>> -> memref<80x16xf32, #tpu.memory_space<vmem_shared>>
      tpu.wait_dma2 semaphore(%run_scoped3A : memref<!tpu.dma_semaphore, #tpu.memory_space<semaphore_mem>>) src(%arg7 : memref<80x16xf32, #tpu.memory_space<vmem>>) dst(%dma_wait3A_77 : memref<80x16xf32, #tpu.memory_space<vmem_shared>>)
      tpu.yield
    }) : () -> ()
    %mul3A_26 = arith.constant 640 : i32
    %mul3A_27 = arith.muli %arg1, %mul3A_26 : i32
    %add3A_28 = arith.constant 480 : i32
    %add3A_29 = arith.addi %mul3A_27, %add3A_28 : i32
    "tpu.region"() ({
      %run_scoped3A = tpu.sem_alloc : memref<!tpu.dma_semaphore, #tpu.memory_space<semaphore_mem>>
      %dma_start3A = arith.constant 0 : i32
      %dma_start3A_72 = tpu.memref_slice %arg8[%add3A_29, %dma_start3A] : memref<10240x16xf32, #tpu.memory_space<vmem_shared>> -> memref<80x16xf32, #tpu.memory_space<vmem_shared>>
      %dma_start3A_73 = arith.constant 0 : i32
      %dma_start3A_74 = tpu.memref_slice %arg8[%add3A_29, %dma_start3A_73] : memref<10240x16xf32, #tpu.memory_space<vmem_shared>> -> memref<80x16xf32, #tpu.memory_space<vmem_shared>>
      tpu.enqueue_dma source(%arg7 : memref<80x16xf32, #tpu.memory_space<vmem>>) target(%dma_start3A_74 : memref<80x16xf32, #tpu.memory_space<vmem_shared>>) target_semaphore(%run_scoped3A : memref<!tpu.dma_semaphore, #tpu.memory_space<semaphore_mem>>)
      %dma_wait3A = arith.constant 0 : i32
      %dma_wait3A_75 = tpu.memref_slice %arg8[%add3A_29, %dma_wait3A] : memref<10240x16xf32, #tpu.memory_space<vmem_shared>> -> memref<80x16xf32, #tpu.memory_space<vmem_shared>>
      %dma_wait3A_76 = arith.constant 0 : i32
      %dma_wait3A_77 = tpu.memref_slice %arg8[%add3A_29, %dma_wait3A_76] : memref<10240x16xf32, #tpu.memory_space<vmem_shared>> -> memref<80x16xf32, #tpu.memory_space<vmem_shared>>
      tpu.wait_dma2 semaphore(%run_scoped3A : memref<!tpu.dma_semaphore, #tpu.memory_space<semaphore_mem>>) src(%arg7 : memref<80x16xf32, #tpu.memory_space<vmem>>) dst(%dma_wait3A_77 : memref<80x16xf32, #tpu.memory_space<vmem_shared>>)
      tpu.yield
    }) : () -> ()
    %mul3A_30 = arith.constant 640 : i32
    %mul3A_31 = arith.muli %arg1, %mul3A_30 : i32
    %add3A_32 = arith.constant 560 : i32
    %add3A_33 = arith.addi %mul3A_31, %add3A_32 : i32
    "tpu.region"() ({
      %run_scoped3A = tpu.sem_alloc : memref<!tpu.dma_semaphore, #tpu.memory_space<semaphore_mem>>
      %dma_start3A = arith.constant 0 : i32
      %dma_start3A_72 = tpu.memref_slice %arg8[%add3A_33, %dma_start3A] : memref<10240x16xf32, #tpu.memory_space<vmem_shared>> -> memref<80x16xf32, #tpu.memory_space<vmem_shared>>
      %dma_start3A_73 = arith.constant 0 : i32
      %dma_start3A_74 = tpu.memref_slice %arg8[%add3A_33, %dma_start3A_73] : memref<10240x16xf32, #tpu.memory_space<vmem_shared>> -> memref<80x16xf32, #tpu.memory_space<vmem_shared>>
      tpu.enqueue_dma source(%arg7 : memref<80x16xf32, #tpu.memory_space<vmem>>) target(%dma_start3A_74 : memref<80x16xf32, #tpu.memory_space<vmem_shared>>) target_semaphore(%run_scoped3A : memref<!tpu.dma_semaphore, #tpu.memory_space<semaphore_mem>>)
      %dma_wait3A = arith.constant 0 : i32
      %dma_wait3A_75 = tpu.memref_slice %arg8[%add3A_33, %dma_wait3A] : memref<10240x16xf32, #tpu.memory_space<vmem_shared>> -> memref<80x16xf32, #tpu.memory_space<vmem_shared>>
      %dma_wait3A_76 = arith.constant 0 : i32
      %dma_wait3A_77 = tpu.memref_slice %arg8[%add3A_33, %dma_wait3A_76] : memref<10240x16xf32, #tpu.memory_space<vmem_shared>> -> memref<80x16xf32, #tpu.memory_space<vmem_shared>>
      tpu.wait_dma2 semaphore(%run_scoped3A : memref<!tpu.dma_semaphore, #tpu.memory_space<semaphore_mem>>) src(%arg7 : memref<80x16xf32, #tpu.memory_space<vmem>>) dst(%dma_wait3A_77 : memref<80x16xf32, #tpu.memory_space<vmem_shared>>)
      tpu.yield
    }) : () -> ()
    %barrier3A = arith.constant 0 : index
    tpu.barrier barrier_id(%barrier3A)
    %sub3A = arith.constant 1250 : i32
    %sub3A_34 = arith.subi %sub3A, %arg1 : i32
    %add3A_35 = arith.constant 16 : i32
    %add3A_36 = arith.addi %sub3A_34, %add3A_35 : i32
    %sub3A_37 = arith.constant 1 : i32
    %sub3A_38 = arith.subi %add3A_36, %sub3A_37 : i32
    %jit3A = arith.constant 16 : i32
    %div3A = arith.divsi %sub3A_38, %jit3A : i32
    %sign3A = arith.constant 0 : i32
    %sign3A_39 = arith.cmpi sgt, %sub3A_38, %sign3A : i32
    %sign3A_40 = arith.extui %sign3A_39 : i1 to i32
    %sign3A_41 = arith.constant 0 : i32
    %sign3A_42 = arith.cmpi slt, %sub3A_38, %sign3A_41 : i32
    %sign3A_43 = arith.extui %sign3A_42 : i1 to i32
    %sign3A_44 = arith.subi %sign3A_40, %sign3A_43 : i32
    %sign3A_45 = arith.constant 0 : i32
    %sign3A_46 = arith.cmpi sgt, %jit3A, %sign3A_45 : i32
    %sign3A_47 = arith.extui %sign3A_46 : i1 to i32
    %sign3A_48 = arith.constant 0 : i32
    %sign3A_49 = arith.cmpi slt, %jit3A, %sign3A_48 : i32
    %sign3A_50 = arith.extui %sign3A_49 : i1 to i32
    %sign3A_51 = arith.subi %sign3A_47, %sign3A_50 : i32
    %ne3A = arith.cmpi ne, %sign3A_44, %sign3A_51 : i32
    %rem3A = arith.remsi %sub3A_38, %jit3A : i32
    %ne3A_52 = arith.constant 0 : i32
    %ne3A_53 = arith.cmpi ne, %rem3A, %ne3A_52 : i32
    %and3A = arith.andi %ne3A, %ne3A_53 : i1
    %sub3A_54 = arith.constant 1 : i32
    %sub3A_55 = arith.subi %div3A, %sub3A_54 : i32
    %select_n3A = arith.select %and3A, %sub3A_55, %div3A : i32
    %while3A = arith.constant 0 : i32
    %while3A_56 = arith.subi %select_n3A, %while3A : i32
    %while3A_57 = arith.addi %while3A, %while3A_56 : i32
    %while3A_58 = arith.constant 1 : i32
    %while3A_59 = arith.divsi %while3A_56, %while3A_58 : i32
    %while3A_60 = arith.muli %while3A_59, %while3A_58 : i32
    %while3A_61 = arith.addi %while3A, %while3A_60 : i32
    %while3A_62 = arith.constant 1 : i32
    scf.for %while3A_72 = %while3A to %while3A_61 step %while3A_62  : i32 {
      %mul3A_73 = arith.constant 16 : i32
      %mul3A_74 = arith.muli %while3A_72, %mul3A_73 : i32
      %add3A_75 = arith.addi %arg1, %mul3A_74 : i32
      %mul3A_76 = arith.constant 128 : i32
      %mul3A_77 = arith.muli %add3A_75, %mul3A_76 : i32
      %mul3A_78 = arith.constant 160000 : i32
      %mul3A_79 = arith.muli %arg0, %mul3A_78 : i32
      %add3A_80 = arith.addi %mul3A_79, %mul3A_77 : i32
      "tpu.region"() ({
        %run_scoped3A = tpu.sem_alloc : memref<!tpu.dma_semaphore, #tpu.memory_space<semaphore_mem>>
        %dma_start3A = tpu.memref_slice %arg3[%add3A_80] : memref<320000xi32, #tpu.memory_space<hbm>> -> memref<128xi32, #tpu.memory_space<hbm>>
        %dma_start3A_81 = tpu.memref_slice %arg3[%add3A_80] : memref<320000xi32, #tpu.memory_space<hbm>> -> memref<128xi32, #tpu.memory_space<hbm>>
        tpu.enqueue_dma source(%dma_start3A_81 : memref<128xi32, #tpu.memory_space<hbm>>) target(%arg5 : memref<128xi32, #tpu.memory_space<vmem>>) target_semaphore(%run_scoped3A : memref<!tpu.dma_semaphore, #tpu.memory_space<semaphore_mem>>)
        %dma_wait3A = tpu.memref_slice %arg3[%add3A_80] : memref<320000xi32, #tpu.memory_space<hbm>> -> memref<128xi32, #tpu.memory_space<hbm>>
        %dma_wait3A_82 = tpu.memref_slice %arg3[%add3A_80] : memref<320000xi32, #tpu.memory_space<hbm>> -> memref<128xi32, #tpu.memory_space<hbm>>
        tpu.wait_dma2 semaphore(%run_scoped3A : memref<!tpu.dma_semaphore, #tpu.memory_space<semaphore_mem>>) src(%dma_wait3A_82 : memref<128xi32, #tpu.memory_space<hbm>>) dst(%arg5 : memref<128xi32, #tpu.memory_space<vmem>>)
        tpu.yield
      }) : () -> ()
      "tpu.region"() ({
        %run_scoped3A = tpu.sem_alloc : memref<!tpu.dma_semaphore, #tpu.memory_space<semaphore_mem>>
        %dma_start3A = arith.constant 0 : i32
        %dma_start3A_81 = tpu.memref_slice %arg2[%mul3A_77, %dma_start3A] : memref<160000x16xf32, #tpu.memory_space<hbm>> -> memref<128x16xf32, #tpu.memory_space<hbm>>
        %dma_start3A_82 = arith.constant 0 : i32
        %dma_start3A_83 = tpu.memref_slice %arg2[%mul3A_77, %dma_start3A_82] : memref<160000x16xf32, #tpu.memory_space<hbm>> -> memref<128x16xf32, #tpu.memory_space<hbm>>
        tpu.enqueue_dma source(%dma_start3A_83 : memref<128x16xf32, #tpu.memory_space<hbm>>) target(%arg6 : memref<128x16xf32, #tpu.memory_space<vmem>>) target_semaphore(%run_scoped3A : memref<!tpu.dma_semaphore, #tpu.memory_space<semaphore_mem>>)
        %dma_wait3A = arith.constant 0 : i32
        %dma_wait3A_84 = tpu.memref_slice %arg2[%mul3A_77, %dma_wait3A] : memref<160000x16xf32, #tpu.memory_space<hbm>> -> memref<128x16xf32, #tpu.memory_space<hbm>>
        %dma_wait3A_85 = arith.constant 0 : i32
        %dma_wait3A_86 = tpu.memref_slice %arg2[%mul3A_77, %dma_wait3A_85] : memref<160000x16xf32, #tpu.memory_space<hbm>> -> memref<128x16xf32, #tpu.memory_space<hbm>>
        tpu.wait_dma2 semaphore(%run_scoped3A : memref<!tpu.dma_semaphore, #tpu.memory_space<semaphore_mem>>) src(%dma_wait3A_86 : memref<128x16xf32, #tpu.memory_space<hbm>>) dst(%arg6 : memref<128x16xf32, #tpu.memory_space<vmem>>)
        tpu.yield
      }) : () -> ()
      "tpu.region"() ({
        %run_scoped3A = tpu.sem_alloc : memref<!tpu.dma_semaphore, #tpu.memory_space<semaphore_mem>>
        %dma_start3A = arith.constant 0 : i32
        %dma_start3A_81 = arith.constant 0 : i32
        %dma_start3A_82 = tpu.memref_slice %arg8[%dma_start3A, %dma_start3A_81] : memref<10240x16xf32, #tpu.memory_space<vmem_shared>> -> memref<10240x16xf32, #tpu.memory_space<vmem_shared>>
        tpu.enqueue_indirect_dma source(%arg6 : memref<128x16xf32, #tpu.memory_space<vmem>>) target(%dma_start3A_82 : memref<10240x16xf32, #tpu.memory_space<vmem_shared>>) offsets(%arg5 : memref<128xi32, #tpu.memory_space<vmem>>) semaphore(%run_scoped3A : memref<!tpu.dma_semaphore, #tpu.memory_space<semaphore_mem>>) {add = true}
        %dma_wait3A = arith.constant 0 : i32
        %dma_wait3A_83 = arith.constant 0 : i32
        %dma_wait3A_84 = tpu.memref_slice %arg8[%dma_wait3A, %dma_wait3A_83] : memref<10240x16xf32, #tpu.memory_space<vmem_shared>> -> memref<10240x16xf32, #tpu.memory_space<vmem_shared>>
        tpu.wait_indirect_dma semaphore(%run_scoped3A : memref<!tpu.dma_semaphore, #tpu.memory_space<semaphore_mem>>) src(%arg6 : memref<128x16xf32, #tpu.memory_space<vmem>>) dst(%dma_wait3A_84 : memref<10240x16xf32, #tpu.memory_space<vmem_shared>>)
        tpu.yield
      }) : () -> ()
    }
    %while3A_63 = arith.constant 1 : i32
    scf.for %while3A_72 = %while3A_61 to %while3A_57 step %while3A_63  : i32 {
      %mul3A_73 = arith.constant 16 : i32
      %mul3A_74 = arith.muli %while3A_72, %mul3A_73 : i32
      %add3A_75 = arith.addi %arg1, %mul3A_74 : i32
      %mul3A_76 = arith.constant 128 : i32
      %mul3A_77 = arith.muli %add3A_75, %mul3A_76 : i32
      %mul3A_78 = arith.constant 160000 : i32
      %mul3A_79 = arith.muli %arg0, %mul3A_78 : i32
      %add3A_80 = arith.addi %mul3A_79, %mul3A_77 : i32
      "tpu.region"() ({
        %run_scoped3A = tpu.sem_alloc : memref<!tpu.dma_semaphore, #tpu.memory_space<semaphore_mem>>
        %dma_start3A = tpu.memref_slice %arg3[%add3A_80] : memref<320000xi32, #tpu.memory_space<hbm>> -> memref<128xi32, #tpu.memory_space<hbm>>
        %dma_start3A_81 = tpu.memref_slice %arg3[%add3A_80] : memref<320000xi32, #tpu.memory_space<hbm>> -> memref<128xi32, #tpu.memory_space<hbm>>
        tpu.enqueue_dma source(%dma_start3A_81 : memref<128xi32, #tpu.memory_space<hbm>>) target(%arg5 : memref<128xi32, #tpu.memory_space<vmem>>) target_semaphore(%run_scoped3A : memref<!tpu.dma_semaphore, #tpu.memory_space<semaphore_mem>>)
        %dma_wait3A = tpu.memref_slice %arg3[%add3A_80] : memref<320000xi32, #tpu.memory_space<hbm>> -> memref<128xi32, #tpu.memory_space<hbm>>
        %dma_wait3A_82 = tpu.memref_slice %arg3[%add3A_80] : memref<320000xi32, #tpu.memory_space<hbm>> -> memref<128xi32, #tpu.memory_space<hbm>>
        tpu.wait_dma2 semaphore(%run_scoped3A : memref<!tpu.dma_semaphore, #tpu.memory_space<semaphore_mem>>) src(%dma_wait3A_82 : memref<128xi32, #tpu.memory_space<hbm>>) dst(%arg5 : memref<128xi32, #tpu.memory_space<vmem>>)
        tpu.yield
      }) : () -> ()
      "tpu.region"() ({
        %run_scoped3A = tpu.sem_alloc : memref<!tpu.dma_semaphore, #tpu.memory_space<semaphore_mem>>
        %dma_start3A = arith.constant 0 : i32
        %dma_start3A_81 = tpu.memref_slice %arg2[%mul3A_77, %dma_start3A] : memref<160000x16xf32, #tpu.memory_space<hbm>> -> memref<128x16xf32, #tpu.memory_space<hbm>>
        %dma_start3A_82 = arith.constant 0 : i32
        %dma_start3A_83 = tpu.memref_slice %arg2[%mul3A_77, %dma_start3A_82] : memref<160000x16xf32, #tpu.memory_space<hbm>> -> memref<128x16xf32, #tpu.memory_space<hbm>>
        tpu.enqueue_dma source(%dma_start3A_83 : memref<128x16xf32, #tpu.memory_space<hbm>>) target(%arg6 : memref<128x16xf32, #tpu.memory_space<vmem>>) target_semaphore(%run_scoped3A : memref<!tpu.dma_semaphore, #tpu.memory_space<semaphore_mem>>)
        %dma_wait3A = arith.constant 0 : i32
        %dma_wait3A_84 = tpu.memref_slice %arg2[%mul3A_77, %dma_wait3A] : memref<160000x16xf32, #tpu.memory_space<hbm>> -> memref<128x16xf32, #tpu.memory_space<hbm>>
        %dma_wait3A_85 = arith.constant 0 : i32
        %dma_wait3A_86 = tpu.memref_slice %arg2[%mul3A_77, %dma_wait3A_85] : memref<160000x16xf32, #tpu.memory_space<hbm>> -> memref<128x16xf32, #tpu.memory_space<hbm>>
        tpu.wait_dma2 semaphore(%run_scoped3A : memref<!tpu.dma_semaphore, #tpu.memory_space<semaphore_mem>>) src(%dma_wait3A_86 : memref<128x16xf32, #tpu.memory_space<hbm>>) dst(%arg6 : memref<128x16xf32, #tpu.memory_space<vmem>>)
        tpu.yield
      }) : () -> ()
      "tpu.region"() ({
        %run_scoped3A = tpu.sem_alloc : memref<!tpu.dma_semaphore, #tpu.memory_space<semaphore_mem>>
        %dma_start3A = arith.constant 0 : i32
        %dma_start3A_81 = arith.constant 0 : i32
        %dma_start3A_82 = tpu.memref_slice %arg8[%dma_start3A, %dma_start3A_81] : memref<10240x16xf32, #tpu.memory_space<vmem_shared>> -> memref<10240x16xf32, #tpu.memory_space<vmem_shared>>
        tpu.enqueue_indirect_dma source(%arg6 : memref<128x16xf32, #tpu.memory_space<vmem>>) target(%dma_start3A_82 : memref<10240x16xf32, #tpu.memory_space<vmem_shared>>) offsets(%arg5 : memref<128xi32, #tpu.memory_space<vmem>>) semaphore(%run_scoped3A : memref<!tpu.dma_semaphore, #tpu.memory_space<semaphore_mem>>) {add = true}
        %dma_wait3A = arith.constant 0 : i32
        %dma_wait3A_83 = arith.constant 0 : i32
        %dma_wait3A_84 = tpu.memref_slice %arg8[%dma_wait3A, %dma_wait3A_83] : memref<10240x16xf32, #tpu.memory_space<vmem_shared>> -> memref<10240x16xf32, #tpu.memory_space<vmem_shared>>
        tpu.wait_indirect_dma semaphore(%run_scoped3A : memref<!tpu.dma_semaphore, #tpu.memory_space<semaphore_mem>>) src(%arg6 : memref<128x16xf32, #tpu.memory_space<vmem>>) dst(%dma_wait3A_84 : memref<10240x16xf32, #tpu.memory_space<vmem_shared>>)
        tpu.yield
      }) : () -> ()
    }
    %barrier3A_64 = arith.constant 0 : index
    tpu.barrier barrier_id(%barrier3A_64)
    %mul3A_65 = arith.constant 640 : i32
    %mul3A_66 = arith.muli %arg1, %mul3A_65 : i32
    %mul3A_67 = arith.constant 10240 : i32
    %mul3A_68 = arith.muli %arg0, %mul3A_67 : i32
    %mul3A_69 = arith.constant 640 : i32
    %mul3A_70 = arith.muli %arg1, %mul3A_69 : i32
    %add3A_71 = arith.addi %mul3A_68, %mul3A_70 : i32
    "tpu.region"() ({
      %run_scoped3A = tpu.sem_alloc : memref<!tpu.dma_semaphore, #tpu.memory_space<semaphore_mem>>
      %dma_start3A = arith.constant 0 : i32
      %dma_start3A_72 = tpu.memref_slice %arg4[%add3A_71, %dma_start3A] : memref<20480x16xf32, #tpu.memory_space<hbm>> -> memref<640x16xf32, #tpu.memory_space<hbm>>
      %dma_start3A_73 = arith.constant 0 : i32
      %dma_start3A_74 = tpu.memref_slice %arg8[%mul3A_66, %dma_start3A_73] : memref<10240x16xf32, #tpu.memory_space<vmem_shared>> -> memref<640x16xf32, #tpu.memory_space<vmem_shared>>
      tpu.enqueue_dma source(%dma_start3A_74 : memref<640x16xf32, #tpu.memory_space<vmem_shared>>) target(%dma_start3A_72 : memref<640x16xf32, #tpu.memory_space<hbm>>) target_semaphore(%run_scoped3A : memref<!tpu.dma_semaphore, #tpu.memory_space<semaphore_mem>>)
      %dma_wait3A = arith.constant 0 : i32
      %dma_wait3A_75 = tpu.memref_slice %arg4[%add3A_71, %dma_wait3A] : memref<20480x16xf32, #tpu.memory_space<hbm>> -> memref<640x16xf32, #tpu.memory_space<hbm>>
      %dma_wait3A_76 = arith.constant 0 : i32
      %dma_wait3A_77 = tpu.memref_slice %arg8[%mul3A_66, %dma_wait3A_76] : memref<10240x16xf32, #tpu.memory_space<vmem_shared>> -> memref<640x16xf32, #tpu.memory_space<vmem_shared>>
      tpu.wait_dma2 semaphore(%run_scoped3A : memref<!tpu.dma_semaphore, #tpu.memory_space<semaphore_mem>>) src(%dma_wait3A_77 : memref<640x16xf32, #tpu.memory_space<vmem_shared>>) dst(%dma_wait3A_75 : memref<640x16xf32, #tpu.memory_space<hbm>>)
      tpu.yield
    }) : () -> ()
    return
  }
}

#map = affine_map<(d0, d1) -> (0, 0)>
#map1 = affine_map<(d0, d1) -> (0)>
module attributes {stable_mosaic.version = 14 : i64} {
  func.func @_acoef_body(%arg0: i32, %arg1: i32, %arg2: memref<160000x16xf32, #tpu.memory_space<hbm>>, %arg3: memref<10240x128xf32, #tpu.memory_space<hbm>>, %arg4: memref<10240x128xf32, #tpu.memory_space<hbm>>, %arg5: memref<160000xi32, #tpu.memory_space<hbm>>, %arg6: memref<160000xi32, #tpu.memory_space<hbm>>, %arg7: memref<160000x16xf32, #tpu.memory_space<hbm>>, %arg8: memref<128xi32, #tpu.memory_space<vmem>>, %arg9: memref<128xi32, #tpu.memory_space<vmem>>, %arg10: memref<128x16xf32, #tpu.memory_space<vmem>>, %arg11: memref<128x128xf32, #tpu.memory_space<vmem>>, %arg12: memref<128x128xf32, #tpu.memory_space<vmem>>, %arg13: memref<128x16xf32, #tpu.memory_space<vmem>>, %arg14: memref<!tpu.dma_semaphore, #tpu.memory_space<semaphore_mem>>) attributes {dimension_semantics = [#tpu.dimension_semantics<core_parallel>, #tpu.dimension_semantics<subcore_parallel>], iteration_bounds = array<i64: 2, 16>, scalar_prefetch = 0 : i64, scratch_operands = 7 : i64, tpu.core_type = #tpu.core_type<sc_vector_subcore>, window_params = [{transform_indices = #map}, {transform_indices = #map}, {transform_indices = #map}, {transform_indices = #map1}, {transform_indices = #map1}, {transform_indices = #map}]} {
    %mul3A = arith.constant 16 : i32
    %mul3A_0 = arith.muli %arg0, %mul3A : i32
    %add3A = arith.addi %mul3A_0, %arg1 : i32
    %sub3A = arith.constant 1250 : i32
    %sub3A_1 = arith.subi %sub3A, %add3A : i32
    %add3A_2 = arith.constant 31 : i32
    %add3A_3 = arith.addi %sub3A_1, %add3A_2 : i32
    %jit3A = arith.constant 32 : i32
    %div3A = arith.divsi %add3A_3, %jit3A : i32
    %sign3A = arith.constant 0 : i32
    %sign3A_4 = arith.cmpi sgt, %add3A_3, %sign3A : i32
    %sign3A_5 = arith.extui %sign3A_4 : i1 to i32
    %sign3A_6 = arith.constant 0 : i32
    %sign3A_7 = arith.cmpi slt, %add3A_3, %sign3A_6 : i32
    %sign3A_8 = arith.extui %sign3A_7 : i1 to i32
    %sign3A_9 = arith.subi %sign3A_5, %sign3A_8 : i32
    %sign3A_10 = arith.constant 0 : i32
    %sign3A_11 = arith.cmpi sgt, %jit3A, %sign3A_10 : i32
    %sign3A_12 = arith.extui %sign3A_11 : i1 to i32
    %sign3A_13 = arith.constant 0 : i32
    %sign3A_14 = arith.cmpi slt, %jit3A, %sign3A_13 : i32
    %sign3A_15 = arith.extui %sign3A_14 : i1 to i32
    %sign3A_16 = arith.subi %sign3A_12, %sign3A_15 : i32
    %ne3A = arith.cmpi ne, %sign3A_9, %sign3A_16 : i32
    %rem3A = arith.remsi %add3A_3, %jit3A : i32
    %ne3A_17 = arith.constant 0 : i32
    %ne3A_18 = arith.cmpi ne, %rem3A, %ne3A_17 : i32
    %and3A = arith.andi %ne3A, %ne3A_18 : i1
    %sub3A_19 = arith.constant 1 : i32
    %sub3A_20 = arith.subi %div3A, %sub3A_19 : i32
    %select_n3A = arith.select %and3A, %sub3A_20, %div3A : i32
    %while3A = arith.constant 0 : i32
    %while3A_21 = arith.subi %select_n3A, %while3A : i32
    %while3A_22 = arith.addi %while3A, %while3A_21 : i32
    %while3A_23 = arith.constant 1 : i32
    %while3A_24 = arith.divsi %while3A_21, %while3A_23 : i32
    %while3A_25 = arith.muli %while3A_24, %while3A_23 : i32
    %while3A_26 = arith.addi %while3A, %while3A_25 : i32
    %while3A_27 = arith.constant 1 : i32
    scf.for %while3A_29 = %while3A to %while3A_26 step %while3A_27  : i32 {
      %mul3A_30 = arith.constant 32 : i32
      %mul3A_31 = arith.muli %while3A_29, %mul3A_30 : i32
      %add3A_32 = arith.addi %add3A, %mul3A_31 : i32
      %mul3A_33 = arith.constant 128 : i32
      %mul3A_34 = arith.muli %add3A_32, %mul3A_33 : i32
      "tpu.region"() ({
        %run_scoped3A = tpu.sem_alloc : memref<!tpu.dma_semaphore, #tpu.memory_space<semaphore_mem>>
        %dma_start3A_49 = tpu.memref_slice %arg5[%mul3A_34] : memref<160000xi32, #tpu.memory_space<hbm>> -> memref<128xi32, #tpu.memory_space<hbm>>
        %dma_start3A_50 = tpu.memref_slice %arg5[%mul3A_34] : memref<160000xi32, #tpu.memory_space<hbm>> -> memref<128xi32, #tpu.memory_space<hbm>>
        tpu.enqueue_dma source(%dma_start3A_50 : memref<128xi32, #tpu.memory_space<hbm>>) target(%arg8 : memref<128xi32, #tpu.memory_space<vmem>>) target_semaphore(%run_scoped3A : memref<!tpu.dma_semaphore, #tpu.memory_space<semaphore_mem>>)
        %dma_wait3A_51 = tpu.memref_slice %arg5[%mul3A_34] : memref<160000xi32, #tpu.memory_space<hbm>> -> memref<128xi32, #tpu.memory_space<hbm>>
        %dma_wait3A_52 = tpu.memref_slice %arg5[%mul3A_34] : memref<160000xi32, #tpu.memory_space<hbm>> -> memref<128xi32, #tpu.memory_space<hbm>>
        tpu.wait_dma2 semaphore(%run_scoped3A : memref<!tpu.dma_semaphore, #tpu.memory_space<semaphore_mem>>) src(%dma_wait3A_52 : memref<128xi32, #tpu.memory_space<hbm>>) dst(%arg8 : memref<128xi32, #tpu.memory_space<vmem>>)
        tpu.yield
      }) : () -> ()
      "tpu.region"() ({
        %run_scoped3A = tpu.sem_alloc : memref<!tpu.dma_semaphore, #tpu.memory_space<semaphore_mem>>
        %dma_start3A_49 = tpu.memref_slice %arg6[%mul3A_34] : memref<160000xi32, #tpu.memory_space<hbm>> -> memref<128xi32, #tpu.memory_space<hbm>>
        %dma_start3A_50 = tpu.memref_slice %arg6[%mul3A_34] : memref<160000xi32, #tpu.memory_space<hbm>> -> memref<128xi32, #tpu.memory_space<hbm>>
        tpu.enqueue_dma source(%dma_start3A_50 : memref<128xi32, #tpu.memory_space<hbm>>) target(%arg9 : memref<128xi32, #tpu.memory_space<vmem>>) target_semaphore(%run_scoped3A : memref<!tpu.dma_semaphore, #tpu.memory_space<semaphore_mem>>)
        %dma_wait3A_51 = tpu.memref_slice %arg6[%mul3A_34] : memref<160000xi32, #tpu.memory_space<hbm>> -> memref<128xi32, #tpu.memory_space<hbm>>
        %dma_wait3A_52 = tpu.memref_slice %arg6[%mul3A_34] : memref<160000xi32, #tpu.memory_space<hbm>> -> memref<128xi32, #tpu.memory_space<hbm>>
        tpu.wait_dma2 semaphore(%run_scoped3A : memref<!tpu.dma_semaphore, #tpu.memory_space<semaphore_mem>>) src(%dma_wait3A_52 : memref<128xi32, #tpu.memory_space<hbm>>) dst(%arg9 : memref<128xi32, #tpu.memory_space<vmem>>)
        tpu.yield
      }) : () -> ()
      "tpu.region"() ({
        %run_scoped3A = tpu.sem_alloc : memref<!tpu.dma_semaphore, #tpu.memory_space<semaphore_mem>>
        %dma_start3A_49 = arith.constant 0 : i32
        %dma_start3A_50 = tpu.memref_slice %arg2[%mul3A_34, %dma_start3A_49] : memref<160000x16xf32, #tpu.memory_space<hbm>> -> memref<128x16xf32, #tpu.memory_space<hbm>>
        %dma_start3A_51 = arith.constant 0 : i32
        %dma_start3A_52 = tpu.memref_slice %arg2[%mul3A_34, %dma_start3A_51] : memref<160000x16xf32, #tpu.memory_space<hbm>> -> memref<128x16xf32, #tpu.memory_space<hbm>>
        tpu.enqueue_dma source(%dma_start3A_52 : memref<128x16xf32, #tpu.memory_space<hbm>>) target(%arg10 : memref<128x16xf32, #tpu.memory_space<vmem>>) target_semaphore(%run_scoped3A : memref<!tpu.dma_semaphore, #tpu.memory_space<semaphore_mem>>)
        %dma_wait3A_53 = arith.constant 0 : i32
        %dma_wait3A_54 = tpu.memref_slice %arg2[%mul3A_34, %dma_wait3A_53] : memref<160000x16xf32, #tpu.memory_space<hbm>> -> memref<128x16xf32, #tpu.memory_space<hbm>>
        %dma_wait3A_55 = arith.constant 0 : i32
        %dma_wait3A_56 = tpu.memref_slice %arg2[%mul3A_34, %dma_wait3A_55] : memref<160000x16xf32, #tpu.memory_space<hbm>> -> memref<128x16xf32, #tpu.memory_space<hbm>>
        tpu.wait_dma2 semaphore(%run_scoped3A : memref<!tpu.dma_semaphore, #tpu.memory_space<semaphore_mem>>) src(%dma_wait3A_56 : memref<128x16xf32, #tpu.memory_space<hbm>>) dst(%arg10 : memref<128x16xf32, #tpu.memory_space<vmem>>)
        tpu.yield
      }) : () -> ()
      %dma_start3A = arith.constant 0 : i32
      %dma_start3A_35 = arith.constant 0 : i32
      %dma_start3A_36 = tpu.memref_slice %arg3[%dma_start3A, %dma_start3A_35] : memref<10240x128xf32, #tpu.memory_space<hbm>> -> memref<10240x128xf32, #tpu.memory_space<hbm>>
      tpu.enqueue_indirect_dma source(%dma_start3A_36 : memref<10240x128xf32, #tpu.memory_space<hbm>>) target(%arg11 : memref<128x128xf32, #tpu.memory_space<vmem>>) offsets(%arg9 : memref<128xi32, #tpu.memory_space<vmem>>) semaphore(%arg14 : memref<!tpu.dma_semaphore, #tpu.memory_space<semaphore_mem>>)
      %dma_start3A_37 = arith.constant 0 : i32
      %dma_start3A_38 = arith.constant 0 : i32
      %dma_start3A_39 = tpu.memref_slice %arg4[%dma_start3A_37, %dma_start3A_38] : memref<10240x128xf32, #tpu.memory_space<hbm>> -> memref<10240x128xf32, #tpu.memory_space<hbm>>
      tpu.enqueue_indirect_dma source(%dma_start3A_39 : memref<10240x128xf32, #tpu.memory_space<hbm>>) target(%arg12 : memref<128x128xf32, #tpu.memory_space<vmem>>) offsets(%arg8 : memref<128xi32, #tpu.memory_space<vmem>>) semaphore(%arg14 : memref<!tpu.dma_semaphore, #tpu.memory_space<semaphore_mem>>)
      %dma_wait3A = arith.constant 0 : i32
      %dma_wait3A_40 = arith.constant 0 : i32
      %dma_wait3A_41 = tpu.memref_slice %arg3[%dma_wait3A, %dma_wait3A_40] : memref<10240x128xf32, #tpu.memory_space<hbm>> -> memref<10240x128xf32, #tpu.memory_space<hbm>>
      tpu.wait_indirect_dma semaphore(%arg14 : memref<!tpu.dma_semaphore, #tpu.memory_space<semaphore_mem>>) src(%dma_wait3A_41 : memref<10240x128xf32, #tpu.memory_space<hbm>>) dst(%arg11 : memref<128x128xf32, #tpu.memory_space<vmem>>)
      %dma_wait3A_42 = arith.constant 0 : i32
      %dma_wait3A_43 = arith.constant 0 : i32
      %dma_wait3A_44 = tpu.memref_slice %arg4[%dma_wait3A_42, %dma_wait3A_43] : memref<10240x128xf32, #tpu.memory_space<hbm>> -> memref<10240x128xf32, #tpu.memory_space<hbm>>
      tpu.wait_indirect_dma semaphore(%arg14 : memref<!tpu.dma_semaphore, #tpu.memory_space<semaphore_mem>>) src(%dma_wait3A_44 : memref<10240x128xf32, #tpu.memory_space<hbm>>) dst(%arg12 : memref<128x128xf32, #tpu.memory_space<vmem>>)
      %scan3A = arith.constant 0 : i32
      %scan3A_45 = arith.constant 128 : i32
      %scan3A_46 = arith.addi %scan3A, %scan3A_45 : i32
      %scan3A_47 = arith.constant 1 : i32
      scf.for %scan3A_49 = %scan3A to %scan3A_46 step %scan3A_47  : i32 {
        %get3A = arith.index_cast %scan3A_49 : i32 to index
        %get3A_50 = arith.constant 0 : index
        %get3A_51 = tpu.vector_load %arg10[%get3A, %get3A_50] {strides = array<i32>} : memref<128x16xf32, #tpu.memory_space<vmem>>, vector<1x16xf32>,
        %get3A_52 = vector.shape_cast %get3A_51 : vector<1x16xf32> to vector<16xf32>
        %get3A_53 = arith.index_cast %scan3A_49 : i32 to index
        %get3A_54 = arith.constant 0 : index
        %get3A_55 = tpu.vector_load %arg11[%get3A_53, %get3A_54] {strides = array<i32>} : memref<128x128xf32, #tpu.memory_space<vmem>>, vector<1x16xf32>,
        %get3A_56 = vector.shape_cast %get3A_55 : vector<1x16xf32> to vector<16xf32>
        %add3A_57 = arith.constant 1.000000e-16 : f32
        %add3A_58 = vector.broadcast %add3A_57 : f32 to vector<16xf32>
        %add3A_59 = arith.addf %get3A_56, %add3A_58 : vector<16xf32>
        %div3A_60 = arith.divf %get3A_52, %add3A_59 : vector<16xf32>
        %max3A = arith.constant 9.99999971E-10 : f32
        %max3A_61 = vector.broadcast %max3A : f32 to vector<16xf32>
        %max3A_62 = arith.maximumf %div3A_60, %max3A_61 : vector<16xf32>
        %get3A_63 = arith.index_cast %scan3A_49 : i32 to index
        %get3A_64 = arith.constant 0 : index
        %get3A_65 = tpu.vector_load %arg12[%get3A_63, %get3A_64] {strides = array<i32>} : memref<128x128xf32, #tpu.memory_space<vmem>>, vector<1x16xf32>,
        %get3A_66 = vector.shape_cast %get3A_65 : vector<1x16xf32> to vector<16xf32>
        %add3A_67 = arith.constant 1.000000e-16 : f32
        %add3A_68 = vector.broadcast %add3A_67 : f32 to vector<16xf32>
        %add3A_69 = arith.addf %get3A_66, %add3A_68 : vector<16xf32>
        %div3A_70 = arith.divf %get3A_52, %add3A_69 : vector<16xf32>
        %max3A_71 = arith.constant 9.99999971E-10 : f32
        %max3A_72 = vector.broadcast %max3A_71 : f32 to vector<16xf32>
        %max3A_73 = arith.maximumf %div3A_70, %max3A_72 : vector<16xf32>
        %mul3A_74 = arith.mulf %max3A_62, %max3A_73 : vector<16xf32>
        %bitcast_convert_type3A = tpu.bitcast %mul3A_74 : vector<16xf32> -> vector<16xi32>
        %broadcast_in_dim3A = arith.constant 1597463007 : i32
        %broadcast_in_dim3A_75 = vector.broadcast %broadcast_in_dim3A : i32 to vector<16xi32>
        %shift_right_arithmetic3A = arith.constant 1 : i32
        %shift_right_arithmetic3A_76 = vector.broadcast %shift_right_arithmetic3A : i32 to vector<16xi32>
        %shift_right_arithmetic3A_77 = arith.shrsi %bitcast_convert_type3A, %shift_right_arithmetic3A_76 : vector<16xi32>
        %sub3A_78 = arith.subi %broadcast_in_dim3A_75, %shift_right_arithmetic3A_77 : vector<16xi32>
        %bitcast_convert_type3A_79 = tpu.bitcast %sub3A_78 : vector<16xi32> -> vector<16xf32>
        %mul3A_80 = arith.constant 5.000000e-01 : f32
        %mul3A_81 = vector.broadcast %mul3A_80 : f32 to vector<16xf32>
        %mul3A_82 = arith.mulf %mul3A_81, %mul3A_74 : vector<16xf32>
        %mul3A_83 = arith.mulf %mul3A_82, %bitcast_convert_type3A_79 : vector<16xf32>
        %mul3A_84 = arith.mulf %mul3A_83, %bitcast_convert_type3A_79 : vector<16xf32>
        %sub3A_85 = arith.constant 1.500000e+00 : f32
        %sub3A_86 = vector.broadcast %sub3A_85 : f32 to vector<16xf32>
        %sub3A_87 = arith.subf %sub3A_86, %mul3A_84 : vector<16xf32>
        %mul3A_88 = arith.mulf %bitcast_convert_type3A_79, %sub3A_87 : vector<16xf32>
        %mul3A_89 = arith.constant 5.000000e-01 : f32
        %mul3A_90 = vector.broadcast %mul3A_89 : f32 to vector<16xf32>
        %mul3A_91 = arith.mulf %mul3A_90, %mul3A_74 : vector<16xf32>
        %mul3A_92 = arith.mulf %mul3A_91, %mul3A_88 : vector<16xf32>
        %mul3A_93 = arith.mulf %mul3A_92, %mul3A_88 : vector<16xf32>
        %sub3A_94 = arith.constant 1.500000e+00 : f32
        %sub3A_95 = vector.broadcast %sub3A_94 : f32 to vector<16xf32>
        %sub3A_96 = arith.subf %sub3A_95, %mul3A_93 : vector<16xf32>
        %mul3A_97 = arith.mulf %mul3A_88, %sub3A_96 : vector<16xf32>
        %mul3A_98 = arith.constant 5.000000e-01 : f32
        %mul3A_99 = vector.broadcast %mul3A_98 : f32 to vector<16xf32>
        %mul3A_100 = arith.mulf %mul3A_99, %mul3A_74 : vector<16xf32>
        %mul3A_101 = arith.mulf %mul3A_100, %mul3A_97 : vector<16xf32>
        %mul3A_102 = arith.mulf %mul3A_101, %mul3A_97 : vector<16xf32>
        %sub3A_103 = arith.constant 1.500000e+00 : f32
        %sub3A_104 = vector.broadcast %sub3A_103 : f32 to vector<16xf32>
        %sub3A_105 = arith.subf %sub3A_104, %mul3A_102 : vector<16xf32>
        %mul3A_106 = arith.mulf %mul3A_97, %sub3A_105 : vector<16xf32>
        %mul3A_107 = arith.mulf %mul3A_74, %mul3A_106 : vector<16xf32>
        %swap3A = arith.index_cast %scan3A_49 : i32 to index
        %swap3A_108 = arith.constant 0 : index
        %swap3A_109 = tpu.vector_load %arg13[%swap3A, %swap3A_108] {strides = array<i32>} : memref<128x16xf32, #tpu.memory_space<vmem>>, vector<1x16xf32>,
        %swap3A_110 = vector.shape_cast %swap3A_109 : vector<1x16xf32> to vector<16xf32>
        %swap3A_111 = vector.shape_cast %mul3A_107 : vector<16xf32> to vector<1x16xf32>
        tpu.vector_store %arg13[%swap3A, %swap3A_108], %swap3A_111 {strides = array<i32>} : memref<128x16xf32, #tpu.memory_space<vmem>>, vector<1x16xf32>,
      }
      %scan3A_48 = arith.constant 128 : i32
      "tpu.region"() ({
        %run_scoped3A = tpu.sem_alloc : memref<!tpu.dma_semaphore, #tpu.memory_space<semaphore_mem>>
        %dma_start3A_49 = arith.constant 0 : i32
        %dma_start3A_50 = tpu.memref_slice %arg7[%mul3A_34, %dma_start3A_49] : memref<160000x16xf32, #tpu.memory_space<hbm>> -> memref<128x16xf32, #tpu.memory_space<hbm>>
        %dma_start3A_51 = arith.constant 0 : i32
        %dma_start3A_52 = tpu.memref_slice %arg7[%mul3A_34, %dma_start3A_51] : memref<160000x16xf32, #tpu.memory_space<hbm>> -> memref<128x16xf32, #tpu.memory_space<hbm>>
        tpu.enqueue_dma source(%arg13 : memref<128x16xf32, #tpu.memory_space<vmem>>) target(%dma_start3A_52 : memref<128x16xf32, #tpu.memory_space<hbm>>) target_semaphore(%run_scoped3A : memref<!tpu.dma_semaphore, #tpu.memory_space<semaphore_mem>>)
        %dma_wait3A_53 = arith.constant 0 : i32
        %dma_wait3A_54 = tpu.memref_slice %arg7[%mul3A_34, %dma_wait3A_53] : memref<160000x16xf32, #tpu.memory_space<hbm>> -> memref<128x16xf32, #tpu.memory_space<hbm>>
        %dma_wait3A_55 = arith.constant 0 : i32
        %dma_wait3A_56 = tpu.memref_slice %arg7[%mul3A_34, %dma_wait3A_55] : memref<160000x16xf32, #tpu.memory_space<hbm>> -> memref<128x16xf32, #tpu.memory_space<hbm>>
        tpu.wait_dma2 semaphore(%run_scoped3A : memref<!tpu.dma_semaphore, #tpu.memory_space<semaphore_mem>>) src(%arg13 : memref<128x16xf32, #tpu.memory_space<vmem>>) dst(%dma_wait3A_56 : memref<128x16xf32, #tpu.memory_space<hbm>>)
        tpu.yield
      }) : () -> ()
    }
    %while3A_28 = arith.constant 1 : i32
    scf.for %while3A_29 = %while3A_26 to %while3A_22 step %while3A_28  : i32 {
      %mul3A_30 = arith.constant 32 : i32
      %mul3A_31 = arith.muli %while3A_29, %mul3A_30 : i32
      %add3A_32 = arith.addi %add3A, %mul3A_31 : i32
      %mul3A_33 = arith.constant 128 : i32
      %mul3A_34 = arith.muli %add3A_32, %mul3A_33 : i32
      "tpu.region"() ({
        %run_scoped3A = tpu.sem_alloc : memref<!tpu.dma_semaphore, #tpu.memory_space<semaphore_mem>>
        %dma_start3A_49 = tpu.memref_slice %arg5[%mul3A_34] : memref<160000xi32, #tpu.memory_space<hbm>> -> memref<128xi32, #tpu.memory_space<hbm>>
        %dma_start3A_50 = tpu.memref_slice %arg5[%mul3A_34] : memref<160000xi32, #tpu.memory_space<hbm>> -> memref<128xi32, #tpu.memory_space<hbm>>
        tpu.enqueue_dma source(%dma_start3A_50 : memref<128xi32, #tpu.memory_space<hbm>>) target(%arg8 : memref<128xi32, #tpu.memory_space<vmem>>) target_semaphore(%run_scoped3A : memref<!tpu.dma_semaphore, #tpu.memory_space<semaphore_mem>>)
        %dma_wait3A_51 = tpu.memref_slice %arg5[%mul3A_34] : memref<160000xi32, #tpu.memory_space<hbm>> -> memref<128xi32, #tpu.memory_space<hbm>>
        %dma_wait3A_52 = tpu.memref_slice %arg5[%mul3A_34] : memref<160000xi32, #tpu.memory_space<hbm>> -> memref<128xi32, #tpu.memory_space<hbm>>
        tpu.wait_dma2 semaphore(%run_scoped3A : memref<!tpu.dma_semaphore, #tpu.memory_space<semaphore_mem>>) src(%dma_wait3A_52 : memref<128xi32, #tpu.memory_space<hbm>>) dst(%arg8 : memref<128xi32, #tpu.memory_space<vmem>>)
        tpu.yield
      }) : () -> ()
      "tpu.region"() ({
        %run_scoped3A = tpu.sem_alloc : memref<!tpu.dma_semaphore, #tpu.memory_space<semaphore_mem>>
        %dma_start3A_49 = tpu.memref_slice %arg6[%mul3A_34] : memref<160000xi32, #tpu.memory_space<hbm>> -> memref<128xi32, #tpu.memory_space<hbm>>
        %dma_start3A_50 = tpu.memref_slice %arg6[%mul3A_34] : memref<160000xi32, #tpu.memory_space<hbm>> -> memref<128xi32, #tpu.memory_space<hbm>>
        tpu.enqueue_dma source(%dma_start3A_50 : memref<128xi32, #tpu.memory_space<hbm>>) target(%arg9 : memref<128xi32, #tpu.memory_space<vmem>>) target_semaphore(%run_scoped3A : memref<!tpu.dma_semaphore, #tpu.memory_space<semaphore_mem>>)
        %dma_wait3A_51 = tpu.memref_slice %arg6[%mul3A_34] : memref<160000xi32, #tpu.memory_space<hbm>> -> memref<128xi32, #tpu.memory_space<hbm>>
        %dma_wait3A_52 = tpu.memref_slice %arg6[%mul3A_34] : memref<160000xi32, #tpu.memory_space<hbm>> -> memref<128xi32, #tpu.memory_space<hbm>>
        tpu.wait_dma2 semaphore(%run_scoped3A : memref<!tpu.dma_semaphore, #tpu.memory_space<semaphore_mem>>) src(%dma_wait3A_52 : memref<128xi32, #tpu.memory_space<hbm>>) dst(%arg9 : memref<128xi32, #tpu.memory_space<vmem>>)
        tpu.yield
      }) : () -> ()
      "tpu.region"() ({
        %run_scoped3A = tpu.sem_alloc : memref<!tpu.dma_semaphore, #tpu.memory_space<semaphore_mem>>
        %dma_start3A_49 = arith.constant 0 : i32
        %dma_start3A_50 = tpu.memref_slice %arg2[%mul3A_34, %dma_start3A_49] : memref<160000x16xf32, #tpu.memory_space<hbm>> -> memref<128x16xf32, #tpu.memory_space<hbm>>
        %dma_start3A_51 = arith.constant 0 : i32
        %dma_start3A_52 = tpu.memref_slice %arg2[%mul3A_34, %dma_start3A_51] : memref<160000x16xf32, #tpu.memory_space<hbm>> -> memref<128x16xf32, #tpu.memory_space<hbm>>
        tpu.enqueue_dma source(%dma_start3A_52 : memref<128x16xf32, #tpu.memory_space<hbm>>) target(%arg10 : memref<128x16xf32, #tpu.memory_space<vmem>>) target_semaphore(%run_scoped3A : memref<!tpu.dma_semaphore, #tpu.memory_space<semaphore_mem>>)
        %dma_wait3A_53 = arith.constant 0 : i32
        %dma_wait3A_54 = tpu.memref_slice %arg2[%mul3A_34, %dma_wait3A_53] : memref<160000x16xf32, #tpu.memory_space<hbm>> -> memref<128x16xf32, #tpu.memory_space<hbm>>
        %dma_wait3A_55 = arith.constant 0 : i32
        %dma_wait3A_56 = tpu.memref_slice %arg2[%mul3A_34, %dma_wait3A_55] : memref<160000x16xf32, #tpu.memory_space<hbm>> -> memref<128x16xf32, #tpu.memory_space<hbm>>
        tpu.wait_dma2 semaphore(%run_scoped3A : memref<!tpu.dma_semaphore, #tpu.memory_space<semaphore_mem>>) src(%dma_wait3A_56 : memref<128x16xf32, #tpu.memory_space<hbm>>) dst(%arg10 : memref<128x16xf32, #tpu.memory_space<vmem>>)
        tpu.yield
      }) : () -> ()
      %dma_start3A = arith.constant 0 : i32
      %dma_start3A_35 = arith.constant 0 : i32
      %dma_start3A_36 = tpu.memref_slice %arg3[%dma_start3A, %dma_start3A_35] : memref<10240x128xf32, #tpu.memory_space<hbm>> -> memref<10240x128xf32, #tpu.memory_space<hbm>>
      tpu.enqueue_indirect_dma source(%dma_start3A_36 : memref<10240x128xf32, #tpu.memory_space<hbm>>) target(%arg11 : memref<128x128xf32, #tpu.memory_space<vmem>>) offsets(%arg9 : memref<128xi32, #tpu.memory_space<vmem>>) semaphore(%arg14 : memref<!tpu.dma_semaphore, #tpu.memory_space<semaphore_mem>>)
      %dma_start3A_37 = arith.constant 0 : i32
      %dma_start3A_38 = arith.constant 0 : i32
      %dma_start3A_39 = tpu.memref_slice %arg4[%dma_start3A_37, %dma_start3A_38] : memref<10240x128xf32, #tpu.memory_space<hbm>> -> memref<10240x128xf32, #tpu.memory_space<hbm>>
      tpu.enqueue_indirect_dma source(%dma_start3A_39 : memref<10240x128xf32, #tpu.memory_space<hbm>>) target(%arg12 : memref<128x128xf32, #tpu.memory_space<vmem>>) offsets(%arg8 : memref<128xi32, #tpu.memory_space<vmem>>) semaphore(%arg14 : memref<!tpu.dma_semaphore, #tpu.memory_space<semaphore_mem>>)
      %dma_wait3A = arith.constant 0 : i32
      %dma_wait3A_40 = arith.constant 0 : i32
      %dma_wait3A_41 = tpu.memref_slice %arg3[%dma_wait3A, %dma_wait3A_40] : memref<10240x128xf32, #tpu.memory_space<hbm>> -> memref<10240x128xf32, #tpu.memory_space<hbm>>
      tpu.wait_indirect_dma semaphore(%arg14 : memref<!tpu.dma_semaphore, #tpu.memory_space<semaphore_mem>>) src(%dma_wait3A_41 : memref<10240x128xf32, #tpu.memory_space<hbm>>) dst(%arg11 : memref<128x128xf32, #tpu.memory_space<vmem>>)
      %dma_wait3A_42 = arith.constant 0 : i32
      %dma_wait3A_43 = arith.constant 0 : i32
      %dma_wait3A_44 = tpu.memref_slice %arg4[%dma_wait3A_42, %dma_wait3A_43] : memref<10240x128xf32, #tpu.memory_space<hbm>> -> memref<10240x128xf32, #tpu.memory_space<hbm>>
      tpu.wait_indirect_dma semaphore(%arg14 : memref<!tpu.dma_semaphore, #tpu.memory_space<semaphore_mem>>) src(%dma_wait3A_44 : memref<10240x128xf32, #tpu.memory_space<hbm>>) dst(%arg12 : memref<128x128xf32, #tpu.memory_space<vmem>>)
      %scan3A = arith.constant 0 : i32
      %scan3A_45 = arith.constant 128 : i32
      %scan3A_46 = arith.addi %scan3A, %scan3A_45 : i32
      %scan3A_47 = arith.constant 1 : i32
      scf.for %scan3A_49 = %scan3A to %scan3A_46 step %scan3A_47  : i32 {
        %get3A = arith.index_cast %scan3A_49 : i32 to index
        %get3A_50 = arith.constant 0 : index
        %get3A_51 = tpu.vector_load %arg10[%get3A, %get3A_50] {strides = array<i32>} : memref<128x16xf32, #tpu.memory_space<vmem>>, vector<1x16xf32>,
        %get3A_52 = vector.shape_cast %get3A_51 : vector<1x16xf32> to vector<16xf32>
        %get3A_53 = arith.index_cast %scan3A_49 : i32 to index
        %get3A_54 = arith.constant 0 : index
        %get3A_55 = tpu.vector_load %arg11[%get3A_53, %get3A_54] {strides = array<i32>} : memref<128x128xf32, #tpu.memory_space<vmem>>, vector<1x16xf32>,
        %get3A_56 = vector.shape_cast %get3A_55 : vector<1x16xf32> to vector<16xf32>
        %add3A_57 = arith.constant 1.000000e-16 : f32
        %add3A_58 = vector.broadcast %add3A_57 : f32 to vector<16xf32>
        %add3A_59 = arith.addf %get3A_56, %add3A_58 : vector<16xf32>
        %div3A_60 = arith.divf %get3A_52, %add3A_59 : vector<16xf32>
        %max3A = arith.constant 9.99999971E-10 : f32
        %max3A_61 = vector.broadcast %max3A : f32 to vector<16xf32>
        %max3A_62 = arith.maximumf %div3A_60, %max3A_61 : vector<16xf32>
        %get3A_63 = arith.index_cast %scan3A_49 : i32 to index
        %get3A_64 = arith.constant 0 : index
        %get3A_65 = tpu.vector_load %arg12[%get3A_63, %get3A_64] {strides = array<i32>} : memref<128x128xf32, #tpu.memory_space<vmem>>, vector<1x16xf32>,
        %get3A_66 = vector.shape_cast %get3A_65 : vector<1x16xf32> to vector<16xf32>
        %add3A_67 = arith.constant 1.000000e-16 : f32
        %add3A_68 = vector.broadcast %add3A_67 : f32 to vector<16xf32>
        %add3A_69 = arith.addf %get3A_66, %add3A_68 : vector<16xf32>
        %div3A_70 = arith.divf %get3A_52, %add3A_69 : vector<16xf32>
        %max3A_71 = arith.constant 9.99999971E-10 : f32
        %max3A_72 = vector.broadcast %max3A_71 : f32 to vector<16xf32>
        %max3A_73 = arith.maximumf %div3A_70, %max3A_72 : vector<16xf32>
        %mul3A_74 = arith.mulf %max3A_62, %max3A_73 : vector<16xf32>
        %bitcast_convert_type3A = tpu.bitcast %mul3A_74 : vector<16xf32> -> vector<16xi32>
        %broadcast_in_dim3A = arith.constant 1597463007 : i32
        %broadcast_in_dim3A_75 = vector.broadcast %broadcast_in_dim3A : i32 to vector<16xi32>
        %shift_right_arithmetic3A = arith.constant 1 : i32
        %shift_right_arithmetic3A_76 = vector.broadcast %shift_right_arithmetic3A : i32 to vector<16xi32>
        %shift_right_arithmetic3A_77 = arith.shrsi %bitcast_convert_type3A, %shift_right_arithmetic3A_76 : vector<16xi32>
        %sub3A_78 = arith.subi %broadcast_in_dim3A_75, %shift_right_arithmetic3A_77 : vector<16xi32>
        %bitcast_convert_type3A_79 = tpu.bitcast %sub3A_78 : vector<16xi32> -> vector<16xf32>
        %mul3A_80 = arith.constant 5.000000e-01 : f32
        %mul3A_81 = vector.broadcast %mul3A_80 : f32 to vector<16xf32>
        %mul3A_82 = arith.mulf %mul3A_81, %mul3A_74 : vector<16xf32>
        %mul3A_83 = arith.mulf %mul3A_82, %bitcast_convert_type3A_79 : vector<16xf32>
        %mul3A_84 = arith.mulf %mul3A_83, %bitcast_convert_type3A_79 : vector<16xf32>
        %sub3A_85 = arith.constant 1.500000e+00 : f32
        %sub3A_86 = vector.broadcast %sub3A_85 : f32 to vector<16xf32>
        %sub3A_87 = arith.subf %sub3A_86, %mul3A_84 : vector<16xf32>
        %mul3A_88 = arith.mulf %bitcast_convert_type3A_79, %sub3A_87 : vector<16xf32>
        %mul3A_89 = arith.constant 5.000000e-01 : f32
        %mul3A_90 = vector.broadcast %mul3A_89 : f32 to vector<16xf32>
        %mul3A_91 = arith.mulf %mul3A_90, %mul3A_74 : vector<16xf32>
        %mul3A_92 = arith.mulf %mul3A_91, %mul3A_88 : vector<16xf32>
        %mul3A_93 = arith.mulf %mul3A_92, %mul3A_88 : vector<16xf32>
        %sub3A_94 = arith.constant 1.500000e+00 : f32
        %sub3A_95 = vector.broadcast %sub3A_94 : f32 to vector<16xf32>
        %sub3A_96 = arith.subf %sub3A_95, %mul3A_93 : vector<16xf32>
        %mul3A_97 = arith.mulf %mul3A_88, %sub3A_96 : vector<16xf32>
        %mul3A_98 = arith.constant 5.000000e-01 : f32
        %mul3A_99 = vector.broadcast %mul3A_98 : f32 to vector<16xf32>
        %mul3A_100 = arith.mulf %mul3A_99, %mul3A_74 : vector<16xf32>
        %mul3A_101 = arith.mulf %mul3A_100, %mul3A_97 : vector<16xf32>
        %mul3A_102 = arith.mulf %mul3A_101, %mul3A_97 : vector<16xf32>
        %sub3A_103 = arith.constant 1.500000e+00 : f32
        %sub3A_104 = vector.broadcast %sub3A_103 : f32 to vector<16xf32>
        %sub3A_105 = arith.subf %sub3A_104, %mul3A_102 : vector<16xf32>
        %mul3A_106 = arith.mulf %mul3A_97, %sub3A_105 : vector<16xf32>
        %mul3A_107 = arith.mulf %mul3A_74, %mul3A_106 : vector<16xf32>
        %swap3A = arith.index_cast %scan3A_49 : i32 to index
        %swap3A_108 = arith.constant 0 : index
        %swap3A_109 = tpu.vector_load %arg13[%swap3A, %swap3A_108] {strides = array<i32>} : memref<128x16xf32, #tpu.memory_space<vmem>>, vector<1x16xf32>,
        %swap3A_110 = vector.shape_cast %swap3A_109 : vector<1x16xf32> to vector<16xf32>
        %swap3A_111 = vector.shape_cast %mul3A_107 : vector<16xf32> to vector<1x16xf32>
        tpu.vector_store %arg13[%swap3A, %swap3A_108], %swap3A_111 {strides = array<i32>} : memref<128x16xf32, #tpu.memory_space<vmem>>, vector<1x16xf32>,
      }
      %scan3A_48 = arith.constant 128 : i32
      "tpu.region"() ({
        %run_scoped3A = tpu.sem_alloc : memref<!tpu.dma_semaphore, #tpu.memory_space<semaphore_mem>>
        %dma_start3A_49 = arith.constant 0 : i32
        %dma_start3A_50 = tpu.memref_slice %arg7[%mul3A_34, %dma_start3A_49] : memref<160000x16xf32, #tpu.memory_space<hbm>> -> memref<128x16xf32, #tpu.memory_space<hbm>>
        %dma_start3A_51 = arith.constant 0 : i32
        %dma_start3A_52 = tpu.memref_slice %arg7[%mul3A_34, %dma_start3A_51] : memref<160000x16xf32, #tpu.memory_space<hbm>> -> memref<128x16xf32, #tpu.memory_space<hbm>>
        tpu.enqueue_dma source(%arg13 : memref<128x16xf32, #tpu.memory_space<vmem>>) target(%dma_start3A_52 : memref<128x16xf32, #tpu.memory_space<hbm>>) target_semaphore(%run_scoped3A : memref<!tpu.dma_semaphore, #tpu.memory_space<semaphore_mem>>)
        %dma_wait3A_53 = arith.constant 0 : i32
        %dma_wait3A_54 = tpu.memref_slice %arg7[%mul3A_34, %dma_wait3A_53] : memref<160000x16xf32, #tpu.memory_space<hbm>> -> memref<128x16xf32, #tpu.memory_space<hbm>>
        %dma_wait3A_55 = arith.constant 0 : i32
        %dma_wait3A_56 = tpu.memref_slice %arg7[%mul3A_34, %dma_wait3A_55] : memref<160000x16xf32, #tpu.memory_space<hbm>> -> memref<128x16xf32, #tpu.memory_space<hbm>>
        tpu.wait_dma2 semaphore(%run_scoped3A : memref<!tpu.dma_semaphore, #tpu.memory_space<semaphore_mem>>) src(%arg13 : memref<128x16xf32, #tpu.memory_space<vmem>>) dst(%dma_wait3A_56 : memref<128x16xf32, #tpu.memory_space<hbm>>)
        tpu.yield
      }) : () -> ()
    }
    return
  }
}

#map = affine_map<(d0, d1) -> (0, 0)>
#map1 = affine_map<(d0, d1) -> (0)>
module attributes {stable_mosaic.version = 14 : i64} {
  func.func @_hop_body(%arg0: i32, %arg1: i32, %arg2: memref<20480x128xf32, #tpu.memory_space<hbm>>, %arg3: memref<160000x16xf32, #tpu.memory_space<hbm>>, %arg4: memref<160000xi32, #tpu.memory_space<hbm>>, %arg5: memref<160000xi32, #tpu.memory_space<hbm>>, %arg6: memref<20480x128xf32, #tpu.memory_space<hbm>>, %arg7: memref<128xi32, #tpu.memory_space<vmem>>, %arg8: memref<128xi32, #tpu.memory_space<vmem>>, %arg9: memref<128x16xf32, #tpu.memory_space<vmem>>, %arg10: memref<128x128xf32, #tpu.memory_space<vmem>>, %arg11: memref<80x128xf32, #tpu.memory_space<vmem>>, %arg12: memref<10240x128xf32, #tpu.memory_space<vmem_shared>>, %arg13: memref<!tpu.dma_semaphore, #tpu.memory_space<semaphore_mem>>) attributes {dimension_semantics = [#tpu.dimension_semantics<core_parallel>, #tpu.dimension_semantics<subcore_parallel>], iteration_bounds = array<i64: 2, 16>, scalar_prefetch = 0 : i64, scratch_operands = 7 : i64, tpu.core_type = #tpu.core_type<sc_vector_subcore>, window_params = [{transform_indices = #map}, {transform_indices = #map}, {transform_indices = #map1}, {transform_indices = #map1}, {transform_indices = #map}]} {
    %scan3A = arith.constant 0 : i32
    %scan3A_0 = arith.constant 80 : i32
    %scan3A_1 = arith.addi %scan3A, %scan3A_0 : i32
    %scan3A_2 = arith.constant 1 : i32
    scf.for %scan3A_72 = %scan3A to %scan3A_1 step %scan3A_2  : i32 {
      %broadcast_in_dim3A = arith.constant 0.000000e+00 : f32
      %broadcast_in_dim3A_73 = vector.broadcast %broadcast_in_dim3A : f32 to vector<16xf32>
      %swap3A = arith.index_cast %scan3A_72 : i32 to index
      %swap3A_74 = arith.constant 0 : index
      %swap3A_75 = tpu.vector_load %arg11[%swap3A, %swap3A_74] {strides = array<i32>} : memref<80x128xf32, #tpu.memory_space<vmem>>, vector<1x16xf32>,
      %swap3A_76 = vector.shape_cast %swap3A_75 : vector<1x16xf32> to vector<16xf32>
      %swap3A_77 = vector.shape_cast %broadcast_in_dim3A_73 : vector<16xf32> to vector<1x16xf32>
      tpu.vector_store %arg11[%swap3A, %swap3A_74], %swap3A_77 {strides = array<i32>} : memref<80x128xf32, #tpu.memory_space<vmem>>, vector<1x16xf32>,
      %broadcast_in_dim3A_78 = arith.constant 0.000000e+00 : f32
      %broadcast_in_dim3A_79 = vector.broadcast %broadcast_in_dim3A_78 : f32 to vector<16xf32>
      %swap3A_80 = arith.index_cast %scan3A_72 : i32 to index
      %swap3A_81 = arith.constant 16 : index
      %swap3A_82 = tpu.vector_load %arg11[%swap3A_80, %swap3A_81] {strides = array<i32>} : memref<80x128xf32, #tpu.memory_space<vmem>>, vector<1x16xf32>,
      %swap3A_83 = vector.shape_cast %swap3A_82 : vector<1x16xf32> to vector<16xf32>
      %swap3A_84 = vector.shape_cast %broadcast_in_dim3A_79 : vector<16xf32> to vector<1x16xf32>
      tpu.vector_store %arg11[%swap3A_80, %swap3A_81], %swap3A_84 {strides = array<i32>} : memref<80x128xf32, #tpu.memory_space<vmem>>, vector<1x16xf32>,
      %broadcast_in_dim3A_85 = arith.constant 0.000000e+00 : f32
      %broadcast_in_dim3A_86 = vector.broadcast %broadcast_in_dim3A_85 : f32 to vector<16xf32>
      %swap3A_87 = arith.index_cast %scan3A_72 : i32 to index
      %swap3A_88 = arith.constant 32 : index
      %swap3A_89 = tpu.vector_load %arg11[%swap3A_87, %swap3A_88] {strides = array<i32>} : memref<80x128xf32, #tpu.memory_space<vmem>>, vector<1x16xf32>,
      %swap3A_90 = vector.shape_cast %swap3A_89 : vector<1x16xf32> to vector<16xf32>
      %swap3A_91 = vector.shape_cast %broadcast_in_dim3A_86 : vector<16xf32> to vector<1x16xf32>
      tpu.vector_store %arg11[%swap3A_87, %swap3A_88], %swap3A_91 {strides = array<i32>} : memref<80x128xf32, #tpu.memory_space<vmem>>, vector<1x16xf32>,
      %broadcast_in_dim3A_92 = arith.constant 0.000000e+00 : f32
      %broadcast_in_dim3A_93 = vector.broadcast %broadcast_in_dim3A_92 : f32 to vector<16xf32>
      %swap3A_94 = arith.index_cast %scan3A_72 : i32 to index
      %swap3A_95 = arith.constant 48 : index
      %swap3A_96 = tpu.vector_load %arg11[%swap3A_94, %swap3A_95] {strides = array<i32>} : memref<80x128xf32, #tpu.memory_space<vmem>>, vector<1x16xf32>,
      %swap3A_97 = vector.shape_cast %swap3A_96 : vector<1x16xf32> to vector<16xf32>
      %swap3A_98 = vector.shape_cast %broadcast_in_dim3A_93 : vector<16xf32> to vector<1x16xf32>
      tpu.vector_store %arg11[%swap3A_94, %swap3A_95], %swap3A_98 {strides = array<i32>} : memref<80x128xf32, #tpu.memory_space<vmem>>, vector<1x16xf32>,
      %broadcast_in_dim3A_99 = arith.constant 0.000000e+00 : f32
      %broadcast_in_dim3A_100 = vector.broadcast %broadcast_in_dim3A_99 : f32 to vector<16xf32>
      %swap3A_101 = arith.index_cast %scan3A_72 : i32 to index
      %swap3A_102 = arith.constant 64 : index
      %swap3A_103 = tpu.vector_load %arg11[%swap3A_101, %swap3A_102] {strides = array<i32>} : memref<80x128xf32, #tpu.memory_space<vmem>>, vector<1x16xf32>,
      %swap3A_104 = vector.shape_cast %swap3A_103 : vector<1x16xf32> to vector<16xf32>
      %swap3A_105 = vector.shape_cast %broadcast_in_dim3A_100 : vector<16xf32> to vector<1x16xf32>
      tpu.vector_store %arg11[%swap3A_101, %swap3A_102], %swap3A_105 {strides = array<i32>} : memref<80x128xf32, #tpu.memory_space<vmem>>, vector<1x16xf32>,
      %broadcast_in_dim3A_106 = arith.constant 0.000000e+00 : f32
      %broadcast_in_dim3A_107 = vector.broadcast %broadcast_in_dim3A_106 : f32 to vector<16xf32>
      %swap3A_108 = arith.index_cast %scan3A_72 : i32 to index
      %swap3A_109 = arith.constant 80 : index
      %swap3A_110 = tpu.vector_load %arg11[%swap3A_108, %swap3A_109] {strides = array<i32>} : memref<80x128xf32, #tpu.memory_space<vmem>>, vector<1x16xf32>,
      %swap3A_111 = vector.shape_cast %swap3A_110 : vector<1x16xf32> to vector<16xf32>
      %swap3A_112 = vector.shape_cast %broadcast_in_dim3A_107 : vector<16xf32> to vector<1x16xf32>
      tpu.vector_store %arg11[%swap3A_108, %swap3A_109], %swap3A_112 {strides = array<i32>} : memref<80x128xf32, #tpu.memory_space<vmem>>, vector<1x16xf32>,
      %broadcast_in_dim3A_113 = arith.constant 0.000000e+00 : f32
      %broadcast_in_dim3A_114 = vector.broadcast %broadcast_in_dim3A_113 : f32 to vector<16xf32>
      %swap3A_115 = arith.index_cast %scan3A_72 : i32 to index
      %swap3A_116 = arith.constant 96 : index
      %swap3A_117 = tpu.vector_load %arg11[%swap3A_115, %swap3A_116] {strides = array<i32>} : memref<80x128xf32, #tpu.memory_space<vmem>>, vector<1x16xf32>,
      %swap3A_118 = vector.shape_cast %swap3A_117 : vector<1x16xf32> to vector<16xf32>
      %swap3A_119 = vector.shape_cast %broadcast_in_dim3A_114 : vector<16xf32> to vector<1x16xf32>
      tpu.vector_store %arg11[%swap3A_115, %swap3A_116], %swap3A_119 {strides = array<i32>} : memref<80x128xf32, #tpu.memory_space<vmem>>, vector<1x16xf32>,
      %broadcast_in_dim3A_120 = arith.constant 0.000000e+00 : f32
      %broadcast_in_dim3A_121 = vector.broadcast %broadcast_in_dim3A_120 : f32 to vector<16xf32>
      %swap3A_122 = arith.index_cast %scan3A_72 : i32 to index
      %swap3A_123 = arith.constant 112 : index
      %swap3A_124 = tpu.vector_load %arg11[%swap3A_122, %swap3A_123] {strides = array<i32>} : memref<80x128xf32, #tpu.memory_space<vmem>>, vector<1x16xf32>,
      %swap3A_125 = vector.shape_cast %swap3A_124 : vector<1x16xf32> to vector<16xf32>
      %swap3A_126 = vector.shape_cast %broadcast_in_dim3A_121 : vector<16xf32> to vector<1x16xf32>
      tpu.vector_store %arg11[%swap3A_122, %swap3A_123], %swap3A_126 {strides = array<i32>} : memref<80x128xf32, #tpu.memory_space<vmem>>, vector<1x16xf32>,
    }
    %scan3A_3 = arith.constant 80 : i32
    %mul3A = arith.constant 640 : i32
    %mul3A_4 = arith.muli %arg1, %mul3A : i32
    %add3A = arith.constant 0 : i32
    %add3A_5 = arith.addi %mul3A_4, %add3A : i32
    "tpu.region"() ({
      %run_scoped3A = tpu.sem_alloc : memref<!tpu.dma_semaphore, #tpu.memory_space<semaphore_mem>>
      %dma_start3A = arith.constant 0 : i32
      %dma_start3A_72 = tpu.memref_slice %arg12[%add3A_5, %dma_start3A] : memref<10240x128xf32, #tpu.memory_space<vmem_shared>> -> memref<80x128xf32, #tpu.memory_space<vmem_shared>>
      %dma_start3A_73 = arith.constant 0 : i32
      %dma_start3A_74 = tpu.memref_slice %arg12[%add3A_5, %dma_start3A_73] : memref<10240x128xf32, #tpu.memory_space<vmem_shared>> -> memref<80x128xf32, #tpu.memory_space<vmem_shared>>
      tpu.enqueue_dma source(%arg11 : memref<80x128xf32, #tpu.memory_space<vmem>>) target(%dma_start3A_74 : memref<80x128xf32, #tpu.memory_space<vmem_shared>>) target_semaphore(%run_scoped3A : memref<!tpu.dma_semaphore, #tpu.memory_space<semaphore_mem>>)
      %dma_wait3A = arith.constant 0 : i32
      %dma_wait3A_75 = tpu.memref_slice %arg12[%add3A_5, %dma_wait3A] : memref<10240x128xf32, #tpu.memory_space<vmem_shared>> -> memref<80x128xf32, #tpu.memory_space<vmem_shared>>
      %dma_wait3A_76 = arith.constant 0 : i32
      %dma_wait3A_77 = tpu.memref_slice %arg12[%add3A_5, %dma_wait3A_76] : memref<10240x128xf32, #tpu.memory_space<vmem_shared>> -> memref<80x128xf32, #tpu.memory_space<vmem_shared>>
      tpu.wait_dma2 semaphore(%run_scoped3A : memref<!tpu.dma_semaphore, #tpu.memory_space<semaphore_mem>>) src(%arg11 : memref<80x128xf32, #tpu.memory_space<vmem>>) dst(%dma_wait3A_77 : memref<80x128xf32, #tpu.memory_space<vmem_shared>>)
      tpu.yield
    }) : () -> ()
    %mul3A_6 = arith.constant 640 : i32
    %mul3A_7 = arith.muli %arg1, %mul3A_6 : i32
    %add3A_8 = arith.constant 80 : i32
    %add3A_9 = arith.addi %mul3A_7, %add3A_8 : i32
    "tpu.region"() ({
      %run_scoped3A = tpu.sem_alloc : memref<!tpu.dma_semaphore, #tpu.memory_space<semaphore_mem>>
      %dma_start3A = arith.constant 0 : i32
      %dma_start3A_72 = tpu.memref_slice %arg12[%add3A_9, %dma_start3A] : memref<10240x128xf32, #tpu.memory_space<vmem_shared>> -> memref<80x128xf32, #tpu.memory_space<vmem_shared>>
      %dma_start3A_73 = arith.constant 0 : i32
      %dma_start3A_74 = tpu.memref_slice %arg12[%add3A_9, %dma_start3A_73] : memref<10240x128xf32, #tpu.memory_space<vmem_shared>> -> memref<80x128xf32, #tpu.memory_space<vmem_shared>>
      tpu.enqueue_dma source(%arg11 : memref<80x128xf32, #tpu.memory_space<vmem>>) target(%dma_start3A_74 : memref<80x128xf32, #tpu.memory_space<vmem_shared>>) target_semaphore(%run_scoped3A : memref<!tpu.dma_semaphore, #tpu.memory_space<semaphore_mem>>)
      %dma_wait3A = arith.constant 0 : i32
      %dma_wait3A_75 = tpu.memref_slice %arg12[%add3A_9, %dma_wait3A] : memref<10240x128xf32, #tpu.memory_space<vmem_shared>> -> memref<80x128xf32, #tpu.memory_space<vmem_shared>>
      %dma_wait3A_76 = arith.constant 0 : i32
      %dma_wait3A_77 = tpu.memref_slice %arg12[%add3A_9, %dma_wait3A_76] : memref<10240x128xf32, #tpu.memory_space<vmem_shared>> -> memref<80x128xf32, #tpu.memory_space<vmem_shared>>
      tpu.wait_dma2 semaphore(%run_scoped3A : memref<!tpu.dma_semaphore, #tpu.memory_space<semaphore_mem>>) src(%arg11 : memref<80x128xf32, #tpu.memory_space<vmem>>) dst(%dma_wait3A_77 : memref<80x128xf32, #tpu.memory_space<vmem_shared>>)
      tpu.yield
    }) : () -> ()
    %mul3A_10 = arith.constant 640 : i32
    %mul3A_11 = arith.muli %arg1, %mul3A_10 : i32
    %add3A_12 = arith.constant 160 : i32
    %add3A_13 = arith.addi %mul3A_11, %add3A_12 : i32
    "tpu.region"() ({
      %run_scoped3A = tpu.sem_alloc : memref<!tpu.dma_semaphore, #tpu.memory_space<semaphore_mem>>
      %dma_start3A = arith.constant 0 : i32
      %dma_start3A_72 = tpu.memref_slice %arg12[%add3A_13, %dma_start3A] : memref<10240x128xf32, #tpu.memory_space<vmem_shared>> -> memref<80x128xf32, #tpu.memory_space<vmem_shared>>
      %dma_start3A_73 = arith.constant 0 : i32
      %dma_start3A_74 = tpu.memref_slice %arg12[%add3A_13, %dma_start3A_73] : memref<10240x128xf32, #tpu.memory_space<vmem_shared>> -> memref<80x128xf32, #tpu.memory_space<vmem_shared>>
      tpu.enqueue_dma source(%arg11 : memref<80x128xf32, #tpu.memory_space<vmem>>) target(%dma_start3A_74 : memref<80x128xf32, #tpu.memory_space<vmem_shared>>) target_semaphore(%run_scoped3A : memref<!tpu.dma_semaphore, #tpu.memory_space<semaphore_mem>>)
      %dma_wait3A = arith.constant 0 : i32
      %dma_wait3A_75 = tpu.memref_slice %arg12[%add3A_13, %dma_wait3A] : memref<10240x128xf32, #tpu.memory_space<vmem_shared>> -> memref<80x128xf32, #tpu.memory_space<vmem_shared>>
      %dma_wait3A_76 = arith.constant 0 : i32
      %dma_wait3A_77 = tpu.memref_slice %arg12[%add3A_13, %dma_wait3A_76] : memref<10240x128xf32, #tpu.memory_space<vmem_shared>> -> memref<80x128xf32, #tpu.memory_space<vmem_shared>>
      tpu.wait_dma2 semaphore(%run_scoped3A : memref<!tpu.dma_semaphore, #tpu.memory_space<semaphore_mem>>) src(%arg11 : memref<80x128xf32, #tpu.memory_space<vmem>>) dst(%dma_wait3A_77 : memref<80x128xf32, #tpu.memory_space<vmem_shared>>)
      tpu.yield
    }) : () -> ()
    %mul3A_14 = arith.constant 640 : i32
    %mul3A_15 = arith.muli %arg1, %mul3A_14 : i32
    %add3A_16 = arith.constant 240 : i32
    %add3A_17 = arith.addi %mul3A_15, %add3A_16 : i32
    "tpu.region"() ({
      %run_scoped3A = tpu.sem_alloc : memref<!tpu.dma_semaphore, #tpu.memory_space<semaphore_mem>>
      %dma_start3A = arith.constant 0 : i32
      %dma_start3A_72 = tpu.memref_slice %arg12[%add3A_17, %dma_start3A] : memref<10240x128xf32, #tpu.memory_space<vmem_shared>> -> memref<80x128xf32, #tpu.memory_space<vmem_shared>>
      %dma_start3A_73 = arith.constant 0 : i32
      %dma_start3A_74 = tpu.memref_slice %arg12[%add3A_17, %dma_start3A_73] : memref<10240x128xf32, #tpu.memory_space<vmem_shared>> -> memref<80x128xf32, #tpu.memory_space<vmem_shared>>
      tpu.enqueue_dma source(%arg11 : memref<80x128xf32, #tpu.memory_space<vmem>>) target(%dma_start3A_74 : memref<80x128xf32, #tpu.memory_space<vmem_shared>>) target_semaphore(%run_scoped3A : memref<!tpu.dma_semaphore, #tpu.memory_space<semaphore_mem>>)
      %dma_wait3A = arith.constant 0 : i32
      %dma_wait3A_75 = tpu.memref_slice %arg12[%add3A_17, %dma_wait3A] : memref<10240x128xf32, #tpu.memory_space<vmem_shared>> -> memref<80x128xf32, #tpu.memory_space<vmem_shared>>
      %dma_wait3A_76 = arith.constant 0 : i32
      %dma_wait3A_77 = tpu.memref_slice %arg12[%add3A_17, %dma_wait3A_76] : memref<10240x128xf32, #tpu.memory_space<vmem_shared>> -> memref<80x128xf32, #tpu.memory_space<vmem_shared>>
      tpu.wait_dma2 semaphore(%run_scoped3A : memref<!tpu.dma_semaphore, #tpu.memory_space<semaphore_mem>>) src(%arg11 : memref<80x128xf32, #tpu.memory_space<vmem>>) dst(%dma_wait3A_77 : memref<80x128xf32, #tpu.memory_space<vmem_shared>>)
      tpu.yield
    }) : () -> ()
    %mul3A_18 = arith.constant 640 : i32
    %mul3A_19 = arith.muli %arg1, %mul3A_18 : i32
    %add3A_20 = arith.constant 320 : i32
    %add3A_21 = arith.addi %mul3A_19, %add3A_20 : i32
    "tpu.region"() ({
      %run_scoped3A = tpu.sem_alloc : memref<!tpu.dma_semaphore, #tpu.memory_space<semaphore_mem>>
      %dma_start3A = arith.constant 0 : i32
      %dma_start3A_72 = tpu.memref_slice %arg12[%add3A_21, %dma_start3A] : memref<10240x128xf32, #tpu.memory_space<vmem_shared>> -> memref<80x128xf32, #tpu.memory_space<vmem_shared>>
      %dma_start3A_73 = arith.constant 0 : i32
      %dma_start3A_74 = tpu.memref_slice %arg12[%add3A_21, %dma_start3A_73] : memref<10240x128xf32, #tpu.memory_space<vmem_shared>> -> memref<80x128xf32, #tpu.memory_space<vmem_shared>>
      tpu.enqueue_dma source(%arg11 : memref<80x128xf32, #tpu.memory_space<vmem>>) target(%dma_start3A_74 : memref<80x128xf32, #tpu.memory_space<vmem_shared>>) target_semaphore(%run_scoped3A : memref<!tpu.dma_semaphore, #tpu.memory_space<semaphore_mem>>)
      %dma_wait3A = arith.constant 0 : i32
      %dma_wait3A_75 = tpu.memref_slice %arg12[%add3A_21, %dma_wait3A] : memref<10240x128xf32, #tpu.memory_space<vmem_shared>> -> memref<80x128xf32, #tpu.memory_space<vmem_shared>>
      %dma_wait3A_76 = arith.constant 0 : i32
      %dma_wait3A_77 = tpu.memref_slice %arg12[%add3A_21, %dma_wait3A_76] : memref<10240x128xf32, #tpu.memory_space<vmem_shared>> -> memref<80x128xf32, #tpu.memory_space<vmem_shared>>
      tpu.wait_dma2 semaphore(%run_scoped3A : memref<!tpu.dma_semaphore, #tpu.memory_space<semaphore_mem>>) src(%arg11 : memref<80x128xf32, #tpu.memory_space<vmem>>) dst(%dma_wait3A_77 : memref<80x128xf32, #tpu.memory_space<vmem_shared>>)
      tpu.yield
    }) : () -> ()
    %mul3A_22 = arith.constant 640 : i32
    %mul3A_23 = arith.muli %arg1, %mul3A_22 : i32
    %add3A_24 = arith.constant 400 : i32
    %add3A_25 = arith.addi %mul3A_23, %add3A_24 : i32
    "tpu.region"() ({
      %run_scoped3A = tpu.sem_alloc : memref<!tpu.dma_semaphore, #tpu.memory_space<semaphore_mem>>
      %dma_start3A = arith.constant 0 : i32
      %dma_start3A_72 = tpu.memref_slice %arg12[%add3A_25, %dma_start3A] : memref<10240x128xf32, #tpu.memory_space<vmem_shared>> -> memref<80x128xf32, #tpu.memory_space<vmem_shared>>
      %dma_start3A_73 = arith.constant 0 : i32
      %dma_start3A_74 = tpu.memref_slice %arg12[%add3A_25, %dma_start3A_73] : memref<10240x128xf32, #tpu.memory_space<vmem_shared>> -> memref<80x128xf32, #tpu.memory_space<vmem_shared>>
      tpu.enqueue_dma source(%arg11 : memref<80x128xf32, #tpu.memory_space<vmem>>) target(%dma_start3A_74 : memref<80x128xf32, #tpu.memory_space<vmem_shared>>) target_semaphore(%run_scoped3A : memref<!tpu.dma_semaphore, #tpu.memory_space<semaphore_mem>>)
      %dma_wait3A = arith.constant 0 : i32
      %dma_wait3A_75 = tpu.memref_slice %arg12[%add3A_25, %dma_wait3A] : memref<10240x128xf32, #tpu.memory_space<vmem_shared>> -> memref<80x128xf32, #tpu.memory_space<vmem_shared>>
      %dma_wait3A_76 = arith.constant 0 : i32
      %dma_wait3A_77 = tpu.memref_slice %arg12[%add3A_25, %dma_wait3A_76] : memref<10240x128xf32, #tpu.memory_space<vmem_shared>> -> memref<80x128xf32, #tpu.memory_space<vmem_shared>>
      tpu.wait_dma2 semaphore(%run_scoped3A : memref<!tpu.dma_semaphore, #tpu.memory_space<semaphore_mem>>) src(%arg11 : memref<80x128xf32, #tpu.memory_space<vmem>>) dst(%dma_wait3A_77 : memref<80x128xf32, #tpu.memory_space<vmem_shared>>)
      tpu.yield
    }) : () -> ()
    %mul3A_26 = arith.constant 640 : i32
    %mul3A_27 = arith.muli %arg1, %mul3A_26 : i32
    %add3A_28 = arith.constant 480 : i32
    %add3A_29 = arith.addi %mul3A_27, %add3A_28 : i32
    "tpu.region"() ({
      %run_scoped3A = tpu.sem_alloc : memref<!tpu.dma_semaphore, #tpu.memory_space<semaphore_mem>>
      %dma_start3A = arith.constant 0 : i32
      %dma_start3A_72 = tpu.memref_slice %arg12[%add3A_29, %dma_start3A] : memref<10240x128xf32, #tpu.memory_space<vmem_shared>> -> memref<80x128xf32, #tpu.memory_space<vmem_shared>>
      %dma_start3A_73 = arith.constant 0 : i32
      %dma_start3A_74 = tpu.memref_slice %arg12[%add3A_29, %dma_start3A_73] : memref<10240x128xf32, #tpu.memory_space<vmem_shared>> -> memref<80x128xf32, #tpu.memory_space<vmem_shared>>
      tpu.enqueue_dma source(%arg11 : memref<80x128xf32, #tpu.memory_space<vmem>>) target(%dma_start3A_74 : memref<80x128xf32, #tpu.memory_space<vmem_shared>>) target_semaphore(%run_scoped3A : memref<!tpu.dma_semaphore, #tpu.memory_space<semaphore_mem>>)
      %dma_wait3A = arith.constant 0 : i32
      %dma_wait3A_75 = tpu.memref_slice %arg12[%add3A_29, %dma_wait3A] : memref<10240x128xf32, #tpu.memory_space<vmem_shared>> -> memref<80x128xf32, #tpu.memory_space<vmem_shared>>
      %dma_wait3A_76 = arith.constant 0 : i32
      %dma_wait3A_77 = tpu.memref_slice %arg12[%add3A_29, %dma_wait3A_76] : memref<10240x128xf32, #tpu.memory_space<vmem_shared>> -> memref<80x128xf32, #tpu.memory_space<vmem_shared>>
      tpu.wait_dma2 semaphore(%run_scoped3A : memref<!tpu.dma_semaphore, #tpu.memory_space<semaphore_mem>>) src(%arg11 : memref<80x128xf32, #tpu.memory_space<vmem>>) dst(%dma_wait3A_77 : memref<80x128xf32, #tpu.memory_space<vmem_shared>>)
      tpu.yield
    }) : () -> ()
    %mul3A_30 = arith.constant 640 : i32
    %mul3A_31 = arith.muli %arg1, %mul3A_30 : i32
    %add3A_32 = arith.constant 560 : i32
    %add3A_33 = arith.addi %mul3A_31, %add3A_32 : i32
    "tpu.region"() ({
      %run_scoped3A = tpu.sem_alloc : memref<!tpu.dma_semaphore, #tpu.memory_space<semaphore_mem>>
      %dma_start3A = arith.constant 0 : i32
      %dma_start3A_72 = tpu.memref_slice %arg12[%add3A_33, %dma_start3A] : memref<10240x128xf32, #tpu.memory_space<vmem_shared>> -> memref<80x128xf32, #tpu.memory_space<vmem_shared>>
      %dma_start3A_73 = arith.constant 0 : i32
      %dma_start3A_74 = tpu.memref_slice %arg12[%add3A_33, %dma_start3A_73] : memref<10240x128xf32, #tpu.memory_space<vmem_shared>> -> memref<80x128xf32, #tpu.memory_space<vmem_shared>>
      tpu.enqueue_dma source(%arg11 : memref<80x128xf32, #tpu.memory_space<vmem>>) target(%dma_start3A_74 : memref<80x128xf32, #tpu.memory_space<vmem_shared>>) target_semaphore(%run_scoped3A : memref<!tpu.dma_semaphore, #tpu.memory_space<semaphore_mem>>)
      %dma_wait3A = arith.constant 0 : i32
      %dma_wait3A_75 = tpu.memref_slice %arg12[%add3A_33, %dma_wait3A] : memref<10240x128xf32, #tpu.memory_space<vmem_shared>> -> memref<80x128xf32, #tpu.memory_space<vmem_shared>>
      %dma_wait3A_76 = arith.constant 0 : i32
      %dma_wait3A_77 = tpu.memref_slice %arg12[%add3A_33, %dma_wait3A_76] : memref<10240x128xf32, #tpu.memory_space<vmem_shared>> -> memref<80x128xf32, #tpu.memory_space<vmem_shared>>
      tpu.wait_dma2 semaphore(%run_scoped3A : memref<!tpu.dma_semaphore, #tpu.memory_space<semaphore_mem>>) src(%arg11 : memref<80x128xf32, #tpu.memory_space<vmem>>) dst(%dma_wait3A_77 : memref<80x128xf32, #tpu.memory_space<vmem_shared>>)
      tpu.yield
    }) : () -> ()
    %barrier3A = arith.constant 0 : index
    tpu.barrier barrier_id(%barrier3A)
    %sub3A = arith.constant 1250 : i32
    %sub3A_34 = arith.subi %sub3A, %arg1 : i32
    %add3A_35 = arith.constant 16 : i32
    %add3A_36 = arith.addi %sub3A_34, %add3A_35 : i32
    %sub3A_37 = arith.constant 1 : i32
    %sub3A_38 = arith.subi %add3A_36, %sub3A_37 : i32
    %jit3A = arith.constant 16 : i32
    %div3A = arith.divsi %sub3A_38, %jit3A : i32
    %sign3A = arith.constant 0 : i32
    %sign3A_39 = arith.cmpi sgt, %sub3A_38, %sign3A : i32
    %sign3A_40 = arith.extui %sign3A_39 : i1 to i32
    %sign3A_41 = arith.constant 0 : i32
    %sign3A_42 = arith.cmpi slt, %sub3A_38, %sign3A_41 : i32
    %sign3A_43 = arith.extui %sign3A_42 : i1 to i32
    %sign3A_44 = arith.subi %sign3A_40, %sign3A_43 : i32
    %sign3A_45 = arith.constant 0 : i32
    %sign3A_46 = arith.cmpi sgt, %jit3A, %sign3A_45 : i32
    %sign3A_47 = arith.extui %sign3A_46 : i1 to i32
    %sign3A_48 = arith.constant 0 : i32
    %sign3A_49 = arith.cmpi slt, %jit3A, %sign3A_48 : i32
    %sign3A_50 = arith.extui %sign3A_49 : i1 to i32
    %sign3A_51 = arith.subi %sign3A_47, %sign3A_50 : i32
    %ne3A = arith.cmpi ne, %sign3A_44, %sign3A_51 : i32
    %rem3A = arith.remsi %sub3A_38, %jit3A : i32
    %ne3A_52 = arith.constant 0 : i32
    %ne3A_53 = arith.cmpi ne, %rem3A, %ne3A_52 : i32
    %and3A = arith.andi %ne3A, %ne3A_53 : i1
    %sub3A_54 = arith.constant 1 : i32
    %sub3A_55 = arith.subi %div3A, %sub3A_54 : i32
    %select_n3A = arith.select %and3A, %sub3A_55, %div3A : i32
    %while3A = arith.constant 0 : i32
    %while3A_56 = arith.subi %select_n3A, %while3A : i32
    %while3A_57 = arith.addi %while3A, %while3A_56 : i32
    %while3A_58 = arith.constant 1 : i32
    %while3A_59 = arith.divsi %while3A_56, %while3A_58 : i32
    %while3A_60 = arith.muli %while3A_59, %while3A_58 : i32
    %while3A_61 = arith.addi %while3A, %while3A_60 : i32
    %while3A_62 = arith.constant 1 : i32
    scf.for %while3A_72 = %while3A to %while3A_61 step %while3A_62  : i32 {
      %mul3A_73 = arith.constant 16 : i32
      %mul3A_74 = arith.muli %while3A_72, %mul3A_73 : i32
      %add3A_75 = arith.addi %arg1, %mul3A_74 : i32
      %mul3A_76 = arith.constant 128 : i32
      %mul3A_77 = arith.muli %add3A_75, %mul3A_76 : i32
      "tpu.region"() ({
        %run_scoped3A = tpu.sem_alloc : memref<!tpu.dma_semaphore, #tpu.memory_space<semaphore_mem>>
        %dma_start3A_173 = tpu.memref_slice %arg4[%mul3A_77] : memref<160000xi32, #tpu.memory_space<hbm>> -> memref<128xi32, #tpu.memory_space<hbm>>
        %dma_start3A_174 = tpu.memref_slice %arg4[%mul3A_77] : memref<160000xi32, #tpu.memory_space<hbm>> -> memref<128xi32, #tpu.memory_space<hbm>>
        tpu.enqueue_dma source(%dma_start3A_174 : memref<128xi32, #tpu.memory_space<hbm>>) target(%arg7 : memref<128xi32, #tpu.memory_space<vmem>>) target_semaphore(%run_scoped3A : memref<!tpu.dma_semaphore, #tpu.memory_space<semaphore_mem>>)
        %dma_wait3A_175 = tpu.memref_slice %arg4[%mul3A_77] : memref<160000xi32, #tpu.memory_space<hbm>> -> memref<128xi32, #tpu.memory_space<hbm>>
        %dma_wait3A_176 = tpu.memref_slice %arg4[%mul3A_77] : memref<160000xi32, #tpu.memory_space<hbm>> -> memref<128xi32, #tpu.memory_space<hbm>>
        tpu.wait_dma2 semaphore(%run_scoped3A : memref<!tpu.dma_semaphore, #tpu.memory_space<semaphore_mem>>) src(%dma_wait3A_176 : memref<128xi32, #tpu.memory_space<hbm>>) dst(%arg7 : memref<128xi32, #tpu.memory_space<vmem>>)
        tpu.yield
      }) : () -> ()
      "tpu.region"() ({
        %run_scoped3A = tpu.sem_alloc : memref<!tpu.dma_semaphore, #tpu.memory_space<semaphore_mem>>
        %dma_start3A_173 = tpu.memref_slice %arg5[%mul3A_77] : memref<160000xi32, #tpu.memory_space<hbm>> -> memref<128xi32, #tpu.memory_space<hbm>>
        %dma_start3A_174 = tpu.memref_slice %arg5[%mul3A_77] : memref<160000xi32, #tpu.memory_space<hbm>> -> memref<128xi32, #tpu.memory_space<hbm>>
        tpu.enqueue_dma source(%dma_start3A_174 : memref<128xi32, #tpu.memory_space<hbm>>) target(%arg8 : memref<128xi32, #tpu.memory_space<vmem>>) target_semaphore(%run_scoped3A : memref<!tpu.dma_semaphore, #tpu.memory_space<semaphore_mem>>)
        %dma_wait3A_175 = tpu.memref_slice %arg5[%mul3A_77] : memref<160000xi32, #tpu.memory_space<hbm>> -> memref<128xi32, #tpu.memory_space<hbm>>
        %dma_wait3A_176 = tpu.memref_slice %arg5[%mul3A_77] : memref<160000xi32, #tpu.memory_space<hbm>> -> memref<128xi32, #tpu.memory_space<hbm>>
        tpu.wait_dma2 semaphore(%run_scoped3A : memref<!tpu.dma_semaphore, #tpu.memory_space<semaphore_mem>>) src(%dma_wait3A_176 : memref<128xi32, #tpu.memory_space<hbm>>) dst(%arg8 : memref<128xi32, #tpu.memory_space<vmem>>)
        tpu.yield
      }) : () -> ()
      "tpu.region"() ({
        %run_scoped3A = tpu.sem_alloc : memref<!tpu.dma_semaphore, #tpu.memory_space<semaphore_mem>>
        %dma_start3A_173 = arith.constant 0 : i32
        %dma_start3A_174 = tpu.memref_slice %arg3[%mul3A_77, %dma_start3A_173] : memref<160000x16xf32, #tpu.memory_space<hbm>> -> memref<128x16xf32, #tpu.memory_space<hbm>>
        %dma_start3A_175 = arith.constant 0 : i32
        %dma_start3A_176 = tpu.memref_slice %arg3[%mul3A_77, %dma_start3A_175] : memref<160000x16xf32, #tpu.memory_space<hbm>> -> memref<128x16xf32, #tpu.memory_space<hbm>>
        tpu.enqueue_dma source(%dma_start3A_176 : memref<128x16xf32, #tpu.memory_space<hbm>>) target(%arg9 : memref<128x16xf32, #tpu.memory_space<vmem>>) target_semaphore(%run_scoped3A : memref<!tpu.dma_semaphore, #tpu.memory_space<semaphore_mem>>)
        %dma_wait3A_177 = arith.constant 0 : i32
        %dma_wait3A_178 = tpu.memref_slice %arg3[%mul3A_77, %dma_wait3A_177] : memref<160000x16xf32, #tpu.memory_space<hbm>> -> memref<128x16xf32, #tpu.memory_space<hbm>>
        %dma_wait3A_179 = arith.constant 0 : i32
        %dma_wait3A_180 = tpu.memref_slice %arg3[%mul3A_77, %dma_wait3A_179] : memref<160000x16xf32, #tpu.memory_space<hbm>> -> memref<128x16xf32, #tpu.memory_space<hbm>>
        tpu.wait_dma2 semaphore(%run_scoped3A : memref<!tpu.dma_semaphore, #tpu.memory_space<semaphore_mem>>) src(%dma_wait3A_180 : memref<128x16xf32, #tpu.memory_space<hbm>>) dst(%arg9 : memref<128x16xf32, #tpu.memory_space<vmem>>)
        tpu.yield
      }) : () -> ()
      %get3A = arith.constant 0 : index
      %get3A_78 = tpu.vector_load %arg7[%get3A] {strides = array<i32>} : memref<128xi32, #tpu.memory_space<vmem>>, vector<16xi32>,
      %get3A_79 = vector.shape_cast %get3A_78 : vector<16xi32> to vector<16xi32>
      %mul3A_80 = arith.constant 10240 : i32
      %mul3A_81 = arith.muli %arg0, %mul3A_80 : i32
      %add3A_82 = vector.broadcast %mul3A_81 : i32 to vector<16xi32>
      %add3A_83 = arith.addi %get3A_79, %add3A_82 : vector<16xi32>
      %swap3A = arith.constant 0 : index
      %swap3A_84 = tpu.vector_load %arg7[%swap3A] {strides = array<i32>} : memref<128xi32, #tpu.memory_space<vmem>>, vector<16xi32>,
      %swap3A_85 = vector.shape_cast %swap3A_84 : vector<16xi32> to vector<16xi32>
      %swap3A_86 = vector.shape_cast %add3A_83 : vector<16xi32> to vector<16xi32>
      tpu.vector_store %arg7[%swap3A], %swap3A_86 {strides = array<i32>} : memref<128xi32, #tpu.memory_space<vmem>>, vector<16xi32>,
      %get3A_87 = arith.constant 16 : index
      %get3A_88 = tpu.vector_load %arg7[%get3A_87] {strides = array<i32>} : memref<128xi32, #tpu.memory_space<vmem>>, vector<16xi32>,
      %get3A_89 = vector.shape_cast %get3A_88 : vector<16xi32> to vector<16xi32>
      %mul3A_90 = arith.constant 10240 : i32
      %mul3A_91 = arith.muli %arg0, %mul3A_90 : i32
      %add3A_92 = vector.broadcast %mul3A_91 : i32 to vector<16xi32>
      %add3A_93 = arith.addi %get3A_89, %add3A_92 : vector<16xi32>
      %swap3A_94 = arith.constant 16 : index
      %swap3A_95 = tpu.vector_load %arg7[%swap3A_94] {strides = array<i32>} : memref<128xi32, #tpu.memory_space<vmem>>, vector<16xi32>,
      %swap3A_96 = vector.shape_cast %swap3A_95 : vector<16xi32> to vector<16xi32>
      %swap3A_97 = vector.shape_cast %add3A_93 : vector<16xi32> to vector<16xi32>
      tpu.vector_store %arg7[%swap3A_94], %swap3A_97 {strides = array<i32>} : memref<128xi32, #tpu.memory_space<vmem>>, vector<16xi32>,
      %get3A_98 = arith.constant 32 : index
      %get3A_99 = tpu.vector_load %arg7[%get3A_98] {strides = array<i32>} : memref<128xi32, #tpu.memory_space<vmem>>, vector<16xi32>,
      %get3A_100 = vector.shape_cast %get3A_99 : vector<16xi32> to vector<16xi32>
      %mul3A_101 = arith.constant 10240 : i32
      %mul3A_102 = arith.muli %arg0, %mul3A_101 : i32
      %add3A_103 = vector.broadcast %mul3A_102 : i32 to vector<16xi32>
      %add3A_104 = arith.addi %get3A_100, %add3A_103 : vector<16xi32>
      %swap3A_105 = arith.constant 32 : index
      %swap3A_106 = tpu.vector_load %arg7[%swap3A_105] {strides = array<i32>} : memref<128xi32, #tpu.memory_space<vmem>>, vector<16xi32>,
      %swap3A_107 = vector.shape_cast %swap3A_106 : vector<16xi32> to vector<16xi32>
      %swap3A_108 = vector.shape_cast %add3A_104 : vector<16xi32> to vector<16xi32>
      tpu.vector_store %arg7[%swap3A_105], %swap3A_108 {strides = array<i32>} : memref<128xi32, #tpu.memory_space<vmem>>, vector<16xi32>,
      %get3A_109 = arith.constant 48 : index
      %get3A_110 = tpu.vector_load %arg7[%get3A_109] {strides = array<i32>} : memref<128xi32, #tpu.memory_space<vmem>>, vector<16xi32>,
      %get3A_111 = vector.shape_cast %get3A_110 : vector<16xi32> to vector<16xi32>
      %mul3A_112 = arith.constant 10240 : i32
      %mul3A_113 = arith.muli %arg0, %mul3A_112 : i32
      %add3A_114 = vector.broadcast %mul3A_113 : i32 to vector<16xi32>
      %add3A_115 = arith.addi %get3A_111, %add3A_114 : vector<16xi32>
      %swap3A_116 = arith.constant 48 : index
      %swap3A_117 = tpu.vector_load %arg7[%swap3A_116] {strides = array<i32>} : memref<128xi32, #tpu.memory_space<vmem>>, vector<16xi32>,
      %swap3A_118 = vector.shape_cast %swap3A_117 : vector<16xi32> to vector<16xi32>
      %swap3A_119 = vector.shape_cast %add3A_115 : vector<16xi32> to vector<16xi32>
      tpu.vector_store %arg7[%swap3A_116], %swap3A_119 {strides = array<i32>} : memref<128xi32, #tpu.memory_space<vmem>>, vector<16xi32>,
      %get3A_120 = arith.constant 64 : index
      %get3A_121 = tpu.vector_load %arg7[%get3A_120] {strides = array<i32>} : memref<128xi32, #tpu.memory_space<vmem>>, vector<16xi32>,
      %get3A_122 = vector.shape_cast %get3A_121 : vector<16xi32> to vector<16xi32>
      %mul3A_123 = arith.constant 10240 : i32
      %mul3A_124 = arith.muli %arg0, %mul3A_123 : i32
      %add3A_125 = vector.broadcast %mul3A_124 : i32 to vector<16xi32>
      %add3A_126 = arith.addi %get3A_122, %add3A_125 : vector<16xi32>
      %swap3A_127 = arith.constant 64 : index
      %swap3A_128 = tpu.vector_load %arg7[%swap3A_127] {strides = array<i32>} : memref<128xi32, #tpu.memory_space<vmem>>, vector<16xi32>,
      %swap3A_129 = vector.shape_cast %swap3A_128 : vector<16xi32> to vector<16xi32>
      %swap3A_130 = vector.shape_cast %add3A_126 : vector<16xi32> to vector<16xi32>
      tpu.vector_store %arg7[%swap3A_127], %swap3A_130 {strides = array<i32>} : memref<128xi32, #tpu.memory_space<vmem>>, vector<16xi32>,
      %get3A_131 = arith.constant 80 : index
      %get3A_132 = tpu.vector_load %arg7[%get3A_131] {strides = array<i32>} : memref<128xi32, #tpu.memory_space<vmem>>, vector<16xi32>,
      %get3A_133 = vector.shape_cast %get3A_132 : vector<16xi32> to vector<16xi32>
      %mul3A_134 = arith.constant 10240 : i32
      %mul3A_135 = arith.muli %arg0, %mul3A_134 : i32
      %add3A_136 = vector.broadcast %mul3A_135 : i32 to vector<16xi32>
      %add3A_137 = arith.addi %get3A_133, %add3A_136 : vector<16xi32>
      %swap3A_138 = arith.constant 80 : index
      %swap3A_139 = tpu.vector_load %arg7[%swap3A_138] {strides = array<i32>} : memref<128xi32, #tpu.memory_space<vmem>>, vector<16xi32>,
      %swap3A_140 = vector.shape_cast %swap3A_139 : vector<16xi32> to vector<16xi32>
      %swap3A_141 = vector.shape_cast %add3A_137 : vector<16xi32> to vector<16xi32>
      tpu.vector_store %arg7[%swap3A_138], %swap3A_141 {strides = array<i32>} : memref<128xi32, #tpu.memory_space<vmem>>, vector<16xi32>,
      %get3A_142 = arith.constant 96 : index
      %get3A_143 = tpu.vector_load %arg7[%get3A_142] {strides = array<i32>} : memref<128xi32, #tpu.memory_space<vmem>>, vector<16xi32>,
      %get3A_144 = vector.shape_cast %get3A_143 : vector<16xi32> to vector<16xi32>
      %mul3A_145 = arith.constant 10240 : i32
      %mul3A_146 = arith.muli %arg0, %mul3A_145 : i32
      %add3A_147 = vector.broadcast %mul3A_146 : i32 to vector<16xi32>
      %add3A_148 = arith.addi %get3A_144, %add3A_147 : vector<16xi32>
      %swap3A_149 = arith.constant 96 : index
      %swap3A_150 = tpu.vector_load %arg7[%swap3A_149] {strides = array<i32>} : memref<128xi32, #tpu.memory_space<vmem>>, vector<16xi32>,
      %swap3A_151 = vector.shape_cast %swap3A_150 : vector<16xi32> to vector<16xi32>
      %swap3A_152 = vector.shape_cast %add3A_148 : vector<16xi32> to vector<16xi32>
      tpu.vector_store %arg7[%swap3A_149], %swap3A_152 {strides = array<i32>} : memref<128xi32, #tpu.memory_space<vmem>>, vector<16xi32>,
      %get3A_153 = arith.constant 112 : index
      %get3A_154 = tpu.vector_load %arg7[%get3A_153] {strides = array<i32>} : memref<128xi32, #tpu.memory_space<vmem>>, vector<16xi32>,
      %get3A_155 = vector.shape_cast %get3A_154 : vector<16xi32> to vector<16xi32>
      %mul3A_156 = arith.constant 10240 : i32
      %mul3A_157 = arith.muli %arg0, %mul3A_156 : i32
      %add3A_158 = vector.broadcast %mul3A_157 : i32 to vector<16xi32>
      %add3A_159 = arith.addi %get3A_155, %add3A_158 : vector<16xi32>
      %swap3A_160 = arith.constant 112 : index
      %swap3A_161 = tpu.vector_load %arg7[%swap3A_160] {strides = array<i32>} : memref<128xi32, #tpu.memory_space<vmem>>, vector<16xi32>,
      %swap3A_162 = vector.shape_cast %swap3A_161 : vector<16xi32> to vector<16xi32>
      %swap3A_163 = vector.shape_cast %add3A_159 : vector<16xi32> to vector<16xi32>
      tpu.vector_store %arg7[%swap3A_160], %swap3A_163 {strides = array<i32>} : memref<128xi32, #tpu.memory_space<vmem>>, vector<16xi32>,
      %dma_start3A = arith.constant 0 : i32
      %dma_start3A_164 = arith.constant 0 : i32
      %dma_start3A_165 = tpu.memref_slice %arg2[%dma_start3A, %dma_start3A_164] : memref<20480x128xf32, #tpu.memory_space<hbm>> -> memref<20480x128xf32, #tpu.memory_space<hbm>>
      tpu.enqueue_indirect_dma source(%dma_start3A_165 : memref<20480x128xf32, #tpu.memory_space<hbm>>) target(%arg10 : memref<128x128xf32, #tpu.memory_space<vmem>>) offsets(%arg7 : memref<128xi32, #tpu.memory_space<vmem>>) semaphore(%arg13 : memref<!tpu.dma_semaphore, #tpu.memory_space<semaphore_mem>>)
      %dma_wait3A = arith.constant 0 : i32
      %dma_wait3A_166 = arith.constant 0 : i32
      %dma_wait3A_167 = tpu.memref_slice %arg2[%dma_wait3A, %dma_wait3A_166] : memref<20480x128xf32, #tpu.memory_space<hbm>> -> memref<20480x128xf32, #tpu.memory_space<hbm>>
      tpu.wait_indirect_dma semaphore(%arg13 : memref<!tpu.dma_semaphore, #tpu.memory_space<semaphore_mem>>) src(%dma_wait3A_167 : memref<20480x128xf32, #tpu.memory_space<hbm>>) dst(%arg10 : memref<128x128xf32, #tpu.memory_space<vmem>>)
      %scan3A_168 = arith.constant 0 : i32
      %scan3A_169 = arith.constant 128 : i32
      %scan3A_170 = arith.addi %scan3A_168, %scan3A_169 : i32
      %scan3A_171 = arith.constant 1 : i32
      scf.for %scan3A_173 = %scan3A_168 to %scan3A_170 step %scan3A_171  : i32 {
        %get3A_174 = arith.index_cast %scan3A_173 : i32 to index
        %get3A_175 = arith.constant 0 : index
        %get3A_176 = tpu.vector_load %arg9[%get3A_174, %get3A_175] {strides = array<i32>} : memref<128x16xf32, #tpu.memory_space<vmem>>, vector<1x16xf32>,
        %get3A_177 = vector.shape_cast %get3A_176 : vector<1x16xf32> to vector<16xf32>
        %mul3A_178 = arith.constant 2 : i32
        %mul3A_179 = arith.muli %mul3A_178, %arg0 : i32
        %broadcast_in_dim3A = vector.broadcast %mul3A_179 : i32 to vector<16xi32>
        %lt3A = arith.constant 0 : i32
        %lt3A_180 = vector.broadcast %lt3A : i32 to vector<16xi32>
        %lt3A_181 = arith.cmpi slt, %broadcast_in_dim3A, %lt3A_180 : vector<16xi32>
        %add3A_182 = arith.constant 16 : i32
        %add3A_183 = vector.broadcast %add3A_182 : i32 to vector<16xi32>
        %add3A_184 = arith.addi %broadcast_in_dim3A, %add3A_183 : vector<16xi32>
        %select_n3A_185 = arith.select %lt3A_181, %add3A_184, %broadcast_in_dim3A : vector<16xi1>, vector<16xi32>
        %broadcast_in_dim3A_186 = vector.shape_cast %select_n3A_185 : vector<16xi32> to vector<16x1xi32>
        %gather3A = vector.shape_cast %broadcast_in_dim3A_186 : vector<16x1xi32> to vector<16xi32>
        %gather3A_187 = tpu.dynamic_gather %get3A_177[%gather3A] in [0] : vector<16xf32>, vector<16xi32> -> vector<16xf32>
        %mul3A_188 = arith.constant 2 : i32
        %mul3A_189 = arith.muli %mul3A_188, %arg0 : i32
        %add3A_190 = arith.constant 1 : i32
        %add3A_191 = arith.addi %mul3A_189, %add3A_190 : i32
        %broadcast_in_dim3A_192 = vector.broadcast %add3A_191 : i32 to vector<16xi32>
        %lt3A_193 = arith.constant 0 : i32
        %lt3A_194 = vector.broadcast %lt3A_193 : i32 to vector<16xi32>
        %lt3A_195 = arith.cmpi slt, %broadcast_in_dim3A_192, %lt3A_194 : vector<16xi32>
        %add3A_196 = arith.constant 16 : i32
        %add3A_197 = vector.broadcast %add3A_196 : i32 to vector<16xi32>
        %add3A_198 = arith.addi %broadcast_in_dim3A_192, %add3A_197 : vector<16xi32>
        %select_n3A_199 = arith.select %lt3A_195, %add3A_198, %broadcast_in_dim3A_192 : vector<16xi1>, vector<16xi32>
        %broadcast_in_dim3A_200 = vector.shape_cast %select_n3A_199 : vector<16xi32> to vector<16x1xi32>
        %gather3A_201 = vector.shape_cast %broadcast_in_dim3A_200 : vector<16x1xi32> to vector<16xi32>
        %gather3A_202 = tpu.dynamic_gather %get3A_177[%gather3A_201] in [0] : vector<16xf32>, vector<16xi32> -> vector<16xf32>
        %get3A_203 = arith.index_cast %scan3A_173 : i32 to index
        %get3A_204 = arith.constant 0 : index
        %get3A_205 = tpu.vector_load %arg10[%get3A_203, %get3A_204] {strides = array<i32>} : memref<128x128xf32, #tpu.memory_space<vmem>>, vector<1x16xf32>,
        %get3A_206 = vector.shape_cast %get3A_205 : vector<1x16xf32> to vector<16xf32>
        %mul3A_207 = arith.mulf %get3A_206, %gather3A_187 : vector<16xf32>
        %swap3A_208 = arith.index_cast %scan3A_173 : i32 to index
        %swap3A_209 = arith.constant 0 : index
        %swap3A_210 = tpu.vector_load %arg10[%swap3A_208, %swap3A_209] {strides = array<i32>} : memref<128x128xf32, #tpu.memory_space<vmem>>, vector<1x16xf32>,
        %swap3A_211 = vector.shape_cast %swap3A_210 : vector<1x16xf32> to vector<16xf32>
        %swap3A_212 = vector.shape_cast %mul3A_207 : vector<16xf32> to vector<1x16xf32>
        tpu.vector_store %arg10[%swap3A_208, %swap3A_209], %swap3A_212 {strides = array<i32>} : memref<128x128xf32, #tpu.memory_space<vmem>>, vector<1x16xf32>,
        %get3A_213 = arith.index_cast %scan3A_173 : i32 to index
        %get3A_214 = arith.constant 16 : index
        %get3A_215 = tpu.vector_load %arg10[%get3A_213, %get3A_214] {strides = array<i32>} : memref<128x128xf32, #tpu.memory_space<vmem>>, vector<1x16xf32>,
        %get3A_216 = vector.shape_cast %get3A_215 : vector<1x16xf32> to vector<16xf32>
        %mul3A_217 = arith.mulf %get3A_216, %gather3A_187 : vector<16xf32>
        %swap3A_218 = arith.index_cast %scan3A_173 : i32 to index
        %swap3A_219 = arith.constant 16 : index
        %swap3A_220 = tpu.vector_load %arg10[%swap3A_218, %swap3A_219] {strides = array<i32>} : memref<128x128xf32, #tpu.memory_space<vmem>>, vector<1x16xf32>,
        %swap3A_221 = vector.shape_cast %swap3A_220 : vector<1x16xf32> to vector<16xf32>
        %swap3A_222 = vector.shape_cast %mul3A_217 : vector<16xf32> to vector<1x16xf32>
        tpu.vector_store %arg10[%swap3A_218, %swap3A_219], %swap3A_222 {strides = array<i32>} : memref<128x128xf32, #tpu.memory_space<vmem>>, vector<1x16xf32>,
        %get3A_223 = arith.index_cast %scan3A_173 : i32 to index
        %get3A_224 = arith.constant 32 : index
        %get3A_225 = tpu.vector_load %arg10[%get3A_223, %get3A_224] {strides = array<i32>} : memref<128x128xf32, #tpu.memory_space<vmem>>, vector<1x16xf32>,
        %get3A_226 = vector.shape_cast %get3A_225 : vector<1x16xf32> to vector<16xf32>
        %mul3A_227 = arith.mulf %get3A_226, %gather3A_187 : vector<16xf32>
        %swap3A_228 = arith.index_cast %scan3A_173 : i32 to index
        %swap3A_229 = arith.constant 32 : index
        %swap3A_230 = tpu.vector_load %arg10[%swap3A_228, %swap3A_229] {strides = array<i32>} : memref<128x128xf32, #tpu.memory_space<vmem>>, vector<1x16xf32>,
        %swap3A_231 = vector.shape_cast %swap3A_230 : vector<1x16xf32> to vector<16xf32>
        %swap3A_232 = vector.shape_cast %mul3A_227 : vector<16xf32> to vector<1x16xf32>
        tpu.vector_store %arg10[%swap3A_228, %swap3A_229], %swap3A_232 {strides = array<i32>} : memref<128x128xf32, #tpu.memory_space<vmem>>, vector<1x16xf32>,
        %get3A_233 = arith.index_cast %scan3A_173 : i32 to index
        %get3A_234 = arith.constant 48 : index
        %get3A_235 = tpu.vector_load %arg10[%get3A_233, %get3A_234] {strides = array<i32>} : memref<128x128xf32, #tpu.memory_space<vmem>>, vector<1x16xf32>,
        %get3A_236 = vector.shape_cast %get3A_235 : vector<1x16xf32> to vector<16xf32>
        %mul3A_237 = arith.mulf %get3A_236, %gather3A_187 : vector<16xf32>
        %swap3A_238 = arith.index_cast %scan3A_173 : i32 to index
        %swap3A_239 = arith.constant 48 : index
        %swap3A_240 = tpu.vector_load %arg10[%swap3A_238, %swap3A_239] {strides = array<i32>} : memref<128x128xf32, #tpu.memory_space<vmem>>, vector<1x16xf32>,
        %swap3A_241 = vector.shape_cast %swap3A_240 : vector<1x16xf32> to vector<16xf32>
        %swap3A_242 = vector.shape_cast %mul3A_237 : vector<16xf32> to vector<1x16xf32>
        tpu.vector_store %arg10[%swap3A_238, %swap3A_239], %swap3A_242 {strides = array<i32>} : memref<128x128xf32, #tpu.memory_space<vmem>>, vector<1x16xf32>,
        %get3A_243 = arith.index_cast %scan3A_173 : i32 to index
        %get3A_244 = arith.constant 64 : index
        %get3A_245 = tpu.vector_load %arg10[%get3A_243, %get3A_244] {strides = array<i32>} : memref<128x128xf32, #tpu.memory_space<vmem>>, vector<1x16xf32>,
        %get3A_246 = vector.shape_cast %get3A_245 : vector<1x16xf32> to vector<16xf32>
        %mul3A_247 = arith.mulf %get3A_246, %gather3A_202 : vector<16xf32>
        %swap3A_248 = arith.index_cast %scan3A_173 : i32 to index
        %swap3A_249 = arith.constant 64 : index
        %swap3A_250 = tpu.vector_load %arg10[%swap3A_248, %swap3A_249] {strides = array<i32>} : memref<128x128xf32, #tpu.memory_space<vmem>>, vector<1x16xf32>,
        %swap3A_251 = vector.shape_cast %swap3A_250 : vector<1x16xf32> to vector<16xf32>
        %swap3A_252 = vector.shape_cast %mul3A_247 : vector<16xf32> to vector<1x16xf32>
        tpu.vector_store %arg10[%swap3A_248, %swap3A_249], %swap3A_252 {strides = array<i32>} : memref<128x128xf32, #tpu.memory_space<vmem>>, vector<1x16xf32>,
        %get3A_253 = arith.index_cast %scan3A_173 : i32 to index
        %get3A_254 = arith.constant 80 : index
        %get3A_255 = tpu.vector_load %arg10[%get3A_253, %get3A_254] {strides = array<i32>} : memref<128x128xf32, #tpu.memory_space<vmem>>, vector<1x16xf32>,
        %get3A_256 = vector.shape_cast %get3A_255 : vector<1x16xf32> to vector<16xf32>
        %mul3A_257 = arith.mulf %get3A_256, %gather3A_202 : vector<16xf32>
        %swap3A_258 = arith.index_cast %scan3A_173 : i32 to index
        %swap3A_259 = arith.constant 80 : index
        %swap3A_260 = tpu.vector_load %arg10[%swap3A_258, %swap3A_259] {strides = array<i32>} : memref<128x128xf32, #tpu.memory_space<vmem>>, vector<1x16xf32>,
        %swap3A_261 = vector.shape_cast %swap3A_260 : vector<1x16xf32> to vector<16xf32>
        %swap3A_262 = vector.shape_cast %mul3A_257 : vector<16xf32> to vector<1x16xf32>
        tpu.vector_store %arg10[%swap3A_258, %swap3A_259], %swap3A_262 {strides = array<i32>} : memref<128x128xf32, #tpu.memory_space<vmem>>, vector<1x16xf32>,
        %get3A_263 = arith.index_cast %scan3A_173 : i32 to index
        %get3A_264 = arith.constant 96 : index
        %get3A_265 = tpu.vector_load %arg10[%get3A_263, %get3A_264] {strides = array<i32>} : memref<128x128xf32, #tpu.memory_space<vmem>>, vector<1x16xf32>,
        %get3A_266 = vector.shape_cast %get3A_265 : vector<1x16xf32> to vector<16xf32>
        %mul3A_267 = arith.mulf %get3A_266, %gather3A_202 : vector<16xf32>
        %swap3A_268 = arith.index_cast %scan3A_173 : i32 to index
        %swap3A_269 = arith.constant 96 : index
        %swap3A_270 = tpu.vector_load %arg10[%swap3A_268, %swap3A_269] {strides = array<i32>} : memref<128x128xf32, #tpu.memory_space<vmem>>, vector<1x16xf32>,
        %swap3A_271 = vector.shape_cast %swap3A_270 : vector<1x16xf32> to vector<16xf32>
        %swap3A_272 = vector.shape_cast %mul3A_267 : vector<16xf32> to vector<1x16xf32>
        tpu.vector_store %arg10[%swap3A_268, %swap3A_269], %swap3A_272 {strides = array<i32>} : memref<128x128xf32, #tpu.memory_space<vmem>>, vector<1x16xf32>,
        %get3A_273 = arith.index_cast %scan3A_173 : i32 to index
        %get3A_274 = arith.constant 112 : index
        %get3A_275 = tpu.vector_load %arg10[%get3A_273, %get3A_274] {strides = array<i32>} : memref<128x128xf32, #tpu.memory_space<vmem>>, vector<1x16xf32>,
        %get3A_276 = vector.shape_cast %get3A_275 : vector<1x16xf32> to vector<16xf32>
        %mul3A_277 = arith.mulf %get3A_276, %gather3A_202 : vector<16xf32>
        %swap3A_278 = arith.index_cast %scan3A_173 : i32 to index
        %swap3A_279 = arith.constant 112 : index
        %swap3A_280 = tpu.vector_load %arg10[%swap3A_278, %swap3A_279] {strides = array<i32>} : memref<128x128xf32, #tpu.memory_space<vmem>>, vector<1x16xf32>,
        %swap3A_281 = vector.shape_cast %swap3A_280 : vector<1x16xf32> to vector<16xf32>
        %swap3A_282 = vector.shape_cast %mul3A_277 : vector<16xf32> to vector<1x16xf32>
        tpu.vector_store %arg10[%swap3A_278, %swap3A_279], %swap3A_282 {strides = array<i32>} : memref<128x128xf32, #tpu.memory_space<vmem>>, vector<1x16xf32>,
      }
      %scan3A_172 = arith.constant 128 : i32
      "tpu.region"() ({
        %run_scoped3A = tpu.sem_alloc : memref<!tpu.dma_semaphore, #tpu.memory_space<semaphore_mem>>
        %dma_start3A_173 = arith.constant 0 : i32
        %dma_start3A_174 = arith.constant 0 : i32
        %dma_start3A_175 = tpu.memref_slice %arg12[%dma_start3A_173, %dma_start3A_174] : memref<10240x128xf32, #tpu.memory_space<vmem_shared>> -> memref<10240x128xf32, #tpu.memory_space<vmem_shared>>
        tpu.enqueue_indirect_dma source(%arg10 : memref<128x128xf32, #tpu.memory_space<vmem>>) target(%dma_start3A_175 : memref<10240x128xf32, #tpu.memory_space<vmem_shared>>) offsets(%arg8 : memref<128xi32, #tpu.memory_space<vmem>>) semaphore(%run_scoped3A : memref<!tpu.dma_semaphore, #tpu.memory_space<semaphore_mem>>) {add = true}
        %dma_wait3A_176 = arith.constant 0 : i32
        %dma_wait3A_177 = arith.constant 0 : i32
        %dma_wait3A_178 = tpu.memref_slice %arg12[%dma_wait3A_176, %dma_wait3A_177] : memref<10240x128xf32, #tpu.memory_space<vmem_shared>> -> memref<10240x128xf32, #tpu.memory_space<vmem_shared>>
        tpu.wait_indirect_dma semaphore(%run_scoped3A : memref<!tpu.dma_semaphore, #tpu.memory_space<semaphore_mem>>) src(%arg10 : memref<128x128xf32, #tpu.memory_space<vmem>>) dst(%dma_wait3A_178 : memref<10240x128xf32, #tpu.memory_space<vmem_shared>>)
        tpu.yield
      }) : () -> ()
    }
    %while3A_63 = arith.constant 1 : i32
    scf.for %while3A_72 = %while3A_61 to %while3A_57 step %while3A_63  : i32 {
      %mul3A_73 = arith.constant 16 : i32
      %mul3A_74 = arith.muli %while3A_72, %mul3A_73 : i32
      %add3A_75 = arith.addi %arg1, %mul3A_74 : i32
      %mul3A_76 = arith.constant 128 : i32
      %mul3A_77 = arith.muli %add3A_75, %mul3A_76 : i32
      "tpu.region"() ({
        %run_scoped3A = tpu.sem_alloc : memref<!tpu.dma_semaphore, #tpu.memory_space<semaphore_mem>>
        %dma_start3A_173 = tpu.memref_slice %arg4[%mul3A_77] : memref<160000xi32, #tpu.memory_space<hbm>> -> memref<128xi32, #tpu.memory_space<hbm>>
        %dma_start3A_174 = tpu.memref_slice %arg4[%mul3A_77] : memref<160000xi32, #tpu.memory_space<hbm>> -> memref<128xi32, #tpu.memory_space<hbm>>
        tpu.enqueue_dma source(%dma_start3A_174 : memref<128xi32, #tpu.memory_space<hbm>>) target(%arg7 : memref<128xi32, #tpu.memory_space<vmem>>) target_semaphore(%run_scoped3A : memref<!tpu.dma_semaphore, #tpu.memory_space<semaphore_mem>>)
        %dma_wait3A_175 = tpu.memref_slice %arg4[%mul3A_77] : memref<160000xi32, #tpu.memory_space<hbm>> -> memref<128xi32, #tpu.memory_space<hbm>>
        %dma_wait3A_176 = tpu.memref_slice %arg4[%mul3A_77] : memref<160000xi32, #tpu.memory_space<hbm>> -> memref<128xi32, #tpu.memory_space<hbm>>
        tpu.wait_dma2 semaphore(%run_scoped3A : memref<!tpu.dma_semaphore, #tpu.memory_space<semaphore_mem>>) src(%dma_wait3A_176 : memref<128xi32, #tpu.memory_space<hbm>>) dst(%arg7 : memref<128xi32, #tpu.memory_space<vmem>>)
        tpu.yield
      }) : () -> ()
      "tpu.region"() ({
        %run_scoped3A = tpu.sem_alloc : memref<!tpu.dma_semaphore, #tpu.memory_space<semaphore_mem>>
        %dma_start3A_173 = tpu.memref_slice %arg5[%mul3A_77] : memref<160000xi32, #tpu.memory_space<hbm>> -> memref<128xi32, #tpu.memory_space<hbm>>
        %dma_start3A_174 = tpu.memref_slice %arg5[%mul3A_77] : memref<160000xi32, #tpu.memory_space<hbm>> -> memref<128xi32, #tpu.memory_space<hbm>>
        tpu.enqueue_dma source(%dma_start3A_174 : memref<128xi32, #tpu.memory_space<hbm>>) target(%arg8 : memref<128xi32, #tpu.memory_space<vmem>>) target_semaphore(%run_scoped3A : memref<!tpu.dma_semaphore, #tpu.memory_space<semaphore_mem>>)
        %dma_wait3A_175 = tpu.memref_slice %arg5[%mul3A_77] : memref<160000xi32, #tpu.memory_space<hbm>> -> memref<128xi32, #tpu.memory_space<hbm>>
        %dma_wait3A_176 = tpu.memref_slice %arg5[%mul3A_77] : memref<160000xi32, #tpu.memory_space<hbm>> -> memref<128xi32, #tpu.memory_space<hbm>>
        tpu.wait_dma2 semaphore(%run_scoped3A : memref<!tpu.dma_semaphore, #tpu.memory_space<semaphore_mem>>) src(%dma_wait3A_176 : memref<128xi32, #tpu.memory_space<hbm>>) dst(%arg8 : memref<128xi32, #tpu.memory_space<vmem>>)
        tpu.yield
      }) : () -> ()
      "tpu.region"() ({
        %run_scoped3A = tpu.sem_alloc : memref<!tpu.dma_semaphore, #tpu.memory_space<semaphore_mem>>
        %dma_start3A_173 = arith.constant 0 : i32
        %dma_start3A_174 = tpu.memref_slice %arg3[%mul3A_77, %dma_start3A_173] : memref<160000x16xf32, #tpu.memory_space<hbm>> -> memref<128x16xf32, #tpu.memory_space<hbm>>
        %dma_start3A_175 = arith.constant 0 : i32
        %dma_start3A_176 = tpu.memref_slice %arg3[%mul3A_77, %dma_start3A_175] : memref<160000x16xf32, #tpu.memory_space<hbm>> -> memref<128x16xf32, #tpu.memory_space<hbm>>
        tpu.enqueue_dma source(%dma_start3A_176 : memref<128x16xf32, #tpu.memory_space<hbm>>) target(%arg9 : memref<128x16xf32, #tpu.memory_space<vmem>>) target_semaphore(%run_scoped3A : memref<!tpu.dma_semaphore, #tpu.memory_space<semaphore_mem>>)
        %dma_wait3A_177 = arith.constant 0 : i32
        %dma_wait3A_178 = tpu.memref_slice %arg3[%mul3A_77, %dma_wait3A_177] : memref<160000x16xf32, #tpu.memory_space<hbm>> -> memref<128x16xf32, #tpu.memory_space<hbm>>
        %dma_wait3A_179 = arith.constant 0 : i32
        %dma_wait3A_180 = tpu.memref_slice %arg3[%mul3A_77, %dma_wait3A_179] : memref<160000x16xf32, #tpu.memory_space<hbm>> -> memref<128x16xf32, #tpu.memory_space<hbm>>
        tpu.wait_dma2 semaphore(%run_scoped3A : memref<!tpu.dma_semaphore, #tpu.memory_space<semaphore_mem>>) src(%dma_wait3A_180 : memref<128x16xf32, #tpu.memory_space<hbm>>) dst(%arg9 : memref<128x16xf32, #tpu.memory_space<vmem>>)
        tpu.yield
      }) : () -> ()
      %get3A = arith.constant 0 : index
      %get3A_78 = tpu.vector_load %arg7[%get3A] {strides = array<i32>} : memref<128xi32, #tpu.memory_space<vmem>>, vector<16xi32>,
      %get3A_79 = vector.shape_cast %get3A_78 : vector<16xi32> to vector<16xi32>
      %mul3A_80 = arith.constant 10240 : i32
      %mul3A_81 = arith.muli %arg0, %mul3A_80 : i32
      %add3A_82 = vector.broadcast %mul3A_81 : i32 to vector<16xi32>
      %add3A_83 = arith.addi %get3A_79, %add3A_82 : vector<16xi32>
      %swap3A = arith.constant 0 : index
      %swap3A_84 = tpu.vector_load %arg7[%swap3A] {strides = array<i32>} : memref<128xi32, #tpu.memory_space<vmem>>, vector<16xi32>,
      %swap3A_85 = vector.shape_cast %swap3A_84 : vector<16xi32> to vector<16xi32>
      %swap3A_86 = vector.shape_cast %add3A_83 : vector<16xi32> to vector<16xi32>
      tpu.vector_store %arg7[%swap3A], %swap3A_86 {strides = array<i32>} : memref<128xi32, #tpu.memory_space<vmem>>, vector<16xi32>,
      %get3A_87 = arith.constant 16 : index
      %get3A_88 = tpu.vector_load %arg7[%get3A_87] {strides = array<i32>} : memref<128xi32, #tpu.memory_space<vmem>>, vector<16xi32>,
      %get3A_89 = vector.shape_cast %get3A_88 : vector<16xi32> to vector<16xi32>
      %mul3A_90 = arith.constant 10240 : i32
      %mul3A_91 = arith.muli %arg0, %mul3A_90 : i32
      %add3A_92 = vector.broadcast %mul3A_91 : i32 to vector<16xi32>
      %add3A_93 = arith.addi %get3A_89, %add3A_92 : vector<16xi32>
      %swap3A_94 = arith.constant 16 : index
      %swap3A_95 = tpu.vector_load %arg7[%swap3A_94] {strides = array<i32>} : memref<128xi32, #tpu.memory_space<vmem>>, vector<16xi32>,
      %swap3A_96 = vector.shape_cast %swap3A_95 : vector<16xi32> to vector<16xi32>
      %swap3A_97 = vector.shape_cast %add3A_93 : vector<16xi32> to vector<16xi32>
      tpu.vector_store %arg7[%swap3A_94], %swap3A_97 {strides = array<i32>} : memref<128xi32, #tpu.memory_space<vmem>>, vector<16xi32>,
      %get3A_98 = arith.constant 32 : index
      %get3A_99 = tpu.vector_load %arg7[%get3A_98] {strides = array<i32>} : memref<128xi32, #tpu.memory_space<vmem>>, vector<16xi32>,
      %get3A_100 = vector.shape_cast %get3A_99 : vector<16xi32> to vector<16xi32>
      %mul3A_101 = arith.constant 10240 : i32
      %mul3A_102 = arith.muli %arg0, %mul3A_101 : i32
      %add3A_103 = vector.broadcast %mul3A_102 : i32 to vector<16xi32>
      %add3A_104 = arith.addi %get3A_100, %add3A_103 : vector<16xi32>
      %swap3A_105 = arith.constant 32 : index
      %swap3A_106 = tpu.vector_load %arg7[%swap3A_105] {strides = array<i32>} : memref<128xi32, #tpu.memory_space<vmem>>, vector<16xi32>,
      %swap3A_107 = vector.shape_cast %swap3A_106 : vector<16xi32> to vector<16xi32>
      %swap3A_108 = vector.shape_cast %add3A_104 : vector<16xi32> to vector<16xi32>
      tpu.vector_store %arg7[%swap3A_105], %swap3A_108 {strides = array<i32>} : memref<128xi32, #tpu.memory_space<vmem>>, vector<16xi32>,
      %get3A_109 = arith.constant 48 : index
      %get3A_110 = tpu.vector_load %arg7[%get3A_109] {strides = array<i32>} : memref<128xi32, #tpu.memory_space<vmem>>, vector<16xi32>,
      %get3A_111 = vector.shape_cast %get3A_110 : vector<16xi32> to vector<16xi32>
      %mul3A_112 = arith.constant 10240 : i32
      %mul3A_113 = arith.muli %arg0, %mul3A_112 : i32
      %add3A_114 = vector.broadcast %mul3A_113 : i32 to vector<16xi32>
      %add3A_115 = arith.addi %get3A_111, %add3A_114 : vector<16xi32>
      %swap3A_116 = arith.constant 48 : index
      %swap3A_117 = tpu.vector_load %arg7[%swap3A_116] {strides = array<i32>} : memref<128xi32, #tpu.memory_space<vmem>>, vector<16xi32>,
      %swap3A_118 = vector.shape_cast %swap3A_117 : vector<16xi32> to vector<16xi32>
      %swap3A_119 = vector.shape_cast %add3A_115 : vector<16xi32> to vector<16xi32>
      tpu.vector_store %arg7[%swap3A_116], %swap3A_119 {strides = array<i32>} : memref<128xi32, #tpu.memory_space<vmem>>, vector<16xi32>,
      %get3A_120 = arith.constant 64 : index
      %get3A_121 = tpu.vector_load %arg7[%get3A_120] {strides = array<i32>} : memref<128xi32, #tpu.memory_space<vmem>>, vector<16xi32>,
      %get3A_122 = vector.shape_cast %get3A_121 : vector<16xi32> to vector<16xi32>
      %mul3A_123 = arith.constant 10240 : i32
      %mul3A_124 = arith.muli %arg0, %mul3A_123 : i32
      %add3A_125 = vector.broadcast %mul3A_124 : i32 to vector<16xi32>
      %add3A_126 = arith.addi %get3A_122, %add3A_125 : vector<16xi32>
      %swap3A_127 = arith.constant 64 : index
      %swap3A_128 = tpu.vector_load %arg7[%swap3A_127] {strides = array<i32>} : memref<128xi32, #tpu.memory_space<vmem>>, vector<16xi32>,
      %swap3A_129 = vector.shape_cast %swap3A_128 : vector<16xi32> to vector<16xi32>
      %swap3A_130 = vector.shape_cast %add3A_126 : vector<16xi32> to vector<16xi32>
      tpu.vector_store %arg7[%swap3A_127], %swap3A_130 {strides = array<i32>} : memref<128xi32, #tpu.memory_space<vmem>>, vector<16xi32>,
      %get3A_131 = arith.constant 80 : index
      %get3A_132 = tpu.vector_load %arg7[%get3A_131] {strides = array<i32>} : memref<128xi32, #tpu.memory_space<vmem>>, vector<16xi32>,
      %get3A_133 = vector.shape_cast %get3A_132 : vector<16xi32> to vector<16xi32>
      %mul3A_134 = arith.constant 10240 : i32
      %mul3A_135 = arith.muli %arg0, %mul3A_134 : i32
      %add3A_136 = vector.broadcast %mul3A_135 : i32 to vector<16xi32>
      %add3A_137 = arith.addi %get3A_133, %add3A_136 : vector<16xi32>
      %swap3A_138 = arith.constant 80 : index
      %swap3A_139 = tpu.vector_load %arg7[%swap3A_138] {strides = array<i32>} : memref<128xi32, #tpu.memory_space<vmem>>, vector<16xi32>,
      %swap3A_140 = vector.shape_cast %swap3A_139 : vector<16xi32> to vector<16xi32>
      %swap3A_141 = vector.shape_cast %add3A_137 : vector<16xi32> to vector<16xi32>
      tpu.vector_store %arg7[%swap3A_138], %swap3A_141 {strides = array<i32>} : memref<128xi32, #tpu.memory_space<vmem>>, vector<16xi32>,
      %get3A_142 = arith.constant 96 : index
      %get3A_143 = tpu.vector_load %arg7[%get3A_142] {strides = array<i32>} : memref<128xi32, #tpu.memory_space<vmem>>, vector<16xi32>,
      %get3A_144 = vector.shape_cast %get3A_143 : vector<16xi32> to vector<16xi32>
      %mul3A_145 = arith.constant 10240 : i32
      %mul3A_146 = arith.muli %arg0, %mul3A_145 : i32
      %add3A_147 = vector.broadcast %mul3A_146 : i32 to vector<16xi32>
      %add3A_148 = arith.addi %get3A_144, %add3A_147 : vector<16xi32>
      %swap3A_149 = arith.constant 96 : index
      %swap3A_150 = tpu.vector_load %arg7[%swap3A_149] {strides = array<i32>} : memref<128xi32, #tpu.memory_space<vmem>>, vector<16xi32>,
      %swap3A_151 = vector.shape_cast %swap3A_150 : vector<16xi32> to vector<16xi32>
      %swap3A_152 = vector.shape_cast %add3A_148 : vector<16xi32> to vector<16xi32>
      tpu.vector_store %arg7[%swap3A_149], %swap3A_152 {strides = array<i32>} : memref<128xi32, #tpu.memory_space<vmem>>, vector<16xi32>,
      %get3A_153 = arith.constant 112 : index
      %get3A_154 = tpu.vector_load %arg7[%get3A_153] {strides = array<i32>} : memref<128xi32, #tpu.memory_space<vmem>>, vector<16xi32>,
      %get3A_155 = vector.shape_cast %get3A_154 : vector<16xi32> to vector<16xi32>
      %mul3A_156 = arith.constant 10240 : i32
      %mul3A_157 = arith.muli %arg0, %mul3A_156 : i32
      %add3A_158 = vector.broadcast %mul3A_157 : i32 to vector<16xi32>
      %add3A_159 = arith.addi %get3A_155, %add3A_158 : vector<16xi32>
      %swap3A_160 = arith.constant 112 : index
      %swap3A_161 = tpu.vector_load %arg7[%swap3A_160] {strides = array<i32>} : memref<128xi32, #tpu.memory_space<vmem>>, vector<16xi32>,
      %swap3A_162 = vector.shape_cast %swap3A_161 : vector<16xi32> to vector<16xi32>
      %swap3A_163 = vector.shape_cast %add3A_159 : vector<16xi32> to vector<16xi32>
      tpu.vector_store %arg7[%swap3A_160], %swap3A_163 {strides = array<i32>} : memref<128xi32, #tpu.memory_space<vmem>>, vector<16xi32>,
      %dma_start3A = arith.constant 0 : i32
      %dma_start3A_164 = arith.constant 0 : i32
      %dma_start3A_165 = tpu.memref_slice %arg2[%dma_start3A, %dma_start3A_164] : memref<20480x128xf32, #tpu.memory_space<hbm>> -> memref<20480x128xf32, #tpu.memory_space<hbm>>
      tpu.enqueue_indirect_dma source(%dma_start3A_165 : memref<20480x128xf32, #tpu.memory_space<hbm>>) target(%arg10 : memref<128x128xf32, #tpu.memory_space<vmem>>) offsets(%arg7 : memref<128xi32, #tpu.memory_space<vmem>>) semaphore(%arg13 : memref<!tpu.dma_semaphore, #tpu.memory_space<semaphore_mem>>)
      %dma_wait3A = arith.constant 0 : i32
      %dma_wait3A_166 = arith.constant 0 : i32
      %dma_wait3A_167 = tpu.memref_slice %arg2[%dma_wait3A, %dma_wait3A_166] : memref<20480x128xf32, #tpu.memory_space<hbm>> -> memref<20480x128xf32, #tpu.memory_space<hbm>>
      tpu.wait_indirect_dma semaphore(%arg13 : memref<!tpu.dma_semaphore, #tpu.memory_space<semaphore_mem>>) src(%dma_wait3A_167 : memref<20480x128xf32, #tpu.memory_space<hbm>>) dst(%arg10 : memref<128x128xf32, #tpu.memory_space<vmem>>)
      %scan3A_168 = arith.constant 0 : i32
      %scan3A_169 = arith.constant 128 : i32
      %scan3A_170 = arith.addi %scan3A_168, %scan3A_169 : i32
      %scan3A_171 = arith.constant 1 : i32
      scf.for %scan3A_173 = %scan3A_168 to %scan3A_170 step %scan3A_171  : i32 {
        %get3A_174 = arith.index_cast %scan3A_173 : i32 to index
        %get3A_175 = arith.constant 0 : index
        %get3A_176 = tpu.vector_load %arg9[%get3A_174, %get3A_175] {strides = array<i32>} : memref<128x16xf32, #tpu.memory_space<vmem>>, vector<1x16xf32>,
        %get3A_177 = vector.shape_cast %get3A_176 : vector<1x16xf32> to vector<16xf32>
        %mul3A_178 = arith.constant 2 : i32
        %mul3A_179 = arith.muli %mul3A_178, %arg0 : i32
        %broadcast_in_dim3A = vector.broadcast %mul3A_179 : i32 to vector<16xi32>
        %lt3A = arith.constant 0 : i32
        %lt3A_180 = vector.broadcast %lt3A : i32 to vector<16xi32>
        %lt3A_181 = arith.cmpi slt, %broadcast_in_dim3A, %lt3A_180 : vector<16xi32>
        %add3A_182 = arith.constant 16 : i32
        %add3A_183 = vector.broadcast %add3A_182 : i32 to vector<16xi32>
        %add3A_184 = arith.addi %broadcast_in_dim3A, %add3A_183 : vector<16xi32>
        %select_n3A_185 = arith.select %lt3A_181, %add3A_184, %broadcast_in_dim3A : vector<16xi1>, vector<16xi32>
        %broadcast_in_dim3A_186 = vector.shape_cast %select_n3A_185 : vector<16xi32> to vector<16x1xi32>
        %gather3A = vector.shape_cast %broadcast_in_dim3A_186 : vector<16x1xi32> to vector<16xi32>
        %gather3A_187 = tpu.dynamic_gather %get3A_177[%gather3A] in [0] : vector<16xf32>, vector<16xi32> -> vector<16xf32>
        %mul3A_188 = arith.constant 2 : i32
        %mul3A_189 = arith.muli %mul3A_188, %arg0 : i32
        %add3A_190 = arith.constant 1 : i32
        %add3A_191 = arith.addi %mul3A_189, %add3A_190 : i32
        %broadcast_in_dim3A_192 = vector.broadcast %add3A_191 : i32 to vector<16xi32>
        %lt3A_193 = arith.constant 0 : i32
        %lt3A_194 = vector.broadcast %lt3A_193 : i32 to vector<16xi32>
        %lt3A_195 = arith.cmpi slt, %broadcast_in_dim3A_192, %lt3A_194 : vector<16xi32>
        %add3A_196 = arith.constant 16 : i32
        %add3A_197 = vector.broadcast %add3A_196 : i32 to vector<16xi32>
        %add3A_198 = arith.addi %broadcast_in_dim3A_192, %add3A_197 : vector<16xi32>
        %select_n3A_199 = arith.select %lt3A_195, %add3A_198, %broadcast_in_dim3A_192 : vector<16xi1>, vector<16xi32>
        %broadcast_in_dim3A_200 = vector.shape_cast %select_n3A_199 : vector<16xi32> to vector<16x1xi32>
        %gather3A_201 = vector.shape_cast %broadcast_in_dim3A_200 : vector<16x1xi32> to vector<16xi32>
        %gather3A_202 = tpu.dynamic_gather %get3A_177[%gather3A_201] in [0] : vector<16xf32>, vector<16xi32> -> vector<16xf32>
        %get3A_203 = arith.index_cast %scan3A_173 : i32 to index
        %get3A_204 = arith.constant 0 : index
        %get3A_205 = tpu.vector_load %arg10[%get3A_203, %get3A_204] {strides = array<i32>} : memref<128x128xf32, #tpu.memory_space<vmem>>, vector<1x16xf32>,
        %get3A_206 = vector.shape_cast %get3A_205 : vector<1x16xf32> to vector<16xf32>
        %mul3A_207 = arith.mulf %get3A_206, %gather3A_187 : vector<16xf32>
        %swap3A_208 = arith.index_cast %scan3A_173 : i32 to index
        %swap3A_209 = arith.constant 0 : index
        %swap3A_210 = tpu.vector_load %arg10[%swap3A_208, %swap3A_209] {strides = array<i32>} : memref<128x128xf32, #tpu.memory_space<vmem>>, vector<1x16xf32>,
        %swap3A_211 = vector.shape_cast %swap3A_210 : vector<1x16xf32> to vector<16xf32>
        %swap3A_212 = vector.shape_cast %mul3A_207 : vector<16xf32> to vector<1x16xf32>
        tpu.vector_store %arg10[%swap3A_208, %swap3A_209], %swap3A_212 {strides = array<i32>} : memref<128x128xf32, #tpu.memory_space<vmem>>, vector<1x16xf32>,
        %get3A_213 = arith.index_cast %scan3A_173 : i32 to index
        %get3A_214 = arith.constant 16 : index
        %get3A_215 = tpu.vector_load %arg10[%get3A_213, %get3A_214] {strides = array<i32>} : memref<128x128xf32, #tpu.memory_space<vmem>>, vector<1x16xf32>,
        %get3A_216 = vector.shape_cast %get3A_215 : vector<1x16xf32> to vector<16xf32>
        %mul3A_217 = arith.mulf %get3A_216, %gather3A_187 : vector<16xf32>
        %swap3A_218 = arith.index_cast %scan3A_173 : i32 to index
        %swap3A_219 = arith.constant 16 : index
        %swap3A_220 = tpu.vector_load %arg10[%swap3A_218, %swap3A_219] {strides = array<i32>} : memref<128x128xf32, #tpu.memory_space<vmem>>, vector<1x16xf32>,
        %swap3A_221 = vector.shape_cast %swap3A_220 : vector<1x16xf32> to vector<16xf32>
        %swap3A_222 = vector.shape_cast %mul3A_217 : vector<16xf32> to vector<1x16xf32>
        tpu.vector_store %arg10[%swap3A_218, %swap3A_219], %swap3A_222 {strides = array<i32>} : memref<128x128xf32, #tpu.memory_space<vmem>>, vector<1x16xf32>,
        %get3A_223 = arith.index_cast %scan3A_173 : i32 to index
        %get3A_224 = arith.constant 32 : index
        %get3A_225 = tpu.vector_load %arg10[%get3A_223, %get3A_224] {strides = array<i32>} : memref<128x128xf32, #tpu.memory_space<vmem>>, vector<1x16xf32>,
        %get3A_226 = vector.shape_cast %get3A_225 : vector<1x16xf32> to vector<16xf32>
        %mul3A_227 = arith.mulf %get3A_226, %gather3A_187 : vector<16xf32>
        %swap3A_228 = arith.index_cast %scan3A_173 : i32 to index
        %swap3A_229 = arith.constant 32 : index
        %swap3A_230 = tpu.vector_load %arg10[%swap3A_228, %swap3A_229] {strides = array<i32>} : memref<128x128xf32, #tpu.memory_space<vmem>>, vector<1x16xf32>,
        %swap3A_231 = vector.shape_cast %swap3A_230 : vector<1x16xf32> to vector<16xf32>
        %swap3A_232 = vector.shape_cast %mul3A_227 : vector<16xf32> to vector<1x16xf32>
        tpu.vector_store %arg10[%swap3A_228, %swap3A_229], %swap3A_232 {strides = array<i32>} : memref<128x128xf32, #tpu.memory_space<vmem>>, vector<1x16xf32>,
        %get3A_233 = arith.index_cast %scan3A_173 : i32 to index
        %get3A_234 = arith.constant 48 : index
        %get3A_235 = tpu.vector_load %arg10[%get3A_233, %get3A_234] {strides = array<i32>} : memref<128x128xf32, #tpu.memory_space<vmem>>, vector<1x16xf32>,
        %get3A_236 = vector.shape_cast %get3A_235 : vector<1x16xf32> to vector<16xf32>
        %mul3A_237 = arith.mulf %get3A_236, %gather3A_187 : vector<16xf32>
        %swap3A_238 = arith.index_cast %scan3A_173 : i32 to index
        %swap3A_239 = arith.constant 48 : index
        %swap3A_240 = tpu.vector_load %arg10[%swap3A_238, %swap3A_239] {strides = array<i32>} : memref<128x128xf32, #tpu.memory_space<vmem>>, vector<1x16xf32>,
        %swap3A_241 = vector.shape_cast %swap3A_240 : vector<1x16xf32> to vector<16xf32>
        %swap3A_242 = vector.shape_cast %mul3A_237 : vector<16xf32> to vector<1x16xf32>
        tpu.vector_store %arg10[%swap3A_238, %swap3A_239], %swap3A_242 {strides = array<i32>} : memref<128x128xf32, #tpu.memory_space<vmem>>, vector<1x16xf32>,
        %get3A_243 = arith.index_cast %scan3A_173 : i32 to index
        %get3A_244 = arith.constant 64 : index
        %get3A_245 = tpu.vector_load %arg10[%get3A_243, %get3A_244] {strides = array<i32>} : memref<128x128xf32, #tpu.memory_space<vmem>>, vector<1x16xf32>,
        %get3A_246 = vector.shape_cast %get3A_245 : vector<1x16xf32> to vector<16xf32>
        %mul3A_247 = arith.mulf %get3A_246, %gather3A_202 : vector<16xf32>
        %swap3A_248 = arith.index_cast %scan3A_173 : i32 to index
        %swap3A_249 = arith.constant 64 : index
        %swap3A_250 = tpu.vector_load %arg10[%swap3A_248, %swap3A_249] {strides = array<i32>} : memref<128x128xf32, #tpu.memory_space<vmem>>, vector<1x16xf32>,
        %swap3A_251 = vector.shape_cast %swap3A_250 : vector<1x16xf32> to vector<16xf32>
        %swap3A_252 = vector.shape_cast %mul3A_247 : vector<16xf32> to vector<1x16xf32>
        tpu.vector_store %arg10[%swap3A_248, %swap3A_249], %swap3A_252 {strides = array<i32>} : memref<128x128xf32, #tpu.memory_space<vmem>>, vector<1x16xf32>,
        %get3A_253 = arith.index_cast %scan3A_173 : i32 to index
        %get3A_254 = arith.constant 80 : index
        %get3A_255 = tpu.vector_load %arg10[%get3A_253, %get3A_254] {strides = array<i32>} : memref<128x128xf32, #tpu.memory_space<vmem>>, vector<1x16xf32>,
        %get3A_256 = vector.shape_cast %get3A_255 : vector<1x16xf32> to vector<16xf32>
        %mul3A_257 = arith.mulf %get3A_256, %gather3A_202 : vector<16xf32>
        %swap3A_258 = arith.index_cast %scan3A_173 : i32 to index
        %swap3A_259 = arith.constant 80 : index
        %swap3A_260 = tpu.vector_load %arg10[%swap3A_258, %swap3A_259] {strides = array<i32>} : memref<128x128xf32, #tpu.memory_space<vmem>>, vector<1x16xf32>,
        %swap3A_261 = vector.shape_cast %swap3A_260 : vector<1x16xf32> to vector<16xf32>
        %swap3A_262 = vector.shape_cast %mul3A_257 : vector<16xf32> to vector<1x16xf32>
        tpu.vector_store %arg10[%swap3A_258, %swap3A_259], %swap3A_262 {strides = array<i32>} : memref<128x128xf32, #tpu.memory_space<vmem>>, vector<1x16xf32>,
        %get3A_263 = arith.index_cast %scan3A_173 : i32 to index
        %get3A_264 = arith.constant 96 : index
        %get3A_265 = tpu.vector_load %arg10[%get3A_263, %get3A_264] {strides = array<i32>} : memref<128x128xf32, #tpu.memory_space<vmem>>, vector<1x16xf32>,
        %get3A_266 = vector.shape_cast %get3A_265 : vector<1x16xf32> to vector<16xf32>
        %mul3A_267 = arith.mulf %get3A_266, %gather3A_202 : vector<16xf32>
        %swap3A_268 = arith.index_cast %scan3A_173 : i32 to index
        %swap3A_269 = arith.constant 96 : index
        %swap3A_270 = tpu.vector_load %arg10[%swap3A_268, %swap3A_269] {strides = array<i32>} : memref<128x128xf32, #tpu.memory_space<vmem>>, vector<1x16xf32>,
        %swap3A_271 = vector.shape_cast %swap3A_270 : vector<1x16xf32> to vector<16xf32>
        %swap3A_272 = vector.shape_cast %mul3A_267 : vector<16xf32> to vector<1x16xf32>
        tpu.vector_store %arg10[%swap3A_268, %swap3A_269], %swap3A_272 {strides = array<i32>} : memref<128x128xf32, #tpu.memory_space<vmem>>, vector<1x16xf32>,
        %get3A_273 = arith.index_cast %scan3A_173 : i32 to index
        %get3A_274 = arith.constant 112 : index
        %get3A_275 = tpu.vector_load %arg10[%get3A_273, %get3A_274] {strides = array<i32>} : memref<128x128xf32, #tpu.memory_space<vmem>>, vector<1x16xf32>,
        %get3A_276 = vector.shape_cast %get3A_275 : vector<1x16xf32> to vector<16xf32>
        %mul3A_277 = arith.mulf %get3A_276, %gather3A_202 : vector<16xf32>
        %swap3A_278 = arith.index_cast %scan3A_173 : i32 to index
        %swap3A_279 = arith.constant 112 : index
        %swap3A_280 = tpu.vector_load %arg10[%swap3A_278, %swap3A_279] {strides = array<i32>} : memref<128x128xf32, #tpu.memory_space<vmem>>, vector<1x16xf32>,
        %swap3A_281 = vector.shape_cast %swap3A_280 : vector<1x16xf32> to vector<16xf32>
        %swap3A_282 = vector.shape_cast %mul3A_277 : vector<16xf32> to vector<1x16xf32>
        tpu.vector_store %arg10[%swap3A_278, %swap3A_279], %swap3A_282 {strides = array<i32>} : memref<128x128xf32, #tpu.memory_space<vmem>>, vector<1x16xf32>,
      }
      %scan3A_172 = arith.constant 128 : i32
      "tpu.region"() ({
        %run_scoped3A = tpu.sem_alloc : memref<!tpu.dma_semaphore, #tpu.memory_space<semaphore_mem>>
        %dma_start3A_173 = arith.constant 0 : i32
        %dma_start3A_174 = arith.constant 0 : i32
        %dma_start3A_175 = tpu.memref_slice %arg12[%dma_start3A_173, %dma_start3A_174] : memref<10240x128xf32, #tpu.memory_space<vmem_shared>> -> memref<10240x128xf32, #tpu.memory_space<vmem_shared>>
        tpu.enqueue_indirect_dma source(%arg10 : memref<128x128xf32, #tpu.memory_space<vmem>>) target(%dma_start3A_175 : memref<10240x128xf32, #tpu.memory_space<vmem_shared>>) offsets(%arg8 : memref<128xi32, #tpu.memory_space<vmem>>) semaphore(%run_scoped3A : memref<!tpu.dma_semaphore, #tpu.memory_space<semaphore_mem>>) {add = true}
        %dma_wait3A_176 = arith.constant 0 : i32
        %dma_wait3A_177 = arith.constant 0 : i32
        %dma_wait3A_178 = tpu.memref_slice %arg12[%dma_wait3A_176, %dma_wait3A_177] : memref<10240x128xf32, #tpu.memory_space<vmem_shared>> -> memref<10240x128xf32, #tpu.memory_space<vmem_shared>>
        tpu.wait_indirect_dma semaphore(%run_scoped3A : memref<!tpu.dma_semaphore, #tpu.memory_space<semaphore_mem>>) src(%arg10 : memref<128x128xf32, #tpu.memory_space<vmem>>) dst(%dma_wait3A_178 : memref<10240x128xf32, #tpu.memory_space<vmem_shared>>)
        tpu.yield
      }) : () -> ()
    }
    %barrier3A_64 = arith.constant 0 : index
    tpu.barrier barrier_id(%barrier3A_64)
    %mul3A_65 = arith.constant 640 : i32
    %mul3A_66 = arith.muli %arg1, %mul3A_65 : i32
    %mul3A_67 = arith.constant 10240 : i32
    %mul3A_68 = arith.muli %arg0, %mul3A_67 : i32
    %mul3A_69 = arith.constant 640 : i32
    %mul3A_70 = arith.muli %arg1, %mul3A_69 : i32
    %add3A_71 = arith.addi %mul3A_68, %mul3A_70 : i32
    "tpu.region"() ({
      %run_scoped3A = tpu.sem_alloc : memref<!tpu.dma_semaphore, #tpu.memory_space<semaphore_mem>>
      %dma_start3A = arith.constant 0 : i32
      %dma_start3A_72 = tpu.memref_slice %arg6[%add3A_71, %dma_start3A] : memref<20480x128xf32, #tpu.memory_space<hbm>> -> memref<640x128xf32, #tpu.memory_space<hbm>>
      %dma_start3A_73 = arith.constant 0 : i32
      %dma_start3A_74 = tpu.memref_slice %arg12[%mul3A_66, %dma_start3A_73] : memref<10240x128xf32, #tpu.memory_space<vmem_shared>> -> memref<640x128xf32, #tpu.memory_space<vmem_shared>>
      tpu.enqueue_dma source(%dma_start3A_74 : memref<640x128xf32, #tpu.memory_space<vmem_shared>>) target(%dma_start3A_72 : memref<640x128xf32, #tpu.memory_space<hbm>>) target_semaphore(%run_scoped3A : memref<!tpu.dma_semaphore, #tpu.memory_space<semaphore_mem>>)
      %dma_wait3A = arith.constant 0 : i32
      %dma_wait3A_75 = tpu.memref_slice %arg6[%add3A_71, %dma_wait3A] : memref<20480x128xf32, #tpu.memory_space<hbm>> -> memref<640x128xf32, #tpu.memory_space<hbm>>
      %dma_wait3A_76 = arith.constant 0 : i32
      %dma_wait3A_77 = tpu.memref_slice %arg12[%mul3A_66, %dma_wait3A_76] : memref<10240x128xf32, #tpu.memory_space<vmem_shared>> -> memref<640x128xf32, #tpu.memory_space<vmem_shared>>
      tpu.wait_dma2 semaphore(%run_scoped3A : memref<!tpu.dma_semaphore, #tpu.memory_space<semaphore_mem>>) src(%dma_wait3A_77 : memref<640x128xf32, #tpu.memory_space<vmem_shared>>) dst(%dma_wait3A_75 : memref<640x128xf32, #tpu.memory_space<hbm>>)
      tpu.yield
    }) : () -> ()
    return
  }
}

#map = affine_map<(d0, d1) -> (0, 0)>
#map1 = affine_map<(d0, d1) -> (0)>
module attributes {stable_mosaic.version = 14 : i64} {
  func.func @_hop_body(%arg0: i32, %arg1: i32, %arg2: memref<20480x128xf32, #tpu.memory_space<hbm>>, %arg3: memref<160000x16xf32, #tpu.memory_space<hbm>>, %arg4: memref<160000xi32, #tpu.memory_space<hbm>>, %arg5: memref<160000xi32, #tpu.memory_space<hbm>>, %arg6: memref<20480x128xf32, #tpu.memory_space<hbm>>, %arg7: memref<128xi32, #tpu.memory_space<vmem>>, %arg8: memref<128xi32, #tpu.memory_space<vmem>>, %arg9: memref<128x16xf32, #tpu.memory_space<vmem>>, %arg10: memref<128x128xf32, #tpu.memory_space<vmem>>, %arg11: memref<80x128xf32, #tpu.memory_space<vmem>>, %arg12: memref<10240x128xf32, #tpu.memory_space<vmem_shared>>, %arg13: memref<!tpu.dma_semaphore, #tpu.memory_space<semaphore_mem>>) attributes {dimension_semantics = [#tpu.dimension_semantics<core_parallel>, #tpu.dimension_semantics<subcore_parallel>], iteration_bounds = array<i64: 2, 16>, scalar_prefetch = 0 : i64, scratch_operands = 7 : i64, tpu.core_type = #tpu.core_type<sc_vector_subcore>, window_params = [{transform_indices = #map}, {transform_indices = #map}, {transform_indices = #map1}, {transform_indices = #map1}, {transform_indices = #map}]} {
    %scan3A = arith.constant 0 : i32
    %scan3A_0 = arith.constant 80 : i32
    %scan3A_1 = arith.addi %scan3A, %scan3A_0 : i32
    %scan3A_2 = arith.constant 1 : i32
    scf.for %scan3A_72 = %scan3A to %scan3A_1 step %scan3A_2  : i32 {
      %broadcast_in_dim3A = arith.constant 0.000000e+00 : f32
      %broadcast_in_dim3A_73 = vector.broadcast %broadcast_in_dim3A : f32 to vector<16xf32>
      %swap3A = arith.index_cast %scan3A_72 : i32 to index
      %swap3A_74 = arith.constant 0 : index
      %swap3A_75 = tpu.vector_load %arg11[%swap3A, %swap3A_74] {strides = array<i32>} : memref<80x128xf32, #tpu.memory_space<vmem>>, vector<1x16xf32>,
      %swap3A_76 = vector.shape_cast %swap3A_75 : vector<1x16xf32> to vector<16xf32>
      %swap3A_77 = vector.shape_cast %broadcast_in_dim3A_73 : vector<16xf32> to vector<1x16xf32>
      tpu.vector_store %arg11[%swap3A, %swap3A_74], %swap3A_77 {strides = array<i32>} : memref<80x128xf32, #tpu.memory_space<vmem>>, vector<1x16xf32>,
      %broadcast_in_dim3A_78 = arith.constant 0.000000e+00 : f32
      %broadcast_in_dim3A_79 = vector.broadcast %broadcast_in_dim3A_78 : f32 to vector<16xf32>
      %swap3A_80 = arith.index_cast %scan3A_72 : i32 to index
      %swap3A_81 = arith.constant 16 : index
      %swap3A_82 = tpu.vector_load %arg11[%swap3A_80, %swap3A_81] {strides = array<i32>} : memref<80x128xf32, #tpu.memory_space<vmem>>, vector<1x16xf32>,
      %swap3A_83 = vector.shape_cast %swap3A_82 : vector<1x16xf32> to vector<16xf32>
      %swap3A_84 = vector.shape_cast %broadcast_in_dim3A_79 : vector<16xf32> to vector<1x16xf32>
      tpu.vector_store %arg11[%swap3A_80, %swap3A_81], %swap3A_84 {strides = array<i32>} : memref<80x128xf32, #tpu.memory_space<vmem>>, vector<1x16xf32>,
      %broadcast_in_dim3A_85 = arith.constant 0.000000e+00 : f32
      %broadcast_in_dim3A_86 = vector.broadcast %broadcast_in_dim3A_85 : f32 to vector<16xf32>
      %swap3A_87 = arith.index_cast %scan3A_72 : i32 to index
      %swap3A_88 = arith.constant 32 : index
      %swap3A_89 = tpu.vector_load %arg11[%swap3A_87, %swap3A_88] {strides = array<i32>} : memref<80x128xf32, #tpu.memory_space<vmem>>, vector<1x16xf32>,
      %swap3A_90 = vector.shape_cast %swap3A_89 : vector<1x16xf32> to vector<16xf32>
      %swap3A_91 = vector.shape_cast %broadcast_in_dim3A_86 : vector<16xf32> to vector<1x16xf32>
      tpu.vector_store %arg11[%swap3A_87, %swap3A_88], %swap3A_91 {strides = array<i32>} : memref<80x128xf32, #tpu.memory_space<vmem>>, vector<1x16xf32>,
      %broadcast_in_dim3A_92 = arith.constant 0.000000e+00 : f32
      %broadcast_in_dim3A_93 = vector.broadcast %broadcast_in_dim3A_92 : f32 to vector<16xf32>
      %swap3A_94 = arith.index_cast %scan3A_72 : i32 to index
      %swap3A_95 = arith.constant 48 : index
      %swap3A_96 = tpu.vector_load %arg11[%swap3A_94, %swap3A_95] {strides = array<i32>} : memref<80x128xf32, #tpu.memory_space<vmem>>, vector<1x16xf32>,
      %swap3A_97 = vector.shape_cast %swap3A_96 : vector<1x16xf32> to vector<16xf32>
      %swap3A_98 = vector.shape_cast %broadcast_in_dim3A_93 : vector<16xf32> to vector<1x16xf32>
      tpu.vector_store %arg11[%swap3A_94, %swap3A_95], %swap3A_98 {strides = array<i32>} : memref<80x128xf32, #tpu.memory_space<vmem>>, vector<1x16xf32>,
      %broadcast_in_dim3A_99 = arith.constant 0.000000e+00 : f32
      %broadcast_in_dim3A_100 = vector.broadcast %broadcast_in_dim3A_99 : f32 to vector<16xf32>
      %swap3A_101 = arith.index_cast %scan3A_72 : i32 to index
      %swap3A_102 = arith.constant 64 : index
      %swap3A_103 = tpu.vector_load %arg11[%swap3A_101, %swap3A_102] {strides = array<i32>} : memref<80x128xf32, #tpu.memory_space<vmem>>, vector<1x16xf32>,
      %swap3A_104 = vector.shape_cast %swap3A_103 : vector<1x16xf32> to vector<16xf32>
      %swap3A_105 = vector.shape_cast %broadcast_in_dim3A_100 : vector<16xf32> to vector<1x16xf32>
      tpu.vector_store %arg11[%swap3A_101, %swap3A_102], %swap3A_105 {strides = array<i32>} : memref<80x128xf32, #tpu.memory_space<vmem>>, vector<1x16xf32>,
      %broadcast_in_dim3A_106 = arith.constant 0.000000e+00 : f32
      %broadcast_in_dim3A_107 = vector.broadcast %broadcast_in_dim3A_106 : f32 to vector<16xf32>
      %swap3A_108 = arith.index_cast %scan3A_72 : i32 to index
      %swap3A_109 = arith.constant 80 : index
      %swap3A_110 = tpu.vector_load %arg11[%swap3A_108, %swap3A_109] {strides = array<i32>} : memref<80x128xf32, #tpu.memory_space<vmem>>, vector<1x16xf32>,
      %swap3A_111 = vector.shape_cast %swap3A_110 : vector<1x16xf32> to vector<16xf32>
      %swap3A_112 = vector.shape_cast %broadcast_in_dim3A_107 : vector<16xf32> to vector<1x16xf32>
      tpu.vector_store %arg11[%swap3A_108, %swap3A_109], %swap3A_112 {strides = array<i32>} : memref<80x128xf32, #tpu.memory_space<vmem>>, vector<1x16xf32>,
      %broadcast_in_dim3A_113 = arith.constant 0.000000e+00 : f32
      %broadcast_in_dim3A_114 = vector.broadcast %broadcast_in_dim3A_113 : f32 to vector<16xf32>
      %swap3A_115 = arith.index_cast %scan3A_72 : i32 to index
      %swap3A_116 = arith.constant 96 : index
      %swap3A_117 = tpu.vector_load %arg11[%swap3A_115, %swap3A_116] {strides = array<i32>} : memref<80x128xf32, #tpu.memory_space<vmem>>, vector<1x16xf32>,
      %swap3A_118 = vector.shape_cast %swap3A_117 : vector<1x16xf32> to vector<16xf32>
      %swap3A_119 = vector.shape_cast %broadcast_in_dim3A_114 : vector<16xf32> to vector<1x16xf32>
      tpu.vector_store %arg11[%swap3A_115, %swap3A_116], %swap3A_119 {strides = array<i32>} : memref<80x128xf32, #tpu.memory_space<vmem>>, vector<1x16xf32>,
      %broadcast_in_dim3A_120 = arith.constant 0.000000e+00 : f32
      %broadcast_in_dim3A_121 = vector.broadcast %broadcast_in_dim3A_120 : f32 to vector<16xf32>
      %swap3A_122 = arith.index_cast %scan3A_72 : i32 to index
      %swap3A_123 = arith.constant 112 : index
      %swap3A_124 = tpu.vector_load %arg11[%swap3A_122, %swap3A_123] {strides = array<i32>} : memref<80x128xf32, #tpu.memory_space<vmem>>, vector<1x16xf32>,
      %swap3A_125 = vector.shape_cast %swap3A_124 : vector<1x16xf32> to vector<16xf32>
      %swap3A_126 = vector.shape_cast %broadcast_in_dim3A_121 : vector<16xf32> to vector<1x16xf32>
      tpu.vector_store %arg11[%swap3A_122, %swap3A_123], %swap3A_126 {strides = array<i32>} : memref<80x128xf32, #tpu.memory_space<vmem>>, vector<1x16xf32>,
    }
    %scan3A_3 = arith.constant 80 : i32
    %mul3A = arith.constant 640 : i32
    %mul3A_4 = arith.muli %arg1, %mul3A : i32
    %add3A = arith.constant 0 : i32
    %add3A_5 = arith.addi %mul3A_4, %add3A : i32
    "tpu.region"() ({
      %run_scoped3A = tpu.sem_alloc : memref<!tpu.dma_semaphore, #tpu.memory_space<semaphore_mem>>
      %dma_start3A = arith.constant 0 : i32
      %dma_start3A_72 = tpu.memref_slice %arg12[%add3A_5, %dma_start3A] : memref<10240x128xf32, #tpu.memory_space<vmem_shared>> -> memref<80x128xf32, #tpu.memory_space<vmem_shared>>
      %dma_start3A_73 = arith.constant 0 : i32
      %dma_start3A_74 = tpu.memref_slice %arg12[%add3A_5, %dma_start3A_73] : memref<10240x128xf32, #tpu.memory_space<vmem_shared>> -> memref<80x128xf32, #tpu.memory_space<vmem_shared>>
      tpu.enqueue_dma source(%arg11 : memref<80x128xf32, #tpu.memory_space<vmem>>) target(%dma_start3A_74 : memref<80x128xf32, #tpu.memory_space<vmem_shared>>) target_semaphore(%run_scoped3A : memref<!tpu.dma_semaphore, #tpu.memory_space<semaphore_mem>>)
      %dma_wait3A = arith.constant 0 : i32
      %dma_wait3A_75 = tpu.memref_slice %arg12[%add3A_5, %dma_wait3A] : memref<10240x128xf32, #tpu.memory_space<vmem_shared>> -> memref<80x128xf32, #tpu.memory_space<vmem_shared>>
      %dma_wait3A_76 = arith.constant 0 : i32
      %dma_wait3A_77 = tpu.memref_slice %arg12[%add3A_5, %dma_wait3A_76] : memref<10240x128xf32, #tpu.memory_space<vmem_shared>> -> memref<80x128xf32, #tpu.memory_space<vmem_shared>>
      tpu.wait_dma2 semaphore(%run_scoped3A : memref<!tpu.dma_semaphore, #tpu.memory_space<semaphore_mem>>) src(%arg11 : memref<80x128xf32, #tpu.memory_space<vmem>>) dst(%dma_wait3A_77 : memref<80x128xf32, #tpu.memory_space<vmem_shared>>)
      tpu.yield
    }) : () -> ()
    %mul3A_6 = arith.constant 640 : i32
    %mul3A_7 = arith.muli %arg1, %mul3A_6 : i32
    %add3A_8 = arith.constant 80 : i32
    %add3A_9 = arith.addi %mul3A_7, %add3A_8 : i32
    "tpu.region"() ({
      %run_scoped3A = tpu.sem_alloc : memref<!tpu.dma_semaphore, #tpu.memory_space<semaphore_mem>>
      %dma_start3A = arith.constant 0 : i32
      %dma_start3A_72 = tpu.memref_slice %arg12[%add3A_9, %dma_start3A] : memref<10240x128xf32, #tpu.memory_space<vmem_shared>> -> memref<80x128xf32, #tpu.memory_space<vmem_shared>>
      %dma_start3A_73 = arith.constant 0 : i32
      %dma_start3A_74 = tpu.memref_slice %arg12[%add3A_9, %dma_start3A_73] : memref<10240x128xf32, #tpu.memory_space<vmem_shared>> -> memref<80x128xf32, #tpu.memory_space<vmem_shared>>
      tpu.enqueue_dma source(%arg11 : memref<80x128xf32, #tpu.memory_space<vmem>>) target(%dma_start3A_74 : memref<80x128xf32, #tpu.memory_space<vmem_shared>>) target_semaphore(%run_scoped3A : memref<!tpu.dma_semaphore, #tpu.memory_space<semaphore_mem>>)
      %dma_wait3A = arith.constant 0 : i32
      %dma_wait3A_75 = tpu.memref_slice %arg12[%add3A_9, %dma_wait3A] : memref<10240x128xf32, #tpu.memory_space<vmem_shared>> -> memref<80x128xf32, #tpu.memory_space<vmem_shared>>
      %dma_wait3A_76 = arith.constant 0 : i32
      %dma_wait3A_77 = tpu.memref_slice %arg12[%add3A_9, %dma_wait3A_76] : memref<10240x128xf32, #tpu.memory_space<vmem_shared>> -> memref<80x128xf32, #tpu.memory_space<vmem_shared>>
      tpu.wait_dma2 semaphore(%run_scoped3A : memref<!tpu.dma_semaphore, #tpu.memory_space<semaphore_mem>>) src(%arg11 : memref<80x128xf32, #tpu.memory_space<vmem>>) dst(%dma_wait3A_77 : memref<80x128xf32, #tpu.memory_space<vmem_shared>>)
      tpu.yield
    }) : () -> ()
    %mul3A_10 = arith.constant 640 : i32
    %mul3A_11 = arith.muli %arg1, %mul3A_10 : i32
    %add3A_12 = arith.constant 160 : i32
    %add3A_13 = arith.addi %mul3A_11, %add3A_12 : i32
    "tpu.region"() ({
      %run_scoped3A = tpu.sem_alloc : memref<!tpu.dma_semaphore, #tpu.memory_space<semaphore_mem>>
      %dma_start3A = arith.constant 0 : i32
      %dma_start3A_72 = tpu.memref_slice %arg12[%add3A_13, %dma_start3A] : memref<10240x128xf32, #tpu.memory_space<vmem_shared>> -> memref<80x128xf32, #tpu.memory_space<vmem_shared>>
      %dma_start3A_73 = arith.constant 0 : i32
      %dma_start3A_74 = tpu.memref_slice %arg12[%add3A_13, %dma_start3A_73] : memref<10240x128xf32, #tpu.memory_space<vmem_shared>> -> memref<80x128xf32, #tpu.memory_space<vmem_shared>>
      tpu.enqueue_dma source(%arg11 : memref<80x128xf32, #tpu.memory_space<vmem>>) target(%dma_start3A_74 : memref<80x128xf32, #tpu.memory_space<vmem_shared>>) target_semaphore(%run_scoped3A : memref<!tpu.dma_semaphore, #tpu.memory_space<semaphore_mem>>)
      %dma_wait3A = arith.constant 0 : i32
      %dma_wait3A_75 = tpu.memref_slice %arg12[%add3A_13, %dma_wait3A] : memref<10240x128xf32, #tpu.memory_space<vmem_shared>> -> memref<80x128xf32, #tpu.memory_space<vmem_shared>>
      %dma_wait3A_76 = arith.constant 0 : i32
      %dma_wait3A_77 = tpu.memref_slice %arg12[%add3A_13, %dma_wait3A_76] : memref<10240x128xf32, #tpu.memory_space<vmem_shared>> -> memref<80x128xf32, #tpu.memory_space<vmem_shared>>
      tpu.wait_dma2 semaphore(%run_scoped3A : memref<!tpu.dma_semaphore, #tpu.memory_space<semaphore_mem>>) src(%arg11 : memref<80x128xf32, #tpu.memory_space<vmem>>) dst(%dma_wait3A_77 : memref<80x128xf32, #tpu.memory_space<vmem_shared>>)
      tpu.yield
    }) : () -> ()
    %mul3A_14 = arith.constant 640 : i32
    %mul3A_15 = arith.muli %arg1, %mul3A_14 : i32
    %add3A_16 = arith.constant 240 : i32
    %add3A_17 = arith.addi %mul3A_15, %add3A_16 : i32
    "tpu.region"() ({
      %run_scoped3A = tpu.sem_alloc : memref<!tpu.dma_semaphore, #tpu.memory_space<semaphore_mem>>
      %dma_start3A = arith.constant 0 : i32
      %dma_start3A_72 = tpu.memref_slice %arg12[%add3A_17, %dma_start3A] : memref<10240x128xf32, #tpu.memory_space<vmem_shared>> -> memref<80x128xf32, #tpu.memory_space<vmem_shared>>
      %dma_start3A_73 = arith.constant 0 : i32
      %dma_start3A_74 = tpu.memref_slice %arg12[%add3A_17, %dma_start3A_73] : memref<10240x128xf32, #tpu.memory_space<vmem_shared>> -> memref<80x128xf32, #tpu.memory_space<vmem_shared>>
      tpu.enqueue_dma source(%arg11 : memref<80x128xf32, #tpu.memory_space<vmem>>) target(%dma_start3A_74 : memref<80x128xf32, #tpu.memory_space<vmem_shared>>) target_semaphore(%run_scoped3A : memref<!tpu.dma_semaphore, #tpu.memory_space<semaphore_mem>>)
      %dma_wait3A = arith.constant 0 : i32
      %dma_wait3A_75 = tpu.memref_slice %arg12[%add3A_17, %dma_wait3A] : memref<10240x128xf32, #tpu.memory_space<vmem_shared>> -> memref<80x128xf32, #tpu.memory_space<vmem_shared>>
      %dma_wait3A_76 = arith.constant 0 : i32
      %dma_wait3A_77 = tpu.memref_slice %arg12[%add3A_17, %dma_wait3A_76] : memref<10240x128xf32, #tpu.memory_space<vmem_shared>> -> memref<80x128xf32, #tpu.memory_space<vmem_shared>>
      tpu.wait_dma2 semaphore(%run_scoped3A : memref<!tpu.dma_semaphore, #tpu.memory_space<semaphore_mem>>) src(%arg11 : memref<80x128xf32, #tpu.memory_space<vmem>>) dst(%dma_wait3A_77 : memref<80x128xf32, #tpu.memory_space<vmem_shared>>)
      tpu.yield
    }) : () -> ()
    %mul3A_18 = arith.constant 640 : i32
    %mul3A_19 = arith.muli %arg1, %mul3A_18 : i32
    %add3A_20 = arith.constant 320 : i32
    %add3A_21 = arith.addi %mul3A_19, %add3A_20 : i32
    "tpu.region"() ({
      %run_scoped3A = tpu.sem_alloc : memref<!tpu.dma_semaphore, #tpu.memory_space<semaphore_mem>>
      %dma_start3A = arith.constant 0 : i32
      %dma_start3A_72 = tpu.memref_slice %arg12[%add3A_21, %dma_start3A] : memref<10240x128xf32, #tpu.memory_space<vmem_shared>> -> memref<80x128xf32, #tpu.memory_space<vmem_shared>>
      %dma_start3A_73 = arith.constant 0 : i32
      %dma_start3A_74 = tpu.memref_slice %arg12[%add3A_21, %dma_start3A_73] : memref<10240x128xf32, #tpu.memory_space<vmem_shared>> -> memref<80x128xf32, #tpu.memory_space<vmem_shared>>
      tpu.enqueue_dma source(%arg11 : memref<80x128xf32, #tpu.memory_space<vmem>>) target(%dma_start3A_74 : memref<80x128xf32, #tpu.memory_space<vmem_shared>>) target_semaphore(%run_scoped3A : memref<!tpu.dma_semaphore, #tpu.memory_space<semaphore_mem>>)
      %dma_wait3A = arith.constant 0 : i32
      %dma_wait3A_75 = tpu.memref_slice %arg12[%add3A_21, %dma_wait3A] : memref<10240x128xf32, #tpu.memory_space<vmem_shared>> -> memref<80x128xf32, #tpu.memory_space<vmem_shared>>
      %dma_wait3A_76 = arith.constant 0 : i32
      %dma_wait3A_77 = tpu.memref_slice %arg12[%add3A_21, %dma_wait3A_76] : memref<10240x128xf32, #tpu.memory_space<vmem_shared>> -> memref<80x128xf32, #tpu.memory_space<vmem_shared>>
      tpu.wait_dma2 semaphore(%run_scoped3A : memref<!tpu.dma_semaphore, #tpu.memory_space<semaphore_mem>>) src(%arg11 : memref<80x128xf32, #tpu.memory_space<vmem>>) dst(%dma_wait3A_77 : memref<80x128xf32, #tpu.memory_space<vmem_shared>>)
      tpu.yield
    }) : () -> ()
    %mul3A_22 = arith.constant 640 : i32
    %mul3A_23 = arith.muli %arg1, %mul3A_22 : i32
    %add3A_24 = arith.constant 400 : i32
    %add3A_25 = arith.addi %mul3A_23, %add3A_24 : i32
    "tpu.region"() ({
      %run_scoped3A = tpu.sem_alloc : memref<!tpu.dma_semaphore, #tpu.memory_space<semaphore_mem>>
      %dma_start3A = arith.constant 0 : i32
      %dma_start3A_72 = tpu.memref_slice %arg12[%add3A_25, %dma_start3A] : memref<10240x128xf32, #tpu.memory_space<vmem_shared>> -> memref<80x128xf32, #tpu.memory_space<vmem_shared>>
      %dma_start3A_73 = arith.constant 0 : i32
      %dma_start3A_74 = tpu.memref_slice %arg12[%add3A_25, %dma_start3A_73] : memref<10240x128xf32, #tpu.memory_space<vmem_shared>> -> memref<80x128xf32, #tpu.memory_space<vmem_shared>>
      tpu.enqueue_dma source(%arg11 : memref<80x128xf32, #tpu.memory_space<vmem>>) target(%dma_start3A_74 : memref<80x128xf32, #tpu.memory_space<vmem_shared>>) target_semaphore(%run_scoped3A : memref<!tpu.dma_semaphore, #tpu.memory_space<semaphore_mem>>)
      %dma_wait3A = arith.constant 0 : i32
      %dma_wait3A_75 = tpu.memref_slice %arg12[%add3A_25, %dma_wait3A] : memref<10240x128xf32, #tpu.memory_space<vmem_shared>> -> memref<80x128xf32, #tpu.memory_space<vmem_shared>>
      %dma_wait3A_76 = arith.constant 0 : i32
      %dma_wait3A_77 = tpu.memref_slice %arg12[%add3A_25, %dma_wait3A_76] : memref<10240x128xf32, #tpu.memory_space<vmem_shared>> -> memref<80x128xf32, #tpu.memory_space<vmem_shared>>
      tpu.wait_dma2 semaphore(%run_scoped3A : memref<!tpu.dma_semaphore, #tpu.memory_space<semaphore_mem>>) src(%arg11 : memref<80x128xf32, #tpu.memory_space<vmem>>) dst(%dma_wait3A_77 : memref<80x128xf32, #tpu.memory_space<vmem_shared>>)
      tpu.yield
    }) : () -> ()
    %mul3A_26 = arith.constant 640 : i32
    %mul3A_27 = arith.muli %arg1, %mul3A_26 : i32
    %add3A_28 = arith.constant 480 : i32
    %add3A_29 = arith.addi %mul3A_27, %add3A_28 : i32
    "tpu.region"() ({
      %run_scoped3A = tpu.sem_alloc : memref<!tpu.dma_semaphore, #tpu.memory_space<semaphore_mem>>
      %dma_start3A = arith.constant 0 : i32
      %dma_start3A_72 = tpu.memref_slice %arg12[%add3A_29, %dma_start3A] : memref<10240x128xf32, #tpu.memory_space<vmem_shared>> -> memref<80x128xf32, #tpu.memory_space<vmem_shared>>
      %dma_start3A_73 = arith.constant 0 : i32
      %dma_start3A_74 = tpu.memref_slice %arg12[%add3A_29, %dma_start3A_73] : memref<10240x128xf32, #tpu.memory_space<vmem_shared>> -> memref<80x128xf32, #tpu.memory_space<vmem_shared>>
      tpu.enqueue_dma source(%arg11 : memref<80x128xf32, #tpu.memory_space<vmem>>) target(%dma_start3A_74 : memref<80x128xf32, #tpu.memory_space<vmem_shared>>) target_semaphore(%run_scoped3A : memref<!tpu.dma_semaphore, #tpu.memory_space<semaphore_mem>>)
      %dma_wait3A = arith.constant 0 : i32
      %dma_wait3A_75 = tpu.memref_slice %arg12[%add3A_29, %dma_wait3A] : memref<10240x128xf32, #tpu.memory_space<vmem_shared>> -> memref<80x128xf32, #tpu.memory_space<vmem_shared>>
      %dma_wait3A_76 = arith.constant 0 : i32
      %dma_wait3A_77 = tpu.memref_slice %arg12[%add3A_29, %dma_wait3A_76] : memref<10240x128xf32, #tpu.memory_space<vmem_shared>> -> memref<80x128xf32, #tpu.memory_space<vmem_shared>>
      tpu.wait_dma2 semaphore(%run_scoped3A : memref<!tpu.dma_semaphore, #tpu.memory_space<semaphore_mem>>) src(%arg11 : memref<80x128xf32, #tpu.memory_space<vmem>>) dst(%dma_wait3A_77 : memref<80x128xf32, #tpu.memory_space<vmem_shared>>)
      tpu.yield
    }) : () -> ()
    %mul3A_30 = arith.constant 640 : i32
    %mul3A_31 = arith.muli %arg1, %mul3A_30 : i32
    %add3A_32 = arith.constant 560 : i32
    %add3A_33 = arith.addi %mul3A_31, %add3A_32 : i32
    "tpu.region"() ({
      %run_scoped3A = tpu.sem_alloc : memref<!tpu.dma_semaphore, #tpu.memory_space<semaphore_mem>>
      %dma_start3A = arith.constant 0 : i32
      %dma_start3A_72 = tpu.memref_slice %arg12[%add3A_33, %dma_start3A] : memref<10240x128xf32, #tpu.memory_space<vmem_shared>> -> memref<80x128xf32, #tpu.memory_space<vmem_shared>>
      %dma_start3A_73 = arith.constant 0 : i32
      %dma_start3A_74 = tpu.memref_slice %arg12[%add3A_33, %dma_start3A_73] : memref<10240x128xf32, #tpu.memory_space<vmem_shared>> -> memref<80x128xf32, #tpu.memory_space<vmem_shared>>
      tpu.enqueue_dma source(%arg11 : memref<80x128xf32, #tpu.memory_space<vmem>>) target(%dma_start3A_74 : memref<80x128xf32, #tpu.memory_space<vmem_shared>>) target_semaphore(%run_scoped3A : memref<!tpu.dma_semaphore, #tpu.memory_space<semaphore_mem>>)
      %dma_wait3A = arith.constant 0 : i32
      %dma_wait3A_75 = tpu.memref_slice %arg12[%add3A_33, %dma_wait3A] : memref<10240x128xf32, #tpu.memory_space<vmem_shared>> -> memref<80x128xf32, #tpu.memory_space<vmem_shared>>
      %dma_wait3A_76 = arith.constant 0 : i32
      %dma_wait3A_77 = tpu.memref_slice %arg12[%add3A_33, %dma_wait3A_76] : memref<10240x128xf32, #tpu.memory_space<vmem_shared>> -> memref<80x128xf32, #tpu.memory_space<vmem_shared>>
      tpu.wait_dma2 semaphore(%run_scoped3A : memref<!tpu.dma_semaphore, #tpu.memory_space<semaphore_mem>>) src(%arg11 : memref<80x128xf32, #tpu.memory_space<vmem>>) dst(%dma_wait3A_77 : memref<80x128xf32, #tpu.memory_space<vmem_shared>>)
      tpu.yield
    }) : () -> ()
    %barrier3A = arith.constant 0 : index
    tpu.barrier barrier_id(%barrier3A)
    %sub3A = arith.constant 1250 : i32
    %sub3A_34 = arith.subi %sub3A, %arg1 : i32
    %add3A_35 = arith.constant 16 : i32
    %add3A_36 = arith.addi %sub3A_34, %add3A_35 : i32
    %sub3A_37 = arith.constant 1 : i32
    %sub3A_38 = arith.subi %add3A_36, %sub3A_37 : i32
    %jit3A = arith.constant 16 : i32
    %div3A = arith.divsi %sub3A_38, %jit3A : i32
    %sign3A = arith.constant 0 : i32
    %sign3A_39 = arith.cmpi sgt, %sub3A_38, %sign3A : i32
    %sign3A_40 = arith.extui %sign3A_39 : i1 to i32
    %sign3A_41 = arith.constant 0 : i32
    %sign3A_42 = arith.cmpi slt, %sub3A_38, %sign3A_41 : i32
    %sign3A_43 = arith.extui %sign3A_42 : i1 to i32
    %sign3A_44 = arith.subi %sign3A_40, %sign3A_43 : i32
    %sign3A_45 = arith.constant 0 : i32
    %sign3A_46 = arith.cmpi sgt, %jit3A, %sign3A_45 : i32
    %sign3A_47 = arith.extui %sign3A_46 : i1 to i32
    %sign3A_48 = arith.constant 0 : i32
    %sign3A_49 = arith.cmpi slt, %jit3A, %sign3A_48 : i32
    %sign3A_50 = arith.extui %sign3A_49 : i1 to i32
    %sign3A_51 = arith.subi %sign3A_47, %sign3A_50 : i32
    %ne3A = arith.cmpi ne, %sign3A_44, %sign3A_51 : i32
    %rem3A = arith.remsi %sub3A_38, %jit3A : i32
    %ne3A_52 = arith.constant 0 : i32
    %ne3A_53 = arith.cmpi ne, %rem3A, %ne3A_52 : i32
    %and3A = arith.andi %ne3A, %ne3A_53 : i1
    %sub3A_54 = arith.constant 1 : i32
    %sub3A_55 = arith.subi %div3A, %sub3A_54 : i32
    %select_n3A = arith.select %and3A, %sub3A_55, %div3A : i32
    %while3A = arith.constant 0 : i32
    %while3A_56 = arith.subi %select_n3A, %while3A : i32
    %while3A_57 = arith.addi %while3A, %while3A_56 : i32
    %while3A_58 = arith.constant 1 : i32
    %while3A_59 = arith.divsi %while3A_56, %while3A_58 : i32
    %while3A_60 = arith.muli %while3A_59, %while3A_58 : i32
    %while3A_61 = arith.addi %while3A, %while3A_60 : i32
    %while3A_62 = arith.constant 1 : i32
    scf.for %while3A_72 = %while3A to %while3A_61 step %while3A_62  : i32 {
      %mul3A_73 = arith.constant 16 : i32
      %mul3A_74 = arith.muli %while3A_72, %mul3A_73 : i32
      %add3A_75 = arith.addi %arg1, %mul3A_74 : i32
      %mul3A_76 = arith.constant 128 : i32
      %mul3A_77 = arith.muli %add3A_75, %mul3A_76 : i32
      "tpu.region"() ({
        %run_scoped3A = tpu.sem_alloc : memref<!tpu.dma_semaphore, #tpu.memory_space<semaphore_mem>>
        %dma_start3A_173 = tpu.memref_slice %arg4[%mul3A_77] : memref<160000xi32, #tpu.memory_space<hbm>> -> memref<128xi32, #tpu.memory_space<hbm>>
        %dma_start3A_174 = tpu.memref_slice %arg4[%mul3A_77] : memref<160000xi32, #tpu.memory_space<hbm>> -> memref<128xi32, #tpu.memory_space<hbm>>
        tpu.enqueue_dma source(%dma_start3A_174 : memref<128xi32, #tpu.memory_space<hbm>>) target(%arg7 : memref<128xi32, #tpu.memory_space<vmem>>) target_semaphore(%run_scoped3A : memref<!tpu.dma_semaphore, #tpu.memory_space<semaphore_mem>>)
        %dma_wait3A_175 = tpu.memref_slice %arg4[%mul3A_77] : memref<160000xi32, #tpu.memory_space<hbm>> -> memref<128xi32, #tpu.memory_space<hbm>>
        %dma_wait3A_176 = tpu.memref_slice %arg4[%mul3A_77] : memref<160000xi32, #tpu.memory_space<hbm>> -> memref<128xi32, #tpu.memory_space<hbm>>
        tpu.wait_dma2 semaphore(%run_scoped3A : memref<!tpu.dma_semaphore, #tpu.memory_space<semaphore_mem>>) src(%dma_wait3A_176 : memref<128xi32, #tpu.memory_space<hbm>>) dst(%arg7 : memref<128xi32, #tpu.memory_space<vmem>>)
        tpu.yield
      }) : () -> ()
      "tpu.region"() ({
        %run_scoped3A = tpu.sem_alloc : memref<!tpu.dma_semaphore, #tpu.memory_space<semaphore_mem>>
        %dma_start3A_173 = tpu.memref_slice %arg5[%mul3A_77] : memref<160000xi32, #tpu.memory_space<hbm>> -> memref<128xi32, #tpu.memory_space<hbm>>
        %dma_start3A_174 = tpu.memref_slice %arg5[%mul3A_77] : memref<160000xi32, #tpu.memory_space<hbm>> -> memref<128xi32, #tpu.memory_space<hbm>>
        tpu.enqueue_dma source(%dma_start3A_174 : memref<128xi32, #tpu.memory_space<hbm>>) target(%arg8 : memref<128xi32, #tpu.memory_space<vmem>>) target_semaphore(%run_scoped3A : memref<!tpu.dma_semaphore, #tpu.memory_space<semaphore_mem>>)
        %dma_wait3A_175 = tpu.memref_slice %arg5[%mul3A_77] : memref<160000xi32, #tpu.memory_space<hbm>> -> memref<128xi32, #tpu.memory_space<hbm>>
        %dma_wait3A_176 = tpu.memref_slice %arg5[%mul3A_77] : memref<160000xi32, #tpu.memory_space<hbm>> -> memref<128xi32, #tpu.memory_space<hbm>>
        tpu.wait_dma2 semaphore(%run_scoped3A : memref<!tpu.dma_semaphore, #tpu.memory_space<semaphore_mem>>) src(%dma_wait3A_176 : memref<128xi32, #tpu.memory_space<hbm>>) dst(%arg8 : memref<128xi32, #tpu.memory_space<vmem>>)
        tpu.yield
      }) : () -> ()
      "tpu.region"() ({
        %run_scoped3A = tpu.sem_alloc : memref<!tpu.dma_semaphore, #tpu.memory_space<semaphore_mem>>
        %dma_start3A_173 = arith.constant 0 : i32
        %dma_start3A_174 = tpu.memref_slice %arg3[%mul3A_77, %dma_start3A_173] : memref<160000x16xf32, #tpu.memory_space<hbm>> -> memref<128x16xf32, #tpu.memory_space<hbm>>
        %dma_start3A_175 = arith.constant 0 : i32
        %dma_start3A_176 = tpu.memref_slice %arg3[%mul3A_77, %dma_start3A_175] : memref<160000x16xf32, #tpu.memory_space<hbm>> -> memref<128x16xf32, #tpu.memory_space<hbm>>
        tpu.enqueue_dma source(%dma_start3A_176 : memref<128x16xf32, #tpu.memory_space<hbm>>) target(%arg9 : memref<128x16xf32, #tpu.memory_space<vmem>>) target_semaphore(%run_scoped3A : memref<!tpu.dma_semaphore, #tpu.memory_space<semaphore_mem>>)
        %dma_wait3A_177 = arith.constant 0 : i32
        %dma_wait3A_178 = tpu.memref_slice %arg3[%mul3A_77, %dma_wait3A_177] : memref<160000x16xf32, #tpu.memory_space<hbm>> -> memref<128x16xf32, #tpu.memory_space<hbm>>
        %dma_wait3A_179 = arith.constant 0 : i32
        %dma_wait3A_180 = tpu.memref_slice %arg3[%mul3A_77, %dma_wait3A_179] : memref<160000x16xf32, #tpu.memory_space<hbm>> -> memref<128x16xf32, #tpu.memory_space<hbm>>
        tpu.wait_dma2 semaphore(%run_scoped3A : memref<!tpu.dma_semaphore, #tpu.memory_space<semaphore_mem>>) src(%dma_wait3A_180 : memref<128x16xf32, #tpu.memory_space<hbm>>) dst(%arg9 : memref<128x16xf32, #tpu.memory_space<vmem>>)
        tpu.yield
      }) : () -> ()
      %get3A = arith.constant 0 : index
      %get3A_78 = tpu.vector_load %arg7[%get3A] {strides = array<i32>} : memref<128xi32, #tpu.memory_space<vmem>>, vector<16xi32>,
      %get3A_79 = vector.shape_cast %get3A_78 : vector<16xi32> to vector<16xi32>
      %mul3A_80 = arith.constant 10240 : i32
      %mul3A_81 = arith.muli %arg0, %mul3A_80 : i32
      %add3A_82 = vector.broadcast %mul3A_81 : i32 to vector<16xi32>
      %add3A_83 = arith.addi %get3A_79, %add3A_82 : vector<16xi32>
      %swap3A = arith.constant 0 : index
      %swap3A_84 = tpu.vector_load %arg7[%swap3A] {strides = array<i32>} : memref<128xi32, #tpu.memory_space<vmem>>, vector<16xi32>,
      %swap3A_85 = vector.shape_cast %swap3A_84 : vector<16xi32> to vector<16xi32>
      %swap3A_86 = vector.shape_cast %add3A_83 : vector<16xi32> to vector<16xi32>
      tpu.vector_store %arg7[%swap3A], %swap3A_86 {strides = array<i32>} : memref<128xi32, #tpu.memory_space<vmem>>, vector<16xi32>,
      %get3A_87 = arith.constant 16 : index
      %get3A_88 = tpu.vector_load %arg7[%get3A_87] {strides = array<i32>} : memref<128xi32, #tpu.memory_space<vmem>>, vector<16xi32>,
      %get3A_89 = vector.shape_cast %get3A_88 : vector<16xi32> to vector<16xi32>
      %mul3A_90 = arith.constant 10240 : i32
      %mul3A_91 = arith.muli %arg0, %mul3A_90 : i32
      %add3A_92 = vector.broadcast %mul3A_91 : i32 to vector<16xi32>
      %add3A_93 = arith.addi %get3A_89, %add3A_92 : vector<16xi32>
      %swap3A_94 = arith.constant 16 : index
      %swap3A_95 = tpu.vector_load %arg7[%swap3A_94] {strides = array<i32>} : memref<128xi32, #tpu.memory_space<vmem>>, vector<16xi32>,
      %swap3A_96 = vector.shape_cast %swap3A_95 : vector<16xi32> to vector<16xi32>
      %swap3A_97 = vector.shape_cast %add3A_93 : vector<16xi32> to vector<16xi32>
      tpu.vector_store %arg7[%swap3A_94], %swap3A_97 {strides = array<i32>} : memref<128xi32, #tpu.memory_space<vmem>>, vector<16xi32>,
      %get3A_98 = arith.constant 32 : index
      %get3A_99 = tpu.vector_load %arg7[%get3A_98] {strides = array<i32>} : memref<128xi32, #tpu.memory_space<vmem>>, vector<16xi32>,
      %get3A_100 = vector.shape_cast %get3A_99 : vector<16xi32> to vector<16xi32>
      %mul3A_101 = arith.constant 10240 : i32
      %mul3A_102 = arith.muli %arg0, %mul3A_101 : i32
      %add3A_103 = vector.broadcast %mul3A_102 : i32 to vector<16xi32>
      %add3A_104 = arith.addi %get3A_100, %add3A_103 : vector<16xi32>
      %swap3A_105 = arith.constant 32 : index
      %swap3A_106 = tpu.vector_load %arg7[%swap3A_105] {strides = array<i32>} : memref<128xi32, #tpu.memory_space<vmem>>, vector<16xi32>,
      %swap3A_107 = vector.shape_cast %swap3A_106 : vector<16xi32> to vector<16xi32>
      %swap3A_108 = vector.shape_cast %add3A_104 : vector<16xi32> to vector<16xi32>
      tpu.vector_store %arg7[%swap3A_105], %swap3A_108 {strides = array<i32>} : memref<128xi32, #tpu.memory_space<vmem>>, vector<16xi32>,
      %get3A_109 = arith.constant 48 : index
      %get3A_110 = tpu.vector_load %arg7[%get3A_109] {strides = array<i32>} : memref<128xi32, #tpu.memory_space<vmem>>, vector<16xi32>,
      %get3A_111 = vector.shape_cast %get3A_110 : vector<16xi32> to vector<16xi32>
      %mul3A_112 = arith.constant 10240 : i32
      %mul3A_113 = arith.muli %arg0, %mul3A_112 : i32
      %add3A_114 = vector.broadcast %mul3A_113 : i32 to vector<16xi32>
      %add3A_115 = arith.addi %get3A_111, %add3A_114 : vector<16xi32>
      %swap3A_116 = arith.constant 48 : index
      %swap3A_117 = tpu.vector_load %arg7[%swap3A_116] {strides = array<i32>} : memref<128xi32, #tpu.memory_space<vmem>>, vector<16xi32>,
      %swap3A_118 = vector.shape_cast %swap3A_117 : vector<16xi32> to vector<16xi32>
      %swap3A_119 = vector.shape_cast %add3A_115 : vector<16xi32> to vector<16xi32>
      tpu.vector_store %arg7[%swap3A_116], %swap3A_119 {strides = array<i32>} : memref<128xi32, #tpu.memory_space<vmem>>, vector<16xi32>,
      %get3A_120 = arith.constant 64 : index
      %get3A_121 = tpu.vector_load %arg7[%get3A_120] {strides = array<i32>} : memref<128xi32, #tpu.memory_space<vmem>>, vector<16xi32>,
      %get3A_122 = vector.shape_cast %get3A_121 : vector<16xi32> to vector<16xi32>
      %mul3A_123 = arith.constant 10240 : i32
      %mul3A_124 = arith.muli %arg0, %mul3A_123 : i32
      %add3A_125 = vector.broadcast %mul3A_124 : i32 to vector<16xi32>
      %add3A_126 = arith.addi %get3A_122, %add3A_125 : vector<16xi32>
      %swap3A_127 = arith.constant 64 : index
      %swap3A_128 = tpu.vector_load %arg7[%swap3A_127] {strides = array<i32>} : memref<128xi32, #tpu.memory_space<vmem>>, vector<16xi32>,
      %swap3A_129 = vector.shape_cast %swap3A_128 : vector<16xi32> to vector<16xi32>
      %swap3A_130 = vector.shape_cast %add3A_126 : vector<16xi32> to vector<16xi32>
      tpu.vector_store %arg7[%swap3A_127], %swap3A_130 {strides = array<i32>} : memref<128xi32, #tpu.memory_space<vmem>>, vector<16xi32>,
      %get3A_131 = arith.constant 80 : index
      %get3A_132 = tpu.vector_load %arg7[%get3A_131] {strides = array<i32>} : memref<128xi32, #tpu.memory_space<vmem>>, vector<16xi32>,
      %get3A_133 = vector.shape_cast %get3A_132 : vector<16xi32> to vector<16xi32>
      %mul3A_134 = arith.constant 10240 : i32
      %mul3A_135 = arith.muli %arg0, %mul3A_134 : i32
      %add3A_136 = vector.broadcast %mul3A_135 : i32 to vector<16xi32>
      %add3A_137 = arith.addi %get3A_133, %add3A_136 : vector<16xi32>
      %swap3A_138 = arith.constant 80 : index
      %swap3A_139 = tpu.vector_load %arg7[%swap3A_138] {strides = array<i32>} : memref<128xi32, #tpu.memory_space<vmem>>, vector<16xi32>,
      %swap3A_140 = vector.shape_cast %swap3A_139 : vector<16xi32> to vector<16xi32>
      %swap3A_141 = vector.shape_cast %add3A_137 : vector<16xi32> to vector<16xi32>
      tpu.vector_store %arg7[%swap3A_138], %swap3A_141 {strides = array<i32>} : memref<128xi32, #tpu.memory_space<vmem>>, vector<16xi32>,
      %get3A_142 = arith.constant 96 : index
      %get3A_143 = tpu.vector_load %arg7[%get3A_142] {strides = array<i32>} : memref<128xi32, #tpu.memory_space<vmem>>, vector<16xi32>,
      %get3A_144 = vector.shape_cast %get3A_143 : vector<16xi32> to vector<16xi32>
      %mul3A_145 = arith.constant 10240 : i32
      %mul3A_146 = arith.muli %arg0, %mul3A_145 : i32
      %add3A_147 = vector.broadcast %mul3A_146 : i32 to vector<16xi32>
      %add3A_148 = arith.addi %get3A_144, %add3A_147 : vector<16xi32>
      %swap3A_149 = arith.constant 96 : index
      %swap3A_150 = tpu.vector_load %arg7[%swap3A_149] {strides = array<i32>} : memref<128xi32, #tpu.memory_space<vmem>>, vector<16xi32>,
      %swap3A_151 = vector.shape_cast %swap3A_150 : vector<16xi32> to vector<16xi32>
      %swap3A_152 = vector.shape_cast %add3A_148 : vector<16xi32> to vector<16xi32>
      tpu.vector_store %arg7[%swap3A_149], %swap3A_152 {strides = array<i32>} : memref<128xi32, #tpu.memory_space<vmem>>, vector<16xi32>,
      %get3A_153 = arith.constant 112 : index
      %get3A_154 = tpu.vector_load %arg7[%get3A_153] {strides = array<i32>} : memref<128xi32, #tpu.memory_space<vmem>>, vector<16xi32>,
      %get3A_155 = vector.shape_cast %get3A_154 : vector<16xi32> to vector<16xi32>
      %mul3A_156 = arith.constant 10240 : i32
      %mul3A_157 = arith.muli %arg0, %mul3A_156 : i32
      %add3A_158 = vector.broadcast %mul3A_157 : i32 to vector<16xi32>
      %add3A_159 = arith.addi %get3A_155, %add3A_158 : vector<16xi32>
      %swap3A_160 = arith.constant 112 : index
      %swap3A_161 = tpu.vector_load %arg7[%swap3A_160] {strides = array<i32>} : memref<128xi32, #tpu.memory_space<vmem>>, vector<16xi32>,
      %swap3A_162 = vector.shape_cast %swap3A_161 : vector<16xi32> to vector<16xi32>
      %swap3A_163 = vector.shape_cast %add3A_159 : vector<16xi32> to vector<16xi32>
      tpu.vector_store %arg7[%swap3A_160], %swap3A_163 {strides = array<i32>} : memref<128xi32, #tpu.memory_space<vmem>>, vector<16xi32>,
      %dma_start3A = arith.constant 0 : i32
      %dma_start3A_164 = arith.constant 0 : i32
      %dma_start3A_165 = tpu.memref_slice %arg2[%dma_start3A, %dma_start3A_164] : memref<20480x128xf32, #tpu.memory_space<hbm>> -> memref<20480x128xf32, #tpu.memory_space<hbm>>
      tpu.enqueue_indirect_dma source(%dma_start3A_165 : memref<20480x128xf32, #tpu.memory_space<hbm>>) target(%arg10 : memref<128x128xf32, #tpu.memory_space<vmem>>) offsets(%arg7 : memref<128xi32, #tpu.memory_space<vmem>>) semaphore(%arg13 : memref<!tpu.dma_semaphore, #tpu.memory_space<semaphore_mem>>)
      %dma_wait3A = arith.constant 0 : i32
      %dma_wait3A_166 = arith.constant 0 : i32
      %dma_wait3A_167 = tpu.memref_slice %arg2[%dma_wait3A, %dma_wait3A_166] : memref<20480x128xf32, #tpu.memory_space<hbm>> -> memref<20480x128xf32, #tpu.memory_space<hbm>>
      tpu.wait_indirect_dma semaphore(%arg13 : memref<!tpu.dma_semaphore, #tpu.memory_space<semaphore_mem>>) src(%dma_wait3A_167 : memref<20480x128xf32, #tpu.memory_space<hbm>>) dst(%arg10 : memref<128x128xf32, #tpu.memory_space<vmem>>)
      %scan3A_168 = arith.constant 0 : i32
      %scan3A_169 = arith.constant 128 : i32
      %scan3A_170 = arith.addi %scan3A_168, %scan3A_169 : i32
      %scan3A_171 = arith.constant 1 : i32
      scf.for %scan3A_173 = %scan3A_168 to %scan3A_170 step %scan3A_171  : i32 {
        %get3A_174 = arith.index_cast %scan3A_173 : i32 to index
        %get3A_175 = arith.constant 0 : index
        %get3A_176 = tpu.vector_load %arg9[%get3A_174, %get3A_175] {strides = array<i32>} : memref<128x16xf32, #tpu.memory_space<vmem>>, vector<1x16xf32>,
        %get3A_177 = vector.shape_cast %get3A_176 : vector<1x16xf32> to vector<16xf32>
        %mul3A_178 = arith.constant 2 : i32
        %mul3A_179 = arith.muli %mul3A_178, %arg0 : i32
        %broadcast_in_dim3A = vector.broadcast %mul3A_179 : i32 to vector<16xi32>
        %lt3A = arith.constant 0 : i32
        %lt3A_180 = vector.broadcast %lt3A : i32 to vector<16xi32>
        %lt3A_181 = arith.cmpi slt, %broadcast_in_dim3A, %lt3A_180 : vector<16xi32>
        %add3A_182 = arith.constant 16 : i32
        %add3A_183 = vector.broadcast %add3A_182 : i32 to vector<16xi32>
        %add3A_184 = arith.addi %broadcast_in_dim3A, %add3A_183 : vector<16xi32>
        %select_n3A_185 = arith.select %lt3A_181, %add3A_184, %broadcast_in_dim3A : vector<16xi1>, vector<16xi32>
        %broadcast_in_dim3A_186 = vector.shape_cast %select_n3A_185 : vector<16xi32> to vector<16x1xi32>
        %gather3A = vector.shape_cast %broadcast_in_dim3A_186 : vector<16x1xi32> to vector<16xi32>
        %gather3A_187 = tpu.dynamic_gather %get3A_177[%gather3A] in [0] : vector<16xf32>, vector<16xi32> -> vector<16xf32>
        %mul3A_188 = arith.constant 2 : i32
        %mul3A_189 = arith.muli %mul3A_188, %arg0 : i32
        %add3A_190 = arith.constant 1 : i32
        %add3A_191 = arith.addi %mul3A_189, %add3A_190 : i32
        %broadcast_in_dim3A_192 = vector.broadcast %add3A_191 : i32 to vector<16xi32>
        %lt3A_193 = arith.constant 0 : i32
        %lt3A_194 = vector.broadcast %lt3A_193 : i32 to vector<16xi32>
        %lt3A_195 = arith.cmpi slt, %broadcast_in_dim3A_192, %lt3A_194 : vector<16xi32>
        %add3A_196 = arith.constant 16 : i32
        %add3A_197 = vector.broadcast %add3A_196 : i32 to vector<16xi32>
        %add3A_198 = arith.addi %broadcast_in_dim3A_192, %add3A_197 : vector<16xi32>
        %select_n3A_199 = arith.select %lt3A_195, %add3A_198, %broadcast_in_dim3A_192 : vector<16xi1>, vector<16xi32>
        %broadcast_in_dim3A_200 = vector.shape_cast %select_n3A_199 : vector<16xi32> to vector<16x1xi32>
        %gather3A_201 = vector.shape_cast %broadcast_in_dim3A_200 : vector<16x1xi32> to vector<16xi32>
        %gather3A_202 = tpu.dynamic_gather %get3A_177[%gather3A_201] in [0] : vector<16xf32>, vector<16xi32> -> vector<16xf32>
        %get3A_203 = arith.index_cast %scan3A_173 : i32 to index
        %get3A_204 = arith.constant 0 : index
        %get3A_205 = tpu.vector_load %arg10[%get3A_203, %get3A_204] {strides = array<i32>} : memref<128x128xf32, #tpu.memory_space<vmem>>, vector<1x16xf32>,
        %get3A_206 = vector.shape_cast %get3A_205 : vector<1x16xf32> to vector<16xf32>
        %mul3A_207 = arith.mulf %get3A_206, %gather3A_187 : vector<16xf32>
        %swap3A_208 = arith.index_cast %scan3A_173 : i32 to index
        %swap3A_209 = arith.constant 0 : index
        %swap3A_210 = tpu.vector_load %arg10[%swap3A_208, %swap3A_209] {strides = array<i32>} : memref<128x128xf32, #tpu.memory_space<vmem>>, vector<1x16xf32>,
        %swap3A_211 = vector.shape_cast %swap3A_210 : vector<1x16xf32> to vector<16xf32>
        %swap3A_212 = vector.shape_cast %mul3A_207 : vector<16xf32> to vector<1x16xf32>
        tpu.vector_store %arg10[%swap3A_208, %swap3A_209], %swap3A_212 {strides = array<i32>} : memref<128x128xf32, #tpu.memory_space<vmem>>, vector<1x16xf32>,
        %get3A_213 = arith.index_cast %scan3A_173 : i32 to index
        %get3A_214 = arith.constant 16 : index
        %get3A_215 = tpu.vector_load %arg10[%get3A_213, %get3A_214] {strides = array<i32>} : memref<128x128xf32, #tpu.memory_space<vmem>>, vector<1x16xf32>,
        %get3A_216 = vector.shape_cast %get3A_215 : vector<1x16xf32> to vector<16xf32>
        %mul3A_217 = arith.mulf %get3A_216, %gather3A_187 : vector<16xf32>
        %swap3A_218 = arith.index_cast %scan3A_173 : i32 to index
        %swap3A_219 = arith.constant 16 : index
        %swap3A_220 = tpu.vector_load %arg10[%swap3A_218, %swap3A_219] {strides = array<i32>} : memref<128x128xf32, #tpu.memory_space<vmem>>, vector<1x16xf32>,
        %swap3A_221 = vector.shape_cast %swap3A_220 : vector<1x16xf32> to vector<16xf32>
        %swap3A_222 = vector.shape_cast %mul3A_217 : vector<16xf32> to vector<1x16xf32>
        tpu.vector_store %arg10[%swap3A_218, %swap3A_219], %swap3A_222 {strides = array<i32>} : memref<128x128xf32, #tpu.memory_space<vmem>>, vector<1x16xf32>,
        %get3A_223 = arith.index_cast %scan3A_173 : i32 to index
        %get3A_224 = arith.constant 32 : index
        %get3A_225 = tpu.vector_load %arg10[%get3A_223, %get3A_224] {strides = array<i32>} : memref<128x128xf32, #tpu.memory_space<vmem>>, vector<1x16xf32>,
        %get3A_226 = vector.shape_cast %get3A_225 : vector<1x16xf32> to vector<16xf32>
        %mul3A_227 = arith.mulf %get3A_226, %gather3A_187 : vector<16xf32>
        %swap3A_228 = arith.index_cast %scan3A_173 : i32 to index
        %swap3A_229 = arith.constant 32 : index
        %swap3A_230 = tpu.vector_load %arg10[%swap3A_228, %swap3A_229] {strides = array<i32>} : memref<128x128xf32, #tpu.memory_space<vmem>>, vector<1x16xf32>,
        %swap3A_231 = vector.shape_cast %swap3A_230 : vector<1x16xf32> to vector<16xf32>
        %swap3A_232 = vector.shape_cast %mul3A_227 : vector<16xf32> to vector<1x16xf32>
        tpu.vector_store %arg10[%swap3A_228, %swap3A_229], %swap3A_232 {strides = array<i32>} : memref<128x128xf32, #tpu.memory_space<vmem>>, vector<1x16xf32>,
        %get3A_233 = arith.index_cast %scan3A_173 : i32 to index
        %get3A_234 = arith.constant 48 : index
        %get3A_235 = tpu.vector_load %arg10[%get3A_233, %get3A_234] {strides = array<i32>} : memref<128x128xf32, #tpu.memory_space<vmem>>, vector<1x16xf32>,
        %get3A_236 = vector.shape_cast %get3A_235 : vector<1x16xf32> to vector<16xf32>
        %mul3A_237 = arith.mulf %get3A_236, %gather3A_187 : vector<16xf32>
        %swap3A_238 = arith.index_cast %scan3A_173 : i32 to index
        %swap3A_239 = arith.constant 48 : index
        %swap3A_240 = tpu.vector_load %arg10[%swap3A_238, %swap3A_239] {strides = array<i32>} : memref<128x128xf32, #tpu.memory_space<vmem>>, vector<1x16xf32>,
        %swap3A_241 = vector.shape_cast %swap3A_240 : vector<1x16xf32> to vector<16xf32>
        %swap3A_242 = vector.shape_cast %mul3A_237 : vector<16xf32> to vector<1x16xf32>
        tpu.vector_store %arg10[%swap3A_238, %swap3A_239], %swap3A_242 {strides = array<i32>} : memref<128x128xf32, #tpu.memory_space<vmem>>, vector<1x16xf32>,
        %get3A_243 = arith.index_cast %scan3A_173 : i32 to index
        %get3A_244 = arith.constant 64 : index
        %get3A_245 = tpu.vector_load %arg10[%get3A_243, %get3A_244] {strides = array<i32>} : memref<128x128xf32, #tpu.memory_space<vmem>>, vector<1x16xf32>,
        %get3A_246 = vector.shape_cast %get3A_245 : vector<1x16xf32> to vector<16xf32>
        %mul3A_247 = arith.mulf %get3A_246, %gather3A_202 : vector<16xf32>
        %swap3A_248 = arith.index_cast %scan3A_173 : i32 to index
        %swap3A_249 = arith.constant 64 : index
        %swap3A_250 = tpu.vector_load %arg10[%swap3A_248, %swap3A_249] {strides = array<i32>} : memref<128x128xf32, #tpu.memory_space<vmem>>, vector<1x16xf32>,
        %swap3A_251 = vector.shape_cast %swap3A_250 : vector<1x16xf32> to vector<16xf32>
        %swap3A_252 = vector.shape_cast %mul3A_247 : vector<16xf32> to vector<1x16xf32>
        tpu.vector_store %arg10[%swap3A_248, %swap3A_249], %swap3A_252 {strides = array<i32>} : memref<128x128xf32, #tpu.memory_space<vmem>>, vector<1x16xf32>,
        %get3A_253 = arith.index_cast %scan3A_173 : i32 to index
        %get3A_254 = arith.constant 80 : index
        %get3A_255 = tpu.vector_load %arg10[%get3A_253, %get3A_254] {strides = array<i32>} : memref<128x128xf32, #tpu.memory_space<vmem>>, vector<1x16xf32>,
        %get3A_256 = vector.shape_cast %get3A_255 : vector<1x16xf32> to vector<16xf32>
        %mul3A_257 = arith.mulf %get3A_256, %gather3A_202 : vector<16xf32>
        %swap3A_258 = arith.index_cast %scan3A_173 : i32 to index
        %swap3A_259 = arith.constant 80 : index
        %swap3A_260 = tpu.vector_load %arg10[%swap3A_258, %swap3A_259] {strides = array<i32>} : memref<128x128xf32, #tpu.memory_space<vmem>>, vector<1x16xf32>,
        %swap3A_261 = vector.shape_cast %swap3A_260 : vector<1x16xf32> to vector<16xf32>
        %swap3A_262 = vector.shape_cast %mul3A_257 : vector<16xf32> to vector<1x16xf32>
        tpu.vector_store %arg10[%swap3A_258, %swap3A_259], %swap3A_262 {strides = array<i32>} : memref<128x128xf32, #tpu.memory_space<vmem>>, vector<1x16xf32>,
        %get3A_263 = arith.index_cast %scan3A_173 : i32 to index
        %get3A_264 = arith.constant 96 : index
        %get3A_265 = tpu.vector_load %arg10[%get3A_263, %get3A_264] {strides = array<i32>} : memref<128x128xf32, #tpu.memory_space<vmem>>, vector<1x16xf32>,
        %get3A_266 = vector.shape_cast %get3A_265 : vector<1x16xf32> to vector<16xf32>
        %mul3A_267 = arith.mulf %get3A_266, %gather3A_202 : vector<16xf32>
        %swap3A_268 = arith.index_cast %scan3A_173 : i32 to index
        %swap3A_269 = arith.constant 96 : index
        %swap3A_270 = tpu.vector_load %arg10[%swap3A_268, %swap3A_269] {strides = array<i32>} : memref<128x128xf32, #tpu.memory_space<vmem>>, vector<1x16xf32>,
        %swap3A_271 = vector.shape_cast %swap3A_270 : vector<1x16xf32> to vector<16xf32>
        %swap3A_272 = vector.shape_cast %mul3A_267 : vector<16xf32> to vector<1x16xf32>
        tpu.vector_store %arg10[%swap3A_268, %swap3A_269], %swap3A_272 {strides = array<i32>} : memref<128x128xf32, #tpu.memory_space<vmem>>, vector<1x16xf32>,
        %get3A_273 = arith.index_cast %scan3A_173 : i32 to index
        %get3A_274 = arith.constant 112 : index
        %get3A_275 = tpu.vector_load %arg10[%get3A_273, %get3A_274] {strides = array<i32>} : memref<128x128xf32, #tpu.memory_space<vmem>>, vector<1x16xf32>,
        %get3A_276 = vector.shape_cast %get3A_275 : vector<1x16xf32> to vector<16xf32>
        %mul3A_277 = arith.mulf %get3A_276, %gather3A_202 : vector<16xf32>
        %swap3A_278 = arith.index_cast %scan3A_173 : i32 to index
        %swap3A_279 = arith.constant 112 : index
        %swap3A_280 = tpu.vector_load %arg10[%swap3A_278, %swap3A_279] {strides = array<i32>} : memref<128x128xf32, #tpu.memory_space<vmem>>, vector<1x16xf32>,
        %swap3A_281 = vector.shape_cast %swap3A_280 : vector<1x16xf32> to vector<16xf32>
        %swap3A_282 = vector.shape_cast %mul3A_277 : vector<16xf32> to vector<1x16xf32>
        tpu.vector_store %arg10[%swap3A_278, %swap3A_279], %swap3A_282 {strides = array<i32>} : memref<128x128xf32, #tpu.memory_space<vmem>>, vector<1x16xf32>,
      }
      %scan3A_172 = arith.constant 128 : i32
      "tpu.region"() ({
        %run_scoped3A = tpu.sem_alloc : memref<!tpu.dma_semaphore, #tpu.memory_space<semaphore_mem>>
        %dma_start3A_173 = arith.constant 0 : i32
        %dma_start3A_174 = arith.constant 0 : i32
        %dma_start3A_175 = tpu.memref_slice %arg12[%dma_start3A_173, %dma_start3A_174] : memref<10240x128xf32, #tpu.memory_space<vmem_shared>> -> memref<10240x128xf32, #tpu.memory_space<vmem_shared>>
        tpu.enqueue_indirect_dma source(%arg10 : memref<128x128xf32, #tpu.memory_space<vmem>>) target(%dma_start3A_175 : memref<10240x128xf32, #tpu.memory_space<vmem_shared>>) offsets(%arg8 : memref<128xi32, #tpu.memory_space<vmem>>) semaphore(%run_scoped3A : memref<!tpu.dma_semaphore, #tpu.memory_space<semaphore_mem>>) {add = true}
        %dma_wait3A_176 = arith.constant 0 : i32
        %dma_wait3A_177 = arith.constant 0 : i32
        %dma_wait3A_178 = tpu.memref_slice %arg12[%dma_wait3A_176, %dma_wait3A_177] : memref<10240x128xf32, #tpu.memory_space<vmem_shared>> -> memref<10240x128xf32, #tpu.memory_space<vmem_shared>>
        tpu.wait_indirect_dma semaphore(%run_scoped3A : memref<!tpu.dma_semaphore, #tpu.memory_space<semaphore_mem>>) src(%arg10 : memref<128x128xf32, #tpu.memory_space<vmem>>) dst(%dma_wait3A_178 : memref<10240x128xf32, #tpu.memory_space<vmem_shared>>)
        tpu.yield
      }) : () -> ()
    }
    %while3A_63 = arith.constant 1 : i32
    scf.for %while3A_72 = %while3A_61 to %while3A_57 step %while3A_63  : i32 {
      %mul3A_73 = arith.constant 16 : i32
      %mul3A_74 = arith.muli %while3A_72, %mul3A_73 : i32
      %add3A_75 = arith.addi %arg1, %mul3A_74 : i32
      %mul3A_76 = arith.constant 128 : i32
      %mul3A_77 = arith.muli %add3A_75, %mul3A_76 : i32
      "tpu.region"() ({
        %run_scoped3A = tpu.sem_alloc : memref<!tpu.dma_semaphore, #tpu.memory_space<semaphore_mem>>
        %dma_start3A_173 = tpu.memref_slice %arg4[%mul3A_77] : memref<160000xi32, #tpu.memory_space<hbm>> -> memref<128xi32, #tpu.memory_space<hbm>>
        %dma_start3A_174 = tpu.memref_slice %arg4[%mul3A_77] : memref<160000xi32, #tpu.memory_space<hbm>> -> memref<128xi32, #tpu.memory_space<hbm>>
        tpu.enqueue_dma source(%dma_start3A_174 : memref<128xi32, #tpu.memory_space<hbm>>) target(%arg7 : memref<128xi32, #tpu.memory_space<vmem>>) target_semaphore(%run_scoped3A : memref<!tpu.dma_semaphore, #tpu.memory_space<semaphore_mem>>)
        %dma_wait3A_175 = tpu.memref_slice %arg4[%mul3A_77] : memref<160000xi32, #tpu.memory_space<hbm>> -> memref<128xi32, #tpu.memory_space<hbm>>
        %dma_wait3A_176 = tpu.memref_slice %arg4[%mul3A_77] : memref<160000xi32, #tpu.memory_space<hbm>> -> memref<128xi32, #tpu.memory_space<hbm>>
        tpu.wait_dma2 semaphore(%run_scoped3A : memref<!tpu.dma_semaphore, #tpu.memory_space<semaphore_mem>>) src(%dma_wait3A_176 : memref<128xi32, #tpu.memory_space<hbm>>) dst(%arg7 : memref<128xi32, #tpu.memory_space<vmem>>)
        tpu.yield
      }) : () -> ()
      "tpu.region"() ({
        %run_scoped3A = tpu.sem_alloc : memref<!tpu.dma_semaphore, #tpu.memory_space<semaphore_mem>>
        %dma_start3A_173 = tpu.memref_slice %arg5[%mul3A_77] : memref<160000xi32, #tpu.memory_space<hbm>> -> memref<128xi32, #tpu.memory_space<hbm>>
        %dma_start3A_174 = tpu.memref_slice %arg5[%mul3A_77] : memref<160000xi32, #tpu.memory_space<hbm>> -> memref<128xi32, #tpu.memory_space<hbm>>
        tpu.enqueue_dma source(%dma_start3A_174 : memref<128xi32, #tpu.memory_space<hbm>>) target(%arg8 : memref<128xi32, #tpu.memory_space<vmem>>) target_semaphore(%run_scoped3A : memref<!tpu.dma_semaphore, #tpu.memory_space<semaphore_mem>>)
        %dma_wait3A_175 = tpu.memref_slice %arg5[%mul3A_77] : memref<160000xi32, #tpu.memory_space<hbm>> -> memref<128xi32, #tpu.memory_space<hbm>>
        %dma_wait3A_176 = tpu.memref_slice %arg5[%mul3A_77] : memref<160000xi32, #tpu.memory_space<hbm>> -> memref<128xi32, #tpu.memory_space<hbm>>
        tpu.wait_dma2 semaphore(%run_scoped3A : memref<!tpu.dma_semaphore, #tpu.memory_space<semaphore_mem>>) src(%dma_wait3A_176 : memref<128xi32, #tpu.memory_space<hbm>>) dst(%arg8 : memref<128xi32, #tpu.memory_space<vmem>>)
        tpu.yield
      }) : () -> ()
      "tpu.region"() ({
        %run_scoped3A = tpu.sem_alloc : memref<!tpu.dma_semaphore, #tpu.memory_space<semaphore_mem>>
        %dma_start3A_173 = arith.constant 0 : i32
        %dma_start3A_174 = tpu.memref_slice %arg3[%mul3A_77, %dma_start3A_173] : memref<160000x16xf32, #tpu.memory_space<hbm>> -> memref<128x16xf32, #tpu.memory_space<hbm>>
        %dma_start3A_175 = arith.constant 0 : i32
        %dma_start3A_176 = tpu.memref_slice %arg3[%mul3A_77, %dma_start3A_175] : memref<160000x16xf32, #tpu.memory_space<hbm>> -> memref<128x16xf32, #tpu.memory_space<hbm>>
        tpu.enqueue_dma source(%dma_start3A_176 : memref<128x16xf32, #tpu.memory_space<hbm>>) target(%arg9 : memref<128x16xf32, #tpu.memory_space<vmem>>) target_semaphore(%run_scoped3A : memref<!tpu.dma_semaphore, #tpu.memory_space<semaphore_mem>>)
        %dma_wait3A_177 = arith.constant 0 : i32
        %dma_wait3A_178 = tpu.memref_slice %arg3[%mul3A_77, %dma_wait3A_177] : memref<160000x16xf32, #tpu.memory_space<hbm>> -> memref<128x16xf32, #tpu.memory_space<hbm>>
        %dma_wait3A_179 = arith.constant 0 : i32
        %dma_wait3A_180 = tpu.memref_slice %arg3[%mul3A_77, %dma_wait3A_179] : memref<160000x16xf32, #tpu.memory_space<hbm>> -> memref<128x16xf32, #tpu.memory_space<hbm>>
        tpu.wait_dma2 semaphore(%run_scoped3A : memref<!tpu.dma_semaphore, #tpu.memory_space<semaphore_mem>>) src(%dma_wait3A_180 : memref<128x16xf32, #tpu.memory_space<hbm>>) dst(%arg9 : memref<128x16xf32, #tpu.memory_space<vmem>>)
        tpu.yield
      }) : () -> ()
      %get3A = arith.constant 0 : index
      %get3A_78 = tpu.vector_load %arg7[%get3A] {strides = array<i32>} : memref<128xi32, #tpu.memory_space<vmem>>, vector<16xi32>,
      %get3A_79 = vector.shape_cast %get3A_78 : vector<16xi32> to vector<16xi32>
      %mul3A_80 = arith.constant 10240 : i32
      %mul3A_81 = arith.muli %arg0, %mul3A_80 : i32
      %add3A_82 = vector.broadcast %mul3A_81 : i32 to vector<16xi32>
      %add3A_83 = arith.addi %get3A_79, %add3A_82 : vector<16xi32>
      %swap3A = arith.constant 0 : index
      %swap3A_84 = tpu.vector_load %arg7[%swap3A] {strides = array<i32>} : memref<128xi32, #tpu.memory_space<vmem>>, vector<16xi32>,
      %swap3A_85 = vector.shape_cast %swap3A_84 : vector<16xi32> to vector<16xi32>
      %swap3A_86 = vector.shape_cast %add3A_83 : vector<16xi32> to vector<16xi32>
      tpu.vector_store %arg7[%swap3A], %swap3A_86 {strides = array<i32>} : memref<128xi32, #tpu.memory_space<vmem>>, vector<16xi32>,
      %get3A_87 = arith.constant 16 : index
      %get3A_88 = tpu.vector_load %arg7[%get3A_87] {strides = array<i32>} : memref<128xi32, #tpu.memory_space<vmem>>, vector<16xi32>,
      %get3A_89 = vector.shape_cast %get3A_88 : vector<16xi32> to vector<16xi32>
      %mul3A_90 = arith.constant 10240 : i32
      %mul3A_91 = arith.muli %arg0, %mul3A_90 : i32
      %add3A_92 = vector.broadcast %mul3A_91 : i32 to vector<16xi32>
      %add3A_93 = arith.addi %get3A_89, %add3A_92 : vector<16xi32>
      %swap3A_94 = arith.constant 16 : index
      %swap3A_95 = tpu.vector_load %arg7[%swap3A_94] {strides = array<i32>} : memref<128xi32, #tpu.memory_space<vmem>>, vector<16xi32>,
      %swap3A_96 = vector.shape_cast %swap3A_95 : vector<16xi32> to vector<16xi32>
      %swap3A_97 = vector.shape_cast %add3A_93 : vector<16xi32> to vector<16xi32>
      tpu.vector_store %arg7[%swap3A_94], %swap3A_97 {strides = array<i32>} : memref<128xi32, #tpu.memory_space<vmem>>, vector<16xi32>,
      %get3A_98 = arith.constant 32 : index
      %get3A_99 = tpu.vector_load %arg7[%get3A_98] {strides = array<i32>} : memref<128xi32, #tpu.memory_space<vmem>>, vector<16xi32>,
      %get3A_100 = vector.shape_cast %get3A_99 : vector<16xi32> to vector<16xi32>
      %mul3A_101 = arith.constant 10240 : i32
      %mul3A_102 = arith.muli %arg0, %mul3A_101 : i32
      %add3A_103 = vector.broadcast %mul3A_102 : i32 to vector<16xi32>
      %add3A_104 = arith.addi %get3A_100, %add3A_103 : vector<16xi32>
      %swap3A_105 = arith.constant 32 : index
      %swap3A_106 = tpu.vector_load %arg7[%swap3A_105] {strides = array<i32>} : memref<128xi32, #tpu.memory_space<vmem>>, vector<16xi32>,
      %swap3A_107 = vector.shape_cast %swap3A_106 : vector<16xi32> to vector<16xi32>
      %swap3A_108 = vector.shape_cast %add3A_104 : vector<16xi32> to vector<16xi32>
      tpu.vector_store %arg7[%swap3A_105], %swap3A_108 {strides = array<i32>} : memref<128xi32, #tpu.memory_space<vmem>>, vector<16xi32>,
      %get3A_109 = arith.constant 48 : index
      %get3A_110 = tpu.vector_load %arg7[%get3A_109] {strides = array<i32>} : memref<128xi32, #tpu.memory_space<vmem>>, vector<16xi32>,
      %get3A_111 = vector.shape_cast %get3A_110 : vector<16xi32> to vector<16xi32>
      %mul3A_112 = arith.constant 10240 : i32
      %mul3A_113 = arith.muli %arg0, %mul3A_112 : i32
      %add3A_114 = vector.broadcast %mul3A_113 : i32 to vector<16xi32>
      %add3A_115 = arith.addi %get3A_111, %add3A_114 : vector<16xi32>
      %swap3A_116 = arith.constant 48 : index
      %swap3A_117 = tpu.vector_load %arg7[%swap3A_116] {strides = array<i32>} : memref<128xi32, #tpu.memory_space<vmem>>, vector<16xi32>,
      %swap3A_118 = vector.shape_cast %swap3A_117 : vector<16xi32> to vector<16xi32>
      %swap3A_119 = vector.shape_cast %add3A_115 : vector<16xi32> to vector<16xi32>
      tpu.vector_store %arg7[%swap3A_116], %swap3A_119 {strides = array<i32>} : memref<128xi32, #tpu.memory_space<vmem>>, vector<16xi32>,
      %get3A_120 = arith.constant 64 : index
      %get3A_121 = tpu.vector_load %arg7[%get3A_120] {strides = array<i32>} : memref<128xi32, #tpu.memory_space<vmem>>, vector<16xi32>,
      %get3A_122 = vector.shape_cast %get3A_121 : vector<16xi32> to vector<16xi32>
      %mul3A_123 = arith.constant 10240 : i32
      %mul3A_124 = arith.muli %arg0, %mul3A_123 : i32
      %add3A_125 = vector.broadcast %mul3A_124 : i32 to vector<16xi32>
      %add3A_126 = arith.addi %get3A_122, %add3A_125 : vector<16xi32>
      %swap3A_127 = arith.constant 64 : index
      %swap3A_128 = tpu.vector_load %arg7[%swap3A_127] {strides = array<i32>} : memref<128xi32, #tpu.memory_space<vmem>>, vector<16xi32>,
      %swap3A_129 = vector.shape_cast %swap3A_128 : vector<16xi32> to vector<16xi32>
      %swap3A_130 = vector.shape_cast %add3A_126 : vector<16xi32> to vector<16xi32>
      tpu.vector_store %arg7[%swap3A_127], %swap3A_130 {strides = array<i32>} : memref<128xi32, #tpu.memory_space<vmem>>, vector<16xi32>,
      %get3A_131 = arith.constant 80 : index
      %get3A_132 = tpu.vector_load %arg7[%get3A_131] {strides = array<i32>} : memref<128xi32, #tpu.memory_space<vmem>>, vector<16xi32>,
      %get3A_133 = vector.shape_cast %get3A_132 : vector<16xi32> to vector<16xi32>
      %mul3A_134 = arith.constant 10240 : i32
      %mul3A_135 = arith.muli %arg0, %mul3A_134 : i32
      %add3A_136 = vector.broadcast %mul3A_135 : i32 to vector<16xi32>
      %add3A_137 = arith.addi %get3A_133, %add3A_136 : vector<16xi32>
      %swap3A_138 = arith.constant 80 : index
      %swap3A_139 = tpu.vector_load %arg7[%swap3A_138] {strides = array<i32>} : memref<128xi32, #tpu.memory_space<vmem>>, vector<16xi32>,
      %swap3A_140 = vector.shape_cast %swap3A_139 : vector<16xi32> to vector<16xi32>
      %swap3A_141 = vector.shape_cast %add3A_137 : vector<16xi32> to vector<16xi32>
      tpu.vector_store %arg7[%swap3A_138], %swap3A_141 {strides = array<i32>} : memref<128xi32, #tpu.memory_space<vmem>>, vector<16xi32>,
      %get3A_142 = arith.constant 96 : index
      %get3A_143 = tpu.vector_load %arg7[%get3A_142] {strides = array<i32>} : memref<128xi32, #tpu.memory_space<vmem>>, vector<16xi32>,
      %get3A_144 = vector.shape_cast %get3A_143 : vector<16xi32> to vector<16xi32>
      %mul3A_145 = arith.constant 10240 : i32
      %mul3A_146 = arith.muli %arg0, %mul3A_145 : i32
      %add3A_147 = vector.broadcast %mul3A_146 : i32 to vector<16xi32>
      %add3A_148 = arith.addi %get3A_144, %add3A_147 : vector<16xi32>
      %swap3A_149 = arith.constant 96 : index
      %swap3A_150 = tpu.vector_load %arg7[%swap3A_149] {strides = array<i32>} : memref<128xi32, #tpu.memory_space<vmem>>, vector<16xi32>,
      %swap3A_151 = vector.shape_cast %swap3A_150 : vector<16xi32> to vector<16xi32>
      %swap3A_152 = vector.shape_cast %add3A_148 : vector<16xi32> to vector<16xi32>
      tpu.vector_store %arg7[%swap3A_149], %swap3A_152 {strides = array<i32>} : memref<128xi32, #tpu.memory_space<vmem>>, vector<16xi32>,
      %get3A_153 = arith.constant 112 : index
      %get3A_154 = tpu.vector_load %arg7[%get3A_153] {strides = array<i32>} : memref<128xi32, #tpu.memory_space<vmem>>, vector<16xi32>,
      %get3A_155 = vector.shape_cast %get3A_154 : vector<16xi32> to vector<16xi32>
      %mul3A_156 = arith.constant 10240 : i32
      %mul3A_157 = arith.muli %arg0, %mul3A_156 : i32
      %add3A_158 = vector.broadcast %mul3A_157 : i32 to vector<16xi32>
      %add3A_159 = arith.addi %get3A_155, %add3A_158 : vector<16xi32>
      %swap3A_160 = arith.constant 112 : index
      %swap3A_161 = tpu.vector_load %arg7[%swap3A_160] {strides = array<i32>} : memref<128xi32, #tpu.memory_space<vmem>>, vector<16xi32>,
      %swap3A_162 = vector.shape_cast %swap3A_161 : vector<16xi32> to vector<16xi32>
      %swap3A_163 = vector.shape_cast %add3A_159 : vector<16xi32> to vector<16xi32>
      tpu.vector_store %arg7[%swap3A_160], %swap3A_163 {strides = array<i32>} : memref<128xi32, #tpu.memory_space<vmem>>, vector<16xi32>,
      %dma_start3A = arith.constant 0 : i32
      %dma_start3A_164 = arith.constant 0 : i32
      %dma_start3A_165 = tpu.memref_slice %arg2[%dma_start3A, %dma_start3A_164] : memref<20480x128xf32, #tpu.memory_space<hbm>> -> memref<20480x128xf32, #tpu.memory_space<hbm>>
      tpu.enqueue_indirect_dma source(%dma_start3A_165 : memref<20480x128xf32, #tpu.memory_space<hbm>>) target(%arg10 : memref<128x128xf32, #tpu.memory_space<vmem>>) offsets(%arg7 : memref<128xi32, #tpu.memory_space<vmem>>) semaphore(%arg13 : memref<!tpu.dma_semaphore, #tpu.memory_space<semaphore_mem>>)
      %dma_wait3A = arith.constant 0 : i32
      %dma_wait3A_166 = arith.constant 0 : i32
      %dma_wait3A_167 = tpu.memref_slice %arg2[%dma_wait3A, %dma_wait3A_166] : memref<20480x128xf32, #tpu.memory_space<hbm>> -> memref<20480x128xf32, #tpu.memory_space<hbm>>
      tpu.wait_indirect_dma semaphore(%arg13 : memref<!tpu.dma_semaphore, #tpu.memory_space<semaphore_mem>>) src(%dma_wait3A_167 : memref<20480x128xf32, #tpu.memory_space<hbm>>) dst(%arg10 : memref<128x128xf32, #tpu.memory_space<vmem>>)
      %scan3A_168 = arith.constant 0 : i32
      %scan3A_169 = arith.constant 128 : i32
      %scan3A_170 = arith.addi %scan3A_168, %scan3A_169 : i32
      %scan3A_171 = arith.constant 1 : i32
      scf.for %scan3A_173 = %scan3A_168 to %scan3A_170 step %scan3A_171  : i32 {
        %get3A_174 = arith.index_cast %scan3A_173 : i32 to index
        %get3A_175 = arith.constant 0 : index
        %get3A_176 = tpu.vector_load %arg9[%get3A_174, %get3A_175] {strides = array<i32>} : memref<128x16xf32, #tpu.memory_space<vmem>>, vector<1x16xf32>,
        %get3A_177 = vector.shape_cast %get3A_176 : vector<1x16xf32> to vector<16xf32>
        %mul3A_178 = arith.constant 2 : i32
        %mul3A_179 = arith.muli %mul3A_178, %arg0 : i32
        %broadcast_in_dim3A = vector.broadcast %mul3A_179 : i32 to vector<16xi32>
        %lt3A = arith.constant 0 : i32
        %lt3A_180 = vector.broadcast %lt3A : i32 to vector<16xi32>
        %lt3A_181 = arith.cmpi slt, %broadcast_in_dim3A, %lt3A_180 : vector<16xi32>
        %add3A_182 = arith.constant 16 : i32
        %add3A_183 = vector.broadcast %add3A_182 : i32 to vector<16xi32>
        %add3A_184 = arith.addi %broadcast_in_dim3A, %add3A_183 : vector<16xi32>
        %select_n3A_185 = arith.select %lt3A_181, %add3A_184, %broadcast_in_dim3A : vector<16xi1>, vector<16xi32>
        %broadcast_in_dim3A_186 = vector.shape_cast %select_n3A_185 : vector<16xi32> to vector<16x1xi32>
        %gather3A = vector.shape_cast %broadcast_in_dim3A_186 : vector<16x1xi32> to vector<16xi32>
        %gather3A_187 = tpu.dynamic_gather %get3A_177[%gather3A] in [0] : vector<16xf32>, vector<16xi32> -> vector<16xf32>
        %mul3A_188 = arith.constant 2 : i32
        %mul3A_189 = arith.muli %mul3A_188, %arg0 : i32
        %add3A_190 = arith.constant 1 : i32
        %add3A_191 = arith.addi %mul3A_189, %add3A_190 : i32
        %broadcast_in_dim3A_192 = vector.broadcast %add3A_191 : i32 to vector<16xi32>
        %lt3A_193 = arith.constant 0 : i32
        %lt3A_194 = vector.broadcast %lt3A_193 : i32 to vector<16xi32>
        %lt3A_195 = arith.cmpi slt, %broadcast_in_dim3A_192, %lt3A_194 : vector<16xi32>
        %add3A_196 = arith.constant 16 : i32
        %add3A_197 = vector.broadcast %add3A_196 : i32 to vector<16xi32>
        %add3A_198 = arith.addi %broadcast_in_dim3A_192, %add3A_197 : vector<16xi32>
        %select_n3A_199 = arith.select %lt3A_195, %add3A_198, %broadcast_in_dim3A_192 : vector<16xi1>, vector<16xi32>
        %broadcast_in_dim3A_200 = vector.shape_cast %select_n3A_199 : vector<16xi32> to vector<16x1xi32>
        %gather3A_201 = vector.shape_cast %broadcast_in_dim3A_200 : vector<16x1xi32> to vector<16xi32>
        %gather3A_202 = tpu.dynamic_gather %get3A_177[%gather3A_201] in [0] : vector<16xf32>, vector<16xi32> -> vector<16xf32>
        %get3A_203 = arith.index_cast %scan3A_173 : i32 to index
        %get3A_204 = arith.constant 0 : index
        %get3A_205 = tpu.vector_load %arg10[%get3A_203, %get3A_204] {strides = array<i32>} : memref<128x128xf32, #tpu.memory_space<vmem>>, vector<1x16xf32>,
        %get3A_206 = vector.shape_cast %get3A_205 : vector<1x16xf32> to vector<16xf32>
        %mul3A_207 = arith.mulf %get3A_206, %gather3A_187 : vector<16xf32>
        %swap3A_208 = arith.index_cast %scan3A_173 : i32 to index
        %swap3A_209 = arith.constant 0 : index
        %swap3A_210 = tpu.vector_load %arg10[%swap3A_208, %swap3A_209] {strides = array<i32>} : memref<128x128xf32, #tpu.memory_space<vmem>>, vector<1x16xf32>,
        %swap3A_211 = vector.shape_cast %swap3A_210 : vector<1x16xf32> to vector<16xf32>
        %swap3A_212 = vector.shape_cast %mul3A_207 : vector<16xf32> to vector<1x16xf32>
        tpu.vector_store %arg10[%swap3A_208, %swap3A_209], %swap3A_212 {strides = array<i32>} : memref<128x128xf32, #tpu.memory_space<vmem>>, vector<1x16xf32>,
        %get3A_213 = arith.index_cast %scan3A_173 : i32 to index
        %get3A_214 = arith.constant 16 : index
        %get3A_215 = tpu.vector_load %arg10[%get3A_213, %get3A_214] {strides = array<i32>} : memref<128x128xf32, #tpu.memory_space<vmem>>, vector<1x16xf32>,
        %get3A_216 = vector.shape_cast %get3A_215 : vector<1x16xf32> to vector<16xf32>
        %mul3A_217 = arith.mulf %get3A_216, %gather3A_187 : vector<16xf32>
        %swap3A_218 = arith.index_cast %scan3A_173 : i32 to index
        %swap3A_219 = arith.constant 16 : index
        %swap3A_220 = tpu.vector_load %arg10[%swap3A_218, %swap3A_219] {strides = array<i32>} : memref<128x128xf32, #tpu.memory_space<vmem>>, vector<1x16xf32>,
        %swap3A_221 = vector.shape_cast %swap3A_220 : vector<1x16xf32> to vector<16xf32>
        %swap3A_222 = vector.shape_cast %mul3A_217 : vector<16xf32> to vector<1x16xf32>
        tpu.vector_store %arg10[%swap3A_218, %swap3A_219], %swap3A_222 {strides = array<i32>} : memref<128x128xf32, #tpu.memory_space<vmem>>, vector<1x16xf32>,
        %get3A_223 = arith.index_cast %scan3A_173 : i32 to index
        %get3A_224 = arith.constant 32 : index
        %get3A_225 = tpu.vector_load %arg10[%get3A_223, %get3A_224] {strides = array<i32>} : memref<128x128xf32, #tpu.memory_space<vmem>>, vector<1x16xf32>,
        %get3A_226 = vector.shape_cast %get3A_225 : vector<1x16xf32> to vector<16xf32>
        %mul3A_227 = arith.mulf %get3A_226, %gather3A_187 : vector<16xf32>
        %swap3A_228 = arith.index_cast %scan3A_173 : i32 to index
        %swap3A_229 = arith.constant 32 : index
        %swap3A_230 = tpu.vector_load %arg10[%swap3A_228, %swap3A_229] {strides = array<i32>} : memref<128x128xf32, #tpu.memory_space<vmem>>, vector<1x16xf32>,
        %swap3A_231 = vector.shape_cast %swap3A_230 : vector<1x16xf32> to vector<16xf32>
        %swap3A_232 = vector.shape_cast %mul3A_227 : vector<16xf32> to vector<1x16xf32>
        tpu.vector_store %arg10[%swap3A_228, %swap3A_229], %swap3A_232 {strides = array<i32>} : memref<128x128xf32, #tpu.memory_space<vmem>>, vector<1x16xf32>,
        %get3A_233 = arith.index_cast %scan3A_173 : i32 to index
        %get3A_234 = arith.constant 48 : index
        %get3A_235 = tpu.vector_load %arg10[%get3A_233, %get3A_234] {strides = array<i32>} : memref<128x128xf32, #tpu.memory_space<vmem>>, vector<1x16xf32>,
        %get3A_236 = vector.shape_cast %get3A_235 : vector<1x16xf32> to vector<16xf32>
        %mul3A_237 = arith.mulf %get3A_236, %gather3A_187 : vector<16xf32>
        %swap3A_238 = arith.index_cast %scan3A_173 : i32 to index
        %swap3A_239 = arith.constant 48 : index
        %swap3A_240 = tpu.vector_load %arg10[%swap3A_238, %swap3A_239] {strides = array<i32>} : memref<128x128xf32, #tpu.memory_space<vmem>>, vector<1x16xf32>,
        %swap3A_241 = vector.shape_cast %swap3A_240 : vector<1x16xf32> to vector<16xf32>
        %swap3A_242 = vector.shape_cast %mul3A_237 : vector<16xf32> to vector<1x16xf32>
        tpu.vector_store %arg10[%swap3A_238, %swap3A_239], %swap3A_242 {strides = array<i32>} : memref<128x128xf32, #tpu.memory_space<vmem>>, vector<1x16xf32>,
        %get3A_243 = arith.index_cast %scan3A_173 : i32 to index
        %get3A_244 = arith.constant 64 : index
        %get3A_245 = tpu.vector_load %arg10[%get3A_243, %get3A_244] {strides = array<i32>} : memref<128x128xf32, #tpu.memory_space<vmem>>, vector<1x16xf32>,
        %get3A_246 = vector.shape_cast %get3A_245 : vector<1x16xf32> to vector<16xf32>
        %mul3A_247 = arith.mulf %get3A_246, %gather3A_202 : vector<16xf32>
        %swap3A_248 = arith.index_cast %scan3A_173 : i32 to index
        %swap3A_249 = arith.constant 64 : index
        %swap3A_250 = tpu.vector_load %arg10[%swap3A_248, %swap3A_249] {strides = array<i32>} : memref<128x128xf32, #tpu.memory_space<vmem>>, vector<1x16xf32>,
        %swap3A_251 = vector.shape_cast %swap3A_250 : vector<1x16xf32> to vector<16xf32>
        %swap3A_252 = vector.shape_cast %mul3A_247 : vector<16xf32> to vector<1x16xf32>
        tpu.vector_store %arg10[%swap3A_248, %swap3A_249], %swap3A_252 {strides = array<i32>} : memref<128x128xf32, #tpu.memory_space<vmem>>, vector<1x16xf32>,
        %get3A_253 = arith.index_cast %scan3A_173 : i32 to index
        %get3A_254 = arith.constant 80 : index
        %get3A_255 = tpu.vector_load %arg10[%get3A_253, %get3A_254] {strides = array<i32>} : memref<128x128xf32, #tpu.memory_space<vmem>>, vector<1x16xf32>,
        %get3A_256 = vector.shape_cast %get3A_255 : vector<1x16xf32> to vector<16xf32>
        %mul3A_257 = arith.mulf %get3A_256, %gather3A_202 : vector<16xf32>
        %swap3A_258 = arith.index_cast %scan3A_173 : i32 to index
        %swap3A_259 = arith.constant 80 : index
        %swap3A_260 = tpu.vector_load %arg10[%swap3A_258, %swap3A_259] {strides = array<i32>} : memref<128x128xf32, #tpu.memory_space<vmem>>, vector<1x16xf32>,
        %swap3A_261 = vector.shape_cast %swap3A_260 : vector<1x16xf32> to vector<16xf32>
        %swap3A_262 = vector.shape_cast %mul3A_257 : vector<16xf32> to vector<1x16xf32>
        tpu.vector_store %arg10[%swap3A_258, %swap3A_259], %swap3A_262 {strides = array<i32>} : memref<128x128xf32, #tpu.memory_space<vmem>>, vector<1x16xf32>,
        %get3A_263 = arith.index_cast %scan3A_173 : i32 to index
        %get3A_264 = arith.constant 96 : index
        %get3A_265 = tpu.vector_load %arg10[%get3A_263, %get3A_264] {strides = array<i32>} : memref<128x128xf32, #tpu.memory_space<vmem>>, vector<1x16xf32>,
        %get3A_266 = vector.shape_cast %get3A_265 : vector<1x16xf32> to vector<16xf32>
        %mul3A_267 = arith.mulf %get3A_266, %gather3A_202 : vector<16xf32>
        %swap3A_268 = arith.index_cast %scan3A_173 : i32 to index
        %swap3A_269 = arith.constant 96 : index
        %swap3A_270 = tpu.vector_load %arg10[%swap3A_268, %swap3A_269] {strides = array<i32>} : memref<128x128xf32, #tpu.memory_space<vmem>>, vector<1x16xf32>,
        %swap3A_271 = vector.shape_cast %swap3A_270 : vector<1x16xf32> to vector<16xf32>
        %swap3A_272 = vector.shape_cast %mul3A_267 : vector<16xf32> to vector<1x16xf32>
        tpu.vector_store %arg10[%swap3A_268, %swap3A_269], %swap3A_272 {strides = array<i32>} : memref<128x128xf32, #tpu.memory_space<vmem>>, vector<1x16xf32>,
        %get3A_273 = arith.index_cast %scan3A_173 : i32 to index
        %get3A_274 = arith.constant 112 : index
        %get3A_275 = tpu.vector_load %arg10[%get3A_273, %get3A_274] {strides = array<i32>} : memref<128x128xf32, #tpu.memory_space<vmem>>, vector<1x16xf32>,
        %get3A_276 = vector.shape_cast %get3A_275 : vector<1x16xf32> to vector<16xf32>
        %mul3A_277 = arith.mulf %get3A_276, %gather3A_202 : vector<16xf32>
        %swap3A_278 = arith.index_cast %scan3A_173 : i32 to index
        %swap3A_279 = arith.constant 112 : index
        %swap3A_280 = tpu.vector_load %arg10[%swap3A_278, %swap3A_279] {strides = array<i32>} : memref<128x128xf32, #tpu.memory_space<vmem>>, vector<1x16xf32>,
        %swap3A_281 = vector.shape_cast %swap3A_280 : vector<1x16xf32> to vector<16xf32>
        %swap3A_282 = vector.shape_cast %mul3A_277 : vector<16xf32> to vector<1x16xf32>
        tpu.vector_store %arg10[%swap3A_278, %swap3A_279], %swap3A_282 {strides = array<i32>} : memref<128x128xf32, #tpu.memory_space<vmem>>, vector<1x16xf32>,
      }
      %scan3A_172 = arith.constant 128 : i32
      "tpu.region"() ({
        %run_scoped3A = tpu.sem_alloc : memref<!tpu.dma_semaphore, #tpu.memory_space<semaphore_mem>>
        %dma_start3A_173 = arith.constant 0 : i32
        %dma_start3A_174 = arith.constant 0 : i32
        %dma_start3A_175 = tpu.memref_slice %arg12[%dma_start3A_173, %dma_start3A_174] : memref<10240x128xf32, #tpu.memory_space<vmem_shared>> -> memref<10240x128xf32, #tpu.memory_space<vmem_shared>>
        tpu.enqueue_indirect_dma source(%arg10 : memref<128x128xf32, #tpu.memory_space<vmem>>) target(%dma_start3A_175 : memref<10240x128xf32, #tpu.memory_space<vmem_shared>>) offsets(%arg8 : memref<128xi32, #tpu.memory_space<vmem>>) semaphore(%run_scoped3A : memref<!tpu.dma_semaphore, #tpu.memory_space<semaphore_mem>>) {add = true}
        %dma_wait3A_176 = arith.constant 0 : i32
        %dma_wait3A_177 = arith.constant 0 : i32
        %dma_wait3A_178 = tpu.memref_slice %arg12[%dma_wait3A_176, %dma_wait3A_177] : memref<10240x128xf32, #tpu.memory_space<vmem_shared>> -> memref<10240x128xf32, #tpu.memory_space<vmem_shared>>
        tpu.wait_indirect_dma semaphore(%run_scoped3A : memref<!tpu.dma_semaphore, #tpu.memory_space<semaphore_mem>>) src(%arg10 : memref<128x128xf32, #tpu.memory_space<vmem>>) dst(%dma_wait3A_178 : memref<10240x128xf32, #tpu.memory_space<vmem_shared>>)
        tpu.yield
      }) : () -> ()
    }
    %barrier3A_64 = arith.constant 0 : index
    tpu.barrier barrier_id(%barrier3A_64)
    %mul3A_65 = arith.constant 640 : i32
    %mul3A_66 = arith.muli %arg1, %mul3A_65 : i32
    %mul3A_67 = arith.constant 10240 : i32
    %mul3A_68 = arith.muli %arg0, %mul3A_67 : i32
    %mul3A_69 = arith.constant 640 : i32
    %mul3A_70 = arith.muli %arg1, %mul3A_69 : i32
    %add3A_71 = arith.addi %mul3A_68, %mul3A_70 : i32
    "tpu.region"() ({
      %run_scoped3A = tpu.sem_alloc : memref<!tpu.dma_semaphore, #tpu.memory_space<semaphore_mem>>
      %dma_start3A = arith.constant 0 : i32
      %dma_start3A_72 = tpu.memref_slice %arg6[%add3A_71, %dma_start3A] : memref<20480x128xf32, #tpu.memory_space<hbm>> -> memref<640x128xf32, #tpu.memory_space<hbm>>
      %dma_start3A_73 = arith.constant 0 : i32
      %dma_start3A_74 = tpu.memref_slice %arg12[%mul3A_66, %dma_start3A_73] : memref<10240x128xf32, #tpu.memory_space<vmem_shared>> -> memref<640x128xf32, #tpu.memory_space<vmem_shared>>
      tpu.enqueue_dma source(%dma_start3A_74 : memref<640x128xf32, #tpu.memory_space<vmem_shared>>) target(%dma_start3A_72 : memref<640x128xf32, #tpu.memory_space<hbm>>) target_semaphore(%run_scoped3A : memref<!tpu.dma_semaphore, #tpu.memory_space<semaphore_mem>>)
      %dma_wait3A = arith.constant 0 : i32
      %dma_wait3A_75 = tpu.memref_slice %arg6[%add3A_71, %dma_wait3A] : memref<20480x128xf32, #tpu.memory_space<hbm>> -> memref<640x128xf32, #tpu.memory_space<hbm>>
      %dma_wait3A_76 = arith.constant 0 : i32
      %dma_wait3A_77 = tpu.memref_slice %arg12[%mul3A_66, %dma_wait3A_76] : memref<10240x128xf32, #tpu.memory_space<vmem_shared>> -> memref<640x128xf32, #tpu.memory_space<vmem_shared>>
      tpu.wait_dma2 semaphore(%run_scoped3A : memref<!tpu.dma_semaphore, #tpu.memory_space<semaphore_mem>>) src(%dma_wait3A_77 : memref<640x128xf32, #tpu.memory_space<vmem_shared>>) dst(%dma_wait3A_75 : memref<640x128xf32, #tpu.memory_space<hbm>>)
      tpu.yield
    }) : () -> ()
    return
  }
}

module attributes {stable_mosaic.version = 14 : i64} {
  func.func @_proj_body(%arg0: i32, %arg1: memref<1024x256xf32, #tpu.memory_space<vmem>>, %arg2: memref<256x640xf32, #tpu.memory_space<vmem>>, %arg3: memref<1024x640xf32, #tpu.memory_space<vmem>>) attributes {dimension_semantics = [#tpu.dimension_semantics<arbitrary>], iteration_bounds = array<i64: 10>, scalar_prefetch = 0 : i64, scratch_operands = 0 : i64, tpu.core_type = #tpu.core_type<tc>, window_params = [{transform_indices = @transform_0, window_bounds = array<i64: 1024, 256>}, {pipeline_mode = #tpu.pipeline_mode<synchronous>, transform_indices = @transform_1, window_bounds = array<i64: 256, 640>}, {transform_indices = @transform_2, window_bounds = array<i64: 1024, 640>}]} {
    %get3A = arith.constant 0 : index
    %get3A_0 = arith.constant 0 : index
    %get3A_1 = vector.load %arg1[%get3A, %get3A_0] : memref<1024x256xf32, #tpu.memory_space<vmem>>, vector<1024x256xf32>
    %get3A_2 = arith.constant 0 : index
    %get3A_3 = arith.constant 0 : index
    %get3A_4 = vector.load %arg2[%get3A_2, %get3A_3] : memref<256x640xf32, #tpu.memory_space<vmem>>, vector<256x640xf32>
    %dot_general3A = arith.constant dense<0.000000e+00> : vector<1024x640xf32>
    %dot_general3A_5 = tpu.matmul %get3A_1, %get3A_4, %dot_general3A {dimension_numbers = #tpu.dot_dimension_numbers<[1], [0], [0], [1], [0, 0, 1, 1], [], []>, transpose_lhs_hint = false} : vector<1024x256xf32>, vector<256x640xf32>, vector<1024x640xf32> -> vector<1024x640xf32>
    %swap3A = arith.constant 0 : index
    %swap3A_6 = arith.constant 0 : index
    %swap3A_7 = vector.load %arg3[%swap3A, %swap3A_6] : memref<1024x640xf32, #tpu.memory_space<vmem>>, vector<1024x640xf32>
    tpu.vector_store %arg3[%swap3A, %swap3A_6], %dot_general3A_5 {strides = array<i32>} : memref<1024x640xf32, #tpu.memory_space<vmem>>, vector<1024x640xf32>,
    return
  }
  func.func @transform_0(%arg0: i32) -> (i32, i32) {
    %c0_i32 = arith.constant 0 : i32
    %c0_i32_0 = arith.constant 0 : i32
    return %arg0, %c0_i32 : i32, i32
  }
  func.func @transform_1(%arg0: i32) -> (i32, i32) {
    %c0_i32 = arith.constant 0 : i32
    %c0_i32_0 = arith.constant 0 : i32
    %c0_i32_1 = arith.constant 0 : i32
    return %c0_i32, %c0_i32_0 : i32, i32
  }
  func.func @transform_2(%arg0: i32) -> (i32, i32) {
    %c0_i32 = arith.constant 0 : i32
    %c0_i32_0 = arith.constant 0 : i32
    return %arg0, %c0_i32 : i32, i32
  }
}

module attributes {stable_mosaic.version = 14 : i64} {
  func.func @_proj_body(%arg0: i32, %arg1: memref<8000x16xf32, #tpu.memory_space<vmem>>, %arg2: memref<16x16xf32, #tpu.memory_space<vmem>>, %arg3: memref<8000x16xf32, #tpu.memory_space<vmem>>) attributes {dimension_semantics = [#tpu.dimension_semantics<arbitrary>], iteration_bounds = array<i64: 20>, scalar_prefetch = 0 : i64, scratch_operands = 0 : i64, tpu.core_type = #tpu.core_type<tc>, window_params = [{transform_indices = @transform_0, window_bounds = array<i64: 8000, 16>}, {pipeline_mode = #tpu.pipeline_mode<synchronous>, transform_indices = @transform_1, window_bounds = array<i64: 16, 16>}, {transform_indices = @transform_2, window_bounds = array<i64: 8000, 16>}]} {
    %get3A = arith.constant 0 : index
    %get3A_0 = arith.constant 0 : index
    %get3A_1 = vector.load %arg1[%get3A, %get3A_0] : memref<8000x16xf32, #tpu.memory_space<vmem>>, vector<8000x16xf32>
    %get3A_2 = arith.constant 0 : index
    %get3A_3 = arith.constant 0 : index
    %get3A_4 = vector.load %arg2[%get3A_2, %get3A_3] : memref<16x16xf32, #tpu.memory_space<vmem>>, vector<16x16xf32>
    %dot_general3A = arith.constant dense<0.000000e+00> : vector<8000x16xf32>
    %dot_general3A_5 = tpu.matmul %get3A_1, %get3A_4, %dot_general3A {dimension_numbers = #tpu.dot_dimension_numbers<[1], [0], [0], [1], [0, 0, 1, 1], [], []>, transpose_lhs_hint = false} : vector<8000x16xf32>, vector<16x16xf32>, vector<8000x16xf32> -> vector<8000x16xf32>
    %swap3A = arith.constant 0 : index
    %swap3A_6 = arith.constant 0 : index
    %swap3A_7 = vector.load %arg3[%swap3A, %swap3A_6] : memref<8000x16xf32, #tpu.memory_space<vmem>>, vector<8000x16xf32>
    tpu.vector_store %arg3[%swap3A, %swap3A_6], %dot_general3A_5 {strides = array<i32>} : memref<8000x16xf32, #tpu.memory_space<vmem>>, vector<8000x16xf32>,
    return
  }
  func.func @transform_0(%arg0: i32) -> (i32, i32) {
    %c0_i32 = arith.constant 0 : i32
    %c0_i32_0 = arith.constant 0 : i32
    return %arg0, %c0_i32 : i32, i32
  }
  func.func @transform_1(%arg0: i32) -> (i32, i32) {
    %c0_i32 = arith.constant 0 : i32
    %c0_i32_0 = arith.constant 0 : i32
    %c0_i32_1 = arith.constant 0 : i32
    return %c0_i32, %c0_i32_0 : i32, i32
  }
  func.func @transform_2(%arg0: i32) -> (i32, i32) {
    %c0_i32 = arith.constant 0 : i32
    %c0_i32_0 = arith.constant 0 : i32
    return %arg0, %c0_i32 : i32, i32
  }
}

module attributes {stable_mosaic.version = 14 : i64} {
  func.func @_combine_body(%arg0: i32, %arg1: memref<1024x640xf32, #tpu.memory_space<vmem>>, %arg2: memref<1x256xf32, #tpu.memory_space<vmem>>, %arg3: memref<1024x128xf32, #tpu.memory_space<vmem>>, %arg4: memref<1024x128xf32, #tpu.memory_space<vmem>>, %arg5: memref<1024x128xf32, #tpu.memory_space<vmem>>, %arg6: memref<1024x128xf32, #tpu.memory_space<vmem>>, %arg7: memref<1024x128xf32, #tpu.memory_space<vmem>>, %arg8: memref<1024x128xf32, #tpu.memory_space<vmem>>, %arg9: memref<4x256xf32, #tpu.memory_space<vmem>>, %arg10: memref<4x256xf32, #tpu.memory_space<vmem>>, %arg11: memref<4x256xf32, #tpu.memory_space<vmem>>, %arg12: memref<1x256xf32, #tpu.memory_space<vmem>>, %arg13: memref<1x256xf32, #tpu.memory_space<vmem>>, %arg14: memref<1024x256xf32, #tpu.memory_space<vmem>>) attributes {dimension_semantics = [#tpu.dimension_semantics<arbitrary>], iteration_bounds = array<i64: 10>, scalar_prefetch = 0 : i64, scratch_operands = 0 : i64, tpu.core_type = #tpu.core_type<tc>, window_params = [{transform_indices = @transform_0, window_bounds = array<i64: 1024, 640>}, {pipeline_mode = #tpu.pipeline_mode<synchronous>, transform_indices = @transform_1, window_bounds = array<i64: 1, 256>}, {transform_indices = @transform_2, window_bounds = array<i64: 1024, 128>}, {transform_indices = @transform_3, window_bounds = array<i64: 1024, 128>}, {transform_indices = @transform_4, window_bounds = array<i64: 1024, 128>}, {transform_indices = @transform_5, window_bounds = array<i64: 1024, 128>}, {transform_indices = @transform_6, window_bounds = array<i64: 1024, 128>}, {transform_indices = @transform_7, window_bounds = array<i64: 1024, 128>}, {pipeline_mode = #tpu.pipeline_mode<synchronous>, transform_indices = @transform_8, window_bounds = array<i64: 4, 256>}, {pipeline_mode = #tpu.pipeline_mode<synchronous>, transform_indices = @transform_9, window_bounds = array<i64: 4, 256>}, {pipeline_mode = #tpu.pipeline_mode<synchronous>, transform_indices = @transform_10, window_bounds = array<i64: 4, 256>}, {pipeline_mode = #tpu.pipeline_mode<synchronous>, transform_indices = @transform_11, window_bounds = array<i64: 1, 256>}, {pipeline_mode = #tpu.pipeline_mode<synchronous>, transform_indices = @transform_12, window_bounds = array<i64: 1, 256>}, {transform_indices = @transform_13, window_bounds = array<i64: 1024, 256>}]} {
    %iota3A = tpu.iota {dimensions = array<i32: 0>} : vector<256x4xi32>
    %jit3A = arith.constant 64 : i32
    %div3A = vector.broadcast %jit3A : i32 to vector<256x4xi32>
    %div3A_0 = arith.divsi %iota3A, %div3A : vector<256x4xi32>
    %sign3A = arith.constant 0 : i32
    %sign3A_1 = vector.broadcast %sign3A : i32 to vector<256x4xi32>
    %sign3A_2 = arith.cmpi sgt, %iota3A, %sign3A_1 : vector<256x4xi32>
    %sign3A_3 = arith.extui %sign3A_2 : vector<256x4xi1> to vector<256x4xi32>
    %sign3A_4 = arith.constant 0 : i32
    %sign3A_5 = vector.broadcast %sign3A_4 : i32 to vector<256x4xi32>
    %sign3A_6 = arith.cmpi slt, %iota3A, %sign3A_5 : vector<256x4xi32>
    %sign3A_7 = arith.extui %sign3A_6 : vector<256x4xi1> to vector<256x4xi32>
    %sign3A_8 = arith.subi %sign3A_3, %sign3A_7 : vector<256x4xi32>
    %sign3A_9 = arith.constant 0 : i32
    %sign3A_10 = arith.cmpi sgt, %jit3A, %sign3A_9 : i32
    %sign3A_11 = arith.extui %sign3A_10 : i1 to i32
    %sign3A_12 = arith.constant 0 : i32
    %sign3A_13 = arith.cmpi slt, %jit3A, %sign3A_12 : i32
    %sign3A_14 = arith.extui %sign3A_13 : i1 to i32
    %sign3A_15 = arith.subi %sign3A_11, %sign3A_14 : i32
    %ne3A = vector.broadcast %sign3A_15 : i32 to vector<256x4xi32>
    %ne3A_16 = arith.cmpi ne, %sign3A_8, %ne3A : vector<256x4xi32>
    %rem3A = vector.broadcast %jit3A : i32 to vector<256x4xi32>
    %rem3A_17 = arith.remsi %iota3A, %rem3A : vector<256x4xi32>
    %ne3A_18 = arith.constant 0 : i32
    %ne3A_19 = vector.broadcast %ne3A_18 : i32 to vector<256x4xi32>
    %ne3A_20 = arith.cmpi ne, %rem3A_17, %ne3A_19 : vector<256x4xi32>
    %and3A = arith.andi %ne3A_16, %ne3A_20 : vector<256x4xi1>
    %sub3A = arith.constant 1 : i32
    %sub3A_21 = vector.broadcast %sub3A : i32 to vector<256x4xi32>
    %sub3A_22 = arith.subi %div3A_0, %sub3A_21 : vector<256x4xi32>
    %select_n3A = arith.select %and3A, %sub3A_22, %div3A_0 : vector<256x4xi1>, vector<256x4xi32>
    %iota3A_23 = tpu.iota {dimensions = array<i32: 1>} : vector<256x4xi32>
    %eq3A = arith.cmpi eq, %select_n3A, %iota3A_23 : vector<256x4xi32>
    %jit3A_24 = arith.constant 1.000000e+00 : f32
    %jit3A_25 = arith.constant 0.000000e+00 : f32
    %broadcast_in_dim3A = vector.broadcast %jit3A_24 : f32 to vector<256x4xf32>
    %broadcast_in_dim3A_26 = vector.broadcast %jit3A_25 : f32 to vector<256x4xf32>
    %select_n3A_27 = arith.select %eq3A, %broadcast_in_dim3A, %broadcast_in_dim3A_26 : vector<256x4xi1>, vector<256x4xf32>
    %mul3A = arith.constant 1.562500e-02 : f32
    %mul3A_28 = vector.broadcast %mul3A : f32 to vector<256x4xf32>
    %mul3A_29 = arith.mulf %select_n3A_27, %mul3A_28 : vector<256x4xf32>
    %transpose3A = tpu.transpose %select_n3A_27, [1, 0] : vector<256x4xf32> -> vector<4x256xf32>
    %get3A = arith.constant 0 : index
    %get3A_30 = arith.constant 0 : index
    %get3A_31 = vector.load %arg1[%get3A, %get3A_30] : memref<1024x640xf32, #tpu.memory_space<vmem>>, vector<1024x256xf32>
    %dot_general3A = arith.constant dense<0.000000e+00> : vector<1024x4xf32>
    %dot_general3A_32 = tpu.matmul %get3A_31, %mul3A_29, %dot_general3A {dimension_numbers = #tpu.dot_dimension_numbers<[1], [0], [0], [1], [0, 0, 1, 1], [], []>, precision = #tpu.contract_precision<fp32>, transpose_lhs_hint = false} : vector<1024x256xf32>, vector<256x4xf32>, vector<1024x4xf32> -> vector<1024x4xf32>
    %dot_general3A_33 = arith.constant dense<0.000000e+00> : vector<1024x256xf32>
    %dot_general3A_34 = tpu.matmul %dot_general3A_32, %transpose3A, %dot_general3A_33 {dimension_numbers = #tpu.dot_dimension_numbers<[1], [0], [0], [1], [0, 0, 1, 1], [], []>, precision = #tpu.contract_precision<fp32>, transpose_lhs_hint = false} : vector<1024x4xf32>, vector<4x256xf32>, vector<1024x256xf32> -> vector<1024x256xf32>
    %sub3A_35 = arith.subf %get3A_31, %dot_general3A_34 : vector<1024x256xf32>
    %mul3A_36 = arith.mulf %sub3A_35, %sub3A_35 : vector<1024x256xf32>
    %dot_general3A_37 = arith.constant dense<0.000000e+00> : vector<1024x4xf32>
    %dot_general3A_38 = tpu.matmul %mul3A_36, %mul3A_29, %dot_general3A_37 {dimension_numbers = #tpu.dot_dimension_numbers<[1], [0], [0], [1], [0, 0, 1, 1], [], []>, precision = #tpu.contract_precision<fp32>, transpose_lhs_hint = false} : vector<1024x256xf32>, vector<256x4xf32>, vector<1024x4xf32> -> vector<1024x4xf32>
    %add3A = arith.constant 9.99999971E-10 : f32
    %add3A_39 = vector.broadcast %add3A : f32 to vector<1024x4xf32>
    %add3A_40 = arith.addf %dot_general3A_38, %add3A_39 : vector<1024x4xf32>
    %rsqrt3A = math.rsqrt %add3A_40 : vector<1024x4xf32>
    %dot_general3A_41 = arith.constant dense<0.000000e+00> : vector<1024x256xf32>
    %dot_general3A_42 = tpu.matmul %rsqrt3A, %transpose3A, %dot_general3A_41 {dimension_numbers = #tpu.dot_dimension_numbers<[1], [0], [0], [1], [0, 0, 1, 1], [], []>, precision = #tpu.contract_precision<fp32>, transpose_lhs_hint = false} : vector<1024x4xf32>, vector<4x256xf32>, vector<1024x256xf32> -> vector<1024x256xf32>
    %mul3A_43 = arith.mulf %sub3A_35, %dot_general3A_42 : vector<1024x256xf32>
    %get3A_44 = arith.constant 0 : index
    %get3A_45 = arith.constant 0 : index
    %get3A_46 = vector.load %arg9[%get3A_44, %get3A_45] : memref<4x256xf32, #tpu.memory_space<vmem>>, vector<1x256xf32>
    %get3A_47 = vector.shape_cast %get3A_46 : vector<1x256xf32> to vector<256xf32>
    %broadcast_in_dim3A_48 = vector.shape_cast %get3A_47 : vector<256xf32> to vector<1x256xf32>
    %mul3A_49 = vector.broadcast %broadcast_in_dim3A_48 : vector<1x256xf32> to vector<1024x256xf32>
    %mul3A_50 = arith.mulf %mul3A_43, %mul3A_49 : vector<1024x256xf32>
    %get3A_51 = arith.constant 0 : index
    %get3A_52 = arith.constant 0 : index
    %get3A_53 = vector.load %arg10[%get3A_51, %get3A_52] : memref<4x256xf32, #tpu.memory_space<vmem>>, vector<1x256xf32>
    %get3A_54 = vector.shape_cast %get3A_53 : vector<1x256xf32> to vector<256xf32>
    %broadcast_in_dim3A_55 = vector.shape_cast %get3A_54 : vector<256xf32> to vector<1x256xf32>
    %add3A_56 = vector.broadcast %broadcast_in_dim3A_55 : vector<1x256xf32> to vector<1024x256xf32>
    %add3A_57 = arith.addf %mul3A_50, %add3A_56 : vector<1024x256xf32>
    %get3A_58 = arith.constant 0 : index
    %get3A_59 = arith.constant 0 : index
    %get3A_60 = vector.load %arg11[%get3A_58, %get3A_59] : memref<4x256xf32, #tpu.memory_space<vmem>>, vector<1x256xf32>
    %get3A_61 = vector.shape_cast %get3A_60 : vector<1x256xf32> to vector<256xf32>
    %broadcast_in_dim3A_62 = vector.shape_cast %get3A_61 : vector<256xf32> to vector<1x256xf32>
    %add3A_63 = vector.broadcast %broadcast_in_dim3A_62 : vector<1x256xf32> to vector<1024x256xf32>
    %add3A_64 = arith.addf %add3A_57, %add3A_63 : vector<1024x256xf32>
    %get3A_65 = arith.constant 0 : index
    %get3A_66 = arith.constant 0 : index
    %get3A_67 = vector.load %arg12[%get3A_65, %get3A_66] : memref<1x256xf32, #tpu.memory_space<vmem>>, vector<1x256xf32>
    %get3A_68 = vector.shape_cast %get3A_67 : vector<1x256xf32> to vector<256xf32>
    %broadcast_in_dim3A_69 = vector.shape_cast %get3A_68 : vector<256xf32> to vector<1x256xf32>
    %get3A_70 = arith.constant 0 : index
    %get3A_71 = arith.constant 0 : index
    %get3A_72 = vector.load %arg13[%get3A_70, %get3A_71] : memref<1x256xf32, #tpu.memory_space<vmem>>, vector<1x256xf32>
    %get3A_73 = vector.shape_cast %get3A_72 : vector<1x256xf32> to vector<256xf32>
    %broadcast_in_dim3A_74 = vector.shape_cast %get3A_73 : vector<256xf32> to vector<1x256xf32>
    %mul3A_75 = vector.broadcast %broadcast_in_dim3A_69 : vector<1x256xf32> to vector<1024x256xf32>
    %mul3A_76 = arith.mulf %add3A_64, %mul3A_75 : vector<1024x256xf32>
    %dot_general3A_77 = arith.constant dense<0.000000e+00> : vector<1024x4xf32>
    %dot_general3A_78 = tpu.matmul %mul3A_76, %select_n3A_27, %dot_general3A_77 {dimension_numbers = #tpu.dot_dimension_numbers<[1], [0], [0], [1], [0, 0, 1, 1], [], []>, precision = #tpu.contract_precision<fp32>, transpose_lhs_hint = false} : vector<1024x256xf32>, vector<256x4xf32>, vector<1024x4xf32> -> vector<1024x4xf32>
    %get3A_79 = arith.constant 0 : index
    %get3A_80 = arith.constant 0 : index
    %get3A_81 = vector.load %arg3[%get3A_79, %get3A_80] : memref<1024x128xf32, #tpu.memory_space<vmem>>, vector<1024x128xf32>
    %get3A_82 = arith.constant 0 : index
    %get3A_83 = arith.constant 0 : index
    %get3A_84 = vector.load %arg4[%get3A_82, %get3A_83] : memref<1024x128xf32, #tpu.memory_space<vmem>>, vector<1024x128xf32>
    %concatenate3A = tpu.concatenate %get3A_81, %get3A_84 in 1 : vector<1024x128xf32>, vector<1024x128xf32> -> vector<1024x256xf32>
    %dot_general3A_85 = arith.constant dense<0.000000e+00> : vector<1024x4xf32>
    %dot_general3A_86 = tpu.matmul %concatenate3A, %mul3A_29, %dot_general3A_85 {dimension_numbers = #tpu.dot_dimension_numbers<[1], [0], [0], [1], [0, 0, 1, 1], [], []>, precision = #tpu.contract_precision<fp32>, transpose_lhs_hint = false} : vector<1024x256xf32>, vector<256x4xf32>, vector<1024x4xf32> -> vector<1024x4xf32>
    %dot_general3A_87 = arith.constant dense<0.000000e+00> : vector<1024x256xf32>
    %dot_general3A_88 = tpu.matmul %dot_general3A_86, %transpose3A, %dot_general3A_87 {dimension_numbers = #tpu.dot_dimension_numbers<[1], [0], [0], [1], [0, 0, 1, 1], [], []>, precision = #tpu.contract_precision<fp32>, transpose_lhs_hint = false} : vector<1024x4xf32>, vector<4x256xf32>, vector<1024x256xf32> -> vector<1024x256xf32>
    %sub3A_89 = arith.subf %concatenate3A, %dot_general3A_88 : vector<1024x256xf32>
    %mul3A_90 = arith.mulf %sub3A_89, %sub3A_89 : vector<1024x256xf32>
    %dot_general3A_91 = arith.constant dense<0.000000e+00> : vector<1024x4xf32>
    %dot_general3A_92 = tpu.matmul %mul3A_90, %mul3A_29, %dot_general3A_91 {dimension_numbers = #tpu.dot_dimension_numbers<[1], [0], [0], [1], [0, 0, 1, 1], [], []>, precision = #tpu.contract_precision<fp32>, transpose_lhs_hint = false} : vector<1024x256xf32>, vector<256x4xf32>, vector<1024x4xf32> -> vector<1024x4xf32>
    %add3A_93 = arith.constant 9.99999971E-10 : f32
    %add3A_94 = vector.broadcast %add3A_93 : f32 to vector<1024x4xf32>
    %add3A_95 = arith.addf %dot_general3A_92, %add3A_94 : vector<1024x4xf32>
    %rsqrt3A_96 = math.rsqrt %add3A_95 : vector<1024x4xf32>
    %dot_general3A_97 = arith.constant dense<0.000000e+00> : vector<1024x256xf32>
    %dot_general3A_98 = tpu.matmul %rsqrt3A_96, %transpose3A, %dot_general3A_97 {dimension_numbers = #tpu.dot_dimension_numbers<[1], [0], [0], [1], [0, 0, 1, 1], [], []>, precision = #tpu.contract_precision<fp32>, transpose_lhs_hint = false} : vector<1024x4xf32>, vector<4x256xf32>, vector<1024x256xf32> -> vector<1024x256xf32>
    %mul3A_99 = arith.mulf %sub3A_89, %dot_general3A_98 : vector<1024x256xf32>
    %get3A_100 = arith.constant 1 : index
    %get3A_101 = arith.constant 0 : index
    %get3A_102 = vector.load %arg9[%get3A_100, %get3A_101] : memref<4x256xf32, #tpu.memory_space<vmem>>, vector<1x256xf32>
    %get3A_103 = vector.shape_cast %get3A_102 : vector<1x256xf32> to vector<256xf32>
    %broadcast_in_dim3A_104 = vector.shape_cast %get3A_103 : vector<256xf32> to vector<1x256xf32>
    %mul3A_105 = vector.broadcast %broadcast_in_dim3A_104 : vector<1x256xf32> to vector<1024x256xf32>
    %mul3A_106 = arith.mulf %mul3A_99, %mul3A_105 : vector<1024x256xf32>
    %get3A_107 = arith.constant 1 : index
    %get3A_108 = arith.constant 0 : index
    %get3A_109 = vector.load %arg10[%get3A_107, %get3A_108] : memref<4x256xf32, #tpu.memory_space<vmem>>, vector<1x256xf32>
    %get3A_110 = vector.shape_cast %get3A_109 : vector<1x256xf32> to vector<256xf32>
    %broadcast_in_dim3A_111 = vector.shape_cast %get3A_110 : vector<256xf32> to vector<1x256xf32>
    %add3A_112 = vector.broadcast %broadcast_in_dim3A_111 : vector<1x256xf32> to vector<1024x256xf32>
    %add3A_113 = arith.addf %mul3A_106, %add3A_112 : vector<1024x256xf32>
    %get3A_114 = arith.constant 1 : index
    %get3A_115 = arith.constant 0 : index
    %get3A_116 = vector.load %arg11[%get3A_114, %get3A_115] : memref<4x256xf32, #tpu.memory_space<vmem>>, vector<1x256xf32>
    %get3A_117 = vector.shape_cast %get3A_116 : vector<1x256xf32> to vector<256xf32>
    %broadcast_in_dim3A_118 = vector.shape_cast %get3A_117 : vector<256xf32> to vector<1x256xf32>
    %add3A_119 = vector.broadcast %broadcast_in_dim3A_118 : vector<1x256xf32> to vector<1024x256xf32>
    %add3A_120 = arith.addf %add3A_113, %add3A_119 : vector<1024x256xf32>
    %mul3A_121 = vector.broadcast %broadcast_in_dim3A_74 : vector<1x256xf32> to vector<1024x256xf32>
    %mul3A_122 = arith.mulf %add3A_120, %mul3A_121 : vector<1024x256xf32>
    %dot_general3A_123 = arith.constant dense<0.000000e+00> : vector<1024x4xf32>
    %dot_general3A_124 = tpu.matmul %mul3A_122, %select_n3A_27, %dot_general3A_123 {dimension_numbers = #tpu.dot_dimension_numbers<[1], [0], [0], [1], [0, 0, 1, 1], [], []>, precision = #tpu.contract_precision<fp32>, transpose_lhs_hint = false} : vector<1024x256xf32>, vector<256x4xf32>, vector<1024x4xf32> -> vector<1024x4xf32>
    %add3A_125 = arith.addf %dot_general3A_124, %dot_general3A_78 : vector<1024x4xf32>
    %ge3A = arith.constant 0.000000e+00 : f32
    %ge3A_126 = vector.broadcast %ge3A : f32 to vector<1024x4xf32>
    %ge3A_127 = arith.cmpf oge, %add3A_125, %ge3A_126 : vector<1024x4xf32>
    %mul3A_128 = arith.constant 2.000000e-01 : f32
    %mul3A_129 = vector.broadcast %mul3A_128 : f32 to vector<1024x4xf32>
    %mul3A_130 = arith.mulf %mul3A_129, %add3A_125 : vector<1024x4xf32>
    %select_n3A_131 = arith.select %ge3A_127, %add3A_125, %mul3A_130 : vector<1024x4xi1>, vector<1024x4xf32>
    %exp3A = math.exp %select_n3A_131 : vector<1024x4xf32>
    %get3A_132 = arith.constant 0 : index
    %get3A_133 = arith.constant 0 : index
    %get3A_134 = vector.load %arg5[%get3A_132, %get3A_133] : memref<1024x128xf32, #tpu.memory_space<vmem>>, vector<1024x128xf32>
    %get3A_135 = arith.constant 0 : index
    %get3A_136 = arith.constant 0 : index
    %get3A_137 = vector.load %arg6[%get3A_135, %get3A_136] : memref<1024x128xf32, #tpu.memory_space<vmem>>, vector<1024x128xf32>
    %concatenate3A_138 = tpu.concatenate %get3A_134, %get3A_137 in 1 : vector<1024x128xf32>, vector<1024x128xf32> -> vector<1024x256xf32>
    %dot_general3A_139 = arith.constant dense<0.000000e+00> : vector<1024x4xf32>
    %dot_general3A_140 = tpu.matmul %concatenate3A_138, %mul3A_29, %dot_general3A_139 {dimension_numbers = #tpu.dot_dimension_numbers<[1], [0], [0], [1], [0, 0, 1, 1], [], []>, precision = #tpu.contract_precision<fp32>, transpose_lhs_hint = false} : vector<1024x256xf32>, vector<256x4xf32>, vector<1024x4xf32> -> vector<1024x4xf32>
    %dot_general3A_141 = arith.constant dense<0.000000e+00> : vector<1024x256xf32>
    %dot_general3A_142 = tpu.matmul %dot_general3A_140, %transpose3A, %dot_general3A_141 {dimension_numbers = #tpu.dot_dimension_numbers<[1], [0], [0], [1], [0, 0, 1, 1], [], []>, precision = #tpu.contract_precision<fp32>, transpose_lhs_hint = false} : vector<1024x4xf32>, vector<4x256xf32>, vector<1024x256xf32> -> vector<1024x256xf32>
    %sub3A_143 = arith.subf %concatenate3A_138, %dot_general3A_142 : vector<1024x256xf32>
    %mul3A_144 = arith.mulf %sub3A_143, %sub3A_143 : vector<1024x256xf32>
    %dot_general3A_145 = arith.constant dense<0.000000e+00> : vector<1024x4xf32>
    %dot_general3A_146 = tpu.matmul %mul3A_144, %mul3A_29, %dot_general3A_145 {dimension_numbers = #tpu.dot_dimension_numbers<[1], [0], [0], [1], [0, 0, 1, 1], [], []>, precision = #tpu.contract_precision<fp32>, transpose_lhs_hint = false} : vector<1024x256xf32>, vector<256x4xf32>, vector<1024x4xf32> -> vector<1024x4xf32>
    %add3A_147 = arith.constant 9.99999971E-10 : f32
    %add3A_148 = vector.broadcast %add3A_147 : f32 to vector<1024x4xf32>
    %add3A_149 = arith.addf %dot_general3A_146, %add3A_148 : vector<1024x4xf32>
    %rsqrt3A_150 = math.rsqrt %add3A_149 : vector<1024x4xf32>
    %dot_general3A_151 = arith.constant dense<0.000000e+00> : vector<1024x256xf32>
    %dot_general3A_152 = tpu.matmul %rsqrt3A_150, %transpose3A, %dot_general3A_151 {dimension_numbers = #tpu.dot_dimension_numbers<[1], [0], [0], [1], [0, 0, 1, 1], [], []>, precision = #tpu.contract_precision<fp32>, transpose_lhs_hint = false} : vector<1024x4xf32>, vector<4x256xf32>, vector<1024x256xf32> -> vector<1024x256xf32>
    %mul3A_153 = arith.mulf %sub3A_143, %dot_general3A_152 : vector<1024x256xf32>
    %get3A_154 = arith.constant 2 : index
    %get3A_155 = arith.constant 0 : index
    %get3A_156 = vector.load %arg9[%get3A_154, %get3A_155] : memref<4x256xf32, #tpu.memory_space<vmem>>, vector<1x256xf32>
    %get3A_157 = vector.shape_cast %get3A_156 : vector<1x256xf32> to vector<256xf32>
    %broadcast_in_dim3A_158 = vector.shape_cast %get3A_157 : vector<256xf32> to vector<1x256xf32>
    %mul3A_159 = vector.broadcast %broadcast_in_dim3A_158 : vector<1x256xf32> to vector<1024x256xf32>
    %mul3A_160 = arith.mulf %mul3A_153, %mul3A_159 : vector<1024x256xf32>
    %get3A_161 = arith.constant 2 : index
    %get3A_162 = arith.constant 0 : index
    %get3A_163 = vector.load %arg10[%get3A_161, %get3A_162] : memref<4x256xf32, #tpu.memory_space<vmem>>, vector<1x256xf32>
    %get3A_164 = vector.shape_cast %get3A_163 : vector<1x256xf32> to vector<256xf32>
    %broadcast_in_dim3A_165 = vector.shape_cast %get3A_164 : vector<256xf32> to vector<1x256xf32>
    %add3A_166 = vector.broadcast %broadcast_in_dim3A_165 : vector<1x256xf32> to vector<1024x256xf32>
    %add3A_167 = arith.addf %mul3A_160, %add3A_166 : vector<1024x256xf32>
    %get3A_168 = arith.constant 2 : index
    %get3A_169 = arith.constant 0 : index
    %get3A_170 = vector.load %arg11[%get3A_168, %get3A_169] : memref<4x256xf32, #tpu.memory_space<vmem>>, vector<1x256xf32>
    %get3A_171 = vector.shape_cast %get3A_170 : vector<1x256xf32> to vector<256xf32>
    %broadcast_in_dim3A_172 = vector.shape_cast %get3A_171 : vector<256xf32> to vector<1x256xf32>
    %add3A_173 = vector.broadcast %broadcast_in_dim3A_172 : vector<1x256xf32> to vector<1024x256xf32>
    %add3A_174 = arith.addf %add3A_167, %add3A_173 : vector<1024x256xf32>
    %mul3A_175 = vector.broadcast %broadcast_in_dim3A_74 : vector<1x256xf32> to vector<1024x256xf32>
    %mul3A_176 = arith.mulf %add3A_174, %mul3A_175 : vector<1024x256xf32>
    %dot_general3A_177 = arith.constant dense<0.000000e+00> : vector<1024x4xf32>
    %dot_general3A_178 = tpu.matmul %mul3A_176, %select_n3A_27, %dot_general3A_177 {dimension_numbers = #tpu.dot_dimension_numbers<[1], [0], [0], [1], [0, 0, 1, 1], [], []>, precision = #tpu.contract_precision<fp32>, transpose_lhs_hint = false} : vector<1024x256xf32>, vector<256x4xf32>, vector<1024x4xf32> -> vector<1024x4xf32>
    %add3A_179 = arith.addf %dot_general3A_178, %dot_general3A_78 : vector<1024x4xf32>
    %ge3A_180 = arith.constant 0.000000e+00 : f32
    %ge3A_181 = vector.broadcast %ge3A_180 : f32 to vector<1024x4xf32>
    %ge3A_182 = arith.cmpf oge, %add3A_179, %ge3A_181 : vector<1024x4xf32>
    %mul3A_183 = arith.constant 2.000000e-01 : f32
    %mul3A_184 = vector.broadcast %mul3A_183 : f32 to vector<1024x4xf32>
    %mul3A_185 = arith.mulf %mul3A_184, %add3A_179 : vector<1024x4xf32>
    %select_n3A_186 = arith.select %ge3A_182, %add3A_179, %mul3A_185 : vector<1024x4xi1>, vector<1024x4xf32>
    %exp3A_187 = math.exp %select_n3A_186 : vector<1024x4xf32>
    %get3A_188 = arith.constant 0 : index
    %get3A_189 = arith.constant 0 : index
    %get3A_190 = vector.load %arg7[%get3A_188, %get3A_189] : memref<1024x128xf32, #tpu.memory_space<vmem>>, vector<1024x128xf32>
    %get3A_191 = arith.constant 0 : index
    %get3A_192 = arith.constant 0 : index
    %get3A_193 = vector.load %arg8[%get3A_191, %get3A_192] : memref<1024x128xf32, #tpu.memory_space<vmem>>, vector<1024x128xf32>
    %concatenate3A_194 = tpu.concatenate %get3A_190, %get3A_193 in 1 : vector<1024x128xf32>, vector<1024x128xf32> -> vector<1024x256xf32>
    %dot_general3A_195 = arith.constant dense<0.000000e+00> : vector<1024x4xf32>
    %dot_general3A_196 = tpu.matmul %concatenate3A_194, %mul3A_29, %dot_general3A_195 {dimension_numbers = #tpu.dot_dimension_numbers<[1], [0], [0], [1], [0, 0, 1, 1], [], []>, precision = #tpu.contract_precision<fp32>, transpose_lhs_hint = false} : vector<1024x256xf32>, vector<256x4xf32>, vector<1024x4xf32> -> vector<1024x4xf32>
    %dot_general3A_197 = arith.constant dense<0.000000e+00> : vector<1024x256xf32>
    %dot_general3A_198 = tpu.matmul %dot_general3A_196, %transpose3A, %dot_general3A_197 {dimension_numbers = #tpu.dot_dimension_numbers<[1], [0], [0], [1], [0, 0, 1, 1], [], []>, precision = #tpu.contract_precision<fp32>, transpose_lhs_hint = false} : vector<1024x4xf32>, vector<4x256xf32>, vector<1024x256xf32> -> vector<1024x256xf32>
    %sub3A_199 = arith.subf %concatenate3A_194, %dot_general3A_198 : vector<1024x256xf32>
    %mul3A_200 = arith.mulf %sub3A_199, %sub3A_199 : vector<1024x256xf32>
    %dot_general3A_201 = arith.constant dense<0.000000e+00> : vector<1024x4xf32>
    %dot_general3A_202 = tpu.matmul %mul3A_200, %mul3A_29, %dot_general3A_201 {dimension_numbers = #tpu.dot_dimension_numbers<[1], [0], [0], [1], [0, 0, 1, 1], [], []>, precision = #tpu.contract_precision<fp32>, transpose_lhs_hint = false} : vector<1024x256xf32>, vector<256x4xf32>, vector<1024x4xf32> -> vector<1024x4xf32>
    %add3A_203 = arith.constant 9.99999971E-10 : f32
    %add3A_204 = vector.broadcast %add3A_203 : f32 to vector<1024x4xf32>
    %add3A_205 = arith.addf %dot_general3A_202, %add3A_204 : vector<1024x4xf32>
    %rsqrt3A_206 = math.rsqrt %add3A_205 : vector<1024x4xf32>
    %dot_general3A_207 = arith.constant dense<0.000000e+00> : vector<1024x256xf32>
    %dot_general3A_208 = tpu.matmul %rsqrt3A_206, %transpose3A, %dot_general3A_207 {dimension_numbers = #tpu.dot_dimension_numbers<[1], [0], [0], [1], [0, 0, 1, 1], [], []>, precision = #tpu.contract_precision<fp32>, transpose_lhs_hint = false} : vector<1024x4xf32>, vector<4x256xf32>, vector<1024x256xf32> -> vector<1024x256xf32>
    %mul3A_209 = arith.mulf %sub3A_199, %dot_general3A_208 : vector<1024x256xf32>
    %get3A_210 = arith.constant 3 : index
    %get3A_211 = arith.constant 0 : index
    %get3A_212 = vector.load %arg9[%get3A_210, %get3A_211] : memref<4x256xf32, #tpu.memory_space<vmem>>, vector<1x256xf32>
    %get3A_213 = vector.shape_cast %get3A_212 : vector<1x256xf32> to vector<256xf32>
    %broadcast_in_dim3A_214 = vector.shape_cast %get3A_213 : vector<256xf32> to vector<1x256xf32>
    %mul3A_215 = vector.broadcast %broadcast_in_dim3A_214 : vector<1x256xf32> to vector<1024x256xf32>
    %mul3A_216 = arith.mulf %mul3A_209, %mul3A_215 : vector<1024x256xf32>
    %get3A_217 = arith.constant 3 : index
    %get3A_218 = arith.constant 0 : index
    %get3A_219 = vector.load %arg10[%get3A_217, %get3A_218] : memref<4x256xf32, #tpu.memory_space<vmem>>, vector<1x256xf32>
    %get3A_220 = vector.shape_cast %get3A_219 : vector<1x256xf32> to vector<256xf32>
    %broadcast_in_dim3A_221 = vector.shape_cast %get3A_220 : vector<256xf32> to vector<1x256xf32>
    %add3A_222 = vector.broadcast %broadcast_in_dim3A_221 : vector<1x256xf32> to vector<1024x256xf32>
    %add3A_223 = arith.addf %mul3A_216, %add3A_222 : vector<1024x256xf32>
    %get3A_224 = arith.constant 3 : index
    %get3A_225 = arith.constant 0 : index
    %get3A_226 = vector.load %arg11[%get3A_224, %get3A_225] : memref<4x256xf32, #tpu.memory_space<vmem>>, vector<1x256xf32>
    %get3A_227 = vector.shape_cast %get3A_226 : vector<1x256xf32> to vector<256xf32>
    %broadcast_in_dim3A_228 = vector.shape_cast %get3A_227 : vector<256xf32> to vector<1x256xf32>
    %add3A_229 = vector.broadcast %broadcast_in_dim3A_228 : vector<1x256xf32> to vector<1024x256xf32>
    %add3A_230 = arith.addf %add3A_223, %add3A_229 : vector<1024x256xf32>
    %mul3A_231 = vector.broadcast %broadcast_in_dim3A_74 : vector<1x256xf32> to vector<1024x256xf32>
    %mul3A_232 = arith.mulf %add3A_230, %mul3A_231 : vector<1024x256xf32>
    %dot_general3A_233 = arith.constant dense<0.000000e+00> : vector<1024x4xf32>
    %dot_general3A_234 = tpu.matmul %mul3A_232, %select_n3A_27, %dot_general3A_233 {dimension_numbers = #tpu.dot_dimension_numbers<[1], [0], [0], [1], [0, 0, 1, 1], [], []>, precision = #tpu.contract_precision<fp32>, transpose_lhs_hint = false} : vector<1024x256xf32>, vector<256x4xf32>, vector<1024x4xf32> -> vector<1024x4xf32>
    %add3A_235 = arith.addf %dot_general3A_234, %dot_general3A_78 : vector<1024x4xf32>
    %ge3A_236 = arith.constant 0.000000e+00 : f32
    %ge3A_237 = vector.broadcast %ge3A_236 : f32 to vector<1024x4xf32>
    %ge3A_238 = arith.cmpf oge, %add3A_235, %ge3A_237 : vector<1024x4xf32>
    %mul3A_239 = arith.constant 2.000000e-01 : f32
    %mul3A_240 = vector.broadcast %mul3A_239 : f32 to vector<1024x4xf32>
    %mul3A_241 = arith.mulf %mul3A_240, %add3A_235 : vector<1024x4xf32>
    %select_n3A_242 = arith.select %ge3A_238, %add3A_235, %mul3A_241 : vector<1024x4xi1>, vector<1024x4xf32>
    %exp3A_243 = math.exp %select_n3A_242 : vector<1024x4xf32>
    %add3A_244 = arith.addf %exp3A, %exp3A_187 : vector<1024x4xf32>
    %add3A_245 = arith.addf %add3A_244, %exp3A_243 : vector<1024x4xf32>
    %get3A_246 = arith.constant 0 : index
    %get3A_247 = arith.constant 256 : index
    %get3A_248 = vector.load %arg1[%get3A_246, %get3A_247] : memref<1024x640xf32, #tpu.memory_space<vmem>>, vector<1024x256xf32>
    %get3A_249 = arith.constant 0 : index
    %get3A_250 = arith.constant 0 : index
    %get3A_251 = vector.load %arg2[%get3A_249, %get3A_250] : memref<1x256xf32, #tpu.memory_space<vmem>>, vector<1x256xf32>
    %add3A_252 = vector.broadcast %get3A_251 : vector<1x256xf32> to vector<1024x256xf32>
    %add3A_253 = arith.addf %get3A_248, %add3A_252 : vector<1024x256xf32>
    %div3A_254 = arith.divf %exp3A, %add3A_245 : vector<1024x4xf32>
    %dot_general3A_255 = arith.constant dense<0.000000e+00> : vector<1024x256xf32>
    %dot_general3A_256 = tpu.matmul %div3A_254, %transpose3A, %dot_general3A_255 {dimension_numbers = #tpu.dot_dimension_numbers<[1], [0], [0], [1], [0, 0, 1, 1], [], []>, precision = #tpu.contract_precision<fp32>, transpose_lhs_hint = false} : vector<1024x4xf32>, vector<4x256xf32>, vector<1024x256xf32> -> vector<1024x256xf32>
    %mul3A_257 = arith.mulf %add3A_120, %dot_general3A_256 : vector<1024x256xf32>
    %add3A_258 = arith.addf %add3A_253, %mul3A_257 : vector<1024x256xf32>
    %div3A_259 = arith.divf %exp3A_187, %add3A_245 : vector<1024x4xf32>
    %dot_general3A_260 = arith.constant dense<0.000000e+00> : vector<1024x256xf32>
    %dot_general3A_261 = tpu.matmul %div3A_259, %transpose3A, %dot_general3A_260 {dimension_numbers = #tpu.dot_dimension_numbers<[1], [0], [0], [1], [0, 0, 1, 1], [], []>, precision = #tpu.contract_precision<fp32>, transpose_lhs_hint = false} : vector<1024x4xf32>, vector<4x256xf32>, vector<1024x256xf32> -> vector<1024x256xf32>
    %mul3A_262 = arith.mulf %add3A_174, %dot_general3A_261 : vector<1024x256xf32>
    %add3A_263 = arith.addf %add3A_258, %mul3A_262 : vector<1024x256xf32>
    %div3A_264 = arith.divf %exp3A_243, %add3A_245 : vector<1024x4xf32>
    %dot_general3A_265 = arith.constant dense<0.000000e+00> : vector<1024x256xf32>
    %dot_general3A_266 = tpu.matmul %div3A_264, %transpose3A, %dot_general3A_265 {dimension_numbers = #tpu.dot_dimension_numbers<[1], [0], [0], [1], [0, 0, 1, 1], [], []>, precision = #tpu.contract_precision<fp32>, transpose_lhs_hint = false} : vector<1024x4xf32>, vector<4x256xf32>, vector<1024x256xf32> -> vector<1024x256xf32>
    %mul3A_267 = arith.mulf %add3A_230, %dot_general3A_266 : vector<1024x256xf32>
    %add3A_268 = arith.addf %add3A_263, %mul3A_267 : vector<1024x256xf32>
    %swap3A = arith.constant 0 : index
    %swap3A_269 = arith.constant 0 : index
    %swap3A_270 = vector.load %arg14[%swap3A, %swap3A_269] : memref<1024x256xf32, #tpu.memory_space<vmem>>, vector<1024x256xf32>
    tpu.vector_store %arg14[%swap3A, %swap3A_269], %add3A_268 {strides = array<i32>} : memref<1024x256xf32, #tpu.memory_space<vmem>>, vector<1024x256xf32>,
    return
  }
  func.func @transform_0(%arg0: i32) -> (i32, i32) {
    %c0_i32 = arith.constant 0 : i32
    %c0_i32_0 = arith.constant 0 : i32
    return %arg0, %c0_i32 : i32, i32
  }
  func.func @transform_1(%arg0: i32) -> (i32, i32) {
    %c0_i32 = arith.constant 0 : i32
    %c0_i32_0 = arith.constant 0 : i32
    %c0_i32_1 = arith.constant 0 : i32
    return %c0_i32, %c0_i32_0 : i32, i32
  }
  func.func @transform_2(%arg0: i32) -> (i32, i32) {
    %c0_i32 = arith.constant 0 : i32
    %c0_i32_0 = arith.constant 0 : i32
    return %arg0, %c0_i32 : i32, i32
  }
  func.func @transform_3(%arg0: i32) -> (i32, i32) {
    %add3A = arith.constant 10 : i32
    %add3A_0 = arith.addi %arg0, %add3A : i32
    %c0_i32 = arith.constant 0 : i32
    %c0_i32_1 = arith.constant 0 : i32
    return %add3A_0, %c0_i32 : i32, i32
  }
  func.func @transform_4(%arg0: i32) -> (i32, i32) {
    %c0_i32 = arith.constant 0 : i32
    %c0_i32_0 = arith.constant 0 : i32
    return %arg0, %c0_i32 : i32, i32
  }
  func.func @transform_5(%arg0: i32) -> (i32, i32) {
    %add3A = arith.constant 10 : i32
    %add3A_0 = arith.addi %arg0, %add3A : i32
    %c0_i32 = arith.constant 0 : i32
    %c0_i32_1 = arith.constant 0 : i32
    return %add3A_0, %c0_i32 : i32, i32
  }
  func.func @transform_6(%arg0: i32) -> (i32, i32) {
    %c0_i32 = arith.constant 0 : i32
    %c0_i32_0 = arith.constant 0 : i32
    return %arg0, %c0_i32 : i32, i32
  }
  func.func @transform_7(%arg0: i32) -> (i32, i32) {
    %add3A = arith.constant 10 : i32
    %add3A_0 = arith.addi %arg0, %add3A : i32
    %c0_i32 = arith.constant 0 : i32
    %c0_i32_1 = arith.constant 0 : i32
    return %add3A_0, %c0_i32 : i32, i32
  }
  func.func @transform_8(%arg0: i32) -> (i32, i32) {
    %c0_i32 = arith.constant 0 : i32
    %c0_i32_0 = arith.constant 0 : i32
    %c0_i32_1 = arith.constant 0 : i32
    return %c0_i32, %c0_i32_0 : i32, i32
  }
  func.func @transform_9(%arg0: i32) -> (i32, i32) {
    %c0_i32 = arith.constant 0 : i32
    %c0_i32_0 = arith.constant 0 : i32
    %c0_i32_1 = arith.constant 0 : i32
    return %c0_i32, %c0_i32_0 : i32, i32
  }
  func.func @transform_10(%arg0: i32) -> (i32, i32) {
    %c0_i32 = arith.constant 0 : i32
    %c0_i32_0 = arith.constant 0 : i32
    %c0_i32_1 = arith.constant 0 : i32
    return %c0_i32, %c0_i32_0 : i32, i32
  }
  func.func @transform_11(%arg0: i32) -> (i32, i32) {
    %c0_i32 = arith.constant 0 : i32
    %c0_i32_0 = arith.constant 0 : i32
    %c0_i32_1 = arith.constant 0 : i32
    return %c0_i32, %c0_i32_0 : i32, i32
  }
  func.func @transform_12(%arg0: i32) -> (i32, i32) {
    %c0_i32 = arith.constant 0 : i32
    %c0_i32_0 = arith.constant 0 : i32
    %c0_i32_1 = arith.constant 0 : i32
    return %c0_i32, %c0_i32_0 : i32, i32
  }
  func.func @transform_13(%arg0: i32) -> (i32, i32) {
    %c0_i32 = arith.constant 0 : i32
    %c0_i32_0 = arith.constant 0 : i32
    return %arg0, %c0_i32 : i32, i32
  }
}

</mosaic_0001>

<sc_bundles>
// kernel: kernel.11.cloned.1.call-start
scs
__scs_entry_jumppad:
0x0: {  	(pc) =	sbr.rel $0x88, $3  }
0x1: {  	(tag) =	ssettag $0x0;
	lr =	simm.s32 $0x1  }
0x2: {  	[smem:$0x3F93] =	sst lr;
	_ =	strace $0xD0000000  }
0x3: {  	_ = 	snop  }
0x4: {  	_ = 	snop  }
0x5: {  	_ = 	snop  }
0x6: {  	_ = 	snop  }
0x7: {  	_ = 	snop  }
__scs_overlays_trampoline_lowered:
0x8: {  	[smem:$0x3FA2] =	sst s0  }
0x9: {  	[smem:$0x3FA3] =	sst s1  }
0xa: {  	[smem:$0x3FA4] =	sst s2  }
0xb: {  	[smem:$0x3FA5] =	sst s3  }
0xc: {  	[smem:$0x3FA6] =	sst s4  }
0xd: {  	[smem:$0x3FA7] =	sst s5  }
0xe: {  	[smem:$0x3FA8] =	sst s6  }
0xf: {  	[smem:$0x3FA9] =	sst s7  }
0x10: {  	[smem:$0x3FAA] =	sst s8  }
0x11: {  	[smem:$0x3FAB] =	sst s9;
	s0 =	simm.s32 @!p0 $0x0  }
0x12: {  	s1 =	sld [smem:$0x3F91];
	s0 =	simm.s32 @p0 $0x1  }
0x13: {  	[smem:$0x3FAC] =	sst s0;
	s0 =	simm.s32 @!p1 $0x0  }
0x14: {  	s2 =	sld [smem:$0x3F90];
	s0 =	simm.s32 @p1 $0x1  }
0x15: {  	[smem:$0x3FAD] =	sst s0;
	s0 =	simm.s32 @!p2 $0x0  }
0x16: {  	s3 =	sld [smem:$0x3FDB];
	s0 =	simm.s32 @p2 $0x1  }
0x17: {  	s4 =	simm.s32 $0x1BF5;
	[smem:$0x3FAF] =	sst s0  }
0x18: {  	s0 =	sld [smem:$0x3F92];
	_ =	swait.ge [sflag:s4], $0x0  }
0x19: {  	s7 =	sld [smem:$0x3F93]  }
0x1a: {  	s8 =	sadd.s32 $0xFFFFE003, lr  }
0x1b: {  	s9 =	sadd.s32 $0xFFFFFEF7, lr;
	s5 =	simm.s32 $0xFFFFFFFF;
	p2 =	slt.u32 s8, $0xFFFFF086  }
0x1c: {  	p1 =	slt.u32 s9, $0xF7A;
	s5 =	simm.s32 @!p2 $0x0  }
0x1d: {  	s5 =	simm.s32 @p1 $0x1;
	p0 =	seq.s32 s7, s2  }
0x1e: {  	s7 =	smul.u32 @!p0 $0xF7A, s2;
	p2 =	seq.s32 @!p0 s5, $0x0  }
0x1f: {  	s9 =	smul.u32 $0xF7A, s1;
	s8 =	simm.s32 @!p0 $0x1BF5;
	p2 =	por !p2, p0  }
0x20: {  	[sflag:s8] =	ssyncset.s32 @!p0 $0xFFFFF086;
	s6 =	sadd.s32 @!p0 s3, s7;
	s7 =	simm.s32 @!p0 $0x108  }
0x21: {  	s3 =	sadd.s32 s3, s9;
	s6 =	sadd.s32 @!p0 $0x88, s6;
	s7 =	simm.s32 @p2 $0x1082  }
0x22: {  	[simem:s7], [sflag:s8] =	dma.local @!p0 [hbm:s6], $0xF7A  }
0x23: {  	s9 =	sor.u32 $0xD0000000, s2;
	s6 =	simm.s32 $0x108;
	_ =	swait.ge @!p0 [sflag:s8], $0x0  }
0x24: {  	s3 =	sadd.s32 $0x88, s3;
	s6 =	simm.s32 @!p1 $0x1082;
	[sflag:s4] =	ssyncset.s32 $0xFFFFF086  }
0x25: {  	[simem:s6], [sflag:s4] =	dma.local [hbm:s3], $0xF7A  }
0x26: {  	[smem:$0x3F93] =	sst s1;
	(tag) =	ssettag s2;
	_ =	strace s9  }
0x27: {  	s1 =	sld [smem:$0x3FA3]  }
0x28: {  	s2 =	sld [smem:$0x3FA4]  }
0x29: {  	s4 =	sld [smem:$0x3FA6]  }
0x2a: {  	p0 =	seq.s32 s5, $0x0;
	s5 =	sld [smem:$0x3FA7]  }
0x2b: {  	s6 =	sld [smem:$0x3FA8]  }
0x2c: {  	s7 =	sld [smem:$0x3FA9]  }
0x2d: {  	s3 =	simm.s32 $0x108;
	s8 =	sld [smem:$0x3FAA]  }
0x2e: {  	s3 =	simm.s32 @!p0 $0x1082;
	s9 =	sld [smem:$0x3FAB]  }
0x2f: {  	lr =	sadd.s32 s0, s3;
	s0 =	sld [smem:$0x3FA2]  }
0x30: {  	s3 =	sld [smem:$0x3FA5]  }
0x31: {  	[smem:$0x3FAE] =	sst s10  }
0x32: {  	s10 =	sld [smem:$0x3FAC];
	_ =	sdelay $0x3  }
0x33: {  	p0 =	seq.s32 s10, $0x1;
	s10 =	sld [smem:$0x3FAE];
	_ =	sdelay $0x3  }
0x34: {  	[smem:$0x3FAE] =	sst s10  }
0x35: {  	s10 =	sld [smem:$0x3FAD];
	_ =	sdelay $0x3  }
0x36: {  	p1 =	seq.s32 s10, $0x1;
	s10 =	sld [smem:$0x3FAE];
	_ =	sdelay $0x3  }
0x37: {  	[smem:$0x3FAE] =	sst s10  }
0x38: {  	s10 =	sld [smem:$0x3FAF]  }
0x39: {  	_ = 	snop;
	(pc) =	sbr.ind lr, $3  }
0x3a: {  	_ = 	snop  }
0x3b: {  	_ = 	snop  }
0x3c: {  	p2 =	seq.s32 s10, $0x1;
	s10 =	sld [smem:$0x3FAE]  }
0x3d: {  	_ =	shalt  }
0x3e: {  	_ =	shalt  }
0x3f: {  	_ =	shalt  }
0x40: {  	_ =	shalt  }
0x41: {  	_ =	shalt  }
0x42: {  	_ =	shalt  }
0x43: {  	_ =	shalt  }
0x44: {  	_ =	shalt  }
0x45: {  	_ =	shalt  }
0x46: {  	_ =	shalt  }
0x47: {  	_ =	shalt  }
0x48: {  	_ =	shalt  }
0x49: {  	_ =	shalt  }
0x4a: {  	_ =	shalt  }
0x4b: {  	_ =	shalt  }
0x4c: {  	_ =	shalt  }
0x4d: {  	_ =	shalt  }
0x4e: {  	_ =	shalt  }
0x4f: {  	_ =	shalt  }
0x50: {  	_ =	shalt  }
0x51: {  	_ =	shalt  }
0x52: {  	_ =	shalt  }
0x53: {  	_ =	shalt  }
0x54: {  	_ =	shalt  }
0x55: {  	_ =	shalt  }
0x56: {  	_ =	shalt  }
0x57: {  	_ =	shalt  }
0x58: {  	_ =	shalt  }
0x59: {  	_ =	shalt  }
0x5a: {  	_ =	shalt  }
0x5b: {  	_ =	shalt  }
0x5c: {  	_ =	shalt  }
0x5d: {  	_ =	shalt  }
0x5e: {  	_ =	shalt  }
0x5f: {  	_ =	shalt  }
0x60: {  	_ =	shalt  }
0x61: {  	_ =	shalt  }
0x62: {  	_ =	shalt  }
0x63: {  	_ =	shalt  }
0x64: {  	_ =	shalt  }
0x65: {  	_ =	shalt  }
0x66: {  	_ =	shalt  }
0x67: {  	_ =	shalt  }
0x68: {  	_ =	shalt  }
0x69: {  	_ =	shalt  }
0x6a: {  	_ =	shalt  }
0x6b: {  	_ =	shalt  }
0x6c: {  	_ =	shalt  }
0x6d: {  	_ =	shalt  }
0x6e: {  	_ =	shalt  }
0x6f: {  	_ =	shalt  }
0x70: {  	_ =	shalt  }
0x71: {  	_ =	shalt  }
0x72: {  	_ =	shalt  }
0x73: {  	_ =	shalt  }
0x74: {  	_ =	shalt  }
0x75: {  	_ =	shalt  }
0x76: {  	_ =	shalt  }
0x77: {  	_ =	shalt  }
0x78: {  	_ =	shalt  }
0x79: {  	_ =	shalt  }
0x7a: {  	_ =	shalt  }
0x7b: {  	_ =	shalt  }
0x7c: {  	_ =	shalt  }
0x7d: {  	_ =	shalt  }
0x7e: {  	_ =	shalt  }
0x7f: {  	_ =	shalt  }
0x80: {  	_ =	shalt  }
0x81: {  	_ =	shalt  }
0x82: {  	_ =	shalt  }
0x83: {  	_ =	shalt  }
0x84: {  	_ =	shalt  }
0x85: {  	_ =	shalt  }
0x86: {  	_ =	shalt  }
0x87: {  	_ =	shalt  }
.Lfunc_end0:
.L_simem_size_0:
called_computation_lowered:
.L_overlay_start_0:
0x88: {  	s2 =	sld [smem:$0x3FD9]  }
0x89: {  	s3 =	sld [smem:$0x3FFE];
	_ =	sdelay $0x1  }
0x8a: {  	s1 =	srdreg.scid  }
0x8b: {  	s0 =	sand.u32 $0x1, s1  }
0x8c: {  	s17 =	sshll.u32 s0, $0xA;
	s2 =	sadd.s32 s3, s2  }
0x8d: {  	s2 =	sadd.s32 s2, s17  }
0x8e: {  	[smem:$0x3FBA] =	sst s2  }
0x8f: {  	_ = 	snop  }
0x90: {  	s2 =	sld [smem:$0x3FD0];
	(tm) =	ssettm $0x1  }
0x91: {  	s18 =	sld [smem:$0x3FFB];
	_ =	sdelay $0x3  }
0x92: {  	_ =	strace s18  }
0x93: {  	s3 =	sld [smem:$0x3FFC];
	_ =	sdelay $0x3  }
0x94: {  	_ =	strace s3  }
0x95: {  	s3 =	sld [smem:$0x3FFD];
	_ =	sdelay $0x3  }
0x96: {  	_ =	strace s3  }
0x97: {  	_ =	strace $0x8FFFFFFF  }
0x98: {  	s19 =	sld [smem:$0x3FDB];
	_ =	sdelay $0x1  }
0x99: {  	s4 =	simm.s32 $_scs_section_size  }
0x9a: {  	s5 =	simm.s32 $_size__tile_overlayer_lowered;
	s6 =	simm.s32 $_tile_overlayer_lowered  }
0x9b: {  	s22 =	simm.s32 $0x1BFF;
	s21 =	sshll.u32 s6, $0x1;
	s3 =	sadd.s32 s4, s19  }
0x9c: {  	s7 =	simm.s32 $0x0;
	s20 =	sshll.u32 s5, $0x1;
	s5 =	sadd.s32 s21, s3  }
0x9d: {  	[timem:s7], [sflag:s22] =	dma.local [hbm:s5], s20  }
0x9e: {  	_ =	swait.ge [sflag:s22], s20  }
0x9f: {  	s4 =	ssub.s32 $0x0, s20;
	[sflag:s22] =	ssyncset.done $0x0  }
0xa0: {  	[sflag:s22] =	ssyncadd.s32 s4;
	_ =	sdelay $0x1  }
0xa1: {  	s23 =	simm.s32 $0x1B8B  }
0xa2: {  	_ =	swait.ge [sflag:s23], $0x1  }
0xa3: {  	[sflag:s23] =	ssyncset.done $0x0  }
0xa4: {  	s25 =	simm.s32 $0x1B8E;
	s24 =	sld [smem:$0x3FFE];
	[sflag:s23] =	ssyncadd.s32 $0xFFFFFFFF  }
0xa5: {  	s26 =	simm.s32 $execute0_lowered;
	[smem:$0x3FD2] =	sst s25  }
0xa6: {  	s5 =	sshll.u32 s26, $0x1;
	_ =	strace $0x80000046;
	[dreg:$0x1] =	wrdreg $0xFFFFFFFF  }
0xa7: {  	s28 =	simm.s32 $_size_execute0_lowered;
	s3 =	sadd.s32 s3, s5;
	[dreg:$0x0] =	wrdreg $0x0  }
0xa8: {  	s5 =	sshll.u32 s28, $0x1;
	[dreg:$0x2] =	wrdreg s3  }
0xa9: {  	[dreg:$0x3] =	wrdreg s5  }
0xaa: {  	[dreg:$0x4] =	wrdreg $0xC0  }
0xab: {  	_ =	task [dreg:s7], $0x5FFFF  }
0xac: {  	[dreg:$0x1] =	wrdreg $0xFFFFFFFF  }
0xad: {  	[dreg:$0x0] =	wrdreg $0x60  }
0xae: {  	[dreg:$0x2] =	wrdreg s2  }
0xaf: {  	[dreg:$0x3] =	wrdreg s24  }
0xb0: {  	[dreg:$0x4] =	wrdreg $0x9  }
0xb1: {  	_ =	task.clear_ibuf [dreg:s7], $0x5FFFF;
	_ =	strace $0x90000046  }
0xb2: {  	s29 =	simm.s32 $0x9;
	_ =	strace $0x80000048  }
0xb3: {  	_ =	swait.ge [sflag:s29], $0x1  }
0xb4: {  	[sflag:s29] =	ssyncadd.s32 $0xFFFFFFFF  }
0xb5: {  	_ =	strace $0x90000048  }
0xb6: {  	_ =	sfence  }
0xb7: {  	s30 =	sld [smem:$0x0];
	_ =	sdelay $0x2  }
0xb8: {  	s31 =	sshll.u32 s1, $0xD;
	s1 =	sshrl.u32 s1, $0x2  }
0xb9: {  	s3 =	sand.u32 $0x4000, s31;
	s1 =	sadd.s32 s1, s30  }
0xba: {  	s0 =	sor.u32 s3, s0;
	s1 =	sshll.u32 s1, $0x11  }
0xbb: {  	s0 =	sor.u32 s1, s0  }
0xbc: {  	s0 =	sadd.s32 $0x8F2B, s0  }
0xbd: {  	[sflag:s0] =	ssyncadd.remote.s32 $0x1  }
0xbe: {  	_ =	sfence.sel $0xFFFF  }
0xbf: {  	[dreg:$0x0] =	wrdreg $0xFFFFFFFF;
	(pc) =	sbr.abs _section_cstart, $3  }
0xc0: {  	[dreg:$0x1] =	wrdreg $0xFFFFFFFF  }
0xc1: {  	_ =	task.clear_ibuf [dreg:s7], $0x2FFFF;
	_ =	strace $0x9FFFFFFF  }
0xc2: {  	(tm) =	ssettm $0x7FFFFFFF  }
0xc3: {  	_ =	shalt  }
tec
execute0_lowered:
.L_overlay_start_1:
0x0: {  	(tag) =	ssettag $0x1  }
0x1: {  	s1 =	rddreg [dreg:$0x0]  }
0x2: {  	s8 =	rddreg [dreg:$0x1]  }
0x3: {  	s0 =	rddreg [dreg:$0x2];
	s2 =	simm.s32 $0x0  }
0x4: {  	s3 =	srdreg.scid;
	s13 =	simm.s32 $0x80;
	s14 =	simm.s32 $0x8100  }
0x5: {  	s15 =	simm.s32 $0x100;
	s16 =	simm.s32 $0x4100;
	s17 =	simm.s32 $0x1  }
0x6: {  	s18 =	simm.s32 $0xC100;
	s19 =	simm.s32 $0x0;
	[smem:$0x7FF] =	sst s2  }
0x7: {  	s4 =	sadd.s32 $0xD6400, s8;
	s5 =	sadd.s32 $0x370400, s8;
	s9 =	sand.u32 $0x1, s3  }
0x8: {  	s6 =	sadd.s32 $0x9400, s8;
	s3 =	stileid.u32;
	s7 =	sadd.s32 $0x4400, s8  }
0x9: {  	s8 =	sadd.s32 $0xFF400, s8;
	s10 =	sshll.u32 s9, $0x4;
	s9 =	ssub.s32 $0x2, s9  }
0xa: {  	_ =	strace $0x80000047;
	s10 =	sor.u32 s3, s10;
	s11 =	sshrl.u32 s9, $0x1  }
0xb: {  	s12 =	ssub.s32 $0x501, s10;
	s11 =	ssub.s32 s9, s11;
	s9 =	sshll.u32 s10, $0x7  }
0xc: {  	s10 =	sshrl.u32 s12, $0x5;
	s11 =	smax.u32 s11, $0x1;
	s12 =	simm.s32 $0x2  }
.LBB2_1:
0xd: {  	s20 =	simm.s32 $0x0  }
.LBB2_2:
0xe: {  	s21 =	sshll.u32 s20, $0xC  }
0xf: {  	s21 =	sor.u32 s9, s21  }
0x10: {  	s22 =	sshrl.u32 s21, $0x3  }
0x11: {  	s24 =	simm.s32 $0x0;
	s23 =	sadd.s32 s6, s22  }
0x12: {  	[tilespmem:s24], [sflag:$0x2] =	stream.linear.gather [hbm4b:s23+s24], $0x80, $0x38;
	[tilespmem:$0x10100] =	vst v63  }
0x13: {  	_ =	swait.ge [sflag:s12], $0x80  }
0x14: {  	[sflag:s12] =	ssyncset.done $0x0  }
0x15: {  	s22 =	sadd.s32 s7, s22;
	[sflag:s12] =	ssyncadd.s32 $0xFFFFFF80  }
0x16: {  	[tilespmem:s13], [sflag:$0x2] =	stream.linear.gather [hbm4b:s22+s24], $0x80, $0x38;
	[tilespmem:$0x10100] =	vst v63  }
0x17: {  	_ =	swait.ge [sflag:s12], $0x80  }
0x18: {  	s21 =	sshll.u32 s21, $0x4;
	[sflag:s12] =	ssyncset.done $0x0  }
0x19: {  	s31 =	sadd.s32 s5, s21;
	[sflag:s12] =	ssyncadd.s32 $0xFFFFFF80  }
0x1a: {  	[tilespmem:s14], [sflag:$0x2] =	stream.linear.gather [hbm4b:s31+s24], $0x4000, $0x38;
	[tilespmem:$0x10100] =	vst v63  }
0x1b: {  	_ =	swait.ge [sflag:s12], $0x4000  }
0x1c: {  	[sflag:s12] =	ssyncset.done $0x0  }
0x1d: {  	[sflag:s12] =	ssyncadd.s32 $0xFFFFC000  }
0x1e: {  	[tilespmem:s15], [sflag:$0x1] =	stream.indirect.gather [hbm4b:s1+s13], $0x80, s24, s13, $0xb8;
	[tilespmem:$0x10100] =	vst v63  }
0x1f: {  	_ = 	snop  }
0x20: {  	[tilespmem:s16], [sflag:$0x1] =	stream.indirect.gather [hbm4b:s4+s13], $0x80, s13, s13, $0xb8;
	[tilespmem:$0x10100] =	vst v63  }
0x21: {  	_ =	swait.ge [sflag:s17], $0x4000  }
0x22: {  	[sflag:s17] =	ssyncset.done $0x0  }
0x23: {  	[sflag:s17] =	ssyncadd.s32 $0xFFFFC000  }
0x24: {  	_ =	swait.ge [sflag:s17], $0x4000  }
0x25: {  	[sflag:s17] =	ssyncset.done $0x0  }
0x26: {  	s22 =	simm.s32 $0x0;
	[sflag:s17] =	ssyncadd.s32 $0xFFFFC000  }
0x27: {  	v0 =	vld [tilespmem:s22+$0x100]  }
0x28: {  	s23 =	simm.s32 $0x80;
	v1 =	vld [tilespmem:s22+$0x4100]  }
0x29: {  	v2 =	vld [tilespmem:s23+$0x100]  }
0x2a: {  	v3 =	vld [tilespmem:s23+$0x4100]  }
0x2b: {  	v4 =	vld [tilespmem:s22+$0x8100];
	_ =	sdelay $0x1  }
0x2c: {  	v5 =	vld [tilespmem:s23+$0x8100]  }
0x2d: {  	s24 =	simm.s32 $0x100;
	v0 =	vadd.f32 v1, v0  }
0x2e: {  	v1 =	vld [tilespmem:s24+$0x100]  }
0x2f: {  	v2 =	vadd.f32 v3, v2;
	v3 =	vld [tilespmem:s24+$0x4100];
	v0 =	vadd.f32 v4, v0;
	_ =	sdelay $0x1  }
0x30: {  	v2 =	vadd.f32 v5, v2;
	v5 =	vmul.f32 $2.000000030e-01, v0  }
0x31: {  	vm0 =	vge.f32 v0, $0.0e+00  }
0x32: {  	v0 =	vsel vm0, v0, v5  }
0x33: {  	v1 =	vadd.f32 v3, v1;
	v3 =	vmul.f32 $1.442695020e+00, v0  }
0x34: {  	v6 =	vmul.f32 $2.000000030e-01, v2  }
0x35: {  	v4 =	vld [tilespmem:s24+$0x8100];
	vm15 =	vge.f32 v2, $0.0e+00;
	(erf) = vpow2.f32 v3  }
0x36: {  	v2 =	vsel vm15, v2, v6  }
0x37: {  	s25 =	simm.s32 $0x180;
	v5 =	vmul.f32 $1.442695020e+00, v2  }
0x38: {  	v0 =	vld [tilespmem:s25+$0x100]  }
0x39: {  	v3 =	vld [tilespmem:s25+$0x4100];
	(erf) = vpow2.f32 v5  }
0x3a: {  	v1 =	vadd.f32 v4, v1  }
0x3b: {  	v2 =	vld [tilespmem:s25+$0x8100]  }
0x3c: {  	s26 =	simm.s32 $0x800;
	v4 =	vmul.f32 $2.000000030e-01, v1  }
.LBB2_3:
0x3d: {  	s28 =	sshra.s32 s26, $0x2;
	vm0 =	vge.f32 v1, $0.0e+00;
	p0 =	sne.s32 s26, $0xFE00  }
.Ltmp0:
0x3e: {  	s26 =	sadd.s32 $0x200, s26;
	v5 =	vadd.f32 v3, v0;
	v0 =	vld [tilespmem:s28+$0x100];
	v1 =	vsel vm0, v1, v4;
	v4 =	vpop (erf);
	(pc) =	sbr.rel @p0 .LBB2_3-.Ltmp0, $4  }
0x3f: {  	v3 =	vld [tilespmem:s28+$0x4100];
	v6 =	vmul.f32 $1.442695020e+00, v1;
	[tilespmem:s22+$0xC100] =	vst v4;
	s22 =	smov.u32 s23;
	s23 =	smov.u32 s24;
	s24 =	smov.u32 s25  }
0x40: {  	s25 =	smov.u32 s28;
	v1 =	vadd.f32 v2, v5  }
0x41: {  	v2 =	vld [tilespmem:s25+$0x8100];
	(erf) = vpow2.f32 v6  }
0x42: {  	v4 =	vmul.f32 $2.000000030e-01, v1  }
0x43: {  	_ = 	snop  }
0x44: {  	v0 =	vadd.f32 v3, v0;
	_ =	sdelay $0x1  }
0x45: {  	v0 =	vadd.f32 v2, v0;
	_ =	sdelay $0x1  }
0x46: {  	vm0 =	vge.f32 v1, $0.0e+00;
	v2 =	vmul.f32 $2.000000030e-01, v0  }
0x47: {  	v1 =	vsel vm0, v1, v4;
	vm15 =	vge.f32 v0, $0.0e+00  }
0x48: {  	v1 =	vmul.f32 $1.442695020e+00, v1;
	v0 =	vsel vm15, v0, v2  }
0x49: {  	v0 =	vmul.f32 $1.442695020e+00, v0  }
0x4a: {  	(erf) = vpow2.f32 v1  }
0x4b: {  	(erf) = vpow2.f32 v0;
	_ =	sdelay $0x5  }
0x4c: {  	v60 =	vpop (erf)  }
0x4d: {  	[tilespmem:s22+$0xC100] =	vst v60;
	v61 =	vpop (erf)  }
0x4e: {  	s20 =	sadd.s32 $0x1, s20;
	[tilespmem:s23+$0xC100] =	vst v61;
	v62 =	vpop (erf)  }
0x4f: {  	p0 =	sne.s32 s20, s10;
	[tilespmem:s24+$0xC100] =	vst v62;
	v63 =	vpop (erf)  }
.Ltmp1:
0x50: {  	s21 =	sadd.s32 s8, s21;
	[tilespmem:s25+$0xC100] =	vst v63;
	(pc) =	sbr.rel @p0 .LBB2_2-.Ltmp1, $4  }
0x51: {  	[hbm4b:s21+s2] =	stream.linear.scatter [tilespmem:s18], [sflag:$0x2], $0x4000, $0x38;
	[tilespmem:$0x10100] =	vst v63  }
0x52: {  	_ =	swait.ge [sflag:s12], $0x4000  }
0x53: {  	[sflag:s12] =	ssyncset.done $0x0  }
0x54: {  	[sflag:s12] =	ssyncadd.s32 $0xFFFFC000  }
0x55: {  	s19 =	sadd.s32 $0x1, s19  }
0x56: {  	p0 =	sne.s32 s19, s11  }
.Ltmp2:
0x57: {  	_ = 	snop;
	(pc) =	sbr.rel @p0 .LBB2_1-.Ltmp2, $1  }
0x58: {  	_ =	sdelay $0x3  }
0x59: {  	_ =	sfence.sel $0x180000  }
0x5a: {  	[bflag:$0x0] =	sbarrier.arrive $0xFFFF  }
0x5b: {  	p0 =	sne.s32 s3, $0x0;
	_ =	strace $0x90000047  }
0x5c: {  	s0 =	sadd.s32 @!p0 $0x100000, s0;
	[bflag:$0x2] =	sbarrier.arrive $0xFFFF  }
0x5d: {  	[sflag:s0] =	ssyncadd.tile.s32 @!p0 $0x1;
	_ =	shalt  }
.Lfunc_end2:
_tile_overlayer_lowered:
.L_overlay_start_2:
0x5e: {  	(tag) =	ssettag $0x2  }
0x5f: {  	s0 =	rddreg [dreg:$0x0];
	s2 =	stileid.u32  }
0x60: {  	s1 =	rddreg [dreg:$0x1];
	p0 =	sne.s32 s2, $0x0  }
0x61: {  	s3 =	rddreg [dreg:$0x2];
	[bflag:$0x3] =	sbarrier.arrive $0xFFFF;
	s2 =	simm.s32 @!p0 $0x1C02  }
0x62: {  	[timem:s3], [sflag:s2] =	dma.local @!p0 [hbm:s0], s1  }
0x63: {  	s0 =	simm.s32 @!p0 $0x2  }
0x64: {  	_ =	swait.ge @!p0 [sflag:s0], s1  }
0x65: {  	s1 =	ssub.s32 @!p0 $0x0, s1;
	[sflag:s0] =	ssyncset.done @!p0 $0x0  }
0x66: {  	[sflag:s0] =	ssyncadd.s32 @!p0 s1  }
0x67: {  	[bflag:$0x3] =	sbarrier.arrive $0xFFFF  }
0x68: {  	_ =	shalt  }

// kernel: kernel.14.cloned.1.call-start
scs
__scs_entry_jumppad:
0x0: {  	(pc) =	sbr.rel $0x88, $3  }
0x1: {  	(tag) =	ssettag $0x0;
	lr =	simm.s32 $0x1  }
0x2: {  	[smem:$0x3F93] =	sst lr;
	_ =	strace $0xD0000000  }
0x3: {  	_ = 	snop  }
0x4: {  	_ = 	snop  }
0x5: {  	_ = 	snop  }
0x6: {  	_ = 	snop  }
0x7: {  	_ = 	snop  }
__scs_overlays_trampoline_lowered:
0x8: {  	[smem:$0x3FA2] =	sst s0  }
0x9: {  	[smem:$0x3FA3] =	sst s1  }
0xa: {  	[smem:$0x3FA4] =	sst s2  }
0xb: {  	[smem:$0x3FA5] =	sst s3  }
0xc: {  	[smem:$0x3FA6] =	sst s4  }
0xd: {  	[smem:$0x3FA7] =	sst s5  }
0xe: {  	[smem:$0x3FA8] =	sst s6  }
0xf: {  	[smem:$0x3FA9] =	sst s7  }
0x10: {  	[smem:$0x3FAA] =	sst s8  }
0x11: {  	[smem:$0x3FAB] =	sst s9;
	s0 =	simm.s32 @!p0 $0x0  }
0x12: {  	s1 =	sld [smem:$0x3F91];
	s0 =	simm.s32 @p0 $0x1  }
0x13: {  	[smem:$0x3FAC] =	sst s0;
	s0 =	simm.s32 @!p1 $0x0  }
0x14: {  	s2 =	sld [smem:$0x3F90];
	s0 =	simm.s32 @p1 $0x1  }
0x15: {  	[smem:$0x3FAD] =	sst s0;
	s0 =	simm.s32 @!p2 $0x0  }
0x16: {  	s3 =	sld [smem:$0x3FDB];
	s0 =	simm.s32 @p2 $0x1  }
0x17: {  	s4 =	simm.s32 $0x1BF5;
	[smem:$0x3FAF] =	sst s0  }
0x18: {  	s0 =	sld [smem:$0x3F92];
	_ =	swait.ge [sflag:s4], $0x0  }
0x19: {  	s7 =	sld [smem:$0x3F93]  }
0x1a: {  	s8 =	sadd.s32 $0xFFFFE003, lr  }
0x1b: {  	s9 =	sadd.s32 $0xFFFFFEF7, lr;
	s5 =	simm.s32 $0xFFFFFFFF;
	p2 =	slt.u32 s8, $0xFFFFF086  }
0x1c: {  	p1 =	slt.u32 s9, $0xF7A;
	s5 =	simm.s32 @!p2 $0x0  }
0x1d: {  	s5 =	simm.s32 @p1 $0x1;
	p0 =	seq.s32 s7, s2  }
0x1e: {  	s7 =	smul.u32 @!p0 $0xF7A, s2;
	p2 =	seq.s32 @!p0 s5, $0x0  }
0x1f: {  	s9 =	smul.u32 $0xF7A, s1;
	s8 =	simm.s32 @!p0 $0x1BF5;
	p2 =	por !p2, p0  }
0x20: {  	[sflag:s8] =	ssyncset.s32 @!p0 $0xFFFFF086;
	s6 =	sadd.s32 @!p0 s3, s7;
	s7 =	simm.s32 @!p0 $0x108  }
0x21: {  	s3 =	sadd.s32 s3, s9;
	s6 =	sadd.s32 @!p0 $0x88, s6;
	s7 =	simm.s32 @p2 $0x1082  }
0x22: {  	[simem:s7], [sflag:s8] =	dma.local @!p0 [hbm:s6], $0xF7A  }
0x23: {  	s9 =	sor.u32 $0xD0000000, s2;
	s6 =	simm.s32 $0x108;
	_ =	swait.ge @!p0 [sflag:s8], $0x0  }
0x24: {  	s3 =	sadd.s32 $0x88, s3;
	s6 =	simm.s32 @!p1 $0x1082;
	[sflag:s4] =	ssyncset.s32 $0xFFFFF086  }
0x25: {  	[simem:s6], [sflag:s4] =	dma.local [hbm:s3], $0xF7A  }
0x26: {  	[smem:$0x3F93] =	sst s1;
	(tag) =	ssettag s2;
	_ =	strace s9  }
0x27: {  	s1 =	sld [smem:$0x3FA3]  }
0x28: {  	s2 =	sld [smem:$0x3FA4]  }
0x29: {  	s4 =	sld [smem:$0x3FA6]  }
0x2a: {  	p0 =	seq.s32 s5, $0x0;
	s5 =	sld [smem:$0x3FA7]  }
0x2b: {  	s6 =	sld [smem:$0x3FA8]  }
0x2c: {  	s7 =	sld [smem:$0x3FA9]  }
0x2d: {  	s3 =	simm.s32 $0x108;
	s8 =	sld [smem:$0x3FAA]  }
0x2e: {  	s3 =	simm.s32 @!p0 $0x1082;
	s9 =	sld [smem:$0x3FAB]  }
0x2f: {  	lr =	sadd.s32 s0, s3;
	s0 =	sld [smem:$0x3FA2]  }
0x30: {  	s3 =	sld [smem:$0x3FA5]  }
0x31: {  	[smem:$0x3FAE] =	sst s10  }
0x32: {  	s10 =	sld [smem:$0x3FAC];
	_ =	sdelay $0x3  }
0x33: {  	p0 =	seq.s32 s10, $0x1;
	s10 =	sld [smem:$0x3FAE];
	_ =	sdelay $0x3  }
0x34: {  	[smem:$0x3FAE] =	sst s10  }
0x35: {  	s10 =	sld [smem:$0x3FAD];
	_ =	sdelay $0x3  }
0x36: {  	p1 =	seq.s32 s10, $0x1;
	s10 =	sld [smem:$0x3FAE];
	_ =	sdelay $0x3  }
0x37: {  	[smem:$0x3FAE] =	sst s10  }
0x38: {  	s10 =	sld [smem:$0x3FAF]  }
0x39: {  	_ = 	snop;
	(pc) =	sbr.ind lr, $3  }
0x3a: {  	_ = 	snop  }
0x3b: {  	_ = 	snop  }
0x3c: {  	p2 =	seq.s32 s10, $0x1;
	s10 =	sld [smem:$0x3FAE]  }
0x3d: {  	_ =	shalt  }
0x3e: {  	_ =	shalt  }
0x3f: {  	_ =	shalt  }
0x40: {  	_ =	shalt  }
0x41: {  	_ =	shalt  }
0x42: {  	_ =	shalt  }
0x43: {  	_ =	shalt  }
0x44: {  	_ =	shalt  }
0x45: {  	_ =	shalt  }
0x46: {  	_ =	shalt  }
0x47: {  	_ =	shalt  }
0x48: {  	_ =	shalt  }
0x49: {  	_ =	shalt  }
0x4a: {  	_ =	shalt  }
0x4b: {  	_ =	shalt  }
0x4c: {  	_ =	shalt  }
0x4d: {  	_ =	shalt  }
0x4e: {  	_ =	shalt  }
0x4f: {  	_ =	shalt  }
0x50: {  	_ =	shalt  }
0x51: {  	_ =	shalt  }
0x52: {  	_ =	shalt  }
0x53: {  	_ =	shalt  }
0x54: {  	_ =	shalt  }
0x55: {  	_ =	shalt  }
0x56: {  	_ =	shalt  }
0x57: {  	_ =	shalt  }
0x58: {  	_ =	shalt  }
0x59: {  	_ =	shalt  }
0x5a: {  	_ =	shalt  }
0x5b: {  	_ =	shalt  }
0x5c: {  	_ =	shalt  }
0x5d: {  	_ =	shalt  }
0x5e: {  	_ =	shalt  }
0x5f: {  	_ =	shalt  }
0x60: {  	_ =	shalt  }
0x61: {  	_ =	shalt  }
0x62: {  	_ =	shalt  }
0x63: {  	_ =	shalt  }
0x64: {  	_ =	shalt  }
0x65: {  	_ =	shalt  }
0x66: {  	_ =	shalt  }
0x67: {  	_ =	shalt  }
0x68: {  	_ =	shalt  }
0x69: {  	_ =	shalt  }
0x6a: {  	_ =	shalt  }
0x6b: {  	_ =	shalt  }
0x6c: {  	_ =	shalt  }
0x6d: {  	_ =	shalt  }
0x6e: {  	_ =	shalt  }
0x6f: {  	_ =	shalt  }
0x70: {  	_ =	shalt  }
0x71: {  	_ =	shalt  }
0x72: {  	_ =	shalt  }
0x73: {  	_ =	shalt  }
0x74: {  	_ =	shalt  }
0x75: {  	_ =	shalt  }
0x76: {  	_ =	shalt  }
0x77: {  	_ =	shalt  }
0x78: {  	_ =	shalt  }
0x79: {  	_ =	shalt  }
0x7a: {  	_ =	shalt  }
0x7b: {  	_ =	shalt  }
0x7c: {  	_ =	shalt  }
0x7d: {  	_ =	shalt  }
0x7e: {  	_ =	shalt  }
0x7f: {  	_ =	shalt  }
0x80: {  	_ =	shalt  }
0x81: {  	_ =	shalt  }
0x82: {  	_ =	shalt  }
0x83: {  	_ =	shalt  }
0x84: {  	_ =	shalt  }
0x85: {  	_ =	shalt  }
0x86: {  	_ =	shalt  }
0x87: {  	_ =	shalt  }
.Lfunc_end0:
.L_simem_size_0:
called_computation.1_lowered:
.L_overlay_start_0:
0x88: {  	s2 =	sld [smem:$0x3FD9]  }
0x89: {  	s3 =	sld [smem:$0x3FFE];
	_ =	sdelay $0x1  }
0x8a: {  	s1 =	srdreg.scid  }
0x8b: {  	s0 =	sand.u32 $0x1, s1  }
0x8c: {  	s16 =	sshll.u32 s0, $0xA;
	s2 =	sadd.s32 s3, s2  }
0x8d: {  	s2 =	sadd.s32 s2, s16  }
0x8e: {  	[smem:$0x3FBA] =	sst s2  }
0x8f: {  	_ = 	snop  }
0x90: {  	(tm) =	ssettm $0x1  }
0x91: {  	s17 =	sld [smem:$0x3FFB];
	_ =	sdelay $0x3  }
0x92: {  	_ =	strace s17  }
0x93: {  	s2 =	sld [smem:$0x3FFC];
	_ =	sdelay $0x3  }
0x94: {  	_ =	strace s2  }
0x95: {  	s2 =	sld [smem:$0x3FFD];
	_ =	sdelay $0x3  }
0x96: {  	_ =	strace s2  }
0x97: {  	_ =	strace $0x8FFFFFFF  }
0x98: {  	s18 =	sld [smem:$0x3FDB];
	_ =	sdelay $0x1  }
0x99: {  	s19 =	simm.s32 $_scs_section_size  }
0x9a: {  	s4 =	simm.s32 $_size__tile_overlayer_lowered;
	s5 =	simm.s32 $_tile_overlayer_lowered  }
0x9b: {  	s22 =	simm.s32 $0x1BFF;
	s21 =	sshll.u32 s5, $0x1;
	s2 =	sadd.s32 s19, s18  }
0x9c: {  	s6 =	simm.s32 $0x0;
	s20 =	sshll.u32 s4, $0x1;
	s4 =	sadd.s32 s21, s2  }
0x9d: {  	[timem:s6], [sflag:s22] =	dma.local [hbm:s4], s20  }
0x9e: {  	_ =	swait.ge [sflag:s22], s20  }
0x9f: {  	s3 =	ssub.s32 $0x0, s20;
	[sflag:s22] =	ssyncset.done $0x0  }
0xa0: {  	[sflag:s22] =	ssyncadd.s32 s3;
	_ =	sdelay $0x1  }
0xa1: {  	s23 =	simm.s32 $0x1B8B  }
0xa2: {  	_ =	swait.ge [sflag:s23], $0x1  }
0xa3: {  	[sflag:s23] =	ssyncset.done $0x0  }
0xa4: {  	s25 =	simm.s32 $0x1B8E;
	s24 =	sld [smem:$0x3FFE];
	[sflag:s23] =	ssyncadd.s32 $0xFFFFFFFF  }
0xa5: {  	s26 =	simm.s32 $execute0_lowered;
	[smem:$0x3FD2] =	sst s25  }
0xa6: {  	s4 =	sshll.u32 s26, $0x1;
	_ =	strace $0x80000049;
	[dreg:$0x1] =	wrdreg $0xFFFFFFFF  }
0xa7: {  	s28 =	simm.s32 $_size_execute0_lowered;
	s2 =	sadd.s32 s2, s4;
	[dreg:$0x0] =	wrdreg $0x0  }
0xa8: {  	s4 =	sshll.u32 s28, $0x1;
	[dreg:$0x2] =	wrdreg s2  }
0xa9: {  	[dreg:$0x3] =	wrdreg s4  }
0xaa: {  	[dreg:$0x4] =	wrdreg $0xC0  }
0xab: {  	_ =	task [dreg:s6], $0x5FFFF  }
0xac: {  	[dreg:$0x1] =	wrdreg $0xFFFFFFFF  }
0xad: {  	[dreg:$0x0] =	wrdreg $0x60  }
0xae: {  	[dreg:$0x2] =	wrdreg s24  }
0xaf: {  	[dreg:$0x3] =	wrdreg $0x68800  }
0xb0: {  	[dreg:$0x4] =	wrdreg $0x9  }
0xb1: {  	_ =	task.clear_ibuf [dreg:s6], $0x5FFFF;
	_ =	strace $0x90000049  }
0xb2: {  	s29 =	simm.s32 $0x9;
	_ =	strace $0x8000004B  }
0xb3: {  	_ =	swait.ge [sflag:s29], $0x1  }
0xb4: {  	[sflag:s29] =	ssyncadd.s32 $0xFFFFFFFF  }
0xb5: {  	_ =	strace $0x9000004B  }
0xb6: {  	_ =	sfence  }
0xb7: {  	s30 =	sld [smem:$0x0];
	_ =	sdelay $0x2  }
0xb8: {  	s31 =	sshll.u32 s1, $0xD;
	s1 =	sshrl.u32 s1, $0x2  }
0xb9: {  	s3 =	sand.u32 $0x4000, s31;
	s1 =	sadd.s32 s1, s30  }
0xba: {  	s0 =	sor.u32 s3, s0;
	s1 =	sshll.u32 s1, $0x11  }
0xbb: {  	s0 =	sor.u32 s1, s0  }
0xbc: {  	s0 =	sadd.s32 $0x8F2B, s0  }
0xbd: {  	[sflag:s0] =	ssyncadd.remote.s32 $0x1  }
0xbe: {  	_ =	sfence.sel $0xFFFF  }
0xbf: {  	[dreg:$0x0] =	wrdreg $0xFFFFFFFF;
	(pc) =	sbr.abs _section_cstart, $3  }
0xc0: {  	[dreg:$0x1] =	wrdreg $0xFFFFFFFF  }
0xc1: {  	_ =	task.clear_ibuf [dreg:s6], $0x2FFFF;
	_ =	strace $0x9FFFFFFF  }
0xc2: {  	(tm) =	ssettm $0x7FFFFFFF  }
0xc3: {  	_ =	shalt  }
tec
execute0_lowered:
.L_overlay_start_1:
0x0: {  	(tag) =	ssettag $0x1  }
0x1: {  	s4 =	rddreg [dreg:$0x0]  }
0x2: {  	s2 =	rddreg [dreg:$0x1]  }
0x3: {  	s1 =	srdreg.scid;
	s0 =	rddreg [dreg:$0x2]  }
0x4: {  	s3 =	simm.s32 $0x0;
	s17 =	simm.s32 $0x4080;
	s5 =	sand.u32 $0x1, s1  }
0x5: {  	s18 =	simm.s32 $0x1;
	s1 =	stileid.u32;
	s6 =	smul.u32 $0x27100, s5  }
0x6: {  	s19 =	simm.s32 $0x80;
	s22 =	simm.s32 $0x0;
	s8 =	smul.u32 $0x2800, s1  }
0x7: {  	[smem:$0x7FF] =	sst s3;
	s7 =	sshll.u32 s1, $0x7;
	s28 =	smul.u32 $0x28000, s5  }
0x8: {  	s9 =	sshll.u32 s1, $0xB;
	s10 =	smul.u32 $0x50000, s1;
	_ =	strace $0x8000004A  }
0x9: {  	s5 =	ssub.s32 $0x2, s5;
	s12 =	ssub.s32 $0x4F1, s1;
	s20 =	sshll.u32 s1, $0x6  }
0xa: {  	s15 =	sadd.s32 s9, s4;
	s31 =	sshrl.u32 s5, $0x1;
	s12 =	sshrl.u32 s12, $0x4  }
0xb: {  	s20 =	sor.u32 $0x1C01, s20;
	s6 =	sadd.s32 s7, s6;
	s29 =	sadd.s32 s8, s28  }
0xc: {  	s30 =	sshrl.u32 s10, $0x2;
	s14 =	ssub.s32 s5, s31;
	s15 =	sadd.s32 $0xFF400, s15  }
0xd: {  	s6 =	sshrl.u32 s6, $0x3;
	s13 =	sadd.s32 s29, s4;
	s14 =	smax.u32 s14, $0x1  }
0xe: {  	s16 =	sadd.s32 s6, s4;
	s4 =	sadd.s32 s30, s2;
	s13 =	sadd.s32 $0x370400, s13  }
0xf: {  	s5 =	sadd.s32 $0x2800, s4;
	s6 =	sadd.s32 $0x5000, s4;
	s7 =	sadd.s32 $0x7800, s4  }
0x10: {  	s8 =	sadd.s32 $0xA000, s4;
	s9 =	sadd.s32 $0xC800, s4;
	s10 =	sadd.s32 $0xF000, s4  }
0x11: {  	v0 =	vimm.f32 $0.0e+00;
	s11 =	sadd.s32 $0x11800, s4;
	s16 =	sadd.s32 $0x5E1400, s16;
	s21 =	sshrl.u32 s4, $0x3  }
.LBB2_1:
0x12: {  	s23 =	simm.s32 $0x200;
	s24 =	simm.s32 $0x0  }
.LBB2_2:
0x13: {  	p0 =	sne.s32 s23, $0x9E00;
	[tilespmem:s24+$0x4080] =	vst v0;
	s24 =	smov.u32 s23;
	s23 =	sadd.s32 $0x200, s23  }
.Ltmp0:
0x14: {  	(pc) =	sbr.rel @p0 .LBB2_2-.Ltmp0, $2  }
0x15: {  	_ =	sdelay $0x2  }
0x16: {  	s24 =	sshra.s32 s24, $0x2  }
0x17: {  	[tilespmem:s24+$0x4080] =	vst v0  }
0x18: {  	[spmem:s4] =	stream.linear.scatter [tilespmem:s17], [sflag:$0x1], $0x2800, $0x38;
	[tilespmem:$0x9080] =	vst v63  }
0x19: {  	_ =	swait.ge [sflag:s18], $0x2800  }
0x1a: {  	[sflag:s18] =	ssyncset.done $0x0  }
0x1b: {  	[sflag:s18] =	ssyncadd.s32 $0xFFFFD800  }
0x1c: {  	[spmem:s5] =	stream.linear.scatter [tilespmem:s17], [sflag:$0x1], $0x2800, $0x38;
	[tilespmem:$0x9080] =	vst v63  }
0x1d: {  	_ =	swait.ge [sflag:s18], $0x2800  }
0x1e: {  	[sflag:s18] =	ssyncset.done $0x0  }
0x1f: {  	[sflag:s18] =	ssyncadd.s32 $0xFFFFD800  }
0x20: {  	[spmem:s6] =	stream.linear.scatter [tilespmem:s17], [sflag:$0x1], $0x2800, $0x38;
	[tilespmem:$0x9080] =	vst v63  }
0x21: {  	_ =	swait.ge [sflag:s18], $0x2800  }
0x22: {  	[sflag:s18] =	ssyncset.done $0x0  }
0x23: {  	[sflag:s18] =	ssyncadd.s32 $0xFFFFD800  }
0x24: {  	[spmem:s7] =	stream.linear.scatter [tilespmem:s17], [sflag:$0x1], $0x2800, $0x38;
	[tilespmem:$0x9080] =	vst v63  }
0x25: {  	_ =	swait.ge [sflag:s18], $0x2800  }
0x26: {  	[sflag:s18] =	ssyncset.done $0x0  }
0x27: {  	[sflag:s18] =	ssyncadd.s32 $0xFFFFD800  }
0x28: {  	[spmem:s8] =	stream.linear.scatter [tilespmem:s17], [sflag:$0x1], $0x2800, $0x38;
	[tilespmem:$0x9080] =	vst v63  }
0x29: {  	_ =	swait.ge [sflag:s18], $0x2800  }
0x2a: {  	[sflag:s18] =	ssyncset.done $0x0  }
0x2b: {  	[sflag:s18] =	ssyncadd.s32 $0xFFFFD800  }
0x2c: {  	[spmem:s9] =	stream.linear.scatter [tilespmem:s17], [sflag:$0x1], $0x2800, $0x38;
	[tilespmem:$0x9080] =	vst v63  }
0x2d: {  	_ =	swait.ge [sflag:s18], $0x2800  }
0x2e: {  	[sflag:s18] =	ssyncset.done $0x0  }
0x2f: {  	[sflag:s18] =	ssyncadd.s32 $0xFFFFD800  }
0x30: {  	[spmem:s10] =	stream.linear.scatter [tilespmem:s17], [sflag:$0x1], $0x2800, $0x38;
	[tilespmem:$0x9080] =	vst v63  }
0x31: {  	_ =	swait.ge [sflag:s18], $0x2800  }
0x32: {  	[sflag:s18] =	ssyncset.done $0x0  }
0x33: {  	[sflag:s18] =	ssyncadd.s32 $0xFFFFD800  }
0x34: {  	[spmem:s11] =	stream.linear.scatter [tilespmem:s17], [sflag:$0x1], $0x2800, $0x38;
	[tilespmem:$0x9080] =	vst v63  }
0x35: {  	_ =	swait.ge [sflag:s18], $0x2800  }
0x36: {  	[sflag:s18] =	ssyncset.done $0x0  }
0x37: {  	[sflag:s18] =	ssyncadd.s32 $0xFFFFD800  }
0x38: {  	[bflag:$0x0] =	sbarrier.arrive $0xFFFF  }
0x39: {  	[tilespmem:s3], [sflag:$0x1] =	stream.linear.gather [hbm4b:s16+s3], $0x80, $0x38;
	[tilespmem:$0x9080] =	vst v63  }
0x3a: {  	_ =	swait.ge [sflag:s18], $0x80  }
0x3b: {  	[sflag:s18] =	ssyncset.done $0x0  }
0x3c: {  	[sflag:s18] =	ssyncadd.s32 $0xFFFFFF80  }
0x3d: {  	[tilespmem:s19], [sflag:$0x1] =	stream.linear.gather [hbm4b:s15+s3], $0x4000, $0x38;
	[tilespmem:$0x9080] =	vst v63  }
0x3e: {  	p0 =	sne.s32 s12, $0x1;
	_ =	swait.ge [sflag:s18], $0x4000  }
.Ltmp1:
0x3f: {  	[sflag:s18] =	ssyncset.done $0x0;
	(pc) =	sbr.rel @!p0 .LBB2_5-.Ltmp1, $4  }
0x40: {  	[sflag:s18] =	ssyncadd.s32 $0xFFFFC000  }
0x41: {  	[spmem:s2] =	stream.indirect.scatter.add.f32 [tilespmem:s19], [sflag:$0x1], $0x10, s3, s19, $0xb8;
	[tilespmem:$0x9080] =	vst v63  }
0x42: {  	s23 =	sadd.s32 $0xFFFFFFFF, s12;
	_ =	swait.ge [sflag:s18], $0x800  }
0x43: {  	s24 =	smov.u32 s15;
	s25 =	smov.u32 s16;
	[sflag:s18] =	ssyncset.done $0x0  }
.LBB2_4:
0x44: {  	[sflag:s18] =	ssyncadd.s32 $0xFFFFF800;
	s24 =	sadd.s32 $0x8000, s24;
	s25 =	sadd.s32 $0x100, s25  }
0x45: {  	[tilespmem:s3], [sflag:$0x1] =	stream.linear.gather [hbm4b:s25+s3], $0x80, $0x38;
	[tilespmem:$0x9080] =	vst v63  }
0x46: {  	p0 =	sne.s32 s23, $0x1;
	s23 =	sadd.s32 $0xFFFFFFFF, s23;
	_ =	swait.ge [sflag:s18], $0x80  }
0x47: {  	[sflag:s18] =	ssyncset.done $0x0  }
0x48: {  	[sflag:s18] =	ssyncadd.s32 $0xFFFFFF80  }
0x49: {  	[tilespmem:s19], [sflag:$0x1] =	stream.linear.gather [hbm4b:s24+s3], $0x4000, $0x38;
	[tilespmem:$0x9080] =	vst v63  }
0x4a: {  	_ =	swait.ge [sflag:s18], $0x4000  }
.Ltmp2:
0x4b: {  	[sflag:s18] =	ssyncset.done $0x0;
	(pc) =	sbr.rel @p0 .LBB2_4-.Ltmp2, $4  }
0x4c: {  	[sflag:s18] =	ssyncadd.s32 $0xFFFFC000  }
0x4d: {  	[spmem:s2] =	stream.indirect.scatter.add.f32 [tilespmem:s19], [sflag:$0x1], $0x10, s3, s19, $0xb8;
	[tilespmem:$0x9080] =	vst v63  }
0x4e: {  	_ =	swait.ge [sflag:s18], $0x800  }
0x4f: {  	[sflag:s18] =	ssyncset.done $0x0  }
.LBB2_5:
0x50: {  	s22 =	sadd.s32 $0x1, s22  }
0x51: {  	[sflag:s18] =	ssyncadd.s32 $0xFFFFF800;
	p0 =	sne.s32 s22, s14  }
.Ltmp3:
0x52: {  	[bflag:$0x0] =	sbarrier.arrive $0xFFFF;
	(pc) =	sbr.rel @p0 .LBB2_1-.Ltmp3, $4  }
0x53: {  	[hbm:s13], [sflag:s20] =	dma.local [spmem:s21], $0x2800  }
0x54: {  	_ =	swait.ge [sflag:s18], $0x2800  }
0x55: {  	[sflag:s18] =	ssyncset.done $0x0  }
0x56: {  	[sflag:s18] =	ssyncadd.s32 $0xFFFFD800  }
0x57: {  	_ =	sfence.sel $0x180000  }
0x58: {  	[bflag:$0x0] =	sbarrier.arrive $0xFFFF  }
0x59: {  	p0 =	sne.s32 s1, $0x0;
	_ =	strace $0x9000004A  }
0x5a: {  	s0 =	sadd.s32 @!p0 $0x100000, s0;
	[bflag:$0x2] =	sbarrier.arrive $0xFFFF  }
0x5b: {  	[sflag:s0] =	ssyncadd.tile.s32 @!p0 $0x1;
	_ =	shalt  }
.Lfunc_end2:
_tile_overlayer_lowered:
.L_overlay_start_2:
0x5c: {  	(tag) =	ssettag $0x2  }
0x5d: {  	s0 =	rddreg [dreg:$0x0];
	s2 =	stileid.u32  }
0x5e: {  	s1 =	rddreg [dreg:$0x1];
	p0 =	sne.s32 s2, $0x0  }
0x5f: {  	s3 =	rddreg [dreg:$0x2];
	[bflag:$0x3] =	sbarrier.arrive $0xFFFF;
	s2 =	simm.s32 @!p0 $0x1C01  }
0x60: {  	[timem:s3], [sflag:s2] =	dma.local @!p0 [hbm:s0], s1  }
0x61: {  	s0 =	simm.s32 @!p0 $0x1  }
0x62: {  	_ =	swait.ge @!p0 [sflag:s0], s1  }
0x63: {  	s1 =	ssub.s32 @!p0 $0x0, s1;
	[sflag:s0] =	ssyncset.done @!p0 $0x0  }
0x64: {  	[sflag:s0] =	ssyncadd.s32 @!p0 s1  }
0x65: {  	[bflag:$0x3] =	sbarrier.arrive $0xFFFF  }
0x66: {  	_ =	shalt  }

// kernel: kernel.17.cloned.1.call-start
scs
__scs_entry_jumppad:
0x0: {  	(pc) =	sbr.rel $0x88, $3  }
0x1: {  	(tag) =	ssettag $0x0;
	lr =	simm.s32 $0x1  }
0x2: {  	[smem:$0x3F93] =	sst lr;
	_ =	strace $0xD0000000  }
0x3: {  	_ = 	snop  }
0x4: {  	_ = 	snop  }
0x5: {  	_ = 	snop  }
0x6: {  	_ = 	snop  }
0x7: {  	_ = 	snop  }
__scs_overlays_trampoline_lowered:
0x8: {  	[smem:$0x3FA2] =	sst s0  }
0x9: {  	[smem:$0x3FA3] =	sst s1  }
0xa: {  	[smem:$0x3FA4] =	sst s2  }
0xb: {  	[smem:$0x3FA5] =	sst s3  }
0xc: {  	[smem:$0x3FA6] =	sst s4  }
0xd: {  	[smem:$0x3FA7] =	sst s5  }
0xe: {  	[smem:$0x3FA8] =	sst s6  }
0xf: {  	[smem:$0x3FA9] =	sst s7  }
0x10: {  	[smem:$0x3FAA] =	sst s8  }
0x11: {  	[smem:$0x3FAB] =	sst s9;
	s0 =	simm.s32 @!p0 $0x0  }
0x12: {  	s1 =	sld [smem:$0x3F91];
	s0 =	simm.s32 @p0 $0x1  }
0x13: {  	[smem:$0x3FAC] =	sst s0;
	s0 =	simm.s32 @!p1 $0x0  }
0x14: {  	s2 =	sld [smem:$0x3F90];
	s0 =	simm.s32 @p1 $0x1  }
0x15: {  	[smem:$0x3FAD] =	sst s0;
	s0 =	simm.s32 @!p2 $0x0  }
0x16: {  	s3 =	sld [smem:$0x3FDB];
	s0 =	simm.s32 @p2 $0x1  }
0x17: {  	s4 =	simm.s32 $0x1BF5;
	[smem:$0x3FAF] =	sst s0  }
0x18: {  	s0 =	sld [smem:$0x3F92];
	_ =	swait.ge [sflag:s4], $0x0  }
0x19: {  	s7 =	sld [smem:$0x3F93]  }
0x1a: {  	s8 =	sadd.s32 $0xFFFFE003, lr  }
0x1b: {  	s9 =	sadd.s32 $0xFFFFFEF7, lr;
	s5 =	simm.s32 $0xFFFFFFFF;
	p2 =	slt.u32 s8, $0xFFFFF086  }
0x1c: {  	p1 =	slt.u32 s9, $0xF7A;
	s5 =	simm.s32 @!p2 $0x0  }
0x1d: {  	s5 =	simm.s32 @p1 $0x1;
	p0 =	seq.s32 s7, s2  }
0x1e: {  	s7 =	smul.u32 @!p0 $0xF7A, s2;
	p2 =	seq.s32 @!p0 s5, $0x0  }
0x1f: {  	s9 =	smul.u32 $0xF7A, s1;
	s8 =	simm.s32 @!p0 $0x1BF5;
	p2 =	por !p2, p0  }
0x20: {  	[sflag:s8] =	ssyncset.s32 @!p0 $0xFFFFF086;
	s6 =	sadd.s32 @!p0 s3, s7;
	s7 =	simm.s32 @!p0 $0x108  }
0x21: {  	s3 =	sadd.s32 s3, s9;
	s6 =	sadd.s32 @!p0 $0x88, s6;
	s7 =	simm.s32 @p2 $0x1082  }
0x22: {  	[simem:s7], [sflag:s8] =	dma.local @!p0 [hbm:s6], $0xF7A  }
0x23: {  	s9 =	sor.u32 $0xD0000000, s2;
	s6 =	simm.s32 $0x108;
	_ =	swait.ge @!p0 [sflag:s8], $0x0  }
0x24: {  	s3 =	sadd.s32 $0x88, s3;
	s6 =	simm.s32 @!p1 $0x1082;
	[sflag:s4] =	ssyncset.s32 $0xFFFFF086  }
0x25: {  	[simem:s6], [sflag:s4] =	dma.local [hbm:s3], $0xF7A  }
0x26: {  	[smem:$0x3F93] =	sst s1;
	(tag) =	ssettag s2;
	_ =	strace s9  }
0x27: {  	s1 =	sld [smem:$0x3FA3]  }
0x28: {  	s2 =	sld [smem:$0x3FA4]  }
0x29: {  	s4 =	sld [smem:$0x3FA6]  }
0x2a: {  	p0 =	seq.s32 s5, $0x0;
	s5 =	sld [smem:$0x3FA7]  }
0x2b: {  	s6 =	sld [smem:$0x3FA8]  }
0x2c: {  	s7 =	sld [smem:$0x3FA9]  }
0x2d: {  	s3 =	simm.s32 $0x108;
	s8 =	sld [smem:$0x3FAA]  }
0x2e: {  	s3 =	simm.s32 @!p0 $0x1082;
	s9 =	sld [smem:$0x3FAB]  }
0x2f: {  	lr =	sadd.s32 s0, s3;
	s0 =	sld [smem:$0x3FA2]  }
0x30: {  	s3 =	sld [smem:$0x3FA5]  }
0x31: {  	[smem:$0x3FAE] =	sst s10  }
0x32: {  	s10 =	sld [smem:$0x3FAC];
	_ =	sdelay $0x3  }
0x33: {  	p0 =	seq.s32 s10, $0x1;
	s10 =	sld [smem:$0x3FAE];
	_ =	sdelay $0x3  }
0x34: {  	[smem:$0x3FAE] =	sst s10  }
0x35: {  	s10 =	sld [smem:$0x3FAD];
	_ =	sdelay $0x3  }
0x36: {  	p1 =	seq.s32 s10, $0x1;
	s10 =	sld [smem:$0x3FAE];
	_ =	sdelay $0x3  }
0x37: {  	[smem:$0x3FAE] =	sst s10  }
0x38: {  	s10 =	sld [smem:$0x3FAF]  }
0x39: {  	_ = 	snop;
	(pc) =	sbr.ind lr, $3  }
0x3a: {  	_ = 	snop  }
0x3b: {  	_ = 	snop  }
0x3c: {  	p2 =	seq.s32 s10, $0x1;
	s10 =	sld [smem:$0x3FAE]  }
0x3d: {  	_ =	shalt  }
0x3e: {  	_ =	shalt  }
0x3f: {  	_ =	shalt  }
0x40: {  	_ =	shalt  }
0x41: {  	_ =	shalt  }
0x42: {  	_ =	shalt  }
0x43: {  	_ =	shalt  }
0x44: {  	_ =	shalt  }
0x45: {  	_ =	shalt  }
0x46: {  	_ =	shalt  }
0x47: {  	_ =	shalt  }
0x48: {  	_ =	shalt  }
0x49: {  	_ =	shalt  }
0x4a: {  	_ =	shalt  }
0x4b: {  	_ =	shalt  }
0x4c: {  	_ =	shalt  }
0x4d: {  	_ =	shalt  }
0x4e: {  	_ =	shalt  }
0x4f: {  	_ =	shalt  }
0x50: {  	_ =	shalt  }
0x51: {  	_ =	shalt  }
0x52: {  	_ =	shalt  }
0x53: {  	_ =	shalt  }
0x54: {  	_ =	shalt  }
0x55: {  	_ =	shalt  }
0x56: {  	_ =	shalt  }
0x57: {  	_ =	shalt  }
0x58: {  	_ =	shalt  }
0x59: {  	_ =	shalt  }
0x5a: {  	_ =	shalt  }
0x5b: {  	_ =	shalt  }
0x5c: {  	_ =	shalt  }
0x5d: {  	_ =	shalt  }
0x5e: {  	_ =	shalt  }
0x5f: {  	_ =	shalt  }
0x60: {  	_ =	shalt  }
0x61: {  	_ =	shalt  }
0x62: {  	_ =	shalt  }
0x63: {  	_ =	shalt  }
0x64: {  	_ =	shalt  }
0x65: {  	_ =	shalt  }
0x66: {  	_ =	shalt  }
0x67: {  	_ =	shalt  }
0x68: {  	_ =	shalt  }
0x69: {  	_ =	shalt  }
0x6a: {  	_ =	shalt  }
0x6b: {  	_ =	shalt  }
0x6c: {  	_ =	shalt  }
0x6d: {  	_ =	shalt  }
0x6e: {  	_ =	shalt  }
0x6f: {  	_ =	shalt  }
0x70: {  	_ =	shalt  }
0x71: {  	_ =	shalt  }
0x72: {  	_ =	shalt  }
0x73: {  	_ =	shalt  }
0x74: {  	_ =	shalt  }
0x75: {  	_ =	shalt  }
0x76: {  	_ =	shalt  }
0x77: {  	_ =	shalt  }
0x78: {  	_ =	shalt  }
0x79: {  	_ =	shalt  }
0x7a: {  	_ =	shalt  }
0x7b: {  	_ =	shalt  }
0x7c: {  	_ =	shalt  }
0x7d: {  	_ =	shalt  }
0x7e: {  	_ =	shalt  }
0x7f: {  	_ =	shalt  }
0x80: {  	_ =	shalt  }
0x81: {  	_ =	shalt  }
0x82: {  	_ =	shalt  }
0x83: {  	_ =	shalt  }
0x84: {  	_ =	shalt  }
0x85: {  	_ =	shalt  }
0x86: {  	_ =	shalt  }
0x87: {  	_ =	shalt  }
.Lfunc_end0:
.L_simem_size_0:
called_computation.2_lowered:
.L_overlay_start_0:
0x88: {  	s2 =	sld [smem:$0x3FD9]  }
0x89: {  	s3 =	sld [smem:$0x3FFE];
	_ =	sdelay $0x1  }
0x8a: {  	s1 =	srdreg.scid  }
0x8b: {  	s0 =	sand.u32 $0x1, s1  }
0x8c: {  	s17 =	sshll.u32 s0, $0xA;
	s2 =	sadd.s32 s3, s2  }
0x8d: {  	s2 =	sadd.s32 s2, s17  }
0x8e: {  	[smem:$0x3FBA] =	sst s2  }
0x8f: {  	_ = 	snop  }
0x90: {  	s2 =	sld [smem:$0x3FD0];
	(tm) =	ssettm $0x1  }
0x91: {  	s18 =	sld [smem:$0x3FFB];
	_ =	sdelay $0x3  }
0x92: {  	_ =	strace s18  }
0x93: {  	s3 =	sld [smem:$0x3FFC];
	_ =	sdelay $0x3  }
0x94: {  	_ =	strace s3  }
0x95: {  	s3 =	sld [smem:$0x3FFD];
	_ =	sdelay $0x3  }
0x96: {  	_ =	strace s3  }
0x97: {  	_ =	strace $0x8FFFFFFF  }
0x98: {  	s19 =	sld [smem:$0x3FDB];
	_ =	sdelay $0x1  }
0x99: {  	s4 =	simm.s32 $_scs_section_size  }
0x9a: {  	s5 =	simm.s32 $_size__tile_overlayer_lowered;
	s6 =	simm.s32 $_tile_overlayer_lowered  }
0x9b: {  	s22 =	simm.s32 $0x1BFF;
	s21 =	sshll.u32 s6, $0x1;
	s3 =	sadd.s32 s4, s19  }
0x9c: {  	s7 =	simm.s32 $0x0;
	s20 =	sshll.u32 s5, $0x1;
	s5 =	sadd.s32 s21, s3  }
0x9d: {  	[timem:s7], [sflag:s22] =	dma.local [hbm:s5], s20  }
0x9e: {  	_ =	swait.ge [sflag:s22], s20  }
0x9f: {  	s4 =	ssub.s32 $0x0, s20;
	[sflag:s22] =	ssyncset.done $0x0  }
0xa0: {  	[sflag:s22] =	ssyncadd.s32 s4;
	_ =	sdelay $0x1  }
0xa1: {  	s23 =	simm.s32 $0x1B8B  }
0xa2: {  	_ =	swait.ge [sflag:s23], $0x1  }
0xa3: {  	[sflag:s23] =	ssyncset.done $0x0  }
0xa4: {  	s25 =	simm.s32 $0x1B8E;
	s24 =	sld [smem:$0x3FFE];
	[sflag:s23] =	ssyncadd.s32 $0xFFFFFFFF  }
0xa5: {  	s26 =	simm.s32 $execute0_lowered;
	[smem:$0x3FD2] =	sst s25  }
0xa6: {  	s5 =	sshll.u32 s26, $0x1;
	_ =	strace $0x8000004C;
	[dreg:$0x1] =	wrdreg $0xFFFFFFFF  }
0xa7: {  	s28 =	simm.s32 $_size_execute0_lowered;
	s3 =	sadd.s32 s3, s5;
	[dreg:$0x0] =	wrdreg $0x0  }
0xa8: {  	s5 =	sshll.u32 s28, $0x1;
	[dreg:$0x2] =	wrdreg s3  }
0xa9: {  	[dreg:$0x3] =	wrdreg s5  }
0xaa: {  	[dreg:$0x4] =	wrdreg $0xC0  }
0xab: {  	_ =	task [dreg:s7], $0x5FFFF  }
0xac: {  	[dreg:$0x1] =	wrdreg $0xFFFFFFFF  }
0xad: {  	[dreg:$0x0] =	wrdreg $0x60  }
0xae: {  	[dreg:$0x2] =	wrdreg s24  }
0xaf: {  	[dreg:$0x3] =	wrdreg s2  }
0xb0: {  	[dreg:$0x4] =	wrdreg $0x9  }
0xb1: {  	_ =	task.clear_ibuf [dreg:s7], $0x5FFFF;
	_ =	strace $0x9000004C  }
0xb2: {  	s29 =	simm.s32 $0x9;
	_ =	strace $0x8000004E  }
0xb3: {  	_ =	swait.ge [sflag:s29], $0x1  }
0xb4: {  	[sflag:s29] =	ssyncadd.s32 $0xFFFFFFFF  }
0xb5: {  	_ =	strace $0x9000004E  }
0xb6: {  	_ =	sfence  }
0xb7: {  	s30 =	sld [smem:$0x0];
	_ =	sdelay $0x2  }
0xb8: {  	s31 =	sshll.u32 s1, $0xD;
	s1 =	sshrl.u32 s1, $0x2  }
0xb9: {  	s3 =	sand.u32 $0x4000, s31;
	s1 =	sadd.s32 s1, s30  }
0xba: {  	s0 =	sor.u32 s3, s0;
	s1 =	sshll.u32 s1, $0x11  }
0xbb: {  	s0 =	sor.u32 s1, s0  }
0xbc: {  	s0 =	sadd.s32 $0x8F2B, s0  }
0xbd: {  	[sflag:s0] =	ssyncadd.remote.s32 $0x1  }
0xbe: {  	_ =	sfence.sel $0xFFFF  }
0xbf: {  	[dreg:$0x0] =	wrdreg $0xFFFFFFFF;
	(pc) =	sbr.abs _section_cstart, $3  }
0xc0: {  	[dreg:$0x1] =	wrdreg $0xFFFFFFFF  }
0xc1: {  	_ =	task.clear_ibuf [dreg:s7], $0x2FFFF;
	_ =	strace $0x9FFFFFFF  }
0xc2: {  	(tm) =	ssettm $0x7FFFFFFF  }
0xc3: {  	_ =	shalt  }
tec
execute0_lowered:
.L_overlay_start_1:
0x0: {  	(tag) =	ssettag $0x1  }
0x1: {  	s8 =	rddreg [dreg:$0x0]  }
0x2: {  	s1 =	rddreg [dreg:$0x1]  }
0x3: {  	s0 =	rddreg [dreg:$0x2];
	s2 =	simm.s32 $0x0  }
0x4: {  	s3 =	srdreg.scid;
	s13 =	simm.s32 $0x80;
	s14 =	simm.s32 $0x100  }
0x5: {  	s15 =	simm.s32 $0x4100;
	s16 =	simm.s32 $0x8100;
	s17 =	simm.s32 $0x1  }
0x6: {  	s18 =	simm.s32 $0xC100;
	s19 =	simm.s32 $0x0;
	[smem:$0x7FF] =	sst s2  }
0x7: {  	s4 =	sadd.s32 $0xFF400, s8;
	s5 =	sadd.s32 $0xD6400, s8;
	s9 =	sand.u32 $0x1, s3  }
0x8: {  	s6 =	sadd.s32 $0x9400, s8;
	s3 =	stileid.u32;
	s7 =	sadd.s32 $0x4400, s8  }
0x9: {  	s8 =	sadd.s32 $0x370400, s8;
	s10 =	sshll.u32 s9, $0x4;
	s9 =	ssub.s32 $0x2, s9  }
0xa: {  	_ =	strace $0x8000004D;
	s10 =	sor.u32 s3, s10;
	s11 =	sshrl.u32 s9, $0x1  }
0xb: {  	s12 =	ssub.s32 $0x501, s10;
	s11 =	ssub.s32 s9, s11;
	s9 =	sshll.u32 s10, $0x7  }
0xc: {  	s10 =	sshrl.u32 s12, $0x5;
	s11 =	smax.u32 s11, $0x1;
	s12 =	simm.s32 $0x2  }
.LBB2_1:
0xd: {  	s20 =	simm.s32 $0x0  }
.LBB2_2:
0xe: {  	s21 =	sshll.u32 s20, $0xC  }
0xf: {  	s21 =	sor.u32 s9, s21  }
0x10: {  	s22 =	sshrl.u32 s21, $0x3  }
0x11: {  	s24 =	simm.s32 $0x0;
	s23 =	sadd.s32 s6, s22  }
0x12: {  	[tilespmem:s24], [sflag:$0x2] =	stream.linear.gather [hbm4b:s23+s24], $0x80, $0x38;
	[tilespmem:$0x10100] =	vst v63  }
0x13: {  	_ =	swait.ge [sflag:s12], $0x80  }
0x14: {  	[sflag:s12] =	ssyncset.done $0x0  }
0x15: {  	s22 =	sadd.s32 s7, s22;
	[sflag:s12] =	ssyncadd.s32 $0xFFFFFF80  }
0x16: {  	[tilespmem:s13], [sflag:$0x2] =	stream.linear.gather [hbm4b:s22+s24], $0x80, $0x38;
	[tilespmem:$0x10100] =	vst v63  }
0x17: {  	_ =	swait.ge [sflag:s12], $0x80  }
0x18: {  	s21 =	sshll.u32 s21, $0x4;
	[sflag:s12] =	ssyncset.done $0x0  }
0x19: {  	s31 =	sadd.s32 s4, s21;
	[sflag:s12] =	ssyncadd.s32 $0xFFFFFF80  }
0x1a: {  	[tilespmem:s14], [sflag:$0x2] =	stream.linear.gather [hbm4b:s31+s24], $0x4000, $0x38;
	[tilespmem:$0x10100] =	vst v63  }
0x1b: {  	_ =	swait.ge [sflag:s12], $0x4000  }
0x1c: {  	[sflag:s12] =	ssyncset.done $0x0  }
0x1d: {  	[sflag:s12] =	ssyncadd.s32 $0xFFFFC000  }
0x1e: {  	[tilespmem:s15], [sflag:$0x1] =	stream.indirect.gather [hbm4b:s1+s13], $0x80, s13, s13, $0xb8;
	[tilespmem:$0x10100] =	vst v63  }
0x1f: {  	_ = 	snop  }
0x20: {  	[tilespmem:s16], [sflag:$0x1] =	stream.indirect.gather [hbm4b:s5+s13], $0x80, s24, s13, $0xb8;
	[tilespmem:$0x10100] =	vst v63  }
0x21: {  	_ =	swait.ge [sflag:s17], $0x4000  }
0x22: {  	[sflag:s17] =	ssyncset.done $0x0  }
0x23: {  	[sflag:s17] =	ssyncadd.s32 $0xFFFFC000  }
0x24: {  	_ =	swait.ge [sflag:s17], $0x4000  }
0x25: {  	[sflag:s17] =	ssyncset.done $0x0  }
0x26: {  	s28 =	simm.s32 $0x0;
	[sflag:s17] =	ssyncadd.s32 $0xFFFFC000  }
0x27: {  	v0 =	vld [tilespmem:s28+$0x4100]  }
0x28: {  	v1 =	vld [tilespmem:s28+$0x8100];
	_ =	sdelay $0x3  }
0x29: {  	v0 =	vadd.f32 $1.000000020e-16, v0  }
0x2a: {  	s22 =	simm.s32 $0x80;
	v1 =	vadd.f32 $1.000000020e-16, v1  }
0x2b: {  	(erf) = vrcp.f32 v0;
	v0 =	vld [tilespmem:s22+$0x4100]  }
0x2c: {  	(erf) = vrcp.f32 v1;
	v1 =	vld [tilespmem:s22+$0x8100];
	_ =	sdelay $0x3  }
0x2d: {  	v0 =	vadd.f32 $1.000000020e-16, v0  }
0x2e: {  	v2 =	vld [tilespmem:s28+$0x100];
	v1 =	vadd.f32 $1.000000020e-16, v1;
	_ =	sdelay $0x2  }
0x2f: {  	s23 =	simm.s32 $0x100;
	(erf) = vrcp.f32 v0;
	v0 =	vpop (erf)  }
0x30: {  	v3 =	vld [tilespmem:s23+$0x4100];
	(erf) = vrcp.f32 v1;
	v1 =	vpop (erf)  }
0x31: {  	v0 =	vmul.f32 v0, v2;
	v1 =	vmul.f32 v1, v2;
	v2 =	vld [tilespmem:s23+$0x8100];
	_ =	sdelay $0x1  }
0x32: {  	v0 =	vmax.f32 v0, $9.999999710e-10;
	v1 =	vmax.f32 v1, $9.999999710e-10  }
0x33: {  	v4 =	vmul.f32 v1, v0  }
0x34: {  	v0 =	vadd.f32 $1.000000020e-16, v3  }
0x35: {  	v5 =	vld [tilespmem:s22+$0x100];
	v1 =	vshra.s32 v4, $0x1;
	v6 =	vmul.f32 $5.000000000e-01, v4;
	v2 =	vadd.f32 $1.000000020e-16, v2  }
0x36: {  	s24 =	simm.s32 $0x180;
	v1 =	vsub.s32 $0x5F3759DF, v1  }
0x37: {  	v7 =	vld [tilespmem:s24+$0x4100];
	(erf) = vrcp.f32 v0;
	v3 =	vmul.f32 v1, v6  }
0x38: {  	v0 =	vpop (erf);
	(erf) = vrcp.f32 v2  }
0x39: {  	v8 =	vld [tilespmem:s24+$0x8100];
	v2 =	vpop (erf);
	v3 =	vmul.f32 v1, v3  }
0x3a: {  	v0 =	vmul.f32 v0, v5;
	v2 =	vmul.f32 v2, v5  }
0x3b: {  	v3 =	vsub.f32 $1.500000000e+00, v3  }
0x3c: {  	s25 =	simm.s32 $0x200;
	v7 =	vadd.f32 $1.000000020e-16, v7;
	v0 =	vmax.f32 v0, $9.999999710e-10;
	v5 =	vld [tilespmem:s23+$0x100];
	v2 =	vmax.f32 v2, $9.999999710e-10  }
0x3d: {  	v0 =	vmul.f32 v2, v0;
	v3 =	vmul.f32 v1, v3;
	v1 =	vld [tilespmem:s25+$0x4100]  }
0x3e: {  	v8 =	vadd.f32 $1.000000020e-16, v8;
	(erf) = vrcp.f32 v7  }
0x3f: {  	v9 =	vshra.s32 v0, $0x1;
	v2 =	vmul.f32 $5.000000000e-01, v0;
	v7 =	vmul.f32 v3, v6  }
0x40: {  	v10 =	vpop (erf);
	(erf) = vrcp.f32 v8;
	v9 =	vsub.s32 $0x5F3759DF, v9  }
0x41: {  	v12 =	vld [tilespmem:s25+$0x8100];
	v11 =	vpop (erf);
	v8 =	vmul.f32 v9, v2;
	v7 =	vmul.f32 v7, v3  }
0x42: {  	v10 =	vmul.f32 v10, v5;
	v5 =	vmul.f32 v11, v5;
	v11 =	vadd.f32 $1.000000020e-16, v1  }
0x43: {  	v8 =	vmul.f32 v9, v8;
	v7 =	vsub.f32 $1.500000000e+00, v7  }
0x44: {  	v1 =	vmax.f32 v10, $9.999999710e-10;
	(erf) = vrcp.f32 v11  }
0x45: {  	s26 =	simm.s32 $0x280;
	v14 =	vld [tilespmem:s24+$0x100];
	v5 =	vmax.f32 v5, $9.999999710e-10;
	v8 =	vsub.f32 $1.500000000e+00, v8;
	v7 =	vmul.f32 v7, v3  }
0x46: {  	v10 =	vld [tilespmem:s26+$0x4100];
	v1 =	vmul.f32 v5, v1;
	v11 =	vadd.f32 $1.000000020e-16, v12  }
0x47: {  	v5 =	vmul.f32 v9, v8;
	v9 =	vmul.f32 v7, v6  }
0x48: {  	v3 =	vmul.f32 $5.000000000e-01, v1;
	v8 =	vshra.s32 v1, $0x1  }
0x49: {  	(erf) = vrcp.f32 v11;
	v6 =	vsub.s32 $0x5F3759DF, v8;
	v8 =	vmul.f32 v5, v2  }
0x4a: {  	v11 =	vpop (erf);
	v15 =	vmul.f32 v6, v3;
	v16 =	vmul.f32 v9, v7  }
0x4b: {  	v13 =	vadd.f32 $1.000000020e-16, v10;
	v10 =	vld [tilespmem:s26+$0x8100];
	v11 =	vmul.f32 v11, v14;
	v9 =	vpop (erf);
	v8 =	vmul.f32 v8, v5  }
0x4c: {  	s29 =	simm.s32 $0xC00;
	v12 =	vmul.f32 v9, v14;
	v9 =	vmul.f32 v6, v15;
	v14 =	vsub.f32 $1.500000000e+00, v16  }
.LBB2_3:
0x4d: {  	p0 =	sne.s32 s29, $0xFE00;
	(erf) = vrcp.f32 v13;
	v15 =	vpop (erf);
	v11 =	vmax.f32 v11, $9.999999710e-10;
	v8 =	vsub.f32 $1.500000000e+00, v8  }
0x4e: {  	s30 =	sshra.s32 s29, $0x2;
	v16 =	vld [tilespmem:s25+$0x100];
	v12 =	vmax.f32 v12, $9.999999710e-10;
	v9 =	vsub.f32 $1.500000000e+00, v9;
	v13 =	vmul.f32 v14, v7  }
0x4f: {  	v14 =	vld [tilespmem:s30+$0x4100];
	v11 =	vmul.f32 v12, v11;
	v7 =	vmul.f32 v8, v5  }
0x50: {  	v8 =	vadd.f32 $1.000000020e-16, v10;
	v5 =	vmul.f32 v6, v9;
	v9 =	vmul.f32 v13, v4;
	v4 =	vmovc v0;
	v0 =	vmovc v1  }
.Ltmp0:
0x51: {  	v6 =	vshra.s32 v11, $0x1;
	v10 =	vmul.f32 v7, v2;
	v1 =	vmovc v11;
	v2 =	vmovc v3;
	v3 =	vmul.f32 $5.000000000e-01, v11;
	(pc) =	sbr.rel @p0 .LBB2_3-.Ltmp0, $4  }
0x52: {  	(erf) = vrcp.f32 v8;
	v12 =	vpop (erf);
	v6 =	vsub.s32 $0x5F3759DF, v6;
	v8 =	vmul.f32 v5, v2;
	[tilespmem:s28+$0xC100] =	vst v9;
	s28 =	smov.u32 s22;
	s22 =	smov.u32 s23;
	s23 =	smov.u32 s24  }
0x53: {  	s24 =	smov.u32 s25;
	s25 =	smov.u32 s26;
	s26 =	smov.u32 s30;
	v9 =	vmul.f32 v6, v3;
	v17 =	vmul.f32 v10, v7  }
0x54: {  	v11 =	vmul.f32 v15, v16;
	v13 =	vadd.f32 $1.000000020e-16, v14;
	v10 =	vld [tilespmem:s26+$0x8100];
	v8 =	vmul.f32 v8, v5  }
0x55: {  	s29 =	sadd.s32 $0x200, s29;
	v12 =	vmul.f32 v12, v16;
	v9 =	vmul.f32 v6, v9;
	v14 =	vsub.f32 $1.500000000e+00, v17  }
0x56: {  	_ =	sdelay $0x2  }
0x57: {  	v10 =	vadd.f32 $1.000000020e-16, v10  }
0x58: {  	(erf) = vrcp.f32 v13  }
0x59: {  	v7 =	vmul.f32 v14, v7;
	(erf) = vrcp.f32 v10;
	_ =	sdelay $0x1  }
0x5a: {  	v4 =	vmul.f32 v7, v4;
	_ =	sdelay $0x1  }
0x5b: {  	v25 =	vld [tilespmem:s25+$0x100];
	[tilespmem:s28+$0xC100] =	vst v4  }
0x5c: {  	v4 =	vld [tilespmem:s26+$0x100]  }
0x5d: {  	v26 =	vpop (erf)  }
0x5e: {  	v11 =	vmax.f32 v11, $9.999999710e-10;
	v12 =	vmax.f32 v12, $9.999999710e-10;
	v27 =	vpop (erf)  }
0x5f: {  	v11 =	vmul.f32 v12, v11;
	v28 =	vpop (erf)  }
0x60: {  	v7 =	vmul.f32 v26, v25;
	v10 =	vmul.f32 v27, v25;
	v29 =	vpop (erf)  }
0x61: {  	v30 =	vshra.s32 v11, $0x1;
	v13 =	vmul.f32 v28, v4;
	v4 =	vmul.f32 v29, v4  }
0x62: {  	v31 =	vmul.f32 $5.000000000e-01, v11;
	v7 =	vmax.f32 v7, $9.999999710e-10;
	v10 =	vmax.f32 v10, $9.999999710e-10  }
0x63: {  	v7 =	vmul.f32 v10, v7;
	v33 =	vmax.f32 v13, $9.999999710e-10;
	v4 =	vmax.f32 v4, $9.999999710e-10  }
0x64: {  	v32 =	vsub.s32 $0x5F3759DF, v30;
	v4 =	vmul.f32 v4, v33  }
0x65: {  	v35 =	vmul.f32 v32, v31;
	v34 =	vshra.s32 v7, $0x1;
	v15 =	vmul.f32 $5.000000000e-01, v7  }
0x66: {  	v13 =	vsub.s32 $0x5F3759DF, v34;
	v17 =	vshra.s32 v4, $0x1;
	v18 =	vmul.f32 $5.000000000e-01, v4  }
0x67: {  	v16 =	vmul.f32 v13, v15;
	v17 =	vsub.s32 $0x5F3759DF, v17  }
0x68: {  	v12 =	vmul.f32 v32, v35;
	v19 =	vmul.f32 v17, v18  }
0x69: {  	v9 =	vsub.f32 $1.500000000e+00, v9;
	v16 =	vmul.f32 v13, v16  }
0x6a: {  	v8 =	vsub.f32 $1.500000000e+00, v8;
	v12 =	vsub.f32 $1.500000000e+00, v12;
	v19 =	vmul.f32 v17, v19  }
0x6b: {  	v6 =	vmul.f32 v6, v9;
	v16 =	vsub.f32 $1.500000000e+00, v16  }
0x6c: {  	v5 =	vmul.f32 v8, v5;
	v36 =	vmul.f32 v32, v12;
	v38 =	vsub.f32 $1.500000000e+00, v19  }
0x6d: {  	v39 =	vmul.f32 v6, v3;
	v37 =	vmul.f32 v13, v16  }
0x6e: {  	v40 =	vmul.f32 v36, v31;
	v12 =	vmul.f32 v17, v38  }
0x6f: {  	v13 =	vmul.f32 v39, v6;
	v41 =	vmul.f32 v37, v15  }
0x70: {  	v16 =	vmul.f32 v40, v36;
	v43 =	vmul.f32 v12, v18  }
0x71: {  	v44 =	vsub.f32 $1.500000000e+00, v13;
	v42 =	vmul.f32 v41, v37  }
0x72: {  	v2 =	vmul.f32 v5, v2;
	v45 =	vsub.f32 $1.500000000e+00, v16;
	v47 =	vmul.f32 v43, v12  }
0x73: {  	v6 =	vmul.f32 v44, v6;
	v46 =	vsub.f32 $1.500000000e+00, v42  }
0x74: {  	v2 =	vmul.f32 v2, v5;
	v48 =	vmul.f32 v45, v36;
	v50 =	vsub.f32 $1.500000000e+00, v47  }
0x75: {  	v51 =	vmul.f32 v6, v3;
	v49 =	vmul.f32 v46, v37  }
0x76: {  	v13 =	vmul.f32 v48, v31;
	v10 =	vmul.f32 v50, v12  }
0x77: {  	v3 =	vmul.f32 v51, v6;
	v52 =	vmul.f32 v49, v15  }
0x78: {  	v2 =	vsub.f32 $1.500000000e+00, v2;
	v13 =	vmul.f32 v13, v48;
	v53 =	vmul.f32 v10, v18  }
0x79: {  	v3 =	vsub.f32 $1.500000000e+00, v3;
	v12 =	vmul.f32 v52, v49  }
0x7a: {  	v2 =	vmul.f32 v2, v5;
	v54 =	vsub.f32 $1.500000000e+00, v13;
	v55 =	vmul.f32 v53, v10  }
0x7b: {  	v3 =	vmul.f32 v3, v6;
	v56 =	vsub.f32 $1.500000000e+00, v12  }
0x7c: {  	v0 =	vmul.f32 v2, v0;
	v57 =	vmul.f32 v54, v48;
	v58 =	vsub.f32 $1.500000000e+00, v55  }
0x7d: {  	v1 =	vmul.f32 v3, v1;
	v59 =	vmul.f32 v56, v49  }
0x7e: {  	[tilespmem:s22+$0xC100] =	vst v0;
	v60 =	vmul.f32 v57, v11;
	v61 =	vmul.f32 v58, v10  }
0x7f: {  	[tilespmem:s23+$0xC100] =	vst v1;
	v62 =	vmul.f32 v59, v7  }
0x80: {  	s20 =	sadd.s32 $0x1, s20;
	[tilespmem:s24+$0xC100] =	vst v60;
	v63 =	vmul.f32 v61, v4  }
0x81: {  	p0 =	sne.s32 s20, s10;
	[tilespmem:s25+$0xC100] =	vst v62  }
.Ltmp1:
0x82: {  	s21 =	sadd.s32 s8, s21;
	[tilespmem:s26+$0xC100] =	vst v63;
	(pc) =	sbr.rel @p0 .LBB2_2-.Ltmp1, $4  }
0x83: {  	[hbm4b:s21+s2] =	stream.linear.scatter [tilespmem:s18], [sflag:$0x2], $0x4000, $0x38;
	[tilespmem:$0x10100] =	vst v63  }
0x84: {  	_ =	swait.ge [sflag:s12], $0x4000  }
0x85: {  	[sflag:s12] =	ssyncset.done $0x0  }
0x86: {  	[sflag:s12] =	ssyncadd.s32 $0xFFFFC000  }
0x87: {  	s19 =	sadd.s32 $0x1, s19  }
0x88: {  	p0 =	sne.s32 s19, s11  }
.Ltmp2:
0x89: {  	_ = 	snop;
	(pc) =	sbr.rel @p0 .LBB2_1-.Ltmp2, $1  }
0x8a: {  	_ =	sdelay $0x3  }
0x8b: {  	_ =	sfence.sel $0x180000  }
0x8c: {  	[bflag:$0x0] =	sbarrier.arrive $0xFFFF  }
0x8d: {  	p0 =	sne.s32 s3, $0x0;
	_ =	strace $0x9000004D  }
0x8e: {  	s0 =	sadd.s32 @!p0 $0x100000, s0;
	[bflag:$0x2] =	sbarrier.arrive $0xFFFF  }
0x8f: {  	[sflag:s0] =	ssyncadd.tile.s32 @!p0 $0x1;
	_ =	shalt  }
.Lfunc_end2:
_tile_overlayer_lowered:
.L_overlay_start_2:
0x90: {  	(tag) =	ssettag $0x2  }
0x91: {  	s0 =	rddreg [dreg:$0x0];
	s2 =	stileid.u32  }
0x92: {  	s1 =	rddreg [dreg:$0x1];
	p0 =	sne.s32 s2, $0x0  }
0x93: {  	s3 =	rddreg [dreg:$0x2];
	[bflag:$0x3] =	sbarrier.arrive $0xFFFF;
	s2 =	simm.s32 @!p0 $0x1C02  }
0x94: {  	[timem:s3], [sflag:s2] =	dma.local @!p0 [hbm:s0], s1  }
0x95: {  	s0 =	simm.s32 @!p0 $0x2  }
0x96: {  	_ =	swait.ge @!p0 [sflag:s0], s1  }
0x97: {  	s1 =	ssub.s32 @!p0 $0x0, s1;
	[sflag:s0] =	ssyncset.done @!p0 $0x0  }
0x98: {  	[sflag:s0] =	ssyncadd.s32 @!p0 s1  }
0x99: {  	[bflag:$0x3] =	sbarrier.arrive $0xFFFF  }
0x9a: {  	_ =	shalt  }

// kernel: kernel.20.cloned.1.call-start
scs
__scs_entry_jumppad:
0x0: {  	(pc) =	sbr.rel $0x88, $3  }
0x1: {  	(tag) =	ssettag $0x0;
	lr =	simm.s32 $0x1  }
0x2: {  	[smem:$0x3F93] =	sst lr;
	_ =	strace $0xD0000000  }
0x3: {  	_ = 	snop  }
0x4: {  	_ = 	snop  }
0x5: {  	_ = 	snop  }
0x6: {  	_ = 	snop  }
0x7: {  	_ = 	snop  }
__scs_overlays_trampoline_lowered:
0x8: {  	[smem:$0x3FA2] =	sst s0  }
0x9: {  	[smem:$0x3FA3] =	sst s1  }
0xa: {  	[smem:$0x3FA4] =	sst s2  }
0xb: {  	[smem:$0x3FA5] =	sst s3  }
0xc: {  	[smem:$0x3FA6] =	sst s4  }
0xd: {  	[smem:$0x3FA7] =	sst s5  }
0xe: {  	[smem:$0x3FA8] =	sst s6  }
0xf: {  	[smem:$0x3FA9] =	sst s7  }
0x10: {  	[smem:$0x3FAA] =	sst s8  }
0x11: {  	[smem:$0x3FAB] =	sst s9;
	s0 =	simm.s32 @!p0 $0x0  }
0x12: {  	s1 =	sld [smem:$0x3F91];
	s0 =	simm.s32 @p0 $0x1  }
0x13: {  	[smem:$0x3FAC] =	sst s0;
	s0 =	simm.s32 @!p1 $0x0  }
0x14: {  	s2 =	sld [smem:$0x3F90];
	s0 =	simm.s32 @p1 $0x1  }
0x15: {  	[smem:$0x3FAD] =	sst s0;
	s0 =	simm.s32 @!p2 $0x0  }
0x16: {  	s3 =	sld [smem:$0x3FDB];
	s0 =	simm.s32 @p2 $0x1  }
0x17: {  	s4 =	simm.s32 $0x1BF5;
	[smem:$0x3FAF] =	sst s0  }
0x18: {  	s0 =	sld [smem:$0x3F92];
	_ =	swait.ge [sflag:s4], $0x0  }
0x19: {  	s7 =	sld [smem:$0x3F93]  }
0x1a: {  	s8 =	sadd.s32 $0xFFFFE003, lr  }
0x1b: {  	s9 =	sadd.s32 $0xFFFFFEF7, lr;
	s5 =	simm.s32 $0xFFFFFFFF;
	p2 =	slt.u32 s8, $0xFFFFF086  }
0x1c: {  	p1 =	slt.u32 s9, $0xF7A;
	s5 =	simm.s32 @!p2 $0x0  }
0x1d: {  	s5 =	simm.s32 @p1 $0x1;
	p0 =	seq.s32 s7, s2  }
0x1e: {  	s7 =	smul.u32 @!p0 $0xF7A, s2;
	p2 =	seq.s32 @!p0 s5, $0x0  }
0x1f: {  	s9 =	smul.u32 $0xF7A, s1;
	s8 =	simm.s32 @!p0 $0x1BF5;
	p2 =	por !p2, p0  }
0x20: {  	[sflag:s8] =	ssyncset.s32 @!p0 $0xFFFFF086;
	s6 =	sadd.s32 @!p0 s3, s7;
	s7 =	simm.s32 @!p0 $0x108  }
0x21: {  	s3 =	sadd.s32 s3, s9;
	s6 =	sadd.s32 @!p0 $0x88, s6;
	s7 =	simm.s32 @p2 $0x1082  }
0x22: {  	[simem:s7], [sflag:s8] =	dma.local @!p0 [hbm:s6], $0xF7A  }
0x23: {  	s9 =	sor.u32 $0xD0000000, s2;
	s6 =	simm.s32 $0x108;
	_ =	swait.ge @!p0 [sflag:s8], $0x0  }
0x24: {  	s3 =	sadd.s32 $0x88, s3;
	s6 =	simm.s32 @!p1 $0x1082;
	[sflag:s4] =	ssyncset.s32 $0xFFFFF086  }
0x25: {  	[simem:s6], [sflag:s4] =	dma.local [hbm:s3], $0xF7A  }
0x26: {  	[smem:$0x3F93] =	sst s1;
	(tag) =	ssettag s2;
	_ =	strace s9  }
0x27: {  	s1 =	sld [smem:$0x3FA3]  }
0x28: {  	s2 =	sld [smem:$0x3FA4]  }
0x29: {  	s4 =	sld [smem:$0x3FA6]  }
0x2a: {  	p0 =	seq.s32 s5, $0x0;
	s5 =	sld [smem:$0x3FA7]  }
0x2b: {  	s6 =	sld [smem:$0x3FA8]  }
0x2c: {  	s7 =	sld [smem:$0x3FA9]  }
0x2d: {  	s3 =	simm.s32 $0x108;
	s8 =	sld [smem:$0x3FAA]  }
0x2e: {  	s3 =	simm.s32 @!p0 $0x1082;
	s9 =	sld [smem:$0x3FAB]  }
0x2f: {  	lr =	sadd.s32 s0, s3;
	s0 =	sld [smem:$0x3FA2]  }
0x30: {  	s3 =	sld [smem:$0x3FA5]  }
0x31: {  	[smem:$0x3FAE] =	sst s10  }
0x32: {  	s10 =	sld [smem:$0x3FAC];
	_ =	sdelay $0x3  }
0x33: {  	p0 =	seq.s32 s10, $0x1;
	s10 =	sld [smem:$0x3FAE];
	_ =	sdelay $0x3  }
0x34: {  	[smem:$0x3FAE] =	sst s10  }
0x35: {  	s10 =	sld [smem:$0x3FAD];
	_ =	sdelay $0x3  }
0x36: {  	p1 =	seq.s32 s10, $0x1;
	s10 =	sld [smem:$0x3FAE];
	_ =	sdelay $0x3  }
0x37: {  	[smem:$0x3FAE] =	sst s10  }
0x38: {  	s10 =	sld [smem:$0x3FAF]  }
0x39: {  	_ = 	snop;
	(pc) =	sbr.ind lr, $3  }
0x3a: {  	_ = 	snop  }
0x3b: {  	_ = 	snop  }
0x3c: {  	p2 =	seq.s32 s10, $0x1;
	s10 =	sld [smem:$0x3FAE]  }
0x3d: {  	_ =	shalt  }
0x3e: {  	_ =	shalt  }
0x3f: {  	_ =	shalt  }
0x40: {  	_ =	shalt  }
0x41: {  	_ =	shalt  }
0x42: {  	_ =	shalt  }
0x43: {  	_ =	shalt  }
0x44: {  	_ =	shalt  }
0x45: {  	_ =	shalt  }
0x46: {  	_ =	shalt  }
0x47: {  	_ =	shalt  }
0x48: {  	_ =	shalt  }
0x49: {  	_ =	shalt  }
0x4a: {  	_ =	shalt  }
0x4b: {  	_ =	shalt  }
0x4c: {  	_ =	shalt  }
0x4d: {  	_ =	shalt  }
0x4e: {  	_ =	shalt  }
0x4f: {  	_ =	shalt  }
0x50: {  	_ =	shalt  }
0x51: {  	_ =	shalt  }
0x52: {  	_ =	shalt  }
0x53: {  	_ =	shalt  }
0x54: {  	_ =	shalt  }
0x55: {  	_ =	shalt  }
0x56: {  	_ =	shalt  }
0x57: {  	_ =	shalt  }
0x58: {  	_ =	shalt  }
0x59: {  	_ =	shalt  }
0x5a: {  	_ =	shalt  }
0x5b: {  	_ =	shalt  }
0x5c: {  	_ =	shalt  }
0x5d: {  	_ =	shalt  }
0x5e: {  	_ =	shalt  }
0x5f: {  	_ =	shalt  }
0x60: {  	_ =	shalt  }
0x61: {  	_ =	shalt  }
0x62: {  	_ =	shalt  }
0x63: {  	_ =	shalt  }
0x64: {  	_ =	shalt  }
0x65: {  	_ =	shalt  }
0x66: {  	_ =	shalt  }
0x67: {  	_ =	shalt  }
0x68: {  	_ =	shalt  }
0x69: {  	_ =	shalt  }
0x6a: {  	_ =	shalt  }
0x6b: {  	_ =	shalt  }
0x6c: {  	_ =	shalt  }
0x6d: {  	_ =	shalt  }
0x6e: {  	_ =	shalt  }
0x6f: {  	_ =	shalt  }
0x70: {  	_ =	shalt  }
0x71: {  	_ =	shalt  }
0x72: {  	_ =	shalt  }
0x73: {  	_ =	shalt  }
0x74: {  	_ =	shalt  }
0x75: {  	_ =	shalt  }
0x76: {  	_ =	shalt  }
0x77: {  	_ =	shalt  }
0x78: {  	_ =	shalt  }
0x79: {  	_ =	shalt  }
0x7a: {  	_ =	shalt  }
0x7b: {  	_ =	shalt  }
0x7c: {  	_ =	shalt  }
0x7d: {  	_ =	shalt  }
0x7e: {  	_ =	shalt  }
0x7f: {  	_ =	shalt  }
0x80: {  	_ =	shalt  }
0x81: {  	_ =	shalt  }
0x82: {  	_ =	shalt  }
0x83: {  	_ =	shalt  }
0x84: {  	_ =	shalt  }
0x85: {  	_ =	shalt  }
0x86: {  	_ =	shalt  }
0x87: {  	_ =	shalt  }
.Lfunc_end0:
.L_simem_size_0:
called_computation.3_lowered:
.L_overlay_start_0:
0x88: {  	s2 =	sld [smem:$0x3FD9]  }
0x89: {  	s3 =	sld [smem:$0x3FFE];
	_ =	sdelay $0x1  }
0x8a: {  	s1 =	srdreg.scid  }
0x8b: {  	s0 =	sand.u32 $0x1, s1  }
0x8c: {  	s16 =	sshll.u32 s0, $0xA;
	s2 =	sadd.s32 s3, s2  }
0x8d: {  	s2 =	sadd.s32 s2, s16  }
0x8e: {  	[smem:$0x3FBA] =	sst s2  }
0x8f: {  	_ = 	snop  }
0x90: {  	(tm) =	ssettm $0x1  }
0x91: {  	s17 =	sld [smem:$0x3FFB];
	_ =	sdelay $0x3  }
0x92: {  	_ =	strace s17  }
0x93: {  	s2 =	sld [smem:$0x3FFC];
	_ =	sdelay $0x3  }
0x94: {  	_ =	strace s2  }
0x95: {  	s2 =	sld [smem:$0x3FFD];
	_ =	sdelay $0x3  }
0x96: {  	_ =	strace s2  }
0x97: {  	_ =	strace $0x8FFFFFFF  }
0x98: {  	s18 =	sld [smem:$0x3FDB];
	_ =	sdelay $0x1  }
0x99: {  	s19 =	simm.s32 $_scs_section_size  }
0x9a: {  	s4 =	simm.s32 $_size__tile_overlayer_lowered;
	s5 =	simm.s32 $_tile_overlayer_lowered  }
0x9b: {  	s22 =	simm.s32 $0x1BFF;
	s21 =	sshll.u32 s5, $0x1;
	s2 =	sadd.s32 s19, s18  }
0x9c: {  	s6 =	simm.s32 $0x0;
	s20 =	sshll.u32 s4, $0x1;
	s4 =	sadd.s32 s21, s2  }
0x9d: {  	[timem:s6], [sflag:s22] =	dma.local [hbm:s4], s20  }
0x9e: {  	_ =	swait.ge [sflag:s22], s20  }
0x9f: {  	s3 =	ssub.s32 $0x0, s20;
	[sflag:s22] =	ssyncset.done $0x0  }
0xa0: {  	[sflag:s22] =	ssyncadd.s32 s3;
	_ =	sdelay $0x1  }
0xa1: {  	s23 =	simm.s32 $0x1B8B  }
0xa2: {  	_ =	swait.ge [sflag:s23], $0x1  }
0xa3: {  	[sflag:s23] =	ssyncset.done $0x0  }
0xa4: {  	s25 =	simm.s32 $0x1B8E;
	s24 =	sld [smem:$0x3FFE];
	[sflag:s23] =	ssyncadd.s32 $0xFFFFFFFF  }
0xa5: {  	s26 =	simm.s32 $execute0_lowered;
	[smem:$0x3FD2] =	sst s25  }
0xa6: {  	s4 =	sshll.u32 s26, $0x1;
	_ =	strace $0x8000004F;
	[dreg:$0x1] =	wrdreg $0xFFFFFFFF  }
0xa7: {  	s28 =	simm.s32 $_size_execute0_lowered;
	s2 =	sadd.s32 s2, s4;
	[dreg:$0x0] =	wrdreg $0x0  }
0xa8: {  	s4 =	sshll.u32 s28, $0x1;
	[dreg:$0x2] =	wrdreg s2  }
0xa9: {  	[dreg:$0x3] =	wrdreg s4  }
0xaa: {  	[dreg:$0x4] =	wrdreg $0xC0  }
0xab: {  	_ =	task [dreg:s6], $0x5FFFF  }
0xac: {  	[dreg:$0x1] =	wrdreg $0xFFFFFFFF  }
0xad: {  	[dreg:$0x0] =	wrdreg $0x60  }
0xae: {  	[dreg:$0x2] =	wrdreg s24  }
0xaf: {  	[dreg:$0x3] =	wrdreg $0xA9000  }
0xb0: {  	[dreg:$0x4] =	wrdreg $0x9  }
0xb1: {  	_ =	task.clear_ibuf [dreg:s6], $0x5FFFF;
	_ =	strace $0x9000004F  }
0xb2: {  	s29 =	simm.s32 $0x9;
	_ =	strace $0x80000051  }
0xb3: {  	_ =	swait.ge [sflag:s29], $0x1  }
0xb4: {  	[sflag:s29] =	ssyncadd.s32 $0xFFFFFFFF  }
0xb5: {  	_ =	strace $0x90000051  }
0xb6: {  	_ =	sfence  }
0xb7: {  	s30 =	sld [smem:$0x0];
	_ =	sdelay $0x2  }
0xb8: {  	s31 =	sshll.u32 s1, $0xD;
	s1 =	sshrl.u32 s1, $0x2  }
0xb9: {  	s3 =	sand.u32 $0x4000, s31;
	s1 =	sadd.s32 s1, s30  }
0xba: {  	s0 =	sor.u32 s3, s0;
	s1 =	sshll.u32 s1, $0x11  }
0xbb: {  	s0 =	sor.u32 s1, s0  }
0xbc: {  	s0 =	sadd.s32 $0x8F2B, s0  }
0xbd: {  	[sflag:s0] =	ssyncadd.remote.s32 $0x1  }
0xbe: {  	_ =	sfence.sel $0xFFFF  }
0xbf: {  	[dreg:$0x0] =	wrdreg $0xFFFFFFFF;
	(pc) =	sbr.abs _section_cstart, $3  }
0xc0: {  	[dreg:$0x1] =	wrdreg $0xFFFFFFFF  }
0xc1: {  	_ =	task.clear_ibuf [dreg:s6], $0x2FFFF;
	_ =	strace $0x9FFFFFFF  }
0xc2: {  	(tm) =	ssettm $0x7FFFFFFF  }
0xc3: {  	_ =	shalt  }
tec
execute0_lowered:
.L_overlay_start_1:
0x0: {  	(tag) =	ssettag $0x1  }
0x1: {  	s8 =	rddreg [dreg:$0x0]  }
0x2: {  	s1 =	rddreg [dreg:$0x1]  }
0x3: {  	s0 =	rddreg [dreg:$0x2];
	s3 =	simm.s32 $0x0;
	s4 =	srdreg.scid  }
0x4: {  	s2 =	stileid.u32;
	s24 =	simm.s32 $0x4100;
	s25 =	simm.s32 $0x1  }
0x5: {  	s18 =	sand.u32 $0x1, s4;
	s9 =	smul.u32 $0x2800, s2;
	s4 =	sadd.s32 $0x5E1400, s8  }
0x6: {  	[smem:$0x7FF] =	sst s3;
	s5 =	sadd.s32 $0x370400, s8;
	s11 =	smul.u32 $0x50000, s2  }
0x7: {  	s6 =	sadd.s32 $0x9400, s8;
	s7 =	sadd.s32 $0x4400, s8;
	s16 =	ssub.s32 $0x4F1, s2  }
0x8: {  	s17 =	sshll.u32 s2, $0x7;
	_ =	strace $0x80000050;
	s10 =	smul.u32 $0x28000, s18  }
0x9: {  	s12 =	ssub.s32 $0x2, s18;
	s16 =	sshrl.u32 s16, $0x4;
	s21 =	smul.u32 $0x2800, s18  }
0xa: {  	s22 =	sshll.u32 s18, $0x1;
	s23 =	sshllo.u32 s18, $0x1;
	s31 =	sshrl.u32 s12, $0x1  }
0xb: {  	s11 =	sshrl.u32 s11, $0x2;
	v1 =	vmov s22;
	s22 =	simm.s32 $0x80;
	s9 =	sadd.s32 s9, s10  }
0xc: {  	v2 =	vmov s23;
	s23 =	simm.s32 $0x100;
	s19 =	sadd.s32 s9, s8;
	s8 =	sadd.s32 s11, s1  }
0xd: {  	s20 =	ssub.s32 s12, s31;
	v0 =	vmov s21;
	s21 =	simm.s32 $0x2;
	s9 =	sadd.s32 $0x2800, s8  }
0xe: {  	s10 =	sadd.s32 $0x5000, s8;
	s11 =	sadd.s32 $0x7800, s8;
	s12 =	sadd.s32 $0xA000, s8  }
0xf: {  	s13 =	sadd.s32 $0xC800, s8;
	s14 =	sadd.s32 $0xF000, s8;
	s15 =	sadd.s32 $0x11800, s8  }
0x10: {  	v3 =	vimm.f32 $0.0e+00;
	v1 =	vbroadcast v1, $0x0;
	v2 =	vbroadcast v2, $0x0;
	s18 =	sadd.s32 $0xD6400, s19;
	s19 =	smax.u32 s20, $0x1;
	s20 =	simm.s32 $0x8100  }
.LBB2_1:
0x11: {  	s26 =	simm.s32 $0x0;
	s28 =	simm.s32 $0x200  }
.LBB2_2:
0x12: {  	p0 =	sne.s32 s28, $0x9E00;
	[tilespmem:s26+$0x8170] =	vst v3  }
0x13: {  	[tilespmem:s26+$0x8100] =	vst v3  }
0x14: {  	[tilespmem:s26+$0x8110] =	vst v3  }
.Ltmp0:
0x15: {  	[tilespmem:s26+$0x8120] =	vst v3;
	(pc) =	sbr.rel @p0 .LBB2_2-.Ltmp0, $4  }
0x16: {  	[tilespmem:s26+$0x8130] =	vst v3  }
0x17: {  	[tilespmem:s26+$0x8140] =	vst v3  }
0x18: {  	[tilespmem:s26+$0x8150] =	vst v3  }
0x19: {  	[tilespmem:s26+$0x8160] =	vst v3;
	s26 =	sshra.s32 s28, $0x2;
	s28 =	sadd.s32 $0x200, s28  }
0x1a: {  	[tilespmem:s26+$0x8170] =	vst v3  }
0x1b: {  	[tilespmem:s26+$0x8100] =	vst v3  }
0x1c: {  	[tilespmem:s26+$0x8110] =	vst v3  }
0x1d: {  	[tilespmem:s26+$0x8120] =	vst v3  }
0x1e: {  	[tilespmem:s26+$0x8130] =	vst v3  }
0x1f: {  	[tilespmem:s26+$0x8140] =	vst v3  }
0x20: {  	[tilespmem:s26+$0x8150] =	vst v3  }
0x21: {  	[tilespmem:s26+$0x8160] =	vst v3  }
0x22: {  	[spmem:s8] =	stream.linear.scatter [tilespmem:s20], [sflag:$0x2], $0x2800, $0x38;
	[tilespmem:$0x1E900] =	vst v63  }
0x23: {  	_ =	swait.ge [sflag:s21], $0x2800  }
0x24: {  	[sflag:s21] =	ssyncset.done $0x0  }
0x25: {  	[sflag:s21] =	ssyncadd.s32 $0xFFFFD800  }
0x26: {  	[spmem:s9] =	stream.linear.scatter [tilespmem:s20], [sflag:$0x2], $0x2800, $0x38;
	[tilespmem:$0x1E900] =	vst v63  }
0x27: {  	_ =	swait.ge [sflag:s21], $0x2800  }
0x28: {  	[sflag:s21] =	ssyncset.done $0x0  }
0x29: {  	[sflag:s21] =	ssyncadd.s32 $0xFFFFD800  }
0x2a: {  	[spmem:s10] =	stream.linear.scatter [tilespmem:s20], [sflag:$0x2], $0x2800, $0x38;
	[tilespmem:$0x1E900] =	vst v63  }
0x2b: {  	_ =	swait.ge [sflag:s21], $0x2800  }
0x2c: {  	[sflag:s21] =	ssyncset.done $0x0  }
0x2d: {  	[sflag:s21] =	ssyncadd.s32 $0xFFFFD800  }
0x2e: {  	[spmem:s11] =	stream.linear.scatter [tilespmem:s20], [sflag:$0x2], $0x2800, $0x38;
	[tilespmem:$0x1E900] =	vst v63  }
0x2f: {  	_ =	swait.ge [sflag:s21], $0x2800  }
0x30: {  	[sflag:s21] =	ssyncset.done $0x0  }
0x31: {  	[sflag:s21] =	ssyncadd.s32 $0xFFFFD800  }
0x32: {  	[spmem:s12] =	stream.linear.scatter [tilespmem:s20], [sflag:$0x2], $0x2800, $0x38;
	[tilespmem:$0x1E900] =	vst v63  }
0x33: {  	_ =	swait.ge [sflag:s21], $0x2800  }
0x34: {  	[sflag:s21] =	ssyncset.done $0x0  }
0x35: {  	[sflag:s21] =	ssyncadd.s32 $0xFFFFD800  }
0x36: {  	[spmem:s13] =	stream.linear.scatter [tilespmem:s20], [sflag:$0x2], $0x2800, $0x38;
	[tilespmem:$0x1E900] =	vst v63  }
0x37: {  	_ =	swait.ge [sflag:s21], $0x2800  }
0x38: {  	[sflag:s21] =	ssyncset.done $0x0  }
0x39: {  	[sflag:s21] =	ssyncadd.s32 $0xFFFFD800  }
0x3a: {  	[spmem:s14] =	stream.linear.scatter [tilespmem:s20], [sflag:$0x2], $0x2800, $0x38;
	[tilespmem:$0x1E900] =	vst v63  }
0x3b: {  	_ =	swait.ge [sflag:s21], $0x2800  }
0x3c: {  	[sflag:s21] =	ssyncset.done $0x0  }
0x3d: {  	[sflag:s21] =	ssyncadd.s32 $0xFFFFD800  }
0x3e: {  	[spmem:s15] =	stream.linear.scatter [tilespmem:s20], [sflag:$0x2], $0x2800, $0x38;
	[tilespmem:$0x1E900] =	vst v63  }
0x3f: {  	_ =	swait.ge [sflag:s21], $0x2800  }
0x40: {  	[sflag:s21] =	ssyncset.done $0x0  }
0x41: {  	[sflag:s21] =	ssyncadd.s32 $0xFFFFD800  }
0x42: {  	s26 =	simm.s32 $0x0;
	s28 =	simm.s32 $0x0;
	[bflag:$0x0] =	sbarrier.arrive $0xFFFF  }
.LBB2_4:
0x43: {  	s29 =	sshll.u32 s28, $0xB  }
0x44: {  	s29 =	sor.u32 s17, s29  }
0x45: {  	s30 =	sshrl.u32 s29, $0x3  }
0x46: {  	s31 =	sadd.s32 s6, s30  }
0x47: {  	[tilespmem:s26], [sflag:$0x2] =	stream.linear.gather [hbm4b:s31+s26], $0x80, $0x38;
	[tilespmem:$0x1E900] =	vst v63  }
0x48: {  	_ =	swait.ge [sflag:s21], $0x80  }
0x49: {  	[sflag:s21] =	ssyncset.done $0x0  }
0x4a: {  	s30 =	sadd.s32 s7, s30;
	[sflag:s21] =	ssyncadd.s32 $0xFFFFFF80  }
0x4b: {  	[tilespmem:s22], [sflag:$0x2] =	stream.linear.gather [hbm4b:s30+s26], $0x80, $0x38;
	[tilespmem:$0x1E900] =	vst v63  }
0x4c: {  	_ =	swait.ge [sflag:s21], $0x80  }
0x4d: {  	s29 =	sshll.u32 s29, $0x4;
	[sflag:s21] =	ssyncset.done $0x0  }
0x4e: {  	s29 =	sadd.s32 s5, s29;
	[sflag:s21] =	ssyncadd.s32 $0xFFFFFF80  }
0x4f: {  	[tilespmem:s23], [sflag:$0x2] =	stream.linear.gather [hbm4b:s29+s26], $0x4000, $0x38;
	[tilespmem:$0x1E900] =	vst v63  }
0x50: {  	_ =	swait.ge [sflag:s21], $0x4000  }
0x51: {  	[sflag:s21] =	ssyncset.done $0x0  }
0x52: {  	[sflag:s21] =	ssyncadd.s32 $0xFFFFC000  }
0x53: {  	v4 =	vld [tilespmem:$0x0]  }
0x54: {  	v5 =	vld [tilespmem:$0x10]  }
0x55: {  	v6 =	vld [tilespmem:$0x20]  }
0x56: {  	v7 =	vld [tilespmem:$0x30]  }
0x57: {  	v8 =	vld [tilespmem:$0x40]  }
0x58: {  	v9 =	vld [tilespmem:$0x50];
	v4 =	vadd.s32 v0, v4  }
0x59: {  	[tilespmem:$0x0] =	vst v4;
	v4 =	vadd.s32 v0, v5;
	v5 =	vld [tilespmem:$0x60]  }
0x5a: {  	[tilespmem:$0x10] =	vst v4;
	v4 =	vadd.s32 v0, v6;
	v6 =	vld [tilespmem:$0x70]  }
0x5b: {  	[tilespmem:$0x20] =	vst v4;
	v4 =	vadd.s32 v0, v7  }
0x5c: {  	[tilespmem:$0x30] =	vst v4;
	v4 =	vadd.s32 v0, v8  }
0x5d: {  	[tilespmem:$0x40] =	vst v4;
	v4 =	vadd.s32 v0, v9  }
0x5e: {  	[tilespmem:$0x50] =	vst v4;
	v4 =	vadd.s32 v0, v5  }
0x5f: {  	[tilespmem:$0x60] =	vst v4;
	v4 =	vadd.s32 v0, v6  }
0x60: {  	[tilespmem:$0x70] =	vst v4  }
0x61: {  	[tilespmem:s24], [sflag:$0x1] =	stream.indirect.gather [hbm4b:s4+s22], $0x80, s26, s22, $0xb8;
	[tilespmem:$0x1E900] =	vst v63  }
0x62: {  	_ =	swait.ge [sflag:s25], $0x4000  }
0x63: {  	[sflag:s25] =	ssyncset.done $0x0  }
0x64: {  	s29 =	simm.s32 $0x0;
	[sflag:s25] =	ssyncadd.s32 $0xFFFFC000  }
0x65: {  	v4 =	vld [tilespmem:s29+$0x100]  }
0x66: {  	v9 =	vld [tilespmem:s29+$0x4100]  }
0x67: {  	v11 =	vld [tilespmem:s29+$0x4110]  }
0x68: {  	v7 =	vld [tilespmem:s29+$0x4120]  }
0x69: {  	v5 =	vld [tilespmem:s29+$0x4130]  }
0x6a: {  	v8 =	vld [tilespmem:s29+$0x4140];
	v10 =	vperm.xlane v4, v1  }
0x6b: {  	v6 =	vld [tilespmem:s29+$0x4150];
	v4 =	vperm.xlane v4, v2  }
0x6c: {  	s30 =	simm.s32 $0x200;
	v12 =	vmul.f32 v9, v10;
	v11 =	vmul.f32 v11, v10;
	v9 =	vld [tilespmem:s29+$0x4160]  }
.LBB2_5:
0x6d: {  	s31 =	sshra.s32 s30, $0x2;
	p0 =	sne.s32 s30, $0xFE00;
	s30 =	sadd.s32 $0x200, s30;
	v7 =	vmul.f32 v7, v10;
	v13 =	vld [tilespmem:s29+$0x4170]  }
0x6e: {  	v14 =	vld [tilespmem:s31+$0x100];
	[tilespmem:s29+$0x4100] =	vst v12;
	v5 =	vmul.f32 v5, v10  }
0x6f: {  	v12 =	vld [tilespmem:s31+$0x4100];
	[tilespmem:s29+$0x4110] =	vst v11;
	v8 =	vmul.f32 v8, v4  }
0x70: {  	v11 =	vld [tilespmem:s31+$0x4110];
	[tilespmem:s29+$0x4120] =	vst v7;
	v6 =	vmul.f32 v6, v4  }
.Ltmp1:
0x71: {  	v7 =	vld [tilespmem:s31+$0x4120];
	[tilespmem:s29+$0x4130] =	vst v5;
	v9 =	vmul.f32 v9, v4;
	(pc) =	sbr.rel @p0 .LBB2_5-.Ltmp1, $4  }
0x72: {  	v5 =	vld [tilespmem:s31+$0x4130];
	[tilespmem:s29+$0x4140] =	vst v8;
	v13 =	vmul.f32 v13, v4  }
0x73: {  	v10 =	vperm.xlane v14, v1;
	v4 =	vperm.xlane v14, v2;
	v8 =	vld [tilespmem:s31+$0x4140];
	[tilespmem:s29+$0x4150] =	vst v6  }
0x74: {  	v6 =	vld [tilespmem:s31+$0x4150];
	[tilespmem:s29+$0x4160] =	vst v9  }
0x75: {  	v12 =	vmul.f32 v12, v10;
	v11 =	vmul.f32 v11, v10;
	v9 =	vld [tilespmem:s31+$0x4160];
	[tilespmem:s29+$0x4170] =	vst v13;
	s29 =	smov.u32 s31  }
0x76: {  	_ = 	snop  }
0x77: {  	v13 =	vld [tilespmem:s29+$0x4170];
	v7 =	vmul.f32 v7, v10;
	[tilespmem:s29+$0x4100] =	vst v12  }
0x78: {  	v5 =	vmul.f32 v5, v10;
	[tilespmem:s29+$0x4110] =	vst v11  }
0x79: {  	v8 =	vmul.f32 v8, v4;
	[tilespmem:s29+$0x4120] =	vst v7  }
0x7a: {  	v6 =	vmul.f32 v6, v4;
	[tilespmem:s29+$0x4130] =	vst v5  }
0x7b: {  	v5 =	vmul.f32 v9, v4;
	[tilespmem:s29+$0x4140] =	vst v8  }
0x7c: {  	s28 =	sadd.s32 $0x1, s28;
	v4 =	vmul.f32 v13, v4;
	[tilespmem:s29+$0x4150] =	vst v6  }
0x7d: {  	p0 =	sne.s32 s28, s16;
	[tilespmem:s29+$0x4160] =	vst v5  }
.Ltmp2:
0x7e: {  	[tilespmem:s29+$0x4170] =	vst v4;
	(pc) =	sbr.rel @p0 .LBB2_4-.Ltmp2, $4  }
0x7f: {  	[spmem:s1] =	stream.indirect.scatter.add.f32 [tilespmem:s24], [sflag:$0x2], $0x80, s22, s22, $0xb8;
	[tilespmem:$0x1E900] =	vst v63  }
0x80: {  	_ =	swait.ge [sflag:s21], $0x4000  }
0x81: {  	[sflag:s21] =	ssyncset.done $0x0  }
0x82: {  	[sflag:s21] =	ssyncadd.s32 $0xFFFFC000  }
0x83: {  	s3 =	sadd.s32 $0x1, s3  }
0x84: {  	s26 =	sshll.u32 s2, $0x6;
	[bflag:$0x0] =	sbarrier.arrive $0xFFFF;
	p0 =	sne.s32 s3, s19  }
.Ltmp3:
0x85: {  	s28 =	sshrl.u32 s8, $0x3;
	s26 =	sor.u32 $0x1C02, s26;
	(pc) =	sbr.rel @p0 .LBB2_1-.Ltmp3, $4  }
0x86: {  	[hbm:s18], [sflag:s26] =	dma.local [spmem:s28], $0x2800  }
0x87: {  	_ =	swait.ge [sflag:s21], $0x2800  }
0x88: {  	[sflag:s21] =	ssyncset.done $0x0  }
0x89: {  	[sflag:s21] =	ssyncadd.s32 $0xFFFFD800  }
0x8a: {  	_ =	sfence.sel $0x180000  }
0x8b: {  	[bflag:$0x0] =	sbarrier.arrive $0xFFFF  }
0x8c: {  	p0 =	sne.s32 s2, $0x0;
	_ =	strace $0x90000050  }
0x8d: {  	s0 =	sadd.s32 @!p0 $0x100000, s0;
	[bflag:$0x2] =	sbarrier.arrive $0xFFFF  }
0x8e: {  	[sflag:s0] =	ssyncadd.tile.s32 @!p0 $0x1;
	_ =	shalt  }
.Lfunc_end2:
_tile_overlayer_lowered:
.L_overlay_start_2:
0x8f: {  	(tag) =	ssettag $0x2  }
0x90: {  	s0 =	rddreg [dreg:$0x0];
	s2 =	stileid.u32  }
0x91: {  	s1 =	rddreg [dreg:$0x1];
	p0 =	sne.s32 s2, $0x0  }
0x92: {  	s3 =	rddreg [dreg:$0x2];
	[bflag:$0x3] =	sbarrier.arrive $0xFFFF;
	s2 =	simm.s32 @!p0 $0x1C02  }
0x93: {  	[timem:s3], [sflag:s2] =	dma.local @!p0 [hbm:s0], s1  }
0x94: {  	s0 =	simm.s32 @!p0 $0x2  }
0x95: {  	_ =	swait.ge @!p0 [sflag:s0], s1  }
0x96: {  	s1 =	ssub.s32 @!p0 $0x0, s1;
	[sflag:s0] =	ssyncset.done @!p0 $0x0  }
0x97: {  	[sflag:s0] =	ssyncadd.s32 @!p0 s1  }
0x98: {  	[bflag:$0x3] =	sbarrier.arrive $0xFFFF  }
0x99: {  	_ =	shalt  }

// kernel: kernel.23.cloned.1.call-start
scs
__scs_entry_jumppad:
0x0: {  	(pc) =	sbr.rel $0x88, $3  }
0x1: {  	(tag) =	ssettag $0x0;
	lr =	simm.s32 $0x1  }
0x2: {  	[smem:$0x3F93] =	sst lr;
	_ =	strace $0xD0000000  }
0x3: {  	_ = 	snop  }
0x4: {  	_ = 	snop  }
0x5: {  	_ = 	snop  }
0x6: {  	_ = 	snop  }
0x7: {  	_ = 	snop  }
__scs_overlays_trampoline_lowered:
0x8: {  	[smem:$0x3FA2] =	sst s0  }
0x9: {  	[smem:$0x3FA3] =	sst s1  }
0xa: {  	[smem:$0x3FA4] =	sst s2  }
0xb: {  	[smem:$0x3FA5] =	sst s3  }
0xc: {  	[smem:$0x3FA6] =	sst s4  }
0xd: {  	[smem:$0x3FA7] =	sst s5  }
0xe: {  	[smem:$0x3FA8] =	sst s6  }
0xf: {  	[smem:$0x3FA9] =	sst s7  }
0x10: {  	[smem:$0x3FAA] =	sst s8  }
0x11: {  	[smem:$0x3FAB] =	sst s9;
	s0 =	simm.s32 @!p0 $0x0  }
0x12: {  	s1 =	sld [smem:$0x3F91];
	s0 =	simm.s32 @p0 $0x1  }
0x13: {  	[smem:$0x3FAC] =	sst s0;
	s0 =	simm.s32 @!p1 $0x0  }
0x14: {  	s2 =	sld [smem:$0x3F90];
	s0 =	simm.s32 @p1 $0x1  }
0x15: {  	[smem:$0x3FAD] =	sst s0;
	s0 =	simm.s32 @!p2 $0x0  }
0x16: {  	s3 =	sld [smem:$0x3FDB];
	s0 =	simm.s32 @p2 $0x1  }
0x17: {  	s4 =	simm.s32 $0x1BF5;
	[smem:$0x3FAF] =	sst s0  }
0x18: {  	s0 =	sld [smem:$0x3F92];
	_ =	swait.ge [sflag:s4], $0x0  }
0x19: {  	s7 =	sld [smem:$0x3F93]  }
0x1a: {  	s8 =	sadd.s32 $0xFFFFE003, lr  }
0x1b: {  	s9 =	sadd.s32 $0xFFFFFEF7, lr;
	s5 =	simm.s32 $0xFFFFFFFF;
	p2 =	slt.u32 s8, $0xFFFFF086  }
0x1c: {  	p1 =	slt.u32 s9, $0xF7A;
	s5 =	simm.s32 @!p2 $0x0  }
0x1d: {  	s5 =	simm.s32 @p1 $0x1;
	p0 =	seq.s32 s7, s2  }
0x1e: {  	s7 =	smul.u32 @!p0 $0xF7A, s2;
	p2 =	seq.s32 @!p0 s5, $0x0  }
0x1f: {  	s9 =	smul.u32 $0xF7A, s1;
	s8 =	simm.s32 @!p0 $0x1BF5;
	p2 =	por !p2, p0  }
0x20: {  	[sflag:s8] =	ssyncset.s32 @!p0 $0xFFFFF086;
	s6 =	sadd.s32 @!p0 s3, s7;
	s7 =	simm.s32 @!p0 $0x108  }
0x21: {  	s3 =	sadd.s32 s3, s9;
	s6 =	sadd.s32 @!p0 $0x88, s6;
	s7 =	simm.s32 @p2 $0x1082  }
0x22: {  	[simem:s7], [sflag:s8] =	dma.local @!p0 [hbm:s6], $0xF7A  }
0x23: {  	s9 =	sor.u32 $0xD0000000, s2;
	s6 =	simm.s32 $0x108;
	_ =	swait.ge @!p0 [sflag:s8], $0x0  }
0x24: {  	s3 =	sadd.s32 $0x88, s3;
	s6 =	simm.s32 @!p1 $0x1082;
	[sflag:s4] =	ssyncset.s32 $0xFFFFF086  }
0x25: {  	[simem:s6], [sflag:s4] =	dma.local [hbm:s3], $0xF7A  }
0x26: {  	[smem:$0x3F93] =	sst s1;
	(tag) =	ssettag s2;
	_ =	strace s9  }
0x27: {  	s1 =	sld [smem:$0x3FA3]  }
0x28: {  	s2 =	sld [smem:$0x3FA4]  }
0x29: {  	s4 =	sld [smem:$0x3FA6]  }
0x2a: {  	p0 =	seq.s32 s5, $0x0;
	s5 =	sld [smem:$0x3FA7]  }
0x2b: {  	s6 =	sld [smem:$0x3FA8]  }
0x2c: {  	s7 =	sld [smem:$0x3FA9]  }
0x2d: {  	s3 =	simm.s32 $0x108;
	s8 =	sld [smem:$0x3FAA]  }
0x2e: {  	s3 =	simm.s32 @!p0 $0x1082;
	s9 =	sld [smem:$0x3FAB]  }
0x2f: {  	lr =	sadd.s32 s0, s3;
	s0 =	sld [smem:$0x3FA2]  }
0x30: {  	s3 =	sld [smem:$0x3FA5]  }
0x31: {  	[smem:$0x3FAE] =	sst s10  }
0x32: {  	s10 =	sld [smem:$0x3FAC];
	_ =	sdelay $0x3  }
0x33: {  	p0 =	seq.s32 s10, $0x1;
	s10 =	sld [smem:$0x3FAE];
	_ =	sdelay $0x3  }
0x34: {  	[smem:$0x3FAE] =	sst s10  }
0x35: {  	s10 =	sld [smem:$0x3FAD];
	_ =	sdelay $0x3  }
0x36: {  	p1 =	seq.s32 s10, $0x1;
	s10 =	sld [smem:$0x3FAE];
	_ =	sdelay $0x3  }
0x37: {  	[smem:$0x3FAE] =	sst s10  }
0x38: {  	s10 =	sld [smem:$0x3FAF]  }
0x39: {  	_ = 	snop;
	(pc) =	sbr.ind lr, $3  }
0x3a: {  	_ = 	snop  }
0x3b: {  	_ = 	snop  }
0x3c: {  	p2 =	seq.s32 s10, $0x1;
	s10 =	sld [smem:$0x3FAE]  }
0x3d: {  	_ =	shalt  }
0x3e: {  	_ =	shalt  }
0x3f: {  	_ =	shalt  }
0x40: {  	_ =	shalt  }
0x41: {  	_ =	shalt  }
0x42: {  	_ =	shalt  }
0x43: {  	_ =	shalt  }
0x44: {  	_ =	shalt  }
0x45: {  	_ =	shalt  }
0x46: {  	_ =	shalt  }
0x47: {  	_ =	shalt  }
0x48: {  	_ =	shalt  }
0x49: {  	_ =	shalt  }
0x4a: {  	_ =	shalt  }
0x4b: {  	_ =	shalt  }
0x4c: {  	_ =	shalt  }
0x4d: {  	_ =	shalt  }
0x4e: {  	_ =	shalt  }
0x4f: {  	_ =	shalt  }
0x50: {  	_ =	shalt  }
0x51: {  	_ =	shalt  }
0x52: {  	_ =	shalt  }
0x53: {  	_ =	shalt  }
0x54: {  	_ =	shalt  }
0x55: {  	_ =	shalt  }
0x56: {  	_ =	shalt  }
0x57: {  	_ =	shalt  }
0x58: {  	_ =	shalt  }
0x59: {  	_ =	shalt  }
0x5a: {  	_ =	shalt  }
0x5b: {  	_ =	shalt  }
0x5c: {  	_ =	shalt  }
0x5d: {  	_ =	shalt  }
0x5e: {  	_ =	shalt  }
0x5f: {  	_ =	shalt  }
0x60: {  	_ =	shalt  }
0x61: {  	_ =	shalt  }
0x62: {  	_ =	shalt  }
0x63: {  	_ =	shalt  }
0x64: {  	_ =	shalt  }
0x65: {  	_ =	shalt  }
0x66: {  	_ =	shalt  }
0x67: {  	_ =	shalt  }
0x68: {  	_ =	shalt  }
0x69: {  	_ =	shalt  }
0x6a: {  	_ =	shalt  }
0x6b: {  	_ =	shalt  }
0x6c: {  	_ =	shalt  }
0x6d: {  	_ =	shalt  }
0x6e: {  	_ =	shalt  }
0x6f: {  	_ =	shalt  }
0x70: {  	_ =	shalt  }
0x71: {  	_ =	shalt  }
0x72: {  	_ =	shalt  }
0x73: {  	_ =	shalt  }
0x74: {  	_ =	shalt  }
0x75: {  	_ =	shalt  }
0x76: {  	_ =	shalt  }
0x77: {  	_ =	shalt  }
0x78: {  	_ =	shalt  }
0x79: {  	_ =	shalt  }
0x7a: {  	_ =	shalt  }
0x7b: {  	_ =	shalt  }
0x7c: {  	_ =	shalt  }
0x7d: {  	_ =	shalt  }
0x7e: {  	_ =	shalt  }
0x7f: {  	_ =	shalt  }
0x80: {  	_ =	shalt  }
0x81: {  	_ =	shalt  }
0x82: {  	_ =	shalt  }
0x83: {  	_ =	shalt  }
0x84: {  	_ =	shalt  }
0x85: {  	_ =	shalt  }
0x86: {  	_ =	shalt  }
0x87: {  	_ =	shalt  }
.Lfunc_end0:
.L_simem_size_0:
called_computation.4_lowered:
.L_overlay_start_0:
0x88: {  	s2 =	sld [smem:$0x3FD9]  }
0x89: {  	s3 =	sld [smem:$0x3FFE];
	_ =	sdelay $0x1  }
0x8a: {  	s1 =	srdreg.scid  }
0x8b: {  	s0 =	sand.u32 $0x1, s1  }
0x8c: {  	s16 =	sshll.u32 s0, $0xA;
	s2 =	sadd.s32 s3, s2  }
0x8d: {  	s2 =	sadd.s32 s2, s16  }
0x8e: {  	[smem:$0x3FBA] =	sst s2  }
0x8f: {  	_ = 	snop  }
0x90: {  	(tm) =	ssettm $0x1  }
0x91: {  	s17 =	sld [smem:$0x3FFB];
	_ =	sdelay $0x3  }
0x92: {  	_ =	strace s17  }
0x93: {  	s2 =	sld [smem:$0x3FFC];
	_ =	sdelay $0x3  }
0x94: {  	_ =	strace s2  }
0x95: {  	s2 =	sld [smem:$0x3FFD];
	_ =	sdelay $0x3  }
0x96: {  	_ =	strace s2  }
0x97: {  	_ =	strace $0x8FFFFFFF  }
0x98: {  	s18 =	sld [smem:$0x3FDB];
	_ =	sdelay $0x1  }
0x99: {  	s19 =	simm.s32 $_scs_section_size  }
0x9a: {  	s4 =	simm.s32 $_size__tile_overlayer_lowered;
	s5 =	simm.s32 $_tile_overlayer_lowered  }
0x9b: {  	s22 =	simm.s32 $0x1BFF;
	s21 =	sshll.u32 s5, $0x1;
	s2 =	sadd.s32 s19, s18  }
0x9c: {  	s6 =	simm.s32 $0x0;
	s20 =	sshll.u32 s4, $0x1;
	s4 =	sadd.s32 s21, s2  }
0x9d: {  	[timem:s6], [sflag:s22] =	dma.local [hbm:s4], s20  }
0x9e: {  	_ =	swait.ge [sflag:s22], s20  }
0x9f: {  	s3 =	ssub.s32 $0x0, s20;
	[sflag:s22] =	ssyncset.done $0x0  }
0xa0: {  	[sflag:s22] =	ssyncadd.s32 s3;
	_ =	sdelay $0x1  }
0xa1: {  	s23 =	simm.s32 $0x1B8B  }
0xa2: {  	_ =	swait.ge [sflag:s23], $0x1  }
0xa3: {  	[sflag:s23] =	ssyncset.done $0x0  }
0xa4: {  	s25 =	simm.s32 $0x1B8E;
	s24 =	sld [smem:$0x3FFE];
	[sflag:s23] =	ssyncadd.s32 $0xFFFFFFFF  }
0xa5: {  	s26 =	simm.s32 $execute0_lowered;
	[smem:$0x3FD2] =	sst s25  }
0xa6: {  	s4 =	sshll.u32 s26, $0x1;
	_ =	strace $0x80000052;
	[dreg:$0x1] =	wrdreg $0xFFFFFFFF  }
0xa7: {  	s28 =	simm.s32 $_size_execute0_lowered;
	s2 =	sadd.s32 s2, s4;
	[dreg:$0x0] =	wrdreg $0x0  }
0xa8: {  	s4 =	sshll.u32 s28, $0x1;
	[dreg:$0x2] =	wrdreg s2  }
0xa9: {  	[dreg:$0x3] =	wrdreg s4  }
0xaa: {  	[dreg:$0x4] =	wrdreg $0xC0  }
0xab: {  	_ =	task [dreg:s6], $0x5FFFF  }
0xac: {  	[dreg:$0x1] =	wrdreg $0xFFFFFFFF  }
0xad: {  	[dreg:$0x0] =	wrdreg $0x60  }
0xae: {  	[dreg:$0x2] =	wrdreg s24  }
0xaf: {  	[dreg:$0x3] =	wrdreg $0xA9000  }
0xb0: {  	[dreg:$0x4] =	wrdreg $0x9  }
0xb1: {  	_ =	task.clear_ibuf [dreg:s6], $0x5FFFF;
	_ =	strace $0x90000052  }
0xb2: {  	s29 =	simm.s32 $0x9;
	_ =	strace $0x80000054  }
0xb3: {  	_ =	swait.ge [sflag:s29], $0x1  }
0xb4: {  	[sflag:s29] =	ssyncadd.s32 $0xFFFFFFFF  }
0xb5: {  	_ =	strace $0x90000054  }
0xb6: {  	_ =	sfence  }
0xb7: {  	s30 =	sld [smem:$0x0];
	_ =	sdelay $0x2  }
0xb8: {  	s31 =	sshll.u32 s1, $0xD;
	s1 =	sshrl.u32 s1, $0x2  }
0xb9: {  	s3 =	sand.u32 $0x4000, s31;
	s1 =	sadd.s32 s1, s30  }
0xba: {  	s0 =	sor.u32 s3, s0;
	s1 =	sshll.u32 s1, $0x11  }
0xbb: {  	s0 =	sor.u32 s1, s0  }
0xbc: {  	s0 =	sadd.s32 $0x8F2B, s0  }
0xbd: {  	[sflag:s0] =	ssyncadd.remote.s32 $0x1  }
0xbe: {  	_ =	sfence.sel $0xFFFF  }
0xbf: {  	[dreg:$0x0] =	wrdreg $0xFFFFFFFF;
	(pc) =	sbr.abs _section_cstart, $3  }
0xc0: {  	[dreg:$0x1] =	wrdreg $0xFFFFFFFF  }
0xc1: {  	_ =	task.clear_ibuf [dreg:s6], $0x2FFFF;
	_ =	strace $0x9FFFFFFF  }
0xc2: {  	(tm) =	ssettm $0x7FFFFFFF  }
0xc3: {  	_ =	shalt  }
tec
execute0_lowered:
.L_overlay_start_1:
0x0: {  	(tag) =	ssettag $0x1  }
0x1: {  	s8 =	rddreg [dreg:$0x0]  }
0x2: {  	s2 =	rddreg [dreg:$0x1]  }
0x3: {  	s0 =	rddreg [dreg:$0x2];
	s3 =	simm.s32 $0x0;
	s4 =	srdreg.scid  }
0x4: {  	s1 =	stileid.u32;
	s24 =	simm.s32 $0x4100;
	s25 =	simm.s32 $0x1  }
0x5: {  	[smem:$0x7FF] =	sst s3;
	s18 =	sand.u32 $0x1, s4;
	s9 =	smul.u32 $0x2800, s1  }
0x6: {  	s4 =	sadd.s32 $0xD6400, s8;
	s5 =	sadd.s32 $0x370400, s8;
	s11 =	smul.u32 $0x50000, s1  }
0x7: {  	s6 =	sadd.s32 $0x9400, s8;
	s7 =	sadd.s32 $0x4400, s8;
	s16 =	ssub.s32 $0x4F1, s1  }
0x8: {  	s17 =	sshll.u32 s1, $0x7;
	_ =	strace $0x80000053;
	s10 =	smul.u32 $0x28000, s18  }
0x9: {  	s12 =	ssub.s32 $0x2, s18;
	s16 =	sshrl.u32 s16, $0x4;
	s21 =	smul.u32 $0x2800, s18  }
0xa: {  	s22 =	sshll.u32 s18, $0x1;
	s23 =	sshllo.u32 s18, $0x1;
	s31 =	sshrl.u32 s12, $0x1  }
0xb: {  	s11 =	sshrl.u32 s11, $0x2;
	v1 =	vmov s22;
	s22 =	simm.s32 $0x80;
	s9 =	sadd.s32 s9, s10  }
0xc: {  	v2 =	vmov s23;
	s23 =	simm.s32 $0x100;
	s19 =	sadd.s32 s9, s8;
	s8 =	sadd.s32 s11, s2  }
0xd: {  	s20 =	ssub.s32 s12, s31;
	v0 =	vmov s21;
	s21 =	simm.s32 $0x2;
	s9 =	sadd.s32 $0x2800, s8  }
0xe: {  	s10 =	sadd.s32 $0x5000, s8;
	s11 =	sadd.s32 $0x7800, s8;
	s12 =	sadd.s32 $0xA000, s8  }
0xf: {  	s13 =	sadd.s32 $0xC800, s8;
	s14 =	sadd.s32 $0xF000, s8;
	s15 =	sadd.s32 $0x11800, s8  }
0x10: {  	v3 =	vimm.f32 $0.0e+00;
	v1 =	vbroadcast v1, $0x0;
	v2 =	vbroadcast v2, $0x0;
	s18 =	sadd.s32 $0x126400, s19;
	s19 =	smax.u32 s20, $0x1;
	s20 =	simm.s32 $0x8100  }
.LBB2_1:
0x11: {  	s26 =	simm.s32 $0x0;
	s28 =	simm.s32 $0x200  }
.LBB2_2:
0x12: {  	p0 =	sne.s32 s28, $0x9E00;
	[tilespmem:s26+$0x8170] =	vst v3  }
0x13: {  	[tilespmem:s26+$0x8100] =	vst v3  }
0x14: {  	[tilespmem:s26+$0x8110] =	vst v3  }
.Ltmp0:
0x15: {  	[tilespmem:s26+$0x8120] =	vst v3;
	(pc) =	sbr.rel @p0 .LBB2_2-.Ltmp0, $4  }
0x16: {  	[tilespmem:s26+$0x8130] =	vst v3  }
0x17: {  	[tilespmem:s26+$0x8140] =	vst v3  }
0x18: {  	[tilespmem:s26+$0x8150] =	vst v3  }
0x19: {  	[tilespmem:s26+$0x8160] =	vst v3;
	s26 =	sshra.s32 s28, $0x2;
	s28 =	sadd.s32 $0x200, s28  }
0x1a: {  	[tilespmem:s26+$0x8170] =	vst v3  }
0x1b: {  	[tilespmem:s26+$0x8100] =	vst v3  }
0x1c: {  	[tilespmem:s26+$0x8110] =	vst v3  }
0x1d: {  	[tilespmem:s26+$0x8120] =	vst v3  }
0x1e: {  	[tilespmem:s26+$0x8130] =	vst v3  }
0x1f: {  	[tilespmem:s26+$0x8140] =	vst v3  }
0x20: {  	[tilespmem:s26+$0x8150] =	vst v3  }
0x21: {  	[tilespmem:s26+$0x8160] =	vst v3  }
0x22: {  	[spmem:s8] =	stream.linear.scatter [tilespmem:s20], [sflag:$0x2], $0x2800, $0x38;
	[tilespmem:$0x1E900] =	vst v63  }
0x23: {  	_ =	swait.ge [sflag:s21], $0x2800  }
0x24: {  	[sflag:s21] =	ssyncset.done $0x0  }
0x25: {  	[sflag:s21] =	ssyncadd.s32 $0xFFFFD800  }
0x26: {  	[spmem:s9] =	stream.linear.scatter [tilespmem:s20], [sflag:$0x2], $0x2800, $0x38;
	[tilespmem:$0x1E900] =	vst v63  }
0x27: {  	_ =	swait.ge [sflag:s21], $0x2800  }
0x28: {  	[sflag:s21] =	ssyncset.done $0x0  }
0x29: {  	[sflag:s21] =	ssyncadd.s32 $0xFFFFD800  }
0x2a: {  	[spmem:s10] =	stream.linear.scatter [tilespmem:s20], [sflag:$0x2], $0x2800, $0x38;
	[tilespmem:$0x1E900] =	vst v63  }
0x2b: {  	_ =	swait.ge [sflag:s21], $0x2800  }
0x2c: {  	[sflag:s21] =	ssyncset.done $0x0  }
0x2d: {  	[sflag:s21] =	ssyncadd.s32 $0xFFFFD800  }
0x2e: {  	[spmem:s11] =	stream.linear.scatter [tilespmem:s20], [sflag:$0x2], $0x2800, $0x38;
	[tilespmem:$0x1E900] =	vst v63  }
0x2f: {  	_ =	swait.ge [sflag:s21], $0x2800  }
0x30: {  	[sflag:s21] =	ssyncset.done $0x0  }
0x31: {  	[sflag:s21] =	ssyncadd.s32 $0xFFFFD800  }
0x32: {  	[spmem:s12] =	stream.linear.scatter [tilespmem:s20], [sflag:$0x2], $0x2800, $0x38;
	[tilespmem:$0x1E900] =	vst v63  }
0x33: {  	_ =	swait.ge [sflag:s21], $0x2800  }
0x34: {  	[sflag:s21] =	ssyncset.done $0x0  }
0x35: {  	[sflag:s21] =	ssyncadd.s32 $0xFFFFD800  }
0x36: {  	[spmem:s13] =	stream.linear.scatter [tilespmem:s20], [sflag:$0x2], $0x2800, $0x38;
	[tilespmem:$0x1E900] =	vst v63  }
0x37: {  	_ =	swait.ge [sflag:s21], $0x2800  }
0x38: {  	[sflag:s21] =	ssyncset.done $0x0  }
0x39: {  	[sflag:s21] =	ssyncadd.s32 $0xFFFFD800  }
0x3a: {  	[spmem:s14] =	stream.linear.scatter [tilespmem:s20], [sflag:$0x2], $0x2800, $0x38;
	[tilespmem:$0x1E900] =	vst v63  }
0x3b: {  	_ =	swait.ge [sflag:s21], $0x2800  }
0x3c: {  	[sflag:s21] =	ssyncset.done $0x0  }
0x3d: {  	[sflag:s21] =	ssyncadd.s32 $0xFFFFD800  }
0x3e: {  	[spmem:s15] =	stream.linear.scatter [tilespmem:s20], [sflag:$0x2], $0x2800, $0x38;
	[tilespmem:$0x1E900] =	vst v63  }
0x3f: {  	_ =	swait.ge [sflag:s21], $0x2800  }
0x40: {  	[sflag:s21] =	ssyncset.done $0x0  }
0x41: {  	[sflag:s21] =	ssyncadd.s32 $0xFFFFD800  }
0x42: {  	s26 =	simm.s32 $0x0;
	s28 =	simm.s32 $0x0;
	[bflag:$0x0] =	sbarrier.arrive $0xFFFF  }
.LBB2_4:
0x43: {  	s29 =	sshll.u32 s28, $0xB  }
0x44: {  	s29 =	sor.u32 s17, s29  }
0x45: {  	s30 =	sshrl.u32 s29, $0x3  }
0x46: {  	s31 =	sadd.s32 s6, s30  }
0x47: {  	[tilespmem:s26], [sflag:$0x2] =	stream.linear.gather [hbm4b:s31+s26], $0x80, $0x38;
	[tilespmem:$0x1E900] =	vst v63  }
0x48: {  	_ =	swait.ge [sflag:s21], $0x80  }
0x49: {  	[sflag:s21] =	ssyncset.done $0x0  }
0x4a: {  	s30 =	sadd.s32 s7, s30;
	[sflag:s21] =	ssyncadd.s32 $0xFFFFFF80  }
0x4b: {  	[tilespmem:s22], [sflag:$0x2] =	stream.linear.gather [hbm4b:s30+s26], $0x80, $0x38;
	[tilespmem:$0x1E900] =	vst v63  }
0x4c: {  	_ =	swait.ge [sflag:s21], $0x80  }
0x4d: {  	s29 =	sshll.u32 s29, $0x4;
	[sflag:s21] =	ssyncset.done $0x0  }
0x4e: {  	s29 =	sadd.s32 s5, s29;
	[sflag:s21] =	ssyncadd.s32 $0xFFFFFF80  }
0x4f: {  	[tilespmem:s23], [sflag:$0x2] =	stream.linear.gather [hbm4b:s29+s26], $0x4000, $0x38;
	[tilespmem:$0x1E900] =	vst v63  }
0x50: {  	_ =	swait.ge [sflag:s21], $0x4000  }
0x51: {  	[sflag:s21] =	ssyncset.done $0x0  }
0x52: {  	[sflag:s21] =	ssyncadd.s32 $0xFFFFC000  }
0x53: {  	v4 =	vld [tilespmem:$0x0]  }
0x54: {  	v5 =	vld [tilespmem:$0x10]  }
0x55: {  	v6 =	vld [tilespmem:$0x20]  }
0x56: {  	v7 =	vld [tilespmem:$0x30]  }
0x57: {  	v8 =	vld [tilespmem:$0x40]  }
0x58: {  	v9 =	vld [tilespmem:$0x50];
	v4 =	vadd.s32 v0, v4  }
0x59: {  	[tilespmem:$0x0] =	vst v4;
	v4 =	vadd.s32 v0, v5;
	v5 =	vld [tilespmem:$0x60]  }
0x5a: {  	[tilespmem:$0x10] =	vst v4;
	v4 =	vadd.s32 v0, v6;
	v6 =	vld [tilespmem:$0x70]  }
0x5b: {  	[tilespmem:$0x20] =	vst v4;
	v4 =	vadd.s32 v0, v7  }
0x5c: {  	[tilespmem:$0x30] =	vst v4;
	v4 =	vadd.s32 v0, v8  }
0x5d: {  	[tilespmem:$0x40] =	vst v4;
	v4 =	vadd.s32 v0, v9  }
0x5e: {  	[tilespmem:$0x50] =	vst v4;
	v4 =	vadd.s32 v0, v5  }
0x5f: {  	[tilespmem:$0x60] =	vst v4;
	v4 =	vadd.s32 v0, v6  }
0x60: {  	[tilespmem:$0x70] =	vst v4  }
0x61: {  	[tilespmem:s24], [sflag:$0x1] =	stream.indirect.gather [hbm4b:s4+s22], $0x80, s26, s22, $0xb8;
	[tilespmem:$0x1E900] =	vst v63  }
0x62: {  	_ =	swait.ge [sflag:s25], $0x4000  }
0x63: {  	[sflag:s25] =	ssyncset.done $0x0  }
0x64: {  	s29 =	simm.s32 $0x0;
	[sflag:s25] =	ssyncadd.s32 $0xFFFFC000  }
0x65: {  	v4 =	vld [tilespmem:s29+$0x100]  }
0x66: {  	v9 =	vld [tilespmem:s29+$0x4100]  }
0x67: {  	v11 =	vld [tilespmem:s29+$0x4110]  }
0x68: {  	v7 =	vld [tilespmem:s29+$0x4120]  }
0x69: {  	v5 =	vld [tilespmem:s29+$0x4130]  }
0x6a: {  	v8 =	vld [tilespmem:s29+$0x4140];
	v10 =	vperm.xlane v4, v1  }
0x6b: {  	v6 =	vld [tilespmem:s29+$0x4150];
	v4 =	vperm.xlane v4, v2  }
0x6c: {  	s30 =	simm.s32 $0x200;
	v12 =	vmul.f32 v9, v10;
	v11 =	vmul.f32 v11, v10;
	v9 =	vld [tilespmem:s29+$0x4160]  }
.LBB2_5:
0x6d: {  	s31 =	sshra.s32 s30, $0x2;
	p0 =	sne.s32 s30, $0xFE00;
	s30 =	sadd.s32 $0x200, s30;
	v7 =	vmul.f32 v7, v10;
	v13 =	vld [tilespmem:s29+$0x4170]  }
0x6e: {  	v14 =	vld [tilespmem:s31+$0x100];
	[tilespmem:s29+$0x4100] =	vst v12;
	v5 =	vmul.f32 v5, v10  }
0x6f: {  	v12 =	vld [tilespmem:s31+$0x4100];
	[tilespmem:s29+$0x4110] =	vst v11;
	v8 =	vmul.f32 v8, v4  }
0x70: {  	v11 =	vld [tilespmem:s31+$0x4110];
	[tilespmem:s29+$0x4120] =	vst v7;
	v6 =	vmul.f32 v6, v4  }
.Ltmp1:
0x71: {  	v7 =	vld [tilespmem:s31+$0x4120];
	[tilespmem:s29+$0x4130] =	vst v5;
	v9 =	vmul.f32 v9, v4;
	(pc) =	sbr.rel @p0 .LBB2_5-.Ltmp1, $4  }
0x72: {  	v5 =	vld [tilespmem:s31+$0x4130];
	[tilespmem:s29+$0x4140] =	vst v8;
	v13 =	vmul.f32 v13, v4  }
0x73: {  	v10 =	vperm.xlane v14, v1;
	v4 =	vperm.xlane v14, v2;
	v8 =	vld [tilespmem:s31+$0x4140];
	[tilespmem:s29+$0x4150] =	vst v6  }
0x74: {  	v6 =	vld [tilespmem:s31+$0x4150];
	[tilespmem:s29+$0x4160] =	vst v9  }
0x75: {  	v12 =	vmul.f32 v12, v10;
	v11 =	vmul.f32 v11, v10;
	v9 =	vld [tilespmem:s31+$0x4160];
	[tilespmem:s29+$0x4170] =	vst v13;
	s29 =	smov.u32 s31  }
0x76: {  	_ = 	snop  }
0x77: {  	v13 =	vld [tilespmem:s29+$0x4170];
	v7 =	vmul.f32 v7, v10;
	[tilespmem:s29+$0x4100] =	vst v12  }
0x78: {  	v5 =	vmul.f32 v5, v10;
	[tilespmem:s29+$0x4110] =	vst v11  }
0x79: {  	v8 =	vmul.f32 v8, v4;
	[tilespmem:s29+$0x4120] =	vst v7  }
0x7a: {  	v6 =	vmul.f32 v6, v4;
	[tilespmem:s29+$0x4130] =	vst v5  }
0x7b: {  	v5 =	vmul.f32 v9, v4;
	[tilespmem:s29+$0x4140] =	vst v8  }
0x7c: {  	s28 =	sadd.s32 $0x1, s28;
	v4 =	vmul.f32 v13, v4;
	[tilespmem:s29+$0x4150] =	vst v6  }
0x7d: {  	p0 =	sne.s32 s28, s16;
	[tilespmem:s29+$0x4160] =	vst v5  }
.Ltmp2:
0x7e: {  	[tilespmem:s29+$0x4170] =	vst v4;
	(pc) =	sbr.rel @p0 .LBB2_4-.Ltmp2, $4  }
0x7f: {  	[spmem:s2] =	stream.indirect.scatter.add.f32 [tilespmem:s24], [sflag:$0x2], $0x80, s22, s22, $0xb8;
	[tilespmem:$0x1E900] =	vst v63  }
0x80: {  	_ =	swait.ge [sflag:s21], $0x4000  }
0x81: {  	[sflag:s21] =	ssyncset.done $0x0  }
0x82: {  	[sflag:s21] =	ssyncadd.s32 $0xFFFFC000  }
0x83: {  	s3 =	sadd.s32 $0x1, s3  }
0x84: {  	s26 =	sshll.u32 s1, $0x6;
	[bflag:$0x0] =	sbarrier.arrive $0xFFFF;
	p0 =	sne.s32 s3, s19  }
.Ltmp3:
0x85: {  	s28 =	sshrl.u32 s8, $0x3;
	s26 =	sor.u32 $0x1C02, s26;
	(pc) =	sbr.rel @p0 .LBB2_1-.Ltmp3, $4  }
0x86: {  	[hbm:s18], [sflag:s26] =	dma.local [spmem:s28], $0x2800  }
0x87: {  	_ =	swait.ge [sflag:s21], $0x2800  }
0x88: {  	[sflag:s21] =	ssyncset.done $0x0  }
0x89: {  	[sflag:s21] =	ssyncadd.s32 $0xFFFFD800  }
0x8a: {  	_ =	sfence.sel $0x180000  }
0x8b: {  	[bflag:$0x0] =	sbarrier.arrive $0xFFFF  }
0x8c: {  	p0 =	sne.s32 s1, $0x0;
	_ =	strace $0x90000053  }
0x8d: {  	s0 =	sadd.s32 @!p0 $0x100000, s0;
	[bflag:$0x2] =	sbarrier.arrive $0xFFFF  }
0x8e: {  	[sflag:s0] =	ssyncadd.tile.s32 @!p0 $0x1;
	_ =	shalt  }
.Lfunc_end2:
_tile_overlayer_lowered:
.L_overlay_start_2:
0x8f: {  	(tag) =	ssettag $0x2  }
0x90: {  	s0 =	rddreg [dreg:$0x0];
	s2 =	stileid.u32  }
0x91: {  	s1 =	rddreg [dreg:$0x1];
	p0 =	sne.s32 s2, $0x0  }
0x92: {  	s3 =	rddreg [dreg:$0x2];
	[bflag:$0x3] =	sbarrier.arrive $0xFFFF;
	s2 =	simm.s32 @!p0 $0x1C02  }
0x93: {  	[timem:s3], [sflag:s2] =	dma.local @!p0 [hbm:s0], s1  }
0x94: {  	s0 =	simm.s32 @!p0 $0x2  }
0x95: {  	_ =	swait.ge @!p0 [sflag:s0], s1  }
0x96: {  	s1 =	ssub.s32 @!p0 $0x0, s1;
	[sflag:s0] =	ssyncset.done @!p0 $0x0  }
0x97: {  	[sflag:s0] =	ssyncadd.s32 @!p0 s1  }
0x98: {  	[bflag:$0x3] =	sbarrier.arrive $0xFFFF  }
0x99: {  	_ =	shalt  }

// kernel: kernel.26.cloned.1.call-start
scs
__scs_entry_jumppad:
0x0: {  	(pc) =	sbr.rel $0x88, $3  }
0x1: {  	(tag) =	ssettag $0x0;
	lr =	simm.s32 $0x1  }
0x2: {  	[smem:$0x3F93] =	sst lr;
	_ =	strace $0xD0000000  }
0x3: {  	_ = 	snop  }
0x4: {  	_ = 	snop  }
0x5: {  	_ = 	snop  }
0x6: {  	_ = 	snop  }
0x7: {  	_ = 	snop  }
__scs_overlays_trampoline_lowered:
0x8: {  	[smem:$0x3FA2] =	sst s0  }
0x9: {  	[smem:$0x3FA3] =	sst s1  }
0xa: {  	[smem:$0x3FA4] =	sst s2  }
0xb: {  	[smem:$0x3FA5] =	sst s3  }
0xc: {  	[smem:$0x3FA6] =	sst s4  }
0xd: {  	[smem:$0x3FA7] =	sst s5  }
0xe: {  	[smem:$0x3FA8] =	sst s6  }
0xf: {  	[smem:$0x3FA9] =	sst s7  }
0x10: {  	[smem:$0x3FAA] =	sst s8  }
0x11: {  	[smem:$0x3FAB] =	sst s9;
	s0 =	simm.s32 @!p0 $0x0  }
0x12: {  	s1 =	sld [smem:$0x3F91];
	s0 =	simm.s32 @p0 $0x1  }
0x13: {  	[smem:$0x3FAC] =	sst s0;
	s0 =	simm.s32 @!p1 $0x0  }
0x14: {  	s2 =	sld [smem:$0x3F90];
	s0 =	simm.s32 @p1 $0x1  }
0x15: {  	[smem:$0x3FAD] =	sst s0;
	s0 =	simm.s32 @!p2 $0x0  }
0x16: {  	s3 =	sld [smem:$0x3FDB];
	s0 =	simm.s32 @p2 $0x1  }
0x17: {  	s4 =	simm.s32 $0x1BF5;
	[smem:$0x3FAF] =	sst s0  }
0x18: {  	s0 =	sld [smem:$0x3F92];
	_ =	swait.ge [sflag:s4], $0x0  }
0x19: {  	s7 =	sld [smem:$0x3F93]  }
0x1a: {  	s8 =	sadd.s32 $0xFFFFE003, lr  }
0x1b: {  	s9 =	sadd.s32 $0xFFFFFEF7, lr;
	s5 =	simm.s32 $0xFFFFFFFF;
	p2 =	slt.u32 s8, $0xFFFFF086  }
0x1c: {  	p1 =	slt.u32 s9, $0xF7A;
	s5 =	simm.s32 @!p2 $0x0  }
0x1d: {  	s5 =	simm.s32 @p1 $0x1;
	p0 =	seq.s32 s7, s2  }
0x1e: {  	s7 =	smul.u32 @!p0 $0xF7A, s2;
	p2 =	seq.s32 @!p0 s5, $0x0  }
0x1f: {  	s9 =	smul.u32 $0xF7A, s1;
	s8 =	simm.s32 @!p0 $0x1BF5;
	p2 =	por !p2, p0  }
0x20: {  	[sflag:s8] =	ssyncset.s32 @!p0 $0xFFFFF086;
	s6 =	sadd.s32 @!p0 s3, s7;
	s7 =	simm.s32 @!p0 $0x108  }
0x21: {  	s3 =	sadd.s32 s3, s9;
	s6 =	sadd.s32 @!p0 $0x88, s6;
	s7 =	simm.s32 @p2 $0x1082  }
0x22: {  	[simem:s7], [sflag:s8] =	dma.local @!p0 [hbm:s6], $0xF7A  }
0x23: {  	s9 =	sor.u32 $0xD0000000, s2;
	s6 =	simm.s32 $0x108;
	_ =	swait.ge @!p0 [sflag:s8], $0x0  }
0x24: {  	s3 =	sadd.s32 $0x88, s3;
	s6 =	simm.s32 @!p1 $0x1082;
	[sflag:s4] =	ssyncset.s32 $0xFFFFF086  }
0x25: {  	[simem:s6], [sflag:s4] =	dma.local [hbm:s3], $0xF7A  }
0x26: {  	[smem:$0x3F93] =	sst s1;
	(tag) =	ssettag s2;
	_ =	strace s9  }
0x27: {  	s1 =	sld [smem:$0x3FA3]  }
0x28: {  	s2 =	sld [smem:$0x3FA4]  }
0x29: {  	s4 =	sld [smem:$0x3FA6]  }
0x2a: {  	p0 =	seq.s32 s5, $0x0;
	s5 =	sld [smem:$0x3FA7]  }
0x2b: {  	s6 =	sld [smem:$0x3FA8]  }
0x2c: {  	s7 =	sld [smem:$0x3FA9]  }
0x2d: {  	s3 =	simm.s32 $0x108;
	s8 =	sld [smem:$0x3FAA]  }
0x2e: {  	s3 =	simm.s32 @!p0 $0x1082;
	s9 =	sld [smem:$0x3FAB]  }
0x2f: {  	lr =	sadd.s32 s0, s3;
	s0 =	sld [smem:$0x3FA2]  }
0x30: {  	s3 =	sld [smem:$0x3FA5]  }
0x31: {  	[smem:$0x3FAE] =	sst s10  }
0x32: {  	s10 =	sld [smem:$0x3FAC];
	_ =	sdelay $0x3  }
0x33: {  	p0 =	seq.s32 s10, $0x1;
	s10 =	sld [smem:$0x3FAE];
	_ =	sdelay $0x3  }
0x34: {  	[smem:$0x3FAE] =	sst s10  }
0x35: {  	s10 =	sld [smem:$0x3FAD];
	_ =	sdelay $0x3  }
0x36: {  	p1 =	seq.s32 s10, $0x1;
	s10 =	sld [smem:$0x3FAE];
	_ =	sdelay $0x3  }
0x37: {  	[smem:$0x3FAE] =	sst s10  }
0x38: {  	s10 =	sld [smem:$0x3FAF]  }
0x39: {  	_ = 	snop;
	(pc) =	sbr.ind lr, $3  }
0x3a: {  	_ = 	snop  }
0x3b: {  	_ = 	snop  }
0x3c: {  	p2 =	seq.s32 s10, $0x1;
	s10 =	sld [smem:$0x3FAE]  }
0x3d: {  	_ =	shalt  }
0x3e: {  	_ =	shalt  }
0x3f: {  	_ =	shalt  }
0x40: {  	_ =	shalt  }
0x41: {  	_ =	shalt  }
0x42: {  	_ =	shalt  }
0x43: {  	_ =	shalt  }
0x44: {  	_ =	shalt  }
0x45: {  	_ =	shalt  }
0x46: {  	_ =	shalt  }
0x47: {  	_ =	shalt  }
0x48: {  	_ =	shalt  }
0x49: {  	_ =	shalt  }
0x4a: {  	_ =	shalt  }
0x4b: {  	_ =	shalt  }
0x4c: {  	_ =	shalt  }
0x4d: {  	_ =	shalt  }
0x4e: {  	_ =	shalt  }
0x4f: {  	_ =	shalt  }
0x50: {  	_ =	shalt  }
0x51: {  	_ =	shalt  }
0x52: {  	_ =	shalt  }
0x53: {  	_ =	shalt  }
0x54: {  	_ =	shalt  }
0x55: {  	_ =	shalt  }
0x56: {  	_ =	shalt  }
0x57: {  	_ =	shalt  }
0x58: {  	_ =	shalt  }
0x59: {  	_ =	shalt  }
0x5a: {  	_ =	shalt  }
0x5b: {  	_ =	shalt  }
0x5c: {  	_ =	shalt  }
0x5d: {  	_ =	shalt  }
0x5e: {  	_ =	shalt  }
0x5f: {  	_ =	shalt  }
0x60: {  	_ =	shalt  }
0x61: {  	_ =	shalt  }
0x62: {  	_ =	shalt  }
0x63: {  	_ =	shalt  }
0x64: {  	_ =	shalt  }
0x65: {  	_ =	shalt  }
0x66: {  	_ =	shalt  }
0x67: {  	_ =	shalt  }
0x68: {  	_ =	shalt  }
0x69: {  	_ =	shalt  }
0x6a: {  	_ =	shalt  }
0x6b: {  	_ =	shalt  }
0x6c: {  	_ =	shalt  }
0x6d: {  	_ =	shalt  }
0x6e: {  	_ =	shalt  }
0x6f: {  	_ =	shalt  }
0x70: {  	_ =	shalt  }
0x71: {  	_ =	shalt  }
0x72: {  	_ =	shalt  }
0x73: {  	_ =	shalt  }
0x74: {  	_ =	shalt  }
0x75: {  	_ =	shalt  }
0x76: {  	_ =	shalt  }
0x77: {  	_ =	shalt  }
0x78: {  	_ =	shalt  }
0x79: {  	_ =	shalt  }
0x7a: {  	_ =	shalt  }
0x7b: {  	_ =	shalt  }
0x7c: {  	_ =	shalt  }
0x7d: {  	_ =	shalt  }
0x7e: {  	_ =	shalt  }
0x7f: {  	_ =	shalt  }
0x80: {  	_ =	shalt  }
0x81: {  	_ =	shalt  }
0x82: {  	_ =	shalt  }
0x83: {  	_ =	shalt  }
0x84: {  	_ =	shalt  }
0x85: {  	_ =	shalt  }
0x86: {  	_ =	shalt  }
0x87: {  	_ =	shalt  }
.Lfunc_end0:
.L_simem_size_0:
called_computation.5_lowered:
.L_overlay_start_0:
0x88: {  	s2 =	sld [smem:$0x3FD9]  }
0x89: {  	s3 =	sld [smem:$0x3FFE];
	_ =	sdelay $0x1  }
0x8a: {  	s1 =	srdreg.scid  }
0x8b: {  	s0 =	sand.u32 $0x1, s1  }
0x8c: {  	s16 =	sshll.u32 s0, $0xA;
	s2 =	sadd.s32 s3, s2  }
0x8d: {  	s2 =	sadd.s32 s2, s16  }
0x8e: {  	[smem:$0x3FBA] =	sst s2  }
0x8f: {  	_ = 	snop  }
0x90: {  	(tm) =	ssettm $0x1  }
0x91: {  	s17 =	sld [smem:$0x3FFB];
	_ =	sdelay $0x3  }
0x92: {  	_ =	strace s17  }
0x93: {  	s2 =	sld [smem:$0x3FFC];
	_ =	sdelay $0x3  }
0x94: {  	_ =	strace s2  }
0x95: {  	s2 =	sld [smem:$0x3FFD];
	_ =	sdelay $0x3  }
0x96: {  	_ =	strace s2  }
0x97: {  	_ =	strace $0x8FFFFFFF  }
0x98: {  	s18 =	sld [smem:$0x3FDB];
	_ =	sdelay $0x1  }
0x99: {  	s19 =	simm.s32 $_scs_section_size  }
0x9a: {  	s4 =	simm.s32 $_size__tile_overlayer_lowered;
	s5 =	simm.s32 $_tile_overlayer_lowered  }
0x9b: {  	s22 =	simm.s32 $0x1BFF;
	s21 =	sshll.u32 s5, $0x1;
	s2 =	sadd.s32 s19, s18  }
0x9c: {  	s6 =	simm.s32 $0x0;
	s20 =	sshll.u32 s4, $0x1;
	s4 =	sadd.s32 s21, s2  }
0x9d: {  	[timem:s6], [sflag:s22] =	dma.local [hbm:s4], s20  }
0x9e: {  	_ =	swait.ge [sflag:s22], s20  }
0x9f: {  	s3 =	ssub.s32 $0x0, s20;
	[sflag:s22] =	ssyncset.done $0x0  }
0xa0: {  	[sflag:s22] =	ssyncadd.s32 s3;
	_ =	sdelay $0x1  }
0xa1: {  	s23 =	simm.s32 $0x1B8B  }
0xa2: {  	_ =	swait.ge [sflag:s23], $0x1  }
0xa3: {  	[sflag:s23] =	ssyncset.done $0x0  }
0xa4: {  	s25 =	simm.s32 $0x1B8E;
	s24 =	sld [smem:$0x3FFE];
	[sflag:s23] =	ssyncadd.s32 $0xFFFFFFFF  }
0xa5: {  	s26 =	simm.s32 $execute0_lowered;
	[smem:$0x3FD2] =	sst s25  }
0xa6: {  	s4 =	sshll.u32 s26, $0x1;
	_ =	strace $0x80000055;
	[dreg:$0x1] =	wrdreg $0xFFFFFFFF  }
0xa7: {  	s28 =	simm.s32 $_size_execute0_lowered;
	s2 =	sadd.s32 s2, s4;
	[dreg:$0x0] =	wrdreg $0x0  }
0xa8: {  	s4 =	sshll.u32 s28, $0x1;
	[dreg:$0x2] =	wrdreg s2  }
0xa9: {  	[dreg:$0x3] =	wrdreg s4  }
0xaa: {  	[dreg:$0x4] =	wrdreg $0xC0  }
0xab: {  	_ =	task [dreg:s6], $0x5FFFF  }
0xac: {  	[dreg:$0x1] =	wrdreg $0xFFFFFFFF  }
0xad: {  	[dreg:$0x0] =	wrdreg $0x60  }
0xae: {  	[dreg:$0x2] =	wrdreg s24  }
0xaf: {  	[dreg:$0x3] =	wrdreg $0xA9000  }
0xb0: {  	[dreg:$0x4] =	wrdreg $0x9  }
0xb1: {  	_ =	task.clear_ibuf [dreg:s6], $0x5FFFF;
	_ =	strace $0x90000055  }
0xb2: {  	s29 =	simm.s32 $0x9;
	_ =	strace $0x80000057  }
0xb3: {  	_ =	swait.ge [sflag:s29], $0x1  }
0xb4: {  	[sflag:s29] =	ssyncadd.s32 $0xFFFFFFFF  }
0xb5: {  	_ =	strace $0x90000057  }
0xb6: {  	_ =	sfence  }
0xb7: {  	s30 =	sld [smem:$0x0];
	_ =	sdelay $0x2  }
0xb8: {  	s31 =	sshll.u32 s1, $0xD;
	s1 =	sshrl.u32 s1, $0x2  }
0xb9: {  	s3 =	sand.u32 $0x4000, s31;
	s1 =	sadd.s32 s1, s30  }
0xba: {  	s0 =	sor.u32 s3, s0;
	s1 =	sshll.u32 s1, $0x11  }
0xbb: {  	s0 =	sor.u32 s1, s0  }
0xbc: {  	s0 =	sadd.s32 $0x8F2B, s0  }
0xbd: {  	[sflag:s0] =	ssyncadd.remote.s32 $0x1  }
0xbe: {  	_ =	sfence.sel $0xFFFF  }
0xbf: {  	[dreg:$0x0] =	wrdreg $0xFFFFFFFF;
	(pc) =	sbr.abs _section_cstart, $3  }
0xc0: {  	[dreg:$0x1] =	wrdreg $0xFFFFFFFF  }
0xc1: {  	_ =	task.clear_ibuf [dreg:s6], $0x2FFFF;
	_ =	strace $0x9FFFFFFF  }
0xc2: {  	(tm) =	ssettm $0x7FFFFFFF  }
0xc3: {  	_ =	shalt  }
tec
execute0_lowered:
.L_overlay_start_1:
0x0: {  	(tag) =	ssettag $0x1  }
0x1: {  	s8 =	rddreg [dreg:$0x0]  }
0x2: {  	s1 =	rddreg [dreg:$0x1]  }
0x3: {  	s0 =	rddreg [dreg:$0x2];
	s3 =	simm.s32 $0x0;
	s4 =	srdreg.scid  }
0x4: {  	s2 =	stileid.u32;
	s24 =	simm.s32 $0x4100;
	s25 =	simm.s32 $0x1  }
0x5: {  	s18 =	sand.u32 $0x1, s4;
	s9 =	smul.u32 $0x2800, s2;
	s4 =	sadd.s32 $0x126400, s8  }
0x6: {  	[smem:$0x7FF] =	sst s3;
	s5 =	sadd.s32 $0x370400, s8;
	s11 =	smul.u32 $0x50000, s2  }
0x7: {  	s6 =	sadd.s32 $0x9400, s8;
	s7 =	sadd.s32 $0x4400, s8;
	s16 =	ssub.s32 $0x4F1, s2  }
0x8: {  	s17 =	sshll.u32 s2, $0x7;
	_ =	strace $0x80000056;
	s10 =	smul.u32 $0x28000, s18  }
0x9: {  	s12 =	ssub.s32 $0x2, s18;
	s16 =	sshrl.u32 s16, $0x4;
	s21 =	smul.u32 $0x2800, s18  }
0xa: {  	s22 =	sshll.u32 s18, $0x1;
	s23 =	sshllo.u32 s18, $0x1;
	s31 =	sshrl.u32 s12, $0x1  }
0xb: {  	s11 =	sshrl.u32 s11, $0x2;
	v1 =	vmov s22;
	s22 =	simm.s32 $0x80;
	s9 =	sadd.s32 s9, s10  }
0xc: {  	v2 =	vmov s23;
	s23 =	simm.s32 $0x100;
	s19 =	sadd.s32 s9, s8;
	s8 =	sadd.s32 s11, s1  }
0xd: {  	s20 =	ssub.s32 s12, s31;
	v0 =	vmov s21;
	s21 =	simm.s32 $0x2;
	s9 =	sadd.s32 $0x2800, s8  }
0xe: {  	s10 =	sadd.s32 $0x5000, s8;
	s11 =	sadd.s32 $0x7800, s8;
	s12 =	sadd.s32 $0xA000, s8  }
0xf: {  	s13 =	sadd.s32 $0xC800, s8;
	s14 =	sadd.s32 $0xF000, s8;
	s15 =	sadd.s32 $0x11800, s8  }
0x10: {  	v3 =	vimm.f32 $0.0e+00;
	v1 =	vbroadcast v1, $0x0;
	v2 =	vbroadcast v2, $0x0;
	s18 =	sadd.s32 $0x176400, s19;
	s19 =	smax.u32 s20, $0x1;
	s20 =	simm.s32 $0x8100  }
.LBB2_1:
0x11: {  	s26 =	simm.s32 $0x0;
	s28 =	simm.s32 $0x200  }
.LBB2_2:
0x12: {  	p0 =	sne.s32 s28, $0x9E00;
	[tilespmem:s26+$0x8170] =	vst v3  }
0x13: {  	[tilespmem:s26+$0x8100] =	vst v3  }
0x14: {  	[tilespmem:s26+$0x8110] =	vst v3  }
.Ltmp0:
0x15: {  	[tilespmem:s26+$0x8120] =	vst v3;
	(pc) =	sbr.rel @p0 .LBB2_2-.Ltmp0, $4  }
0x16: {  	[tilespmem:s26+$0x8130] =	vst v3  }
0x17: {  	[tilespmem:s26+$0x8140] =	vst v3  }
0x18: {  	[tilespmem:s26+$0x8150] =	vst v3  }
0x19: {  	[tilespmem:s26+$0x8160] =	vst v3;
	s26 =	sshra.s32 s28, $0x2;
	s28 =	sadd.s32 $0x200, s28  }
0x1a: {  	[tilespmem:s26+$0x8170] =	vst v3  }
0x1b: {  	[tilespmem:s26+$0x8100] =	vst v3  }
0x1c: {  	[tilespmem:s26+$0x8110] =	vst v3  }
0x1d: {  	[tilespmem:s26+$0x8120] =	vst v3  }
0x1e: {  	[tilespmem:s26+$0x8130] =	vst v3  }
0x1f: {  	[tilespmem:s26+$0x8140] =	vst v3  }
0x20: {  	[tilespmem:s26+$0x8150] =	vst v3  }
0x21: {  	[tilespmem:s26+$0x8160] =	vst v3  }
0x22: {  	[spmem:s8] =	stream.linear.scatter [tilespmem:s20], [sflag:$0x2], $0x2800, $0x38;
	[tilespmem:$0x1E900] =	vst v63  }
0x23: {  	_ =	swait.ge [sflag:s21], $0x2800  }
0x24: {  	[sflag:s21] =	ssyncset.done $0x0  }
0x25: {  	[sflag:s21] =	ssyncadd.s32 $0xFFFFD800  }
0x26: {  	[spmem:s9] =	stream.linear.scatter [tilespmem:s20], [sflag:$0x2], $0x2800, $0x38;
	[tilespmem:$0x1E900] =	vst v63  }
0x27: {  	_ =	swait.ge [sflag:s21], $0x2800  }
0x28: {  	[sflag:s21] =	ssyncset.done $0x0  }
0x29: {  	[sflag:s21] =	ssyncadd.s32 $0xFFFFD800  }
0x2a: {  	[spmem:s10] =	stream.linear.scatter [tilespmem:s20], [sflag:$0x2], $0x2800, $0x38;
	[tilespmem:$0x1E900] =	vst v63  }
0x2b: {  	_ =	swait.ge [sflag:s21], $0x2800  }
0x2c: {  	[sflag:s21] =	ssyncset.done $0x0  }
0x2d: {  	[sflag:s21] =	ssyncadd.s32 $0xFFFFD800  }
0x2e: {  	[spmem:s11] =	stream.linear.scatter [tilespmem:s20], [sflag:$0x2], $0x2800, $0x38;
	[tilespmem:$0x1E900] =	vst v63  }
0x2f: {  	_ =	swait.ge [sflag:s21], $0x2800  }
0x30: {  	[sflag:s21] =	ssyncset.done $0x0  }
0x31: {  	[sflag:s21] =	ssyncadd.s32 $0xFFFFD800  }
0x32: {  	[spmem:s12] =	stream.linear.scatter [tilespmem:s20], [sflag:$0x2], $0x2800, $0x38;
	[tilespmem:$0x1E900] =	vst v63  }
0x33: {  	_ =	swait.ge [sflag:s21], $0x2800  }
0x34: {  	[sflag:s21] =	ssyncset.done $0x0  }
0x35: {  	[sflag:s21] =	ssyncadd.s32 $0xFFFFD800  }
0x36: {  	[spmem:s13] =	stream.linear.scatter [tilespmem:s20], [sflag:$0x2], $0x2800, $0x38;
	[tilespmem:$0x1E900] =	vst v63  }
0x37: {  	_ =	swait.ge [sflag:s21], $0x2800  }
0x38: {  	[sflag:s21] =	ssyncset.done $0x0  }
0x39: {  	[sflag:s21] =	ssyncadd.s32 $0xFFFFD800  }
0x3a: {  	[spmem:s14] =	stream.linear.scatter [tilespmem:s20], [sflag:$0x2], $0x2800, $0x38;
	[tilespmem:$0x1E900] =	vst v63  }
0x3b: {  	_ =	swait.ge [sflag:s21], $0x2800  }
0x3c: {  	[sflag:s21] =	ssyncset.done $0x0  }
0x3d: {  	[sflag:s21] =	ssyncadd.s32 $0xFFFFD800  }
0x3e: {  	[spmem:s15] =	stream.linear.scatter [tilespmem:s20], [sflag:$0x2], $0x2800, $0x38;
	[tilespmem:$0x1E900] =	vst v63  }
0x3f: {  	_ =	swait.ge [sflag:s21], $0x2800  }
0x40: {  	[sflag:s21] =	ssyncset.done $0x0  }
0x41: {  	[sflag:s21] =	ssyncadd.s32 $0xFFFFD800  }
0x42: {  	s26 =	simm.s32 $0x0;
	s28 =	simm.s32 $0x0;
	[bflag:$0x0] =	sbarrier.arrive $0xFFFF  }
.LBB2_4:
0x43: {  	s29 =	sshll.u32 s28, $0xB  }
0x44: {  	s29 =	sor.u32 s17, s29  }
0x45: {  	s30 =	sshrl.u32 s29, $0x3  }
0x46: {  	s31 =	sadd.s32 s6, s30  }
0x47: {  	[tilespmem:s26], [sflag:$0x2] =	stream.linear.gather [hbm4b:s31+s26], $0x80, $0x38;
	[tilespmem:$0x1E900] =	vst v63  }
0x48: {  	_ =	swait.ge [sflag:s21], $0x80  }
0x49: {  	[sflag:s21] =	ssyncset.done $0x0  }
0x4a: {  	s30 =	sadd.s32 s7, s30;
	[sflag:s21] =	ssyncadd.s32 $0xFFFFFF80  }
0x4b: {  	[tilespmem:s22], [sflag:$0x2] =	stream.linear.gather [hbm4b:s30+s26], $0x80, $0x38;
	[tilespmem:$0x1E900] =	vst v63  }
0x4c: {  	_ =	swait.ge [sflag:s21], $0x80  }
0x4d: {  	s29 =	sshll.u32 s29, $0x4;
	[sflag:s21] =	ssyncset.done $0x0  }
0x4e: {  	s29 =	sadd.s32 s5, s29;
	[sflag:s21] =	ssyncadd.s32 $0xFFFFFF80  }
0x4f: {  	[tilespmem:s23], [sflag:$0x2] =	stream.linear.gather [hbm4b:s29+s26], $0x4000, $0x38;
	[tilespmem:$0x1E900] =	vst v63  }
0x50: {  	_ =	swait.ge [sflag:s21], $0x4000  }
0x51: {  	[sflag:s21] =	ssyncset.done $0x0  }
0x52: {  	[sflag:s21] =	ssyncadd.s32 $0xFFFFC000  }
0x53: {  	v4 =	vld [tilespmem:$0x0]  }
0x54: {  	v5 =	vld [tilespmem:$0x10]  }
0x55: {  	v6 =	vld [tilespmem:$0x20]  }
0x56: {  	v7 =	vld [tilespmem:$0x30]  }
0x57: {  	v8 =	vld [tilespmem:$0x40]  }
0x58: {  	v9 =	vld [tilespmem:$0x50];
	v4 =	vadd.s32 v0, v4  }
0x59: {  	[tilespmem:$0x0] =	vst v4;
	v4 =	vadd.s32 v0, v5;
	v5 =	vld [tilespmem:$0x60]  }
0x5a: {  	[tilespmem:$0x10] =	vst v4;
	v4 =	vadd.s32 v0, v6;
	v6 =	vld [tilespmem:$0x70]  }
0x5b: {  	[tilespmem:$0x20] =	vst v4;
	v4 =	vadd.s32 v0, v7  }
0x5c: {  	[tilespmem:$0x30] =	vst v4;
	v4 =	vadd.s32 v0, v8  }
0x5d: {  	[tilespmem:$0x40] =	vst v4;
	v4 =	vadd.s32 v0, v9  }
0x5e: {  	[tilespmem:$0x50] =	vst v4;
	v4 =	vadd.s32 v0, v5  }
0x5f: {  	[tilespmem:$0x60] =	vst v4;
	v4 =	vadd.s32 v0, v6  }
0x60: {  	[tilespmem:$0x70] =	vst v4  }
0x61: {  	[tilespmem:s24], [sflag:$0x1] =	stream.indirect.gather [hbm4b:s4+s22], $0x80, s26, s22, $0xb8;
	[tilespmem:$0x1E900] =	vst v63  }
0x62: {  	_ =	swait.ge [sflag:s25], $0x4000  }
0x63: {  	[sflag:s25] =	ssyncset.done $0x0  }
0x64: {  	s29 =	simm.s32 $0x0;
	[sflag:s25] =	ssyncadd.s32 $0xFFFFC000  }
0x65: {  	v4 =	vld [tilespmem:s29+$0x100]  }
0x66: {  	v9 =	vld [tilespmem:s29+$0x4100]  }
0x67: {  	v11 =	vld [tilespmem:s29+$0x4110]  }
0x68: {  	v7 =	vld [tilespmem:s29+$0x4120]  }
0x69: {  	v5 =	vld [tilespmem:s29+$0x4130]  }
0x6a: {  	v8 =	vld [tilespmem:s29+$0x4140];
	v10 =	vperm.xlane v4, v1  }
0x6b: {  	v6 =	vld [tilespmem:s29+$0x4150];
	v4 =	vperm.xlane v4, v2  }
0x6c: {  	s30 =	simm.s32 $0x200;
	v12 =	vmul.f32 v9, v10;
	v11 =	vmul.f32 v11, v10;
	v9 =	vld [tilespmem:s29+$0x4160]  }
.LBB2_5:
0x6d: {  	s31 =	sshra.s32 s30, $0x2;
	p0 =	sne.s32 s30, $0xFE00;
	s30 =	sadd.s32 $0x200, s30;
	v7 =	vmul.f32 v7, v10;
	v13 =	vld [tilespmem:s29+$0x4170]  }
0x6e: {  	v14 =	vld [tilespmem:s31+$0x100];
	[tilespmem:s29+$0x4100] =	vst v12;
	v5 =	vmul.f32 v5, v10  }
0x6f: {  	v12 =	vld [tilespmem:s31+$0x4100];
	[tilespmem:s29+$0x4110] =	vst v11;
	v8 =	vmul.f32 v8, v4  }
0x70: {  	v11 =	vld [tilespmem:s31+$0x4110];
	[tilespmem:s29+$0x4120] =	vst v7;
	v6 =	vmul.f32 v6, v4  }
.Ltmp1:
0x71: {  	v7 =	vld [tilespmem:s31+$0x4120];
	[tilespmem:s29+$0x4130] =	vst v5;
	v9 =	vmul.f32 v9, v4;
	(pc) =	sbr.rel @p0 .LBB2_5-.Ltmp1, $4  }
0x72: {  	v5 =	vld [tilespmem:s31+$0x4130];
	[tilespmem:s29+$0x4140] =	vst v8;
	v13 =	vmul.f32 v13, v4  }
0x73: {  	v10 =	vperm.xlane v14, v1;
	v4 =	vperm.xlane v14, v2;
	v8 =	vld [tilespmem:s31+$0x4140];
	[tilespmem:s29+$0x4150] =	vst v6  }
0x74: {  	v6 =	vld [tilespmem:s31+$0x4150];
	[tilespmem:s29+$0x4160] =	vst v9  }
0x75: {  	v12 =	vmul.f32 v12, v10;
	v11 =	vmul.f32 v11, v10;
	v9 =	vld [tilespmem:s31+$0x4160];
	[tilespmem:s29+$0x4170] =	vst v13;
	s29 =	smov.u32 s31  }
0x76: {  	_ = 	snop  }
0x77: {  	v13 =	vld [tilespmem:s29+$0x4170];
	v7 =	vmul.f32 v7, v10;
	[tilespmem:s29+$0x4100] =	vst v12  }
0x78: {  	v5 =	vmul.f32 v5, v10;
	[tilespmem:s29+$0x4110] =	vst v11  }
0x79: {  	v8 =	vmul.f32 v8, v4;
	[tilespmem:s29+$0x4120] =	vst v7  }
0x7a: {  	v6 =	vmul.f32 v6, v4;
	[tilespmem:s29+$0x4130] =	vst v5  }
0x7b: {  	v5 =	vmul.f32 v9, v4;
	[tilespmem:s29+$0x4140] =	vst v8  }
0x7c: {  	s28 =	sadd.s32 $0x1, s28;
	v4 =	vmul.f32 v13, v4;
	[tilespmem:s29+$0x4150] =	vst v6  }
0x7d: {  	p0 =	sne.s32 s28, s16;
	[tilespmem:s29+$0x4160] =	vst v5  }
.Ltmp2:
0x7e: {  	[tilespmem:s29+$0x4170] =	vst v4;
	(pc) =	sbr.rel @p0 .LBB2_4-.Ltmp2, $4  }
0x7f: {  	[spmem:s1] =	stream.indirect.scatter.add.f32 [tilespmem:s24], [sflag:$0x2], $0x80, s22, s22, $0xb8;
	[tilespmem:$0x1E900] =	vst v63  }
0x80: {  	_ =	swait.ge [sflag:s21], $0x4000  }
0x81: {  	[sflag:s21] =	ssyncset.done $0x0  }
0x82: {  	[sflag:s21] =	ssyncadd.s32 $0xFFFFC000  }
0x83: {  	s3 =	sadd.s32 $0x1, s3  }
0x84: {  	s26 =	sshll.u32 s2, $0x6;
	[bflag:$0x0] =	sbarrier.arrive $0xFFFF;
	p0 =	sne.s32 s3, s19  }
.Ltmp3:
0x85: {  	s28 =	sshrl.u32 s8, $0x3;
	s26 =	sor.u32 $0x1C02, s26;
	(pc) =	sbr.rel @p0 .LBB2_1-.Ltmp3, $4  }
0x86: {  	[hbm:s18], [sflag:s26] =	dma.local [spmem:s28], $0x2800  }
0x87: {  	_ =	swait.ge [sflag:s21], $0x2800  }
0x88: {  	[sflag:s21] =	ssyncset.done $0x0  }
0x89: {  	[sflag:s21] =	ssyncadd.s32 $0xFFFFD800  }
0x8a: {  	_ =	sfence.sel $0x180000  }
0x8b: {  	[bflag:$0x0] =	sbarrier.arrive $0xFFFF  }
0x8c: {  	p0 =	sne.s32 s2, $0x0;
	_ =	strace $0x90000056  }
0x8d: {  	s0 =	sadd.s32 @!p0 $0x100000, s0;
	[bflag:$0x2] =	sbarrier.arrive $0xFFFF  }
0x8e: {  	[sflag:s0] =	ssyncadd.tile.s32 @!p0 $0x1;
	_ =	shalt  }
.Lfunc_end2:
_tile_overlayer_lowered:
.L_overlay_start_2:
0x8f: {  	(tag) =	ssettag $0x2  }
0x90: {  	s0 =	rddreg [dreg:$0x0];
	s2 =	stileid.u32  }
0x91: {  	s1 =	rddreg [dreg:$0x1];
	p0 =	sne.s32 s2, $0x0  }
0x92: {  	s3 =	rddreg [dreg:$0x2];
	[bflag:$0x3] =	sbarrier.arrive $0xFFFF;
	s2 =	simm.s32 @!p0 $0x1C02  }
0x93: {  	[timem:s3], [sflag:s2] =	dma.local @!p0 [hbm:s0], s1  }
0x94: {  	s0 =	simm.s32 @!p0 $0x2  }
0x95: {  	_ =	swait.ge @!p0 [sflag:s0], s1  }
0x96: {  	s1 =	ssub.s32 @!p0 $0x0, s1;
	[sflag:s0] =	ssyncset.done @!p0 $0x0  }
0x97: {  	[sflag:s0] =	ssyncadd.s32 @!p0 s1  }
0x98: {  	[bflag:$0x3] =	sbarrier.arrive $0xFFFF  }
0x99: {  	_ =	shalt  }

</sc_bundles>
